<compile_context>
chip_gen: v7x
topology: tpu7x:2x2x1
jax: 0.10.2.dev20260603
libtpu: 0.0.44.dev20260713+nightly
codegen_flags: <defaults>
</compile_context>

<pallas_src>
import jax
import jax.numpy as jnp
from jax import lax
from jax.experimental import pallas as pl
from jax.experimental.pallas import tpu as pltpu
from jax.experimental.pallas import tpu_sc as plsc

_NMS_T = 0.3
_SCORE_T = 0.05
_LANES = 16


def _make_nms_kernel(n_cls, n_pad, n_real):
    nblk = n_pad // _LANES

    def body(x1x_h, y1x_h, x2x_h, y2x_h, sx_h, p2x_h, st_h, en_h,
             x1s_h, y1s_h, x2s_h, y2s_h, sp_h,
             ox1_h, oy1_h, ox2_h, oy2_h, os_h, okeep_h,
             vx1, vy1, vx2, vy2, varea, vsx, vkeep, vp2x, vst, ven,
             sx1, sy1, sx2, sy2, ssp, skeep):
        wid = lax.axis_index("s") * 2 + lax.axis_index("c")

        @pl.when(wid < n_cls)
        def _work():
            pltpu.sync_copy(x1x_h.at[wid], vx1)
            pltpu.sync_copy(y1x_h.at[wid], vy1)
            pltpu.sync_copy(x2x_h.at[wid], vx2)
            pltpu.sync_copy(y2x_h.at[wid], vy2)
            pltpu.sync_copy(sx_h.at[wid], vsx)
            pltpu.sync_copy(p2x_h.at[wid], vp2x)
            pltpu.sync_copy(st_h.at[wid], vst)
            pltpu.sync_copy(en_h.at[wid], ven)
            pltpu.sync_copy(x1s_h.at[wid], sx1)
            pltpu.sync_copy(y1s_h.at[wid], sy1)
            pltpu.sync_copy(x2s_h.at[wid], sx2)
            pltpu.sync_copy(y2s_h.at[wid], sy2)
            pltpu.sync_copy(sp_h.at[wid], ssp)

            @plsc.parallel_loop(0, nblk, unroll=4)
            def _init_blk(bq):
                sl = pl.ds(bq * _LANES, _LANES)
                w = jnp.maximum(vx2[sl] - vx1[sl], 0.0)
                h = jnp.maximum(vy2[sl] - vy1[sl], 0.0)
                varea[sl] = w * h
                vkeep[sl] = jnp.where(vsx[sl] > -jnp.inf, 1.0, 0.0)

            def outer(i, carry):
                sli = pl.ds(i, _LANES)
                pxi = vp2x[sli][0]
                ki = vkeep[pl.ds(pxi, _LANES)][0]

                @pl.when(ki > 0.0)
                def _suppress():
                    xi1 = sx1[sli][0]
                    yi1 = sy1[sli][0]
                    xi2 = sx2[sli][0]
                    yi2 = sy2[sli][0]
                    ai = (jnp.maximum(xi2 - xi1, 0.0)
                          * jnp.maximum(yi2 - yi1, 0.0))
                    g0 = vst[sli][0] // _LANES
                    g1 = (ven[sli][0] + (_LANES - 1)) // _LANES

                    @plsc.parallel_loop(g0, g1, unroll=4)
                    def _sweep(g):
                        base = g * _LANES
                        sl = pl.ds(base, _LANES)
                        xx1 = jnp.maximum(vx1[sl], xi1)
                        yy1 = jnp.maximum(vy1[sl], yi1)
                        xx2 = jnp.minimum(vx2[sl], xi2)
                        yy2 = jnp.minimum(vy2[sl], yi2)
                        inter = (jnp.maximum(xx2 - xx1, 0.0)
                                 * jnp.maximum(yy2 - yy1, 0.0))
                        union = (ai + varea[sl]) - inter
                        iou = inter / jnp.maximum(union, 1e-9)
                        xidx = lax.iota(jnp.int32, _LANES) + base
                        sup = (iou > _NMS_T) & (xidx != pxi)
                        vkeep[sl] = jnp.where(sup, 0.0, vkeep[sl])

                return carry

            lax.fori_loop(0, n_real, outer, 0)

            lane = lax.iota(jnp.int32, _LANES)

            @plsc.parallel_loop(0, nblk, unroll=2)
            def _mask_blk(bq):
                sl = pl.ds(bq * _LANES, _LANES)
                pvec = vp2x[sl]
                kx = jnp.zeros((_LANES,), jnp.float32)
                for q in range(_LANES):
                    kq = vkeep[pl.ds(pvec[q], _LANES)][0]
                    kx = jnp.where(lane == q, kq, kx)
                km = kx > 0.0
                sx1[sl] = jnp.where(km, sx1[sl], 0.0)
                sy1[sl] = jnp.where(km, sy1[sl], 0.0)
                sx2[sl] = jnp.where(km, sx2[sl], 0.0)
                sy2[sl] = jnp.where(km, sy2[sl], 0.0)
                ssp[sl] = jnp.where(km, ssp[sl], 0.0)
                skeep[sl] = jnp.where(km, 1.0, 0.0)

            pltpu.sync_copy(sx1, ox1_h.at[wid])
            pltpu.sync_copy(sy1, oy1_h.at[wid])
            pltpu.sync_copy(sx2, ox2_h.at[wid])
            pltpu.sync_copy(sy2, oy2_h.at[wid])
            pltpu.sync_copy(ssp, os_h.at[wid])
            pltpu.sync_copy(skeep, okeep_h.at[wid])

    mesh = plsc.VectorSubcoreMesh(core_axis_name="c", subcore_axis_name="s")
    out_t = [jax.ShapeDtypeStruct((n_cls, n_pad), jnp.float32)] * 6
    scratch = (
        [pltpu.VMEM((n_pad,), jnp.float32) for _ in range(6)]
        + [pltpu.VMEM((n_pad + _LANES,), jnp.float32)]
        + [pltpu.VMEM((n_pad,), jnp.int32) for _ in range(3)]
        + [pltpu.VMEM((n_pad,), jnp.float32) for _ in range(6)]
    )
    return pl.kernel(body, out_type=out_t, mesh=mesh, scratch_types=scratch)


def kernel(raw_cls_bbox, raw_prob):
    n, ncls = raw_prob.shape
    L = ncls - 1
    n_pad = -(-n // 64) * 64

    cls_bbox = raw_cls_bbox.reshape(n, ncls, 4)
    boxes_pc = jnp.transpose(cls_bbox[:, 1:, :], (1, 0, 2))
    probs_pc = jnp.transpose(raw_prob[:, 1:], (1, 0))
    scores = jnp.where(probs_pc > _SCORE_T, probs_pc, -jnp.inf)
    order = jnp.argsort(-scores, axis=1)
    b = jnp.take_along_axis(boxes_pc, order[:, :, None], axis=1)
    s = jnp.take_along_axis(scores, order, axis=1)

    pad = n_pad - n
    x1s = jnp.pad(b[:, :, 0], ((0, 0), (0, pad)))
    y1s = jnp.pad(b[:, :, 1], ((0, 0), (0, pad)))
    x2s = jnp.pad(b[:, :, 2], ((0, 0), (0, pad)))
    y2s = jnp.pad(b[:, :, 3], ((0, 0), (0, pad)))
    sp = jnp.pad(s, ((0, 0), (0, pad)), constant_values=-jnp.inf)

    xord = jnp.argsort(x1s, axis=1)
    p2x = jnp.argsort(xord, axis=1).astype(jnp.int32)
    x1x = jnp.take_along_axis(x1s, xord, axis=1)
    y1x = jnp.take_along_axis(y1s, xord, axis=1)
    x2x = jnp.take_along_axis(x2s, xord, axis=1)
    y2x = jnp.take_along_axis(y2s, xord, axis=1)
    sx = jnp.take_along_axis(sp, xord, axis=1)

    maxw = jnp.max(x2x - x1x, axis=1, keepdims=True)
    lo = x1s - maxw - 1.0
    vss = jax.vmap(jnp.searchsorted, in_axes=(0, 0))
    start = vss(x1x, lo).astype(jnp.int32)
    end = vss(x1x, x2s).astype(jnp.int32)

    fn = _make_nms_kernel(L, n_pad, n)
    ox1, oy1, ox2, oy2, os_, okeep = fn(
        x1x, y1x, x2x, y2x, sx, p2x, start, end, x1s, y1s, x2s, y2s, sp)

    bbox = jnp.stack(
        [ox1[:, :n], oy1[:, :n], ox2[:, :n], oy2[:, :n]], axis=-1
    ).reshape(L * n, 4)
    score = os_[:, :n].reshape(L * n)
    keep = (okeep[:, :n] > 0.0).reshape(L * n)
    label = jnp.repeat(jnp.arange(L, dtype=jnp.int32), n)
    return bbox, label, score, keep

# --- scband reference (transcript-rebuilt; emitter-appended) ---
"""Pipeline reference for scband-faster-rcnn-4028679323773 (READ-ONLY COPY).

The authoritative reference and input builder live on the scoring server;
editing this copy changes nothing except your own understanding.
"""

import jax, jax.numpy as jnp
import numpy as np

N_BOXES = 5000
N_CLASS = 21
NMS_THRESH = 0.3
SCORE_THRESH = 0.05


def _iou_matrix(b):
    x1, y1, x2, y2 = b[:, 0], b[:, 1], b[:, 2], b[:, 3]
    area = jnp.maximum(x2 - x1, 0.0) * jnp.maximum(y2 - y1, 0.0)
    xx1 = jnp.maximum(x1[:, None], x1[None, :])
    yy1 = jnp.maximum(y1[:, None], y1[None, :])
    xx2 = jnp.minimum(x2[:, None], x2[None, :])
    yy2 = jnp.minimum(y2[:, None], y2[None, :])
    inter = jnp.maximum(xx2 - xx1, 0.0) * jnp.maximum(yy2 - yy1, 0.0)
    union = area[:, None] + area[None, :] - inter
    return inter / jnp.maximum(union, 1e-9)


def _nms_one_class(boxes, probs):
    n = boxes.shape[0]
    valid = probs > SCORE_THRESH
    scores = jnp.where(valid, probs, -jnp.inf)
    order = jnp.argsort(-scores)
    b = jnp.take(boxes, order, axis=0)
    s = jnp.take(scores, order, axis=0)
    iou = jax.lax.stop_gradient(_iou_matrix(b))
    idx = jnp.arange(n)
    keep0 = jnp.isfinite(s)

    def body(i, keep):
        row = iou[i]
        sup = (row > NMS_THRESH) & keep[i] & (idx > i)
        return keep & (~sup)

    keep = jax.lax.fori_loop(0, n, body, keep0)
    bbox_out = jnp.where(keep[:, None], b, 0.0)
    score_out = jnp.where(keep, s, 0.0)
    return bbox_out, score_out, keep


def setup_inputs(seed: int = 0):
    key = jax.random.key(seed)
    k1, k2, k3 = jax.random.split(key, 3)
    # realistic boxes: top-left corner uniform in [0, 900), width/height in [1, 121)
    xy1 = jax.random.uniform(k1, (N_BOXES, N_CLASS, 2)) * 900.0
    wh = jax.random.uniform(k2, (N_BOXES, N_CLASS, 2)) * 120.0 + 1.0
    raw_cls_bbox = jnp.concatenate([xy1, xy1 + wh], axis=-1)
    raw_cls_bbox = raw_cls_bbox.reshape(N_BOXES, N_CLASS * 4).astype(jnp.float32)
    raw_prob = jax.random.uniform(k3, (N_BOXES, N_CLASS)).astype(jnp.float32)
    return {"raw_cls_bbox": raw_cls_bbox, "raw_prob": raw_prob}


def reference(raw_cls_bbox, raw_prob):
    # Faithful jax translation of FasterRCNN._suppress (evaluate preset:
    # score_thresh=0.05, nms_thresh=0.3): per foreground class, threshold
    # scores, sort descending, greedy IoU-based NMS, collect kept boxes,
    # labels and scores. Fixed-shape variant: suppressed slots are zeroed
    # and a boolean keep mask is returned instead of dynamic concatenation.
    n = raw_prob.shape[0]
    cls_bbox = raw_cls_bbox.reshape(n, N_CLASS, 4)
    boxes_pc = jnp.transpose(cls_bbox[:, 1:, :], (1, 0, 2))  # [L, N, 4]
    probs_pc = jnp.transpose(raw_prob[:, 1:], (1, 0))        # [L, N]
    bbox, score, keep = jax.lax.map(lambda a: _nms_one_class(a[0], a[1]), (boxes_pc, probs_pc))
    L = N_CLASS - 1
    label = jnp.repeat(jnp.arange(L, dtype=jnp.int32), n)
    bbox = bbox.reshape(L * n, 4)
    score = score.reshape(L * n)
    keep = keep.reshape(L * n)
    return bbox, label, score, keep

if __name__ == "__main__":
    import jax
    _d = setup_inputs()
    print(jax.jit(kernel)(*tuple(_d.values())))

</pallas_src>

<mosaic_0001>
#map = affine_map<(d0, d1) -> (0, 0)>
module attributes {stable_mosaic.version = 14 : i64} {
  func.func @body(%arg0: i32, %arg1: i32, %arg2: memref<20x5056xf32, #tpu.memory_space<hbm>>, %arg3: memref<20x5056xf32, #tpu.memory_space<hbm>>, %arg4: memref<20x5056xf32, #tpu.memory_space<hbm>>, %arg5: memref<20x5056xf32, #tpu.memory_space<hbm>>, %arg6: memref<20x5056xf32, #tpu.memory_space<hbm>>, %arg7: memref<20x5056xi32, #tpu.memory_space<hbm>>, %arg8: memref<20x5056xi32, #tpu.memory_space<hbm>>, %arg9: memref<20x5056xi32, #tpu.memory_space<hbm>>, %arg10: memref<20x5056xf32, #tpu.memory_space<hbm>>, %arg11: memref<20x5056xf32, #tpu.memory_space<hbm>>, %arg12: memref<20x5056xf32, #tpu.memory_space<hbm>>, %arg13: memref<20x5056xf32, #tpu.memory_space<hbm>>, %arg14: memref<20x5056xf32, #tpu.memory_space<hbm>>, %arg15: memref<20x5056xf32, #tpu.memory_space<hbm>>, %arg16: memref<20x5056xf32, #tpu.memory_space<hbm>>, %arg17: memref<20x5056xf32, #tpu.memory_space<hbm>>, %arg18: memref<20x5056xf32, #tpu.memory_space<hbm>>, %arg19: memref<20x5056xf32, #tpu.memory_space<hbm>>, %arg20: memref<20x5056xf32, #tpu.memory_space<hbm>>, %arg21: memref<5056xf32, #tpu.memory_space<vmem>>, %arg22: memref<5056xf32, #tpu.memory_space<vmem>>, %arg23: memref<5056xf32, #tpu.memory_space<vmem>>, %arg24: memref<5056xf32, #tpu.memory_space<vmem>>, %arg25: memref<5056xf32, #tpu.memory_space<vmem>>, %arg26: memref<5056xf32, #tpu.memory_space<vmem>>, %arg27: memref<5072xf32, #tpu.memory_space<vmem>>, %arg28: memref<5056xi32, #tpu.memory_space<vmem>>, %arg29: memref<5056xi32, #tpu.memory_space<vmem>>, %arg30: memref<5056xi32, #tpu.memory_space<vmem>>, %arg31: memref<5056xf32, #tpu.memory_space<vmem>>, %arg32: memref<5056xf32, #tpu.memory_space<vmem>>, %arg33: memref<5056xf32, #tpu.memory_space<vmem>>, %arg34: memref<5056xf32, #tpu.memory_space<vmem>>, %arg35: memref<5056xf32, #tpu.memory_space<vmem>>, %arg36: memref<5056xf32, #tpu.memory_space<vmem>>) attributes {dimension_semantics = [#tpu.dimension_semantics<core_parallel>, #tpu.dimension_semantics<subcore_parallel>], iteration_bounds = array<i64: 2, 16>, scalar_prefetch = 0 : i64, scratch_operands = 16 : i64, tpu.core_type = #tpu.core_type<sc_vector_subcore>, window_params = [{transform_indices = #map}, {transform_indices = #map}, {transform_indices = #map}, {transform_indices = #map}, {transform_indices = #map}, {transform_indices = #map}, {transform_indices = #map}, {transform_indices = #map}, {transform_indices = #map}, {transform_indices = #map}, {transform_indices = #map}, {transform_indices = #map}, {transform_indices = #map}, {transform_indices = #map}, {transform_indices = #map}, {transform_indices = #map}, {transform_indices = #map}, {transform_indices = #map}, {transform_indices = #map}]} {
    %mul3A = arith.constant 2 : i32
    %mul3A_0 = arith.muli %arg1, %mul3A : i32
    %add3A = arith.addi %mul3A_0, %arg0 : i32
    %lt3A = arith.constant 20 : i32
    %lt3A_1 = arith.cmpi slt, %add3A, %lt3A : i32
    %convert_element_type3A = arith.extui %lt3A_1 : i1 to i32
    %cond3A = arith.constant 0 : i32
    %cond3A_2 = arith.cmpi ne, %convert_element_type3A, %cond3A : i32
    scf.if %cond3A_2 {
      "tpu.region"() ({
        %run_scoped3A = tpu.sem_alloc : memref<!tpu.dma_semaphore, #tpu.memory_space<semaphore_mem>>
        %dma_start3A = arith.constant 0 : i32
        %dma_start3A_13 = tpu.memref_slice %arg2[%add3A, %dma_start3A] : memref<20x5056xf32, #tpu.memory_space<hbm>> -> memref<1x5056xf32, #tpu.memory_space<hbm>>
        %dma_start3A_14 = tpu.memref_squeeze %dma_start3A_13 : memref<1x5056xf32, #tpu.memory_space<hbm>> -> memref<5056xf32, #tpu.memory_space<hbm>>
        %dma_start3A_15 = arith.constant 0 : i32
        %dma_start3A_16 = tpu.memref_slice %arg2[%add3A, %dma_start3A_15] : memref<20x5056xf32, #tpu.memory_space<hbm>> -> memref<1x5056xf32, #tpu.memory_space<hbm>>
        %dma_start3A_17 = tpu.memref_squeeze %dma_start3A_16 : memref<1x5056xf32, #tpu.memory_space<hbm>> -> memref<5056xf32, #tpu.memory_space<hbm>>
        tpu.enqueue_dma source(%dma_start3A_17 : memref<5056xf32, #tpu.memory_space<hbm>>) target(%arg21 : memref<5056xf32, #tpu.memory_space<vmem>>) target_semaphore(%run_scoped3A : memref<!tpu.dma_semaphore, #tpu.memory_space<semaphore_mem>>)
        %dma_wait3A = arith.constant 0 : i32
        %dma_wait3A_18 = tpu.memref_slice %arg2[%add3A, %dma_wait3A] : memref<20x5056xf32, #tpu.memory_space<hbm>> -> memref<1x5056xf32, #tpu.memory_space<hbm>>
        %dma_wait3A_19 = tpu.memref_squeeze %dma_wait3A_18 : memref<1x5056xf32, #tpu.memory_space<hbm>> -> memref<5056xf32, #tpu.memory_space<hbm>>
        %dma_wait3A_20 = arith.constant 0 : i32
        %dma_wait3A_21 = tpu.memref_slice %arg2[%add3A, %dma_wait3A_20] : memref<20x5056xf32, #tpu.memory_space<hbm>> -> memref<1x5056xf32, #tpu.memory_space<hbm>>
        %dma_wait3A_22 = tpu.memref_squeeze %dma_wait3A_21 : memref<1x5056xf32, #tpu.memory_space<hbm>> -> memref<5056xf32, #tpu.memory_space<hbm>>
        tpu.wait_dma2 semaphore(%run_scoped3A : memref<!tpu.dma_semaphore, #tpu.memory_space<semaphore_mem>>) src(%dma_wait3A_22 : memref<5056xf32, #tpu.memory_space<hbm>>) dst(%arg21 : memref<5056xf32, #tpu.memory_space<vmem>>)
        tpu.yield
      }) : () -> ()
      "tpu.region"() ({
        %run_scoped3A = tpu.sem_alloc : memref<!tpu.dma_semaphore, #tpu.memory_space<semaphore_mem>>
        %dma_start3A = arith.constant 0 : i32
        %dma_start3A_13 = tpu.memref_slice %arg3[%add3A, %dma_start3A] : memref<20x5056xf32, #tpu.memory_space<hbm>> -> memref<1x5056xf32, #tpu.memory_space<hbm>>
        %dma_start3A_14 = tpu.memref_squeeze %dma_start3A_13 : memref<1x5056xf32, #tpu.memory_space<hbm>> -> memref<5056xf32, #tpu.memory_space<hbm>>
        %dma_start3A_15 = arith.constant 0 : i32
        %dma_start3A_16 = tpu.memref_slice %arg3[%add3A, %dma_start3A_15] : memref<20x5056xf32, #tpu.memory_space<hbm>> -> memref<1x5056xf32, #tpu.memory_space<hbm>>
        %dma_start3A_17 = tpu.memref_squeeze %dma_start3A_16 : memref<1x5056xf32, #tpu.memory_space<hbm>> -> memref<5056xf32, #tpu.memory_space<hbm>>
        tpu.enqueue_dma source(%dma_start3A_17 : memref<5056xf32, #tpu.memory_space<hbm>>) target(%arg22 : memref<5056xf32, #tpu.memory_space<vmem>>) target_semaphore(%run_scoped3A : memref<!tpu.dma_semaphore, #tpu.memory_space<semaphore_mem>>)
        %dma_wait3A = arith.constant 0 : i32
        %dma_wait3A_18 = tpu.memref_slice %arg3[%add3A, %dma_wait3A] : memref<20x5056xf32, #tpu.memory_space<hbm>> -> memref<1x5056xf32, #tpu.memory_space<hbm>>
        %dma_wait3A_19 = tpu.memref_squeeze %dma_wait3A_18 : memref<1x5056xf32, #tpu.memory_space<hbm>> -> memref<5056xf32, #tpu.memory_space<hbm>>
        %dma_wait3A_20 = arith.constant 0 : i32
        %dma_wait3A_21 = tpu.memref_slice %arg3[%add3A, %dma_wait3A_20] : memref<20x5056xf32, #tpu.memory_space<hbm>> -> memref<1x5056xf32, #tpu.memory_space<hbm>>
        %dma_wait3A_22 = tpu.memref_squeeze %dma_wait3A_21 : memref<1x5056xf32, #tpu.memory_space<hbm>> -> memref<5056xf32, #tpu.memory_space<hbm>>
        tpu.wait_dma2 semaphore(%run_scoped3A : memref<!tpu.dma_semaphore, #tpu.memory_space<semaphore_mem>>) src(%dma_wait3A_22 : memref<5056xf32, #tpu.memory_space<hbm>>) dst(%arg22 : memref<5056xf32, #tpu.memory_space<vmem>>)
        tpu.yield
      }) : () -> ()
      "tpu.region"() ({
        %run_scoped3A = tpu.sem_alloc : memref<!tpu.dma_semaphore, #tpu.memory_space<semaphore_mem>>
        %dma_start3A = arith.constant 0 : i32
        %dma_start3A_13 = tpu.memref_slice %arg4[%add3A, %dma_start3A] : memref<20x5056xf32, #tpu.memory_space<hbm>> -> memref<1x5056xf32, #tpu.memory_space<hbm>>
        %dma_start3A_14 = tpu.memref_squeeze %dma_start3A_13 : memref<1x5056xf32, #tpu.memory_space<hbm>> -> memref<5056xf32, #tpu.memory_space<hbm>>
        %dma_start3A_15 = arith.constant 0 : i32
        %dma_start3A_16 = tpu.memref_slice %arg4[%add3A, %dma_start3A_15] : memref<20x5056xf32, #tpu.memory_space<hbm>> -> memref<1x5056xf32, #tpu.memory_space<hbm>>
        %dma_start3A_17 = tpu.memref_squeeze %dma_start3A_16 : memref<1x5056xf32, #tpu.memory_space<hbm>> -> memref<5056xf32, #tpu.memory_space<hbm>>
        tpu.enqueue_dma source(%dma_start3A_17 : memref<5056xf32, #tpu.memory_space<hbm>>) target(%arg23 : memref<5056xf32, #tpu.memory_space<vmem>>) target_semaphore(%run_scoped3A : memref<!tpu.dma_semaphore, #tpu.memory_space<semaphore_mem>>)
        %dma_wait3A = arith.constant 0 : i32
        %dma_wait3A_18 = tpu.memref_slice %arg4[%add3A, %dma_wait3A] : memref<20x5056xf32, #tpu.memory_space<hbm>> -> memref<1x5056xf32, #tpu.memory_space<hbm>>
        %dma_wait3A_19 = tpu.memref_squeeze %dma_wait3A_18 : memref<1x5056xf32, #tpu.memory_space<hbm>> -> memref<5056xf32, #tpu.memory_space<hbm>>
        %dma_wait3A_20 = arith.constant 0 : i32
        %dma_wait3A_21 = tpu.memref_slice %arg4[%add3A, %dma_wait3A_20] : memref<20x5056xf32, #tpu.memory_space<hbm>> -> memref<1x5056xf32, #tpu.memory_space<hbm>>
        %dma_wait3A_22 = tpu.memref_squeeze %dma_wait3A_21 : memref<1x5056xf32, #tpu.memory_space<hbm>> -> memref<5056xf32, #tpu.memory_space<hbm>>
        tpu.wait_dma2 semaphore(%run_scoped3A : memref<!tpu.dma_semaphore, #tpu.memory_space<semaphore_mem>>) src(%dma_wait3A_22 : memref<5056xf32, #tpu.memory_space<hbm>>) dst(%arg23 : memref<5056xf32, #tpu.memory_space<vmem>>)
        tpu.yield
      }) : () -> ()
      "tpu.region"() ({
        %run_scoped3A = tpu.sem_alloc : memref<!tpu.dma_semaphore, #tpu.memory_space<semaphore_mem>>
        %dma_start3A = arith.constant 0 : i32
        %dma_start3A_13 = tpu.memref_slice %arg5[%add3A, %dma_start3A] : memref<20x5056xf32, #tpu.memory_space<hbm>> -> memref<1x5056xf32, #tpu.memory_space<hbm>>
        %dma_start3A_14 = tpu.memref_squeeze %dma_start3A_13 : memref<1x5056xf32, #tpu.memory_space<hbm>> -> memref<5056xf32, #tpu.memory_space<hbm>>
        %dma_start3A_15 = arith.constant 0 : i32
        %dma_start3A_16 = tpu.memref_slice %arg5[%add3A, %dma_start3A_15] : memref<20x5056xf32, #tpu.memory_space<hbm>> -> memref<1x5056xf32, #tpu.memory_space<hbm>>
        %dma_start3A_17 = tpu.memref_squeeze %dma_start3A_16 : memref<1x5056xf32, #tpu.memory_space<hbm>> -> memref<5056xf32, #tpu.memory_space<hbm>>
        tpu.enqueue_dma source(%dma_start3A_17 : memref<5056xf32, #tpu.memory_space<hbm>>) target(%arg24 : memref<5056xf32, #tpu.memory_space<vmem>>) target_semaphore(%run_scoped3A : memref<!tpu.dma_semaphore, #tpu.memory_space<semaphore_mem>>)
        %dma_wait3A = arith.constant 0 : i32
        %dma_wait3A_18 = tpu.memref_slice %arg5[%add3A, %dma_wait3A] : memref<20x5056xf32, #tpu.memory_space<hbm>> -> memref<1x5056xf32, #tpu.memory_space<hbm>>
        %dma_wait3A_19 = tpu.memref_squeeze %dma_wait3A_18 : memref<1x5056xf32, #tpu.memory_space<hbm>> -> memref<5056xf32, #tpu.memory_space<hbm>>
        %dma_wait3A_20 = arith.constant 0 : i32
        %dma_wait3A_21 = tpu.memref_slice %arg5[%add3A, %dma_wait3A_20] : memref<20x5056xf32, #tpu.memory_space<hbm>> -> memref<1x5056xf32, #tpu.memory_space<hbm>>
        %dma_wait3A_22 = tpu.memref_squeeze %dma_wait3A_21 : memref<1x5056xf32, #tpu.memory_space<hbm>> -> memref<5056xf32, #tpu.memory_space<hbm>>
        tpu.wait_dma2 semaphore(%run_scoped3A : memref<!tpu.dma_semaphore, #tpu.memory_space<semaphore_mem>>) src(%dma_wait3A_22 : memref<5056xf32, #tpu.memory_space<hbm>>) dst(%arg24 : memref<5056xf32, #tpu.memory_space<vmem>>)
        tpu.yield
      }) : () -> ()
      "tpu.region"() ({
        %run_scoped3A = tpu.sem_alloc : memref<!tpu.dma_semaphore, #tpu.memory_space<semaphore_mem>>
        %dma_start3A = arith.constant 0 : i32
        %dma_start3A_13 = tpu.memref_slice %arg6[%add3A, %dma_start3A] : memref<20x5056xf32, #tpu.memory_space<hbm>> -> memref<1x5056xf32, #tpu.memory_space<hbm>>
        %dma_start3A_14 = tpu.memref_squeeze %dma_start3A_13 : memref<1x5056xf32, #tpu.memory_space<hbm>> -> memref<5056xf32, #tpu.memory_space<hbm>>
        %dma_start3A_15 = arith.constant 0 : i32
        %dma_start3A_16 = tpu.memref_slice %arg6[%add3A, %dma_start3A_15] : memref<20x5056xf32, #tpu.memory_space<hbm>> -> memref<1x5056xf32, #tpu.memory_space<hbm>>
        %dma_start3A_17 = tpu.memref_squeeze %dma_start3A_16 : memref<1x5056xf32, #tpu.memory_space<hbm>> -> memref<5056xf32, #tpu.memory_space<hbm>>
        tpu.enqueue_dma source(%dma_start3A_17 : memref<5056xf32, #tpu.memory_space<hbm>>) target(%arg26 : memref<5056xf32, #tpu.memory_space<vmem>>) target_semaphore(%run_scoped3A : memref<!tpu.dma_semaphore, #tpu.memory_space<semaphore_mem>>)
        %dma_wait3A = arith.constant 0 : i32
        %dma_wait3A_18 = tpu.memref_slice %arg6[%add3A, %dma_wait3A] : memref<20x5056xf32, #tpu.memory_space<hbm>> -> memref<1x5056xf32, #tpu.memory_space<hbm>>
        %dma_wait3A_19 = tpu.memref_squeeze %dma_wait3A_18 : memref<1x5056xf32, #tpu.memory_space<hbm>> -> memref<5056xf32, #tpu.memory_space<hbm>>
        %dma_wait3A_20 = arith.constant 0 : i32
        %dma_wait3A_21 = tpu.memref_slice %arg6[%add3A, %dma_wait3A_20] : memref<20x5056xf32, #tpu.memory_space<hbm>> -> memref<1x5056xf32, #tpu.memory_space<hbm>>
        %dma_wait3A_22 = tpu.memref_squeeze %dma_wait3A_21 : memref<1x5056xf32, #tpu.memory_space<hbm>> -> memref<5056xf32, #tpu.memory_space<hbm>>
        tpu.wait_dma2 semaphore(%run_scoped3A : memref<!tpu.dma_semaphore, #tpu.memory_space<semaphore_mem>>) src(%dma_wait3A_22 : memref<5056xf32, #tpu.memory_space<hbm>>) dst(%arg26 : memref<5056xf32, #tpu.memory_space<vmem>>)
        tpu.yield
      }) : () -> ()
      "tpu.region"() ({
        %run_scoped3A = tpu.sem_alloc : memref<!tpu.dma_semaphore, #tpu.memory_space<semaphore_mem>>
        %dma_start3A = arith.constant 0 : i32
        %dma_start3A_13 = tpu.memref_slice %arg7[%add3A, %dma_start3A] : memref<20x5056xi32, #tpu.memory_space<hbm>> -> memref<1x5056xi32, #tpu.memory_space<hbm>>
        %dma_start3A_14 = tpu.memref_squeeze %dma_start3A_13 : memref<1x5056xi32, #tpu.memory_space<hbm>> -> memref<5056xi32, #tpu.memory_space<hbm>>
        %dma_start3A_15 = arith.constant 0 : i32
        %dma_start3A_16 = tpu.memref_slice %arg7[%add3A, %dma_start3A_15] : memref<20x5056xi32, #tpu.memory_space<hbm>> -> memref<1x5056xi32, #tpu.memory_space<hbm>>
        %dma_start3A_17 = tpu.memref_squeeze %dma_start3A_16 : memref<1x5056xi32, #tpu.memory_space<hbm>> -> memref<5056xi32, #tpu.memory_space<hbm>>
        tpu.enqueue_dma source(%dma_start3A_17 : memref<5056xi32, #tpu.memory_space<hbm>>) target(%arg28 : memref<5056xi32, #tpu.memory_space<vmem>>) target_semaphore(%run_scoped3A : memref<!tpu.dma_semaphore, #tpu.memory_space<semaphore_mem>>)
        %dma_wait3A = arith.constant 0 : i32
        %dma_wait3A_18 = tpu.memref_slice %arg7[%add3A, %dma_wait3A] : memref<20x5056xi32, #tpu.memory_space<hbm>> -> memref<1x5056xi32, #tpu.memory_space<hbm>>
        %dma_wait3A_19 = tpu.memref_squeeze %dma_wait3A_18 : memref<1x5056xi32, #tpu.memory_space<hbm>> -> memref<5056xi32, #tpu.memory_space<hbm>>
        %dma_wait3A_20 = arith.constant 0 : i32
        %dma_wait3A_21 = tpu.memref_slice %arg7[%add3A, %dma_wait3A_20] : memref<20x5056xi32, #tpu.memory_space<hbm>> -> memref<1x5056xi32, #tpu.memory_space<hbm>>
        %dma_wait3A_22 = tpu.memref_squeeze %dma_wait3A_21 : memref<1x5056xi32, #tpu.memory_space<hbm>> -> memref<5056xi32, #tpu.memory_space<hbm>>
        tpu.wait_dma2 semaphore(%run_scoped3A : memref<!tpu.dma_semaphore, #tpu.memory_space<semaphore_mem>>) src(%dma_wait3A_22 : memref<5056xi32, #tpu.memory_space<hbm>>) dst(%arg28 : memref<5056xi32, #tpu.memory_space<vmem>>)
        tpu.yield
      }) : () -> ()
      "tpu.region"() ({
        %run_scoped3A = tpu.sem_alloc : memref<!tpu.dma_semaphore, #tpu.memory_space<semaphore_mem>>
        %dma_start3A = arith.constant 0 : i32
        %dma_start3A_13 = tpu.memref_slice %arg8[%add3A, %dma_start3A] : memref<20x5056xi32, #tpu.memory_space<hbm>> -> memref<1x5056xi32, #tpu.memory_space<hbm>>
        %dma_start3A_14 = tpu.memref_squeeze %dma_start3A_13 : memref<1x5056xi32, #tpu.memory_space<hbm>> -> memref<5056xi32, #tpu.memory_space<hbm>>
        %dma_start3A_15 = arith.constant 0 : i32
        %dma_start3A_16 = tpu.memref_slice %arg8[%add3A, %dma_start3A_15] : memref<20x5056xi32, #tpu.memory_space<hbm>> -> memref<1x5056xi32, #tpu.memory_space<hbm>>
        %dma_start3A_17 = tpu.memref_squeeze %dma_start3A_16 : memref<1x5056xi32, #tpu.memory_space<hbm>> -> memref<5056xi32, #tpu.memory_space<hbm>>
        tpu.enqueue_dma source(%dma_start3A_17 : memref<5056xi32, #tpu.memory_space<hbm>>) target(%arg29 : memref<5056xi32, #tpu.memory_space<vmem>>) target_semaphore(%run_scoped3A : memref<!tpu.dma_semaphore, #tpu.memory_space<semaphore_mem>>)
        %dma_wait3A = arith.constant 0 : i32
        %dma_wait3A_18 = tpu.memref_slice %arg8[%add3A, %dma_wait3A] : memref<20x5056xi32, #tpu.memory_space<hbm>> -> memref<1x5056xi32, #tpu.memory_space<hbm>>
        %dma_wait3A_19 = tpu.memref_squeeze %dma_wait3A_18 : memref<1x5056xi32, #tpu.memory_space<hbm>> -> memref<5056xi32, #tpu.memory_space<hbm>>
        %dma_wait3A_20 = arith.constant 0 : i32
        %dma_wait3A_21 = tpu.memref_slice %arg8[%add3A, %dma_wait3A_20] : memref<20x5056xi32, #tpu.memory_space<hbm>> -> memref<1x5056xi32, #tpu.memory_space<hbm>>
        %dma_wait3A_22 = tpu.memref_squeeze %dma_wait3A_21 : memref<1x5056xi32, #tpu.memory_space<hbm>> -> memref<5056xi32, #tpu.memory_space<hbm>>
        tpu.wait_dma2 semaphore(%run_scoped3A : memref<!tpu.dma_semaphore, #tpu.memory_space<semaphore_mem>>) src(%dma_wait3A_22 : memref<5056xi32, #tpu.memory_space<hbm>>) dst(%arg29 : memref<5056xi32, #tpu.memory_space<vmem>>)
        tpu.yield
      }) : () -> ()
      "tpu.region"() ({
        %run_scoped3A = tpu.sem_alloc : memref<!tpu.dma_semaphore, #tpu.memory_space<semaphore_mem>>
        %dma_start3A = arith.constant 0 : i32
        %dma_start3A_13 = tpu.memref_slice %arg9[%add3A, %dma_start3A] : memref<20x5056xi32, #tpu.memory_space<hbm>> -> memref<1x5056xi32, #tpu.memory_space<hbm>>
        %dma_start3A_14 = tpu.memref_squeeze %dma_start3A_13 : memref<1x5056xi32, #tpu.memory_space<hbm>> -> memref<5056xi32, #tpu.memory_space<hbm>>
        %dma_start3A_15 = arith.constant 0 : i32
        %dma_start3A_16 = tpu.memref_slice %arg9[%add3A, %dma_start3A_15] : memref<20x5056xi32, #tpu.memory_space<hbm>> -> memref<1x5056xi32, #tpu.memory_space<hbm>>
        %dma_start3A_17 = tpu.memref_squeeze %dma_start3A_16 : memref<1x5056xi32, #tpu.memory_space<hbm>> -> memref<5056xi32, #tpu.memory_space<hbm>>
        tpu.enqueue_dma source(%dma_start3A_17 : memref<5056xi32, #tpu.memory_space<hbm>>) target(%arg30 : memref<5056xi32, #tpu.memory_space<vmem>>) target_semaphore(%run_scoped3A : memref<!tpu.dma_semaphore, #tpu.memory_space<semaphore_mem>>)
        %dma_wait3A = arith.constant 0 : i32
        %dma_wait3A_18 = tpu.memref_slice %arg9[%add3A, %dma_wait3A] : memref<20x5056xi32, #tpu.memory_space<hbm>> -> memref<1x5056xi32, #tpu.memory_space<hbm>>
        %dma_wait3A_19 = tpu.memref_squeeze %dma_wait3A_18 : memref<1x5056xi32, #tpu.memory_space<hbm>> -> memref<5056xi32, #tpu.memory_space<hbm>>
        %dma_wait3A_20 = arith.constant 0 : i32
        %dma_wait3A_21 = tpu.memref_slice %arg9[%add3A, %dma_wait3A_20] : memref<20x5056xi32, #tpu.memory_space<hbm>> -> memref<1x5056xi32, #tpu.memory_space<hbm>>
        %dma_wait3A_22 = tpu.memref_squeeze %dma_wait3A_21 : memref<1x5056xi32, #tpu.memory_space<hbm>> -> memref<5056xi32, #tpu.memory_space<hbm>>
        tpu.wait_dma2 semaphore(%run_scoped3A : memref<!tpu.dma_semaphore, #tpu.memory_space<semaphore_mem>>) src(%dma_wait3A_22 : memref<5056xi32, #tpu.memory_space<hbm>>) dst(%arg30 : memref<5056xi32, #tpu.memory_space<vmem>>)
        tpu.yield
      }) : () -> ()
      "tpu.region"() ({
        %run_scoped3A = tpu.sem_alloc : memref<!tpu.dma_semaphore, #tpu.memory_space<semaphore_mem>>
        %dma_start3A = arith.constant 0 : i32
        %dma_start3A_13 = tpu.memref_slice %arg10[%add3A, %dma_start3A] : memref<20x5056xf32, #tpu.memory_space<hbm>> -> memref<1x5056xf32, #tpu.memory_space<hbm>>
        %dma_start3A_14 = tpu.memref_squeeze %dma_start3A_13 : memref<1x5056xf32, #tpu.memory_space<hbm>> -> memref<5056xf32, #tpu.memory_space<hbm>>
        %dma_start3A_15 = arith.constant 0 : i32
        %dma_start3A_16 = tpu.memref_slice %arg10[%add3A, %dma_start3A_15] : memref<20x5056xf32, #tpu.memory_space<hbm>> -> memref<1x5056xf32, #tpu.memory_space<hbm>>
        %dma_start3A_17 = tpu.memref_squeeze %dma_start3A_16 : memref<1x5056xf32, #tpu.memory_space<hbm>> -> memref<5056xf32, #tpu.memory_space<hbm>>
        tpu.enqueue_dma source(%dma_start3A_17 : memref<5056xf32, #tpu.memory_space<hbm>>) target(%arg31 : memref<5056xf32, #tpu.memory_space<vmem>>) target_semaphore(%run_scoped3A : memref<!tpu.dma_semaphore, #tpu.memory_space<semaphore_mem>>)
        %dma_wait3A = arith.constant 0 : i32
        %dma_wait3A_18 = tpu.memref_slice %arg10[%add3A, %dma_wait3A] : memref<20x5056xf32, #tpu.memory_space<hbm>> -> memref<1x5056xf32, #tpu.memory_space<hbm>>
        %dma_wait3A_19 = tpu.memref_squeeze %dma_wait3A_18 : memref<1x5056xf32, #tpu.memory_space<hbm>> -> memref<5056xf32, #tpu.memory_space<hbm>>
        %dma_wait3A_20 = arith.constant 0 : i32
        %dma_wait3A_21 = tpu.memref_slice %arg10[%add3A, %dma_wait3A_20] : memref<20x5056xf32, #tpu.memory_space<hbm>> -> memref<1x5056xf32, #tpu.memory_space<hbm>>
        %dma_wait3A_22 = tpu.memref_squeeze %dma_wait3A_21 : memref<1x5056xf32, #tpu.memory_space<hbm>> -> memref<5056xf32, #tpu.memory_space<hbm>>
        tpu.wait_dma2 semaphore(%run_scoped3A : memref<!tpu.dma_semaphore, #tpu.memory_space<semaphore_mem>>) src(%dma_wait3A_22 : memref<5056xf32, #tpu.memory_space<hbm>>) dst(%arg31 : memref<5056xf32, #tpu.memory_space<vmem>>)
        tpu.yield
      }) : () -> ()
      "tpu.region"() ({
        %run_scoped3A = tpu.sem_alloc : memref<!tpu.dma_semaphore, #tpu.memory_space<semaphore_mem>>
        %dma_start3A = arith.constant 0 : i32
        %dma_start3A_13 = tpu.memref_slice %arg11[%add3A, %dma_start3A] : memref<20x5056xf32, #tpu.memory_space<hbm>> -> memref<1x5056xf32, #tpu.memory_space<hbm>>
        %dma_start3A_14 = tpu.memref_squeeze %dma_start3A_13 : memref<1x5056xf32, #tpu.memory_space<hbm>> -> memref<5056xf32, #tpu.memory_space<hbm>>
        %dma_start3A_15 = arith.constant 0 : i32
        %dma_start3A_16 = tpu.memref_slice %arg11[%add3A, %dma_start3A_15] : memref<20x5056xf32, #tpu.memory_space<hbm>> -> memref<1x5056xf32, #tpu.memory_space<hbm>>
        %dma_start3A_17 = tpu.memref_squeeze %dma_start3A_16 : memref<1x5056xf32, #tpu.memory_space<hbm>> -> memref<5056xf32, #tpu.memory_space<hbm>>
        tpu.enqueue_dma source(%dma_start3A_17 : memref<5056xf32, #tpu.memory_space<hbm>>) target(%arg32 : memref<5056xf32, #tpu.memory_space<vmem>>) target_semaphore(%run_scoped3A : memref<!tpu.dma_semaphore, #tpu.memory_space<semaphore_mem>>)
        %dma_wait3A = arith.constant 0 : i32
        %dma_wait3A_18 = tpu.memref_slice %arg11[%add3A, %dma_wait3A] : memref<20x5056xf32, #tpu.memory_space<hbm>> -> memref<1x5056xf32, #tpu.memory_space<hbm>>
        %dma_wait3A_19 = tpu.memref_squeeze %dma_wait3A_18 : memref<1x5056xf32, #tpu.memory_space<hbm>> -> memref<5056xf32, #tpu.memory_space<hbm>>
        %dma_wait3A_20 = arith.constant 0 : i32
        %dma_wait3A_21 = tpu.memref_slice %arg11[%add3A, %dma_wait3A_20] : memref<20x5056xf32, #tpu.memory_space<hbm>> -> memref<1x5056xf32, #tpu.memory_space<hbm>>
        %dma_wait3A_22 = tpu.memref_squeeze %dma_wait3A_21 : memref<1x5056xf32, #tpu.memory_space<hbm>> -> memref<5056xf32, #tpu.memory_space<hbm>>
        tpu.wait_dma2 semaphore(%run_scoped3A : memref<!tpu.dma_semaphore, #tpu.memory_space<semaphore_mem>>) src(%dma_wait3A_22 : memref<5056xf32, #tpu.memory_space<hbm>>) dst(%arg32 : memref<5056xf32, #tpu.memory_space<vmem>>)
        tpu.yield
      }) : () -> ()
      "tpu.region"() ({
        %run_scoped3A = tpu.sem_alloc : memref<!tpu.dma_semaphore, #tpu.memory_space<semaphore_mem>>
        %dma_start3A = arith.constant 0 : i32
        %dma_start3A_13 = tpu.memref_slice %arg12[%add3A, %dma_start3A] : memref<20x5056xf32, #tpu.memory_space<hbm>> -> memref<1x5056xf32, #tpu.memory_space<hbm>>
        %dma_start3A_14 = tpu.memref_squeeze %dma_start3A_13 : memref<1x5056xf32, #tpu.memory_space<hbm>> -> memref<5056xf32, #tpu.memory_space<hbm>>
        %dma_start3A_15 = arith.constant 0 : i32
        %dma_start3A_16 = tpu.memref_slice %arg12[%add3A, %dma_start3A_15] : memref<20x5056xf32, #tpu.memory_space<hbm>> -> memref<1x5056xf32, #tpu.memory_space<hbm>>
        %dma_start3A_17 = tpu.memref_squeeze %dma_start3A_16 : memref<1x5056xf32, #tpu.memory_space<hbm>> -> memref<5056xf32, #tpu.memory_space<hbm>>
        tpu.enqueue_dma source(%dma_start3A_17 : memref<5056xf32, #tpu.memory_space<hbm>>) target(%arg33 : memref<5056xf32, #tpu.memory_space<vmem>>) target_semaphore(%run_scoped3A : memref<!tpu.dma_semaphore, #tpu.memory_space<semaphore_mem>>)
        %dma_wait3A = arith.constant 0 : i32
        %dma_wait3A_18 = tpu.memref_slice %arg12[%add3A, %dma_wait3A] : memref<20x5056xf32, #tpu.memory_space<hbm>> -> memref<1x5056xf32, #tpu.memory_space<hbm>>
        %dma_wait3A_19 = tpu.memref_squeeze %dma_wait3A_18 : memref<1x5056xf32, #tpu.memory_space<hbm>> -> memref<5056xf32, #tpu.memory_space<hbm>>
        %dma_wait3A_20 = arith.constant 0 : i32
        %dma_wait3A_21 = tpu.memref_slice %arg12[%add3A, %dma_wait3A_20] : memref<20x5056xf32, #tpu.memory_space<hbm>> -> memref<1x5056xf32, #tpu.memory_space<hbm>>
        %dma_wait3A_22 = tpu.memref_squeeze %dma_wait3A_21 : memref<1x5056xf32, #tpu.memory_space<hbm>> -> memref<5056xf32, #tpu.memory_space<hbm>>
        tpu.wait_dma2 semaphore(%run_scoped3A : memref<!tpu.dma_semaphore, #tpu.memory_space<semaphore_mem>>) src(%dma_wait3A_22 : memref<5056xf32, #tpu.memory_space<hbm>>) dst(%arg33 : memref<5056xf32, #tpu.memory_space<vmem>>)
        tpu.yield
      }) : () -> ()
      "tpu.region"() ({
        %run_scoped3A = tpu.sem_alloc : memref<!tpu.dma_semaphore, #tpu.memory_space<semaphore_mem>>
        %dma_start3A = arith.constant 0 : i32
        %dma_start3A_13 = tpu.memref_slice %arg13[%add3A, %dma_start3A] : memref<20x5056xf32, #tpu.memory_space<hbm>> -> memref<1x5056xf32, #tpu.memory_space<hbm>>
        %dma_start3A_14 = tpu.memref_squeeze %dma_start3A_13 : memref<1x5056xf32, #tpu.memory_space<hbm>> -> memref<5056xf32, #tpu.memory_space<hbm>>
        %dma_start3A_15 = arith.constant 0 : i32
        %dma_start3A_16 = tpu.memref_slice %arg13[%add3A, %dma_start3A_15] : memref<20x5056xf32, #tpu.memory_space<hbm>> -> memref<1x5056xf32, #tpu.memory_space<hbm>>
        %dma_start3A_17 = tpu.memref_squeeze %dma_start3A_16 : memref<1x5056xf32, #tpu.memory_space<hbm>> -> memref<5056xf32, #tpu.memory_space<hbm>>
        tpu.enqueue_dma source(%dma_start3A_17 : memref<5056xf32, #tpu.memory_space<hbm>>) target(%arg34 : memref<5056xf32, #tpu.memory_space<vmem>>) target_semaphore(%run_scoped3A : memref<!tpu.dma_semaphore, #tpu.memory_space<semaphore_mem>>)
        %dma_wait3A = arith.constant 0 : i32
        %dma_wait3A_18 = tpu.memref_slice %arg13[%add3A, %dma_wait3A] : memref<20x5056xf32, #tpu.memory_space<hbm>> -> memref<1x5056xf32, #tpu.memory_space<hbm>>
        %dma_wait3A_19 = tpu.memref_squeeze %dma_wait3A_18 : memref<1x5056xf32, #tpu.memory_space<hbm>> -> memref<5056xf32, #tpu.memory_space<hbm>>
        %dma_wait3A_20 = arith.constant 0 : i32
        %dma_wait3A_21 = tpu.memref_slice %arg13[%add3A, %dma_wait3A_20] : memref<20x5056xf32, #tpu.memory_space<hbm>> -> memref<1x5056xf32, #tpu.memory_space<hbm>>
        %dma_wait3A_22 = tpu.memref_squeeze %dma_wait3A_21 : memref<1x5056xf32, #tpu.memory_space<hbm>> -> memref<5056xf32, #tpu.memory_space<hbm>>
        tpu.wait_dma2 semaphore(%run_scoped3A : memref<!tpu.dma_semaphore, #tpu.memory_space<semaphore_mem>>) src(%dma_wait3A_22 : memref<5056xf32, #tpu.memory_space<hbm>>) dst(%arg34 : memref<5056xf32, #tpu.memory_space<vmem>>)
        tpu.yield
      }) : () -> ()
      "tpu.region"() ({
        %run_scoped3A = tpu.sem_alloc : memref<!tpu.dma_semaphore, #tpu.memory_space<semaphore_mem>>
        %dma_start3A = arith.constant 0 : i32
        %dma_start3A_13 = tpu.memref_slice %arg14[%add3A, %dma_start3A] : memref<20x5056xf32, #tpu.memory_space<hbm>> -> memref<1x5056xf32, #tpu.memory_space<hbm>>
        %dma_start3A_14 = tpu.memref_squeeze %dma_start3A_13 : memref<1x5056xf32, #tpu.memory_space<hbm>> -> memref<5056xf32, #tpu.memory_space<hbm>>
        %dma_start3A_15 = arith.constant 0 : i32
        %dma_start3A_16 = tpu.memref_slice %arg14[%add3A, %dma_start3A_15] : memref<20x5056xf32, #tpu.memory_space<hbm>> -> memref<1x5056xf32, #tpu.memory_space<hbm>>
        %dma_start3A_17 = tpu.memref_squeeze %dma_start3A_16 : memref<1x5056xf32, #tpu.memory_space<hbm>> -> memref<5056xf32, #tpu.memory_space<hbm>>
        tpu.enqueue_dma source(%dma_start3A_17 : memref<5056xf32, #tpu.memory_space<hbm>>) target(%arg35 : memref<5056xf32, #tpu.memory_space<vmem>>) target_semaphore(%run_scoped3A : memref<!tpu.dma_semaphore, #tpu.memory_space<semaphore_mem>>)
        %dma_wait3A = arith.constant 0 : i32
        %dma_wait3A_18 = tpu.memref_slice %arg14[%add3A, %dma_wait3A] : memref<20x5056xf32, #tpu.memory_space<hbm>> -> memref<1x5056xf32, #tpu.memory_space<hbm>>
        %dma_wait3A_19 = tpu.memref_squeeze %dma_wait3A_18 : memref<1x5056xf32, #tpu.memory_space<hbm>> -> memref<5056xf32, #tpu.memory_space<hbm>>
        %dma_wait3A_20 = arith.constant 0 : i32
        %dma_wait3A_21 = tpu.memref_slice %arg14[%add3A, %dma_wait3A_20] : memref<20x5056xf32, #tpu.memory_space<hbm>> -> memref<1x5056xf32, #tpu.memory_space<hbm>>
        %dma_wait3A_22 = tpu.memref_squeeze %dma_wait3A_21 : memref<1x5056xf32, #tpu.memory_space<hbm>> -> memref<5056xf32, #tpu.memory_space<hbm>>
        tpu.wait_dma2 semaphore(%run_scoped3A : memref<!tpu.dma_semaphore, #tpu.memory_space<semaphore_mem>>) src(%dma_wait3A_22 : memref<5056xf32, #tpu.memory_space<hbm>>) dst(%arg35 : memref<5056xf32, #tpu.memory_space<vmem>>)
        tpu.yield
      }) : () -> ()
      %parallel_loop3A = arith.constant 0 : i32
      %parallel_loop3A_3 = arith.constant 316 : i32
      %parallel_loop3A_4 = arith.constant 1 : i32
      scf.for %parallel_loop3A_13 = %parallel_loop3A to %parallel_loop3A_3 step %parallel_loop3A_4  : i32 {
        %parallel_loop3A_14 = arith.constant 16 : i32
        %parallel_loop3A_15 = arith.muli %parallel_loop3A_13, %parallel_loop3A_14 : i32
        %parallel_loop3A_16 = arith.index_cast %parallel_loop3A_15 : i32 to index
        %parallel_loop3A_17 = tpu.vector_load %arg23[%parallel_loop3A_16] {strides = array<i32>} : memref<5056xf32, #tpu.memory_space<vmem>>, vector<16xf32>,
        %parallel_loop3A_18 = vector.shape_cast %parallel_loop3A_17 : vector<16xf32> to vector<16xf32>
        %parallel_loop3A_19 = arith.index_cast %parallel_loop3A_15 : i32 to index
        %parallel_loop3A_20 = tpu.vector_load %arg21[%parallel_loop3A_19] {strides = array<i32>} : memref<5056xf32, #tpu.memory_space<vmem>>, vector<16xf32>,
        %parallel_loop3A_21 = vector.shape_cast %parallel_loop3A_20 : vector<16xf32> to vector<16xf32>
        %parallel_loop3A_22 = arith.subf %parallel_loop3A_18, %parallel_loop3A_21 : vector<16xf32>
        %parallel_loop3A_23 = arith.constant 0.000000e+00 : f32
        %parallel_loop3A_24 = vector.broadcast %parallel_loop3A_23 : f32 to vector<16xf32>
        %parallel_loop3A_25 = arith.maximumf %parallel_loop3A_22, %parallel_loop3A_24 : vector<16xf32>
        %parallel_loop3A_26 = arith.index_cast %parallel_loop3A_15 : i32 to index
        %parallel_loop3A_27 = tpu.vector_load %arg24[%parallel_loop3A_26] {strides = array<i32>} : memref<5056xf32, #tpu.memory_space<vmem>>, vector<16xf32>,
        %parallel_loop3A_28 = vector.shape_cast %parallel_loop3A_27 : vector<16xf32> to vector<16xf32>
        %parallel_loop3A_29 = arith.index_cast %parallel_loop3A_15 : i32 to index
        %parallel_loop3A_30 = tpu.vector_load %arg22[%parallel_loop3A_29] {strides = array<i32>} : memref<5056xf32, #tpu.memory_space<vmem>>, vector<16xf32>,
        %parallel_loop3A_31 = vector.shape_cast %parallel_loop3A_30 : vector<16xf32> to vector<16xf32>
        %parallel_loop3A_32 = arith.subf %parallel_loop3A_28, %parallel_loop3A_31 : vector<16xf32>
        %parallel_loop3A_33 = arith.constant 0.000000e+00 : f32
        %parallel_loop3A_34 = vector.broadcast %parallel_loop3A_33 : f32 to vector<16xf32>
        %parallel_loop3A_35 = arith.maximumf %parallel_loop3A_32, %parallel_loop3A_34 : vector<16xf32>
        %parallel_loop3A_36 = arith.mulf %parallel_loop3A_25, %parallel_loop3A_35 : vector<16xf32>
        %parallel_loop3A_37 = arith.index_cast %parallel_loop3A_15 : i32 to index
        %parallel_loop3A_38 = tpu.vector_load %arg25[%parallel_loop3A_37] {strides = array<i32>} : memref<5056xf32, #tpu.memory_space<vmem>>, vector<16xf32>,
        %parallel_loop3A_39 = vector.shape_cast %parallel_loop3A_38 : vector<16xf32> to vector<16xf32>
        %parallel_loop3A_40 = vector.shape_cast %parallel_loop3A_36 : vector<16xf32> to vector<16xf32>
        tpu.vector_store %arg25[%parallel_loop3A_37], %parallel_loop3A_40 {strides = array<i32>} : memref<5056xf32, #tpu.memory_space<vmem>>, vector<16xf32>,
        %parallel_loop3A_41 = arith.index_cast %parallel_loop3A_15 : i32 to index
        %parallel_loop3A_42 = tpu.vector_load %arg26[%parallel_loop3A_41] {strides = array<i32>} : memref<5056xf32, #tpu.memory_space<vmem>>, vector<16xf32>,
        %parallel_loop3A_43 = vector.shape_cast %parallel_loop3A_42 : vector<16xf32> to vector<16xf32>
        %parallel_loop3A_44 = arith.constant 0xFF800000 : f32
        %parallel_loop3A_45 = vector.broadcast %parallel_loop3A_44 : f32 to vector<16xf32>
        %parallel_loop3A_46 = arith.cmpf ogt, %parallel_loop3A_43, %parallel_loop3A_45 : vector<16xf32>
        %parallel_loop3A_47 = arith.constant 1.000000e+00 : f32
        %parallel_loop3A_48 = arith.constant 0.000000e+00 : f32
        %parallel_loop3A_49 = vector.broadcast %parallel_loop3A_47 : f32 to vector<16xf32>
        %parallel_loop3A_50 = vector.broadcast %parallel_loop3A_48 : f32 to vector<16xf32>
        %parallel_loop3A_51 = arith.select %parallel_loop3A_46, %parallel_loop3A_49, %parallel_loop3A_50 : vector<16xi1>, vector<16xf32>
        %parallel_loop3A_52 = arith.index_cast %parallel_loop3A_15 : i32 to index
        %parallel_loop3A_53 = tpu.vector_load %arg27[%parallel_loop3A_52] {strides = array<i32>} : memref<5072xf32, #tpu.memory_space<vmem>>, vector<16xf32>,
        %parallel_loop3A_54 = vector.shape_cast %parallel_loop3A_53 : vector<16xf32> to vector<16xf32>
        %parallel_loop3A_55 = vector.shape_cast %parallel_loop3A_51 : vector<16xf32> to vector<16xf32>
        tpu.vector_store %arg27[%parallel_loop3A_52], %parallel_loop3A_55 {strides = array<i32>} : memref<5072xf32, #tpu.memory_space<vmem>>, vector<16xf32>,
      } {sc.loop_unroll_factor = 4 : i64, sc.parallel_access}
      %scan3A = arith.constant 0 : i32
      %scan3A_5 = arith.constant 0 : i32
      %scan3A_6 = arith.constant 5000 : i32
      %scan3A_7 = arith.addi %scan3A_5, %scan3A_6 : i32
      %scan3A_8 = arith.constant 1 : i32
      scf.for %scan3A_13 = %scan3A_5 to %scan3A_7 step %scan3A_8  : i32 {
        %get3A = arith.index_cast %scan3A_13 : i32 to index
        %get3A_14 = tpu.vector_load %arg28[%get3A] {strides = array<i32>} : memref<5056xi32, #tpu.memory_space<vmem>>, vector<16xi32>,
        %get3A_15 = vector.shape_cast %get3A_14 : vector<16xi32> to vector<16xi32>
        %slice3A = vector.extract_strided_slice %get3A_15 {offsets = [0], sizes = [1], strides = [1]} : vector<16xi32> to vector<1xi32>
        %squeeze3A = vector.extract %slice3A[0] : i32 from vector<1xi32>
        %get3A_16 = arith.index_cast %squeeze3A : i32 to index
        %get3A_17 = tpu.vector_load %arg27[%get3A_16] {strides = array<i32>} : memref<5072xf32, #tpu.memory_space<vmem>>, vector<16xf32>,
        %get3A_18 = vector.shape_cast %get3A_17 : vector<16xf32> to vector<16xf32>
        %slice3A_19 = vector.extract_strided_slice %get3A_18 {offsets = [0], sizes = [1], strides = [1]} : vector<16xf32> to vector<1xf32>
        %squeeze3A_20 = vector.extract %slice3A_19[0] : f32 from vector<1xf32>
        %gt3A = arith.constant 0.000000e+00 : f32
        %gt3A_21 = arith.cmpf ogt, %squeeze3A_20, %gt3A : f32
        %convert_element_type3A_22 = arith.extui %gt3A_21 : i1 to i32
        %cond3A_23 = arith.constant 0 : i32
        %cond3A_24 = arith.cmpi ne, %convert_element_type3A_22, %cond3A_23 : i32
        scf.if %cond3A_24 {
          %get3A_25 = arith.index_cast %scan3A_13 : i32 to index
          %get3A_26 = tpu.vector_load %arg31[%get3A_25] {strides = array<i32>} : memref<5056xf32, #tpu.memory_space<vmem>>, vector<16xf32>,
          %get3A_27 = vector.shape_cast %get3A_26 : vector<16xf32> to vector<16xf32>
          %slice3A_28 = vector.extract_strided_slice %get3A_27 {offsets = [0], sizes = [1], strides = [1]} : vector<16xf32> to vector<1xf32>
          %squeeze3A_29 = vector.extract %slice3A_28[0] : f32 from vector<1xf32>
          %get3A_30 = arith.index_cast %scan3A_13 : i32 to index
          %get3A_31 = tpu.vector_load %arg32[%get3A_30] {strides = array<i32>} : memref<5056xf32, #tpu.memory_space<vmem>>, vector<16xf32>,
          %get3A_32 = vector.shape_cast %get3A_31 : vector<16xf32> to vector<16xf32>
          %slice3A_33 = vector.extract_strided_slice %get3A_32 {offsets = [0], sizes = [1], strides = [1]} : vector<16xf32> to vector<1xf32>
          %squeeze3A_34 = vector.extract %slice3A_33[0] : f32 from vector<1xf32>
          %get3A_35 = arith.index_cast %scan3A_13 : i32 to index
          %get3A_36 = tpu.vector_load %arg33[%get3A_35] {strides = array<i32>} : memref<5056xf32, #tpu.memory_space<vmem>>, vector<16xf32>,
          %get3A_37 = vector.shape_cast %get3A_36 : vector<16xf32> to vector<16xf32>
          %slice3A_38 = vector.extract_strided_slice %get3A_37 {offsets = [0], sizes = [1], strides = [1]} : vector<16xf32> to vector<1xf32>
          %squeeze3A_39 = vector.extract %slice3A_38[0] : f32 from vector<1xf32>
          %get3A_40 = arith.index_cast %scan3A_13 : i32 to index
          %get3A_41 = tpu.vector_load %arg34[%get3A_40] {strides = array<i32>} : memref<5056xf32, #tpu.memory_space<vmem>>, vector<16xf32>,
          %get3A_42 = vector.shape_cast %get3A_41 : vector<16xf32> to vector<16xf32>
          %slice3A_43 = vector.extract_strided_slice %get3A_42 {offsets = [0], sizes = [1], strides = [1]} : vector<16xf32> to vector<1xf32>
          %squeeze3A_44 = vector.extract %slice3A_43[0] : f32 from vector<1xf32>
          %sub3A = arith.subf %squeeze3A_39, %squeeze3A_29 : f32
          %max3A = arith.constant 0.000000e+00 : f32
          %max3A_45 = arith.maximumf %sub3A, %max3A : f32
          %sub3A_46 = arith.subf %squeeze3A_44, %squeeze3A_34 : f32
          %max3A_47 = arith.constant 0.000000e+00 : f32
          %max3A_48 = arith.maximumf %sub3A_46, %max3A_47 : f32
          %mul3A_49 = arith.mulf %max3A_45, %max3A_48 : f32
          %get3A_50 = arith.index_cast %scan3A_13 : i32 to index
          %get3A_51 = tpu.vector_load %arg29[%get3A_50] {strides = array<i32>} : memref<5056xi32, #tpu.memory_space<vmem>>, vector<16xi32>,
          %get3A_52 = vector.shape_cast %get3A_51 : vector<16xi32> to vector<16xi32>
          %slice3A_53 = vector.extract_strided_slice %get3A_52 {offsets = [0], sizes = [1], strides = [1]} : vector<16xi32> to vector<1xi32>
          %squeeze3A_54 = vector.extract %slice3A_53[0] : i32 from vector<1xi32>
          %jit3A = arith.constant 16 : i32
          %div3A = arith.divsi %squeeze3A_54, %jit3A : i32
          %sign3A = arith.constant 0 : i32
          %sign3A_55 = arith.cmpi sgt, %squeeze3A_54, %sign3A : i32
          %sign3A_56 = arith.extui %sign3A_55 : i1 to i32
          %sign3A_57 = arith.constant 0 : i32
          %sign3A_58 = arith.cmpi slt, %squeeze3A_54, %sign3A_57 : i32
          %sign3A_59 = arith.extui %sign3A_58 : i1 to i32
          %sign3A_60 = arith.subi %sign3A_56, %sign3A_59 : i32
          %sign3A_61 = arith.constant 0 : i32
          %sign3A_62 = arith.cmpi sgt, %jit3A, %sign3A_61 : i32
          %sign3A_63 = arith.extui %sign3A_62 : i1 to i32
          %sign3A_64 = arith.constant 0 : i32
          %sign3A_65 = arith.cmpi slt, %jit3A, %sign3A_64 : i32
          %sign3A_66 = arith.extui %sign3A_65 : i1 to i32
          %sign3A_67 = arith.subi %sign3A_63, %sign3A_66 : i32
          %ne3A = arith.cmpi ne, %sign3A_60, %sign3A_67 : i32
          %rem3A = arith.remsi %squeeze3A_54, %jit3A : i32
          %ne3A_68 = arith.constant 0 : i32
          %ne3A_69 = arith.cmpi ne, %rem3A, %ne3A_68 : i32
          %and3A = arith.andi %ne3A, %ne3A_69 : i1
          %sub3A_70 = arith.constant 1 : i32
          %sub3A_71 = arith.subi %div3A, %sub3A_70 : i32
          %select_n3A = arith.select %and3A, %sub3A_71, %div3A : i32
          %get3A_72 = arith.index_cast %scan3A_13 : i32 to index
          %get3A_73 = tpu.vector_load %arg30[%get3A_72] {strides = array<i32>} : memref<5056xi32, #tpu.memory_space<vmem>>, vector<16xi32>,
          %get3A_74 = vector.shape_cast %get3A_73 : vector<16xi32> to vector<16xi32>
          %slice3A_75 = vector.extract_strided_slice %get3A_74 {offsets = [0], sizes = [1], strides = [1]} : vector<16xi32> to vector<1xi32>
          %squeeze3A_76 = vector.extract %slice3A_75[0] : i32 from vector<1xi32>
          %add3A_77 = arith.constant 15 : i32
          %add3A_78 = arith.addi %squeeze3A_76, %add3A_77 : i32
          %jit3A_79 = arith.constant 16 : i32
          %div3A_80 = arith.divsi %add3A_78, %jit3A_79 : i32
          %sign3A_81 = arith.constant 0 : i32
          %sign3A_82 = arith.cmpi sgt, %add3A_78, %sign3A_81 : i32
          %sign3A_83 = arith.extui %sign3A_82 : i1 to i32
          %sign3A_84 = arith.constant 0 : i32
          %sign3A_85 = arith.cmpi slt, %add3A_78, %sign3A_84 : i32
          %sign3A_86 = arith.extui %sign3A_85 : i1 to i32
          %sign3A_87 = arith.subi %sign3A_83, %sign3A_86 : i32
          %sign3A_88 = arith.constant 0 : i32
          %sign3A_89 = arith.cmpi sgt, %jit3A_79, %sign3A_88 : i32
          %sign3A_90 = arith.extui %sign3A_89 : i1 to i32
          %sign3A_91 = arith.constant 0 : i32
          %sign3A_92 = arith.cmpi slt, %jit3A_79, %sign3A_91 : i32
          %sign3A_93 = arith.extui %sign3A_92 : i1 to i32
          %sign3A_94 = arith.subi %sign3A_90, %sign3A_93 : i32
          %ne3A_95 = arith.cmpi ne, %sign3A_87, %sign3A_94 : i32
          %rem3A_96 = arith.remsi %add3A_78, %jit3A_79 : i32
          %ne3A_97 = arith.constant 0 : i32
          %ne3A_98 = arith.cmpi ne, %rem3A_96, %ne3A_97 : i32
          %and3A_99 = arith.andi %ne3A_95, %ne3A_98 : i1
          %sub3A_100 = arith.constant 1 : i32
          %sub3A_101 = arith.subi %div3A_80, %sub3A_100 : i32
          %select_n3A_102 = arith.select %and3A_99, %sub3A_101, %div3A_80 : i32
          %parallel_loop3A_103 = arith.constant 1 : i32
          scf.for %parallel_loop3A_104 = %select_n3A to %select_n3A_102 step %parallel_loop3A_103  : i32 {
            %parallel_loop3A_105 = arith.constant 16 : i32
            %parallel_loop3A_106 = arith.muli %parallel_loop3A_104, %parallel_loop3A_105 : i32
            %parallel_loop3A_107 = arith.index_cast %parallel_loop3A_106 : i32 to index
            %parallel_loop3A_108 = tpu.vector_load %arg21[%parallel_loop3A_107] {strides = array<i32>} : memref<5056xf32, #tpu.memory_space<vmem>>, vector<16xf32>,
            %parallel_loop3A_109 = vector.shape_cast %parallel_loop3A_108 : vector<16xf32> to vector<16xf32>
            %parallel_loop3A_110 = vector.broadcast %squeeze3A_29 : f32 to vector<16xf32>
            %parallel_loop3A_111 = arith.maximumf %parallel_loop3A_109, %parallel_loop3A_110 : vector<16xf32>
            %parallel_loop3A_112 = arith.index_cast %parallel_loop3A_106 : i32 to index
            %parallel_loop3A_113 = tpu.vector_load %arg22[%parallel_loop3A_112] {strides = array<i32>} : memref<5056xf32, #tpu.memory_space<vmem>>, vector<16xf32>,
            %parallel_loop3A_114 = vector.shape_cast %parallel_loop3A_113 : vector<16xf32> to vector<16xf32>
            %parallel_loop3A_115 = vector.broadcast %squeeze3A_34 : f32 to vector<16xf32>
            %parallel_loop3A_116 = arith.maximumf %parallel_loop3A_114, %parallel_loop3A_115 : vector<16xf32>
            %parallel_loop3A_117 = arith.index_cast %parallel_loop3A_106 : i32 to index
            %parallel_loop3A_118 = tpu.vector_load %arg23[%parallel_loop3A_117] {strides = array<i32>} : memref<5056xf32, #tpu.memory_space<vmem>>, vector<16xf32>,
            %parallel_loop3A_119 = vector.shape_cast %parallel_loop3A_118 : vector<16xf32> to vector<16xf32>
            %parallel_loop3A_120 = vector.broadcast %squeeze3A_39 : f32 to vector<16xf32>
            %parallel_loop3A_121 = arith.minimumf %parallel_loop3A_119, %parallel_loop3A_120 : vector<16xf32>
            %parallel_loop3A_122 = arith.index_cast %parallel_loop3A_106 : i32 to index
            %parallel_loop3A_123 = tpu.vector_load %arg24[%parallel_loop3A_122] {strides = array<i32>} : memref<5056xf32, #tpu.memory_space<vmem>>, vector<16xf32>,
            %parallel_loop3A_124 = vector.shape_cast %parallel_loop3A_123 : vector<16xf32> to vector<16xf32>
            %parallel_loop3A_125 = vector.broadcast %squeeze3A_44 : f32 to vector<16xf32>
            %parallel_loop3A_126 = arith.minimumf %parallel_loop3A_124, %parallel_loop3A_125 : vector<16xf32>
            %parallel_loop3A_127 = arith.subf %parallel_loop3A_121, %parallel_loop3A_111 : vector<16xf32>
            %parallel_loop3A_128 = arith.constant 0.000000e+00 : f32
            %parallel_loop3A_129 = vector.broadcast %parallel_loop3A_128 : f32 to vector<16xf32>
            %parallel_loop3A_130 = arith.maximumf %parallel_loop3A_127, %parallel_loop3A_129 : vector<16xf32>
            %parallel_loop3A_131 = arith.subf %parallel_loop3A_126, %parallel_loop3A_116 : vector<16xf32>
            %parallel_loop3A_132 = arith.constant 0.000000e+00 : f32
            %parallel_loop3A_133 = vector.broadcast %parallel_loop3A_132 : f32 to vector<16xf32>
            %parallel_loop3A_134 = arith.maximumf %parallel_loop3A_131, %parallel_loop3A_133 : vector<16xf32>
            %parallel_loop3A_135 = arith.mulf %parallel_loop3A_130, %parallel_loop3A_134 : vector<16xf32>
            %parallel_loop3A_136 = arith.index_cast %parallel_loop3A_106 : i32 to index
            %parallel_loop3A_137 = tpu.vector_load %arg25[%parallel_loop3A_136] {strides = array<i32>} : memref<5056xf32, #tpu.memory_space<vmem>>, vector<16xf32>,
            %parallel_loop3A_138 = vector.shape_cast %parallel_loop3A_137 : vector<16xf32> to vector<16xf32>
            %parallel_loop3A_139 = vector.broadcast %mul3A_49 : f32 to vector<16xf32>
            %parallel_loop3A_140 = arith.addf %parallel_loop3A_139, %parallel_loop3A_138 : vector<16xf32>
            %parallel_loop3A_141 = arith.subf %parallel_loop3A_140, %parallel_loop3A_135 : vector<16xf32>
            %parallel_loop3A_142 = arith.constant 9.99999971E-10 : f32
            %parallel_loop3A_143 = vector.broadcast %parallel_loop3A_142 : f32 to vector<16xf32>
            %parallel_loop3A_144 = arith.maximumf %parallel_loop3A_141, %parallel_loop3A_143 : vector<16xf32>
            %parallel_loop3A_145 = arith.divf %parallel_loop3A_135, %parallel_loop3A_144 : vector<16xf32>
            %parallel_loop3A_146 = tpu.iota {dimensions = array<i32: 0>} : vector<16xi32>
            %parallel_loop3A_147 = vector.broadcast %parallel_loop3A_106 : i32 to vector<16xi32>
            %parallel_loop3A_148 = arith.addi %parallel_loop3A_146, %parallel_loop3A_147 : vector<16xi32>
            %parallel_loop3A_149 = arith.constant 3.000000e-01 : f32
            %parallel_loop3A_150 = vector.broadcast %parallel_loop3A_149 : f32 to vector<16xf32>
            %parallel_loop3A_151 = arith.cmpf ogt, %parallel_loop3A_145, %parallel_loop3A_150 : vector<16xf32>
            %parallel_loop3A_152 = vector.broadcast %squeeze3A : i32 to vector<16xi32>
            %parallel_loop3A_153 = arith.cmpi ne, %parallel_loop3A_148, %parallel_loop3A_152 : vector<16xi32>
            %parallel_loop3A_154 = arith.andi %parallel_loop3A_151, %parallel_loop3A_153 : vector<16xi1>
            %parallel_loop3A_155 = arith.index_cast %parallel_loop3A_106 : i32 to index
            %parallel_loop3A_156 = tpu.vector_load %arg27[%parallel_loop3A_155] {strides = array<i32>} : memref<5072xf32, #tpu.memory_space<vmem>>, vector<16xf32>,
            %parallel_loop3A_157 = vector.shape_cast %parallel_loop3A_156 : vector<16xf32> to vector<16xf32>
            %parallel_loop3A_158 = arith.constant 0.000000e+00 : f32
            %parallel_loop3A_159 = vector.broadcast %parallel_loop3A_158 : f32 to vector<16xf32>
            %parallel_loop3A_160 = arith.select %parallel_loop3A_154, %parallel_loop3A_159, %parallel_loop3A_157 : vector<16xi1>, vector<16xf32>
            %parallel_loop3A_161 = arith.index_cast %parallel_loop3A_106 : i32 to index
            %parallel_loop3A_162 = tpu.vector_load %arg27[%parallel_loop3A_161] {strides = array<i32>} : memref<5072xf32, #tpu.memory_space<vmem>>, vector<16xf32>,
            %parallel_loop3A_163 = vector.shape_cast %parallel_loop3A_162 : vector<16xf32> to vector<16xf32>
            %parallel_loop3A_164 = vector.shape_cast %parallel_loop3A_160 : vector<16xf32> to vector<16xf32>
            tpu.vector_store %arg27[%parallel_loop3A_161], %parallel_loop3A_164 {strides = array<i32>} : memref<5072xf32, #tpu.memory_space<vmem>>, vector<16xf32>,
          } {sc.loop_unroll_factor = 4 : i64, sc.parallel_access}
        } else {
        }
      }
      %scan3A_9 = arith.constant 5000 : i32
      %iota3A = tpu.iota {dimensions = array<i32: 0>} : vector<16xi32>
      %parallel_loop3A_10 = arith.constant 0 : i32
      %parallel_loop3A_11 = arith.constant 316 : i32
      %parallel_loop3A_12 = arith.constant 1 : i32
      scf.for %parallel_loop3A_13 = %parallel_loop3A_10 to %parallel_loop3A_11 step %parallel_loop3A_12  : i32 {
        %parallel_loop3A_14 = arith.constant 16 : i32
        %parallel_loop3A_15 = arith.muli %parallel_loop3A_13, %parallel_loop3A_14 : i32
        %parallel_loop3A_16 = arith.index_cast %parallel_loop3A_15 : i32 to index
        %parallel_loop3A_17 = tpu.vector_load %arg28[%parallel_loop3A_16] {strides = array<i32>} : memref<5056xi32, #tpu.memory_space<vmem>>, vector<16xi32>,
        %parallel_loop3A_18 = vector.shape_cast %parallel_loop3A_17 : vector<16xi32> to vector<16xi32>
        %parallel_loop3A_19 = arith.constant 0.000000e+00 : f32
        %parallel_loop3A_20 = vector.broadcast %parallel_loop3A_19 : f32 to vector<16xf32>
        %parallel_loop3A_21 = vector.extract_strided_slice %parallel_loop3A_18 {offsets = [0], sizes = [1], strides = [1]} : vector<16xi32> to vector<1xi32>
        %parallel_loop3A_22 = vector.extract %parallel_loop3A_21[0] : i32 from vector<1xi32>
        %parallel_loop3A_23 = arith.index_cast %parallel_loop3A_22 : i32 to index
        %parallel_loop3A_24 = tpu.vector_load %arg27[%parallel_loop3A_23] {strides = array<i32>} : memref<5072xf32, #tpu.memory_space<vmem>>, vector<16xf32>,
        %parallel_loop3A_25 = vector.shape_cast %parallel_loop3A_24 : vector<16xf32> to vector<16xf32>
        %parallel_loop3A_26 = vector.extract_strided_slice %parallel_loop3A_25 {offsets = [0], sizes = [1], strides = [1]} : vector<16xf32> to vector<1xf32>
        %parallel_loop3A_27 = vector.extract %parallel_loop3A_26[0] : f32 from vector<1xf32>
        %parallel_loop3A_28 = arith.constant 0 : i32
        %parallel_loop3A_29 = vector.broadcast %parallel_loop3A_28 : i32 to vector<16xi32>
        %parallel_loop3A_30 = arith.cmpi eq, %iota3A, %parallel_loop3A_29 : vector<16xi32>
        %parallel_loop3A_31 = vector.broadcast %parallel_loop3A_27 : f32 to vector<16xf32>
        %parallel_loop3A_32 = arith.select %parallel_loop3A_30, %parallel_loop3A_31, %parallel_loop3A_20 : vector<16xi1>, vector<16xf32>
        %parallel_loop3A_33 = vector.extract_strided_slice %parallel_loop3A_18 {offsets = [1], sizes = [1], strides = [1]} : vector<16xi32> to vector<1xi32>
        %parallel_loop3A_34 = vector.extract %parallel_loop3A_33[0] : i32 from vector<1xi32>
        %parallel_loop3A_35 = arith.index_cast %parallel_loop3A_34 : i32 to index
        %parallel_loop3A_36 = tpu.vector_load %arg27[%parallel_loop3A_35] {strides = array<i32>} : memref<5072xf32, #tpu.memory_space<vmem>>, vector<16xf32>,
        %parallel_loop3A_37 = vector.shape_cast %parallel_loop3A_36 : vector<16xf32> to vector<16xf32>
        %parallel_loop3A_38 = vector.extract_strided_slice %parallel_loop3A_37 {offsets = [0], sizes = [1], strides = [1]} : vector<16xf32> to vector<1xf32>
        %parallel_loop3A_39 = vector.extract %parallel_loop3A_38[0] : f32 from vector<1xf32>
        %parallel_loop3A_40 = arith.constant 1 : i32
        %parallel_loop3A_41 = vector.broadcast %parallel_loop3A_40 : i32 to vector<16xi32>
        %parallel_loop3A_42 = arith.cmpi eq, %iota3A, %parallel_loop3A_41 : vector<16xi32>
        %parallel_loop3A_43 = vector.broadcast %parallel_loop3A_39 : f32 to vector<16xf32>
        %parallel_loop3A_44 = arith.select %parallel_loop3A_42, %parallel_loop3A_43, %parallel_loop3A_32 : vector<16xi1>, vector<16xf32>
        %parallel_loop3A_45 = vector.extract_strided_slice %parallel_loop3A_18 {offsets = [2], sizes = [1], strides = [1]} : vector<16xi32> to vector<1xi32>
        %parallel_loop3A_46 = vector.extract %parallel_loop3A_45[0] : i32 from vector<1xi32>
        %parallel_loop3A_47 = arith.index_cast %parallel_loop3A_46 : i32 to index
        %parallel_loop3A_48 = tpu.vector_load %arg27[%parallel_loop3A_47] {strides = array<i32>} : memref<5072xf32, #tpu.memory_space<vmem>>, vector<16xf32>,
        %parallel_loop3A_49 = vector.shape_cast %parallel_loop3A_48 : vector<16xf32> to vector<16xf32>
        %parallel_loop3A_50 = vector.extract_strided_slice %parallel_loop3A_49 {offsets = [0], sizes = [1], strides = [1]} : vector<16xf32> to vector<1xf32>
        %parallel_loop3A_51 = vector.extract %parallel_loop3A_50[0] : f32 from vector<1xf32>
        %parallel_loop3A_52 = arith.constant 2 : i32
        %parallel_loop3A_53 = vector.broadcast %parallel_loop3A_52 : i32 to vector<16xi32>
        %parallel_loop3A_54 = arith.cmpi eq, %iota3A, %parallel_loop3A_53 : vector<16xi32>
        %parallel_loop3A_55 = vector.broadcast %parallel_loop3A_51 : f32 to vector<16xf32>
        %parallel_loop3A_56 = arith.select %parallel_loop3A_54, %parallel_loop3A_55, %parallel_loop3A_44 : vector<16xi1>, vector<16xf32>
        %parallel_loop3A_57 = vector.extract_strided_slice %parallel_loop3A_18 {offsets = [3], sizes = [1], strides = [1]} : vector<16xi32> to vector<1xi32>
        %parallel_loop3A_58 = vector.extract %parallel_loop3A_57[0] : i32 from vector<1xi32>
        %parallel_loop3A_59 = arith.index_cast %parallel_loop3A_58 : i32 to index
        %parallel_loop3A_60 = tpu.vector_load %arg27[%parallel_loop3A_59] {strides = array<i32>} : memref<5072xf32, #tpu.memory_space<vmem>>, vector<16xf32>,
        %parallel_loop3A_61 = vector.shape_cast %parallel_loop3A_60 : vector<16xf32> to vector<16xf32>
        %parallel_loop3A_62 = vector.extract_strided_slice %parallel_loop3A_61 {offsets = [0], sizes = [1], strides = [1]} : vector<16xf32> to vector<1xf32>
        %parallel_loop3A_63 = vector.extract %parallel_loop3A_62[0] : f32 from vector<1xf32>
        %parallel_loop3A_64 = arith.constant 3 : i32
        %parallel_loop3A_65 = vector.broadcast %parallel_loop3A_64 : i32 to vector<16xi32>
        %parallel_loop3A_66 = arith.cmpi eq, %iota3A, %parallel_loop3A_65 : vector<16xi32>
        %parallel_loop3A_67 = vector.broadcast %parallel_loop3A_63 : f32 to vector<16xf32>
        %parallel_loop3A_68 = arith.select %parallel_loop3A_66, %parallel_loop3A_67, %parallel_loop3A_56 : vector<16xi1>, vector<16xf32>
        %parallel_loop3A_69 = vector.extract_strided_slice %parallel_loop3A_18 {offsets = [4], sizes = [1], strides = [1]} : vector<16xi32> to vector<1xi32>
        %parallel_loop3A_70 = vector.extract %parallel_loop3A_69[0] : i32 from vector<1xi32>
        %parallel_loop3A_71 = arith.index_cast %parallel_loop3A_70 : i32 to index
        %parallel_loop3A_72 = tpu.vector_load %arg27[%parallel_loop3A_71] {strides = array<i32>} : memref<5072xf32, #tpu.memory_space<vmem>>, vector<16xf32>,
        %parallel_loop3A_73 = vector.shape_cast %parallel_loop3A_72 : vector<16xf32> to vector<16xf32>
        %parallel_loop3A_74 = vector.extract_strided_slice %parallel_loop3A_73 {offsets = [0], sizes = [1], strides = [1]} : vector<16xf32> to vector<1xf32>
        %parallel_loop3A_75 = vector.extract %parallel_loop3A_74[0] : f32 from vector<1xf32>
        %parallel_loop3A_76 = arith.constant 4 : i32
        %parallel_loop3A_77 = vector.broadcast %parallel_loop3A_76 : i32 to vector<16xi32>
        %parallel_loop3A_78 = arith.cmpi eq, %iota3A, %parallel_loop3A_77 : vector<16xi32>
        %parallel_loop3A_79 = vector.broadcast %parallel_loop3A_75 : f32 to vector<16xf32>
        %parallel_loop3A_80 = arith.select %parallel_loop3A_78, %parallel_loop3A_79, %parallel_loop3A_68 : vector<16xi1>, vector<16xf32>
        %parallel_loop3A_81 = vector.extract_strided_slice %parallel_loop3A_18 {offsets = [5], sizes = [1], strides = [1]} : vector<16xi32> to vector<1xi32>
        %parallel_loop3A_82 = vector.extract %parallel_loop3A_81[0] : i32 from vector<1xi32>
        %parallel_loop3A_83 = arith.index_cast %parallel_loop3A_82 : i32 to index
        %parallel_loop3A_84 = tpu.vector_load %arg27[%parallel_loop3A_83] {strides = array<i32>} : memref<5072xf32, #tpu.memory_space<vmem>>, vector<16xf32>,
        %parallel_loop3A_85 = vector.shape_cast %parallel_loop3A_84 : vector<16xf32> to vector<16xf32>
        %parallel_loop3A_86 = vector.extract_strided_slice %parallel_loop3A_85 {offsets = [0], sizes = [1], strides = [1]} : vector<16xf32> to vector<1xf32>
        %parallel_loop3A_87 = vector.extract %parallel_loop3A_86[0] : f32 from vector<1xf32>
        %parallel_loop3A_88 = arith.constant 5 : i32
        %parallel_loop3A_89 = vector.broadcast %parallel_loop3A_88 : i32 to vector<16xi32>
        %parallel_loop3A_90 = arith.cmpi eq, %iota3A, %parallel_loop3A_89 : vector<16xi32>
        %parallel_loop3A_91 = vector.broadcast %parallel_loop3A_87 : f32 to vector<16xf32>
        %parallel_loop3A_92 = arith.select %parallel_loop3A_90, %parallel_loop3A_91, %parallel_loop3A_80 : vector<16xi1>, vector<16xf32>
        %parallel_loop3A_93 = vector.extract_strided_slice %parallel_loop3A_18 {offsets = [6], sizes = [1], strides = [1]} : vector<16xi32> to vector<1xi32>
        %parallel_loop3A_94 = vector.extract %parallel_loop3A_93[0] : i32 from vector<1xi32>
        %parallel_loop3A_95 = arith.index_cast %parallel_loop3A_94 : i32 to index
        %parallel_loop3A_96 = tpu.vector_load %arg27[%parallel_loop3A_95] {strides = array<i32>} : memref<5072xf32, #tpu.memory_space<vmem>>, vector<16xf32>,
        %parallel_loop3A_97 = vector.shape_cast %parallel_loop3A_96 : vector<16xf32> to vector<16xf32>
        %parallel_loop3A_98 = vector.extract_strided_slice %parallel_loop3A_97 {offsets = [0], sizes = [1], strides = [1]} : vector<16xf32> to vector<1xf32>
        %parallel_loop3A_99 = vector.extract %parallel_loop3A_98[0] : f32 from vector<1xf32>
        %parallel_loop3A_100 = arith.constant 6 : i32
        %parallel_loop3A_101 = vector.broadcast %parallel_loop3A_100 : i32 to vector<16xi32>
        %parallel_loop3A_102 = arith.cmpi eq, %iota3A, %parallel_loop3A_101 : vector<16xi32>
        %parallel_loop3A_103 = vector.broadcast %parallel_loop3A_99 : f32 to vector<16xf32>
        %parallel_loop3A_104 = arith.select %parallel_loop3A_102, %parallel_loop3A_103, %parallel_loop3A_92 : vector<16xi1>, vector<16xf32>
        %parallel_loop3A_105 = vector.extract_strided_slice %parallel_loop3A_18 {offsets = [7], sizes = [1], strides = [1]} : vector<16xi32> to vector<1xi32>
        %parallel_loop3A_106 = vector.extract %parallel_loop3A_105[0] : i32 from vector<1xi32>
        %parallel_loop3A_107 = arith.index_cast %parallel_loop3A_106 : i32 to index
        %parallel_loop3A_108 = tpu.vector_load %arg27[%parallel_loop3A_107] {strides = array<i32>} : memref<5072xf32, #tpu.memory_space<vmem>>, vector<16xf32>,
        %parallel_loop3A_109 = vector.shape_cast %parallel_loop3A_108 : vector<16xf32> to vector<16xf32>
        %parallel_loop3A_110 = vector.extract_strided_slice %parallel_loop3A_109 {offsets = [0], sizes = [1], strides = [1]} : vector<16xf32> to vector<1xf32>
        %parallel_loop3A_111 = vector.extract %parallel_loop3A_110[0] : f32 from vector<1xf32>
        %parallel_loop3A_112 = arith.constant 7 : i32
        %parallel_loop3A_113 = vector.broadcast %parallel_loop3A_112 : i32 to vector<16xi32>
        %parallel_loop3A_114 = arith.cmpi eq, %iota3A, %parallel_loop3A_113 : vector<16xi32>
        %parallel_loop3A_115 = vector.broadcast %parallel_loop3A_111 : f32 to vector<16xf32>
        %parallel_loop3A_116 = arith.select %parallel_loop3A_114, %parallel_loop3A_115, %parallel_loop3A_104 : vector<16xi1>, vector<16xf32>
        %parallel_loop3A_117 = vector.extract_strided_slice %parallel_loop3A_18 {offsets = [8], sizes = [1], strides = [1]} : vector<16xi32> to vector<1xi32>
        %parallel_loop3A_118 = vector.extract %parallel_loop3A_117[0] : i32 from vector<1xi32>
        %parallel_loop3A_119 = arith.index_cast %parallel_loop3A_118 : i32 to index
        %parallel_loop3A_120 = tpu.vector_load %arg27[%parallel_loop3A_119] {strides = array<i32>} : memref<5072xf32, #tpu.memory_space<vmem>>, vector<16xf32>,
        %parallel_loop3A_121 = vector.shape_cast %parallel_loop3A_120 : vector<16xf32> to vector<16xf32>
        %parallel_loop3A_122 = vector.extract_strided_slice %parallel_loop3A_121 {offsets = [0], sizes = [1], strides = [1]} : vector<16xf32> to vector<1xf32>
        %parallel_loop3A_123 = vector.extract %parallel_loop3A_122[0] : f32 from vector<1xf32>
        %parallel_loop3A_124 = arith.constant 8 : i32
        %parallel_loop3A_125 = vector.broadcast %parallel_loop3A_124 : i32 to vector<16xi32>
        %parallel_loop3A_126 = arith.cmpi eq, %iota3A, %parallel_loop3A_125 : vector<16xi32>
        %parallel_loop3A_127 = vector.broadcast %parallel_loop3A_123 : f32 to vector<16xf32>
        %parallel_loop3A_128 = arith.select %parallel_loop3A_126, %parallel_loop3A_127, %parallel_loop3A_116 : vector<16xi1>, vector<16xf32>
        %parallel_loop3A_129 = vector.extract_strided_slice %parallel_loop3A_18 {offsets = [9], sizes = [1], strides = [1]} : vector<16xi32> to vector<1xi32>
        %parallel_loop3A_130 = vector.extract %parallel_loop3A_129[0] : i32 from vector<1xi32>
        %parallel_loop3A_131 = arith.index_cast %parallel_loop3A_130 : i32 to index
        %parallel_loop3A_132 = tpu.vector_load %arg27[%parallel_loop3A_131] {strides = array<i32>} : memref<5072xf32, #tpu.memory_space<vmem>>, vector<16xf32>,
        %parallel_loop3A_133 = vector.shape_cast %parallel_loop3A_132 : vector<16xf32> to vector<16xf32>
        %parallel_loop3A_134 = vector.extract_strided_slice %parallel_loop3A_133 {offsets = [0], sizes = [1], strides = [1]} : vector<16xf32> to vector<1xf32>
        %parallel_loop3A_135 = vector.extract %parallel_loop3A_134[0] : f32 from vector<1xf32>
        %parallel_loop3A_136 = arith.constant 9 : i32
        %parallel_loop3A_137 = vector.broadcast %parallel_loop3A_136 : i32 to vector<16xi32>
        %parallel_loop3A_138 = arith.cmpi eq, %iota3A, %parallel_loop3A_137 : vector<16xi32>
        %parallel_loop3A_139 = vector.broadcast %parallel_loop3A_135 : f32 to vector<16xf32>
        %parallel_loop3A_140 = arith.select %parallel_loop3A_138, %parallel_loop3A_139, %parallel_loop3A_128 : vector<16xi1>, vector<16xf32>
        %parallel_loop3A_141 = vector.extract_strided_slice %parallel_loop3A_18 {offsets = [10], sizes = [1], strides = [1]} : vector<16xi32> to vector<1xi32>
        %parallel_loop3A_142 = vector.extract %parallel_loop3A_141[0] : i32 from vector<1xi32>
        %parallel_loop3A_143 = arith.index_cast %parallel_loop3A_142 : i32 to index
        %parallel_loop3A_144 = tpu.vector_load %arg27[%parallel_loop3A_143] {strides = array<i32>} : memref<5072xf32, #tpu.memory_space<vmem>>, vector<16xf32>,
        %parallel_loop3A_145 = vector.shape_cast %parallel_loop3A_144 : vector<16xf32> to vector<16xf32>
        %parallel_loop3A_146 = vector.extract_strided_slice %parallel_loop3A_145 {offsets = [0], sizes = [1], strides = [1]} : vector<16xf32> to vector<1xf32>
        %parallel_loop3A_147 = vector.extract %parallel_loop3A_146[0] : f32 from vector<1xf32>
        %parallel_loop3A_148 = arith.constant 10 : i32
        %parallel_loop3A_149 = vector.broadcast %parallel_loop3A_148 : i32 to vector<16xi32>
        %parallel_loop3A_150 = arith.cmpi eq, %iota3A, %parallel_loop3A_149 : vector<16xi32>
        %parallel_loop3A_151 = vector.broadcast %parallel_loop3A_147 : f32 to vector<16xf32>
        %parallel_loop3A_152 = arith.select %parallel_loop3A_150, %parallel_loop3A_151, %parallel_loop3A_140 : vector<16xi1>, vector<16xf32>
        %parallel_loop3A_153 = vector.extract_strided_slice %parallel_loop3A_18 {offsets = [11], sizes = [1], strides = [1]} : vector<16xi32> to vector<1xi32>
        %parallel_loop3A_154 = vector.extract %parallel_loop3A_153[0] : i32 from vector<1xi32>
        %parallel_loop3A_155 = arith.index_cast %parallel_loop3A_154 : i32 to index
        %parallel_loop3A_156 = tpu.vector_load %arg27[%parallel_loop3A_155] {strides = array<i32>} : memref<5072xf32, #tpu.memory_space<vmem>>, vector<16xf32>,
        %parallel_loop3A_157 = vector.shape_cast %parallel_loop3A_156 : vector<16xf32> to vector<16xf32>
        %parallel_loop3A_158 = vector.extract_strided_slice %parallel_loop3A_157 {offsets = [0], sizes = [1], strides = [1]} : vector<16xf32> to vector<1xf32>
        %parallel_loop3A_159 = vector.extract %parallel_loop3A_158[0] : f32 from vector<1xf32>
        %parallel_loop3A_160 = arith.constant 11 : i32
        %parallel_loop3A_161 = vector.broadcast %parallel_loop3A_160 : i32 to vector<16xi32>
        %parallel_loop3A_162 = arith.cmpi eq, %iota3A, %parallel_loop3A_161 : vector<16xi32>
        %parallel_loop3A_163 = vector.broadcast %parallel_loop3A_159 : f32 to vector<16xf32>
        %parallel_loop3A_164 = arith.select %parallel_loop3A_162, %parallel_loop3A_163, %parallel_loop3A_152 : vector<16xi1>, vector<16xf32>
        %parallel_loop3A_165 = vector.extract_strided_slice %parallel_loop3A_18 {offsets = [12], sizes = [1], strides = [1]} : vector<16xi32> to vector<1xi32>
        %parallel_loop3A_166 = vector.extract %parallel_loop3A_165[0] : i32 from vector<1xi32>
        %parallel_loop3A_167 = arith.index_cast %parallel_loop3A_166 : i32 to index
        %parallel_loop3A_168 = tpu.vector_load %arg27[%parallel_loop3A_167] {strides = array<i32>} : memref<5072xf32, #tpu.memory_space<vmem>>, vector<16xf32>,
        %parallel_loop3A_169 = vector.shape_cast %parallel_loop3A_168 : vector<16xf32> to vector<16xf32>
        %parallel_loop3A_170 = vector.extract_strided_slice %parallel_loop3A_169 {offsets = [0], sizes = [1], strides = [1]} : vector<16xf32> to vector<1xf32>
        %parallel_loop3A_171 = vector.extract %parallel_loop3A_170[0] : f32 from vector<1xf32>
        %parallel_loop3A_172 = arith.constant 12 : i32
        %parallel_loop3A_173 = vector.broadcast %parallel_loop3A_172 : i32 to vector<16xi32>
        %parallel_loop3A_174 = arith.cmpi eq, %iota3A, %parallel_loop3A_173 : vector<16xi32>
        %parallel_loop3A_175 = vector.broadcast %parallel_loop3A_171 : f32 to vector<16xf32>
        %parallel_loop3A_176 = arith.select %parallel_loop3A_174, %parallel_loop3A_175, %parallel_loop3A_164 : vector<16xi1>, vector<16xf32>
        %parallel_loop3A_177 = vector.extract_strided_slice %parallel_loop3A_18 {offsets = [13], sizes = [1], strides = [1]} : vector<16xi32> to vector<1xi32>
        %parallel_loop3A_178 = vector.extract %parallel_loop3A_177[0] : i32 from vector<1xi32>
        %parallel_loop3A_179 = arith.index_cast %parallel_loop3A_178 : i32 to index
        %parallel_loop3A_180 = tpu.vector_load %arg27[%parallel_loop3A_179] {strides = array<i32>} : memref<5072xf32, #tpu.memory_space<vmem>>, vector<16xf32>,
        %parallel_loop3A_181 = vector.shape_cast %parallel_loop3A_180 : vector<16xf32> to vector<16xf32>
        %parallel_loop3A_182 = vector.extract_strided_slice %parallel_loop3A_181 {offsets = [0], sizes = [1], strides = [1]} : vector<16xf32> to vector<1xf32>
        %parallel_loop3A_183 = vector.extract %parallel_loop3A_182[0] : f32 from vector<1xf32>
        %parallel_loop3A_184 = arith.constant 13 : i32
        %parallel_loop3A_185 = vector.broadcast %parallel_loop3A_184 : i32 to vector<16xi32>
        %parallel_loop3A_186 = arith.cmpi eq, %iota3A, %parallel_loop3A_185 : vector<16xi32>
        %parallel_loop3A_187 = vector.broadcast %parallel_loop3A_183 : f32 to vector<16xf32>
        %parallel_loop3A_188 = arith.select %parallel_loop3A_186, %parallel_loop3A_187, %parallel_loop3A_176 : vector<16xi1>, vector<16xf32>
        %parallel_loop3A_189 = vector.extract_strided_slice %parallel_loop3A_18 {offsets = [14], sizes = [1], strides = [1]} : vector<16xi32> to vector<1xi32>
        %parallel_loop3A_190 = vector.extract %parallel_loop3A_189[0] : i32 from vector<1xi32>
        %parallel_loop3A_191 = arith.index_cast %parallel_loop3A_190 : i32 to index
        %parallel_loop3A_192 = tpu.vector_load %arg27[%parallel_loop3A_191] {strides = array<i32>} : memref<5072xf32, #tpu.memory_space<vmem>>, vector<16xf32>,
        %parallel_loop3A_193 = vector.shape_cast %parallel_loop3A_192 : vector<16xf32> to vector<16xf32>
        %parallel_loop3A_194 = vector.extract_strided_slice %parallel_loop3A_193 {offsets = [0], sizes = [1], strides = [1]} : vector<16xf32> to vector<1xf32>
        %parallel_loop3A_195 = vector.extract %parallel_loop3A_194[0] : f32 from vector<1xf32>
        %parallel_loop3A_196 = arith.constant 14 : i32
        %parallel_loop3A_197 = vector.broadcast %parallel_loop3A_196 : i32 to vector<16xi32>
        %parallel_loop3A_198 = arith.cmpi eq, %iota3A, %parallel_loop3A_197 : vector<16xi32>
        %parallel_loop3A_199 = vector.broadcast %parallel_loop3A_195 : f32 to vector<16xf32>
        %parallel_loop3A_200 = arith.select %parallel_loop3A_198, %parallel_loop3A_199, %parallel_loop3A_188 : vector<16xi1>, vector<16xf32>
        %parallel_loop3A_201 = vector.extract_strided_slice %parallel_loop3A_18 {offsets = [15], sizes = [1], strides = [1]} : vector<16xi32> to vector<1xi32>
        %parallel_loop3A_202 = vector.extract %parallel_loop3A_201[0] : i32 from vector<1xi32>
        %parallel_loop3A_203 = arith.index_cast %parallel_loop3A_202 : i32 to index
        %parallel_loop3A_204 = tpu.vector_load %arg27[%parallel_loop3A_203] {strides = array<i32>} : memref<5072xf32, #tpu.memory_space<vmem>>, vector<16xf32>,
        %parallel_loop3A_205 = vector.shape_cast %parallel_loop3A_204 : vector<16xf32> to vector<16xf32>
        %parallel_loop3A_206 = vector.extract_strided_slice %parallel_loop3A_205 {offsets = [0], sizes = [1], strides = [1]} : vector<16xf32> to vector<1xf32>
        %parallel_loop3A_207 = vector.extract %parallel_loop3A_206[0] : f32 from vector<1xf32>
        %parallel_loop3A_208 = arith.constant 15 : i32
        %parallel_loop3A_209 = vector.broadcast %parallel_loop3A_208 : i32 to vector<16xi32>
        %parallel_loop3A_210 = arith.cmpi eq, %iota3A, %parallel_loop3A_209 : vector<16xi32>
        %parallel_loop3A_211 = vector.broadcast %parallel_loop3A_207 : f32 to vector<16xf32>
        %parallel_loop3A_212 = arith.select %parallel_loop3A_210, %parallel_loop3A_211, %parallel_loop3A_200 : vector<16xi1>, vector<16xf32>
        %parallel_loop3A_213 = arith.constant 0.000000e+00 : f32
        %parallel_loop3A_214 = vector.broadcast %parallel_loop3A_213 : f32 to vector<16xf32>
        %parallel_loop3A_215 = arith.cmpf ogt, %parallel_loop3A_212, %parallel_loop3A_214 : vector<16xf32>
        %parallel_loop3A_216 = arith.index_cast %parallel_loop3A_15 : i32 to index
        %parallel_loop3A_217 = tpu.vector_load %arg31[%parallel_loop3A_216] {strides = array<i32>} : memref<5056xf32, #tpu.memory_space<vmem>>, vector<16xf32>,
        %parallel_loop3A_218 = vector.shape_cast %parallel_loop3A_217 : vector<16xf32> to vector<16xf32>
        %parallel_loop3A_219 = arith.constant 0.000000e+00 : f32
        %parallel_loop3A_220 = vector.broadcast %parallel_loop3A_219 : f32 to vector<16xf32>
        %parallel_loop3A_221 = arith.select %parallel_loop3A_215, %parallel_loop3A_218, %parallel_loop3A_220 : vector<16xi1>, vector<16xf32>
        %parallel_loop3A_222 = arith.index_cast %parallel_loop3A_15 : i32 to index
        %parallel_loop3A_223 = tpu.vector_load %arg31[%parallel_loop3A_222] {strides = array<i32>} : memref<5056xf32, #tpu.memory_space<vmem>>, vector<16xf32>,
        %parallel_loop3A_224 = vector.shape_cast %parallel_loop3A_223 : vector<16xf32> to vector<16xf32>
        %parallel_loop3A_225 = vector.shape_cast %parallel_loop3A_221 : vector<16xf32> to vector<16xf32>
        tpu.vector_store %arg31[%parallel_loop3A_222], %parallel_loop3A_225 {strides = array<i32>} : memref<5056xf32, #tpu.memory_space<vmem>>, vector<16xf32>,
        %parallel_loop3A_226 = arith.index_cast %parallel_loop3A_15 : i32 to index
        %parallel_loop3A_227 = tpu.vector_load %arg32[%parallel_loop3A_226] {strides = array<i32>} : memref<5056xf32, #tpu.memory_space<vmem>>, vector<16xf32>,
        %parallel_loop3A_228 = vector.shape_cast %parallel_loop3A_227 : vector<16xf32> to vector<16xf32>
        %parallel_loop3A_229 = arith.constant 0.000000e+00 : f32
        %parallel_loop3A_230 = vector.broadcast %parallel_loop3A_229 : f32 to vector<16xf32>
        %parallel_loop3A_231 = arith.select %parallel_loop3A_215, %parallel_loop3A_228, %parallel_loop3A_230 : vector<16xi1>, vector<16xf32>
        %parallel_loop3A_232 = arith.index_cast %parallel_loop3A_15 : i32 to index
        %parallel_loop3A_233 = tpu.vector_load %arg32[%parallel_loop3A_232] {strides = array<i32>} : memref<5056xf32, #tpu.memory_space<vmem>>, vector<16xf32>,
        %parallel_loop3A_234 = vector.shape_cast %parallel_loop3A_233 : vector<16xf32> to vector<16xf32>
        %parallel_loop3A_235 = vector.shape_cast %parallel_loop3A_231 : vector<16xf32> to vector<16xf32>
        tpu.vector_store %arg32[%parallel_loop3A_232], %parallel_loop3A_235 {strides = array<i32>} : memref<5056xf32, #tpu.memory_space<vmem>>, vector<16xf32>,
        %parallel_loop3A_236 = arith.index_cast %parallel_loop3A_15 : i32 to index
        %parallel_loop3A_237 = tpu.vector_load %arg33[%parallel_loop3A_236] {strides = array<i32>} : memref<5056xf32, #tpu.memory_space<vmem>>, vector<16xf32>,
        %parallel_loop3A_238 = vector.shape_cast %parallel_loop3A_237 : vector<16xf32> to vector<16xf32>
        %parallel_loop3A_239 = arith.constant 0.000000e+00 : f32
        %parallel_loop3A_240 = vector.broadcast %parallel_loop3A_239 : f32 to vector<16xf32>
        %parallel_loop3A_241 = arith.select %parallel_loop3A_215, %parallel_loop3A_238, %parallel_loop3A_240 : vector<16xi1>, vector<16xf32>
        %parallel_loop3A_242 = arith.index_cast %parallel_loop3A_15 : i32 to index
        %parallel_loop3A_243 = tpu.vector_load %arg33[%parallel_loop3A_242] {strides = array<i32>} : memref<5056xf32, #tpu.memory_space<vmem>>, vector<16xf32>,
        %parallel_loop3A_244 = vector.shape_cast %parallel_loop3A_243 : vector<16xf32> to vector<16xf32>
        %parallel_loop3A_245 = vector.shape_cast %parallel_loop3A_241 : vector<16xf32> to vector<16xf32>
        tpu.vector_store %arg33[%parallel_loop3A_242], %parallel_loop3A_245 {strides = array<i32>} : memref<5056xf32, #tpu.memory_space<vmem>>, vector<16xf32>,
        %parallel_loop3A_246 = arith.index_cast %parallel_loop3A_15 : i32 to index
        %parallel_loop3A_247 = tpu.vector_load %arg34[%parallel_loop3A_246] {strides = array<i32>} : memref<5056xf32, #tpu.memory_space<vmem>>, vector<16xf32>,
        %parallel_loop3A_248 = vector.shape_cast %parallel_loop3A_247 : vector<16xf32> to vector<16xf32>
        %parallel_loop3A_249 = arith.constant 0.000000e+00 : f32
        %parallel_loop3A_250 = vector.broadcast %parallel_loop3A_249 : f32 to vector<16xf32>
        %parallel_loop3A_251 = arith.select %parallel_loop3A_215, %parallel_loop3A_248, %parallel_loop3A_250 : vector<16xi1>, vector<16xf32>
        %parallel_loop3A_252 = arith.index_cast %parallel_loop3A_15 : i32 to index
        %parallel_loop3A_253 = tpu.vector_load %arg34[%parallel_loop3A_252] {strides = array<i32>} : memref<5056xf32, #tpu.memory_space<vmem>>, vector<16xf32>,
        %parallel_loop3A_254 = vector.shape_cast %parallel_loop3A_253 : vector<16xf32> to vector<16xf32>
        %parallel_loop3A_255 = vector.shape_cast %parallel_loop3A_251 : vector<16xf32> to vector<16xf32>
        tpu.vector_store %arg34[%parallel_loop3A_252], %parallel_loop3A_255 {strides = array<i32>} : memref<5056xf32, #tpu.memory_space<vmem>>, vector<16xf32>,
        %parallel_loop3A_256 = arith.index_cast %parallel_loop3A_15 : i32 to index
        %parallel_loop3A_257 = tpu.vector_load %arg35[%parallel_loop3A_256] {strides = array<i32>} : memref<5056xf32, #tpu.memory_space<vmem>>, vector<16xf32>,
        %parallel_loop3A_258 = vector.shape_cast %parallel_loop3A_257 : vector<16xf32> to vector<16xf32>
        %parallel_loop3A_259 = arith.constant 0.000000e+00 : f32
        %parallel_loop3A_260 = vector.broadcast %parallel_loop3A_259 : f32 to vector<16xf32>
        %parallel_loop3A_261 = arith.select %parallel_loop3A_215, %parallel_loop3A_258, %parallel_loop3A_260 : vector<16xi1>, vector<16xf32>
        %parallel_loop3A_262 = arith.index_cast %parallel_loop3A_15 : i32 to index
        %parallel_loop3A_263 = tpu.vector_load %arg35[%parallel_loop3A_262] {strides = array<i32>} : memref<5056xf32, #tpu.memory_space<vmem>>, vector<16xf32>,
        %parallel_loop3A_264 = vector.shape_cast %parallel_loop3A_263 : vector<16xf32> to vector<16xf32>
        %parallel_loop3A_265 = vector.shape_cast %parallel_loop3A_261 : vector<16xf32> to vector<16xf32>
        tpu.vector_store %arg35[%parallel_loop3A_262], %parallel_loop3A_265 {strides = array<i32>} : memref<5056xf32, #tpu.memory_space<vmem>>, vector<16xf32>,
        %parallel_loop3A_266 = arith.constant 1.000000e+00 : f32
        %parallel_loop3A_267 = arith.constant 0.000000e+00 : f32
        %parallel_loop3A_268 = vector.broadcast %parallel_loop3A_266 : f32 to vector<16xf32>
        %parallel_loop3A_269 = vector.broadcast %parallel_loop3A_267 : f32 to vector<16xf32>
        %parallel_loop3A_270 = arith.select %parallel_loop3A_215, %parallel_loop3A_268, %parallel_loop3A_269 : vector<16xi1>, vector<16xf32>
        %parallel_loop3A_271 = arith.index_cast %parallel_loop3A_15 : i32 to index
        %parallel_loop3A_272 = tpu.vector_load %arg36[%parallel_loop3A_271] {strides = array<i32>} : memref<5056xf32, #tpu.memory_space<vmem>>, vector<16xf32>,
        %parallel_loop3A_273 = vector.shape_cast %parallel_loop3A_272 : vector<16xf32> to vector<16xf32>
        %parallel_loop3A_274 = vector.shape_cast %parallel_loop3A_270 : vector<16xf32> to vector<16xf32>
        tpu.vector_store %arg36[%parallel_loop3A_271], %parallel_loop3A_274 {strides = array<i32>} : memref<5056xf32, #tpu.memory_space<vmem>>, vector<16xf32>,
      } {sc.loop_unroll_factor = 2 : i64, sc.parallel_access}
      "tpu.region"() ({
        %run_scoped3A = tpu.sem_alloc : memref<!tpu.dma_semaphore, #tpu.memory_space<semaphore_mem>>
        %dma_start3A = arith.constant 0 : i32
        %dma_start3A_13 = tpu.memref_slice %arg15[%add3A, %dma_start3A] : memref<20x5056xf32, #tpu.memory_space<hbm>> -> memref<1x5056xf32, #tpu.memory_space<hbm>>
        %dma_start3A_14 = tpu.memref_squeeze %dma_start3A_13 : memref<1x5056xf32, #tpu.memory_space<hbm>> -> memref<5056xf32, #tpu.memory_space<hbm>>
        %dma_start3A_15 = arith.constant 0 : i32
        %dma_start3A_16 = tpu.memref_slice %arg15[%add3A, %dma_start3A_15] : memref<20x5056xf32, #tpu.memory_space<hbm>> -> memref<1x5056xf32, #tpu.memory_space<hbm>>
        %dma_start3A_17 = tpu.memref_squeeze %dma_start3A_16 : memref<1x5056xf32, #tpu.memory_space<hbm>> -> memref<5056xf32, #tpu.memory_space<hbm>>
        tpu.enqueue_dma source(%arg31 : memref<5056xf32, #tpu.memory_space<vmem>>) target(%dma_start3A_17 : memref<5056xf32, #tpu.memory_space<hbm>>) target_semaphore(%run_scoped3A : memref<!tpu.dma_semaphore, #tpu.memory_space<semaphore_mem>>)
        %dma_wait3A = arith.constant 0 : i32
        %dma_wait3A_18 = tpu.memref_slice %arg15[%add3A, %dma_wait3A] : memref<20x5056xf32, #tpu.memory_space<hbm>> -> memref<1x5056xf32, #tpu.memory_space<hbm>>
        %dma_wait3A_19 = tpu.memref_squeeze %dma_wait3A_18 : memref<1x5056xf32, #tpu.memory_space<hbm>> -> memref<5056xf32, #tpu.memory_space<hbm>>
        %dma_wait3A_20 = arith.constant 0 : i32
        %dma_wait3A_21 = tpu.memref_slice %arg15[%add3A, %dma_wait3A_20] : memref<20x5056xf32, #tpu.memory_space<hbm>> -> memref<1x5056xf32, #tpu.memory_space<hbm>>
        %dma_wait3A_22 = tpu.memref_squeeze %dma_wait3A_21 : memref<1x5056xf32, #tpu.memory_space<hbm>> -> memref<5056xf32, #tpu.memory_space<hbm>>
        tpu.wait_dma2 semaphore(%run_scoped3A : memref<!tpu.dma_semaphore, #tpu.memory_space<semaphore_mem>>) src(%arg31 : memref<5056xf32, #tpu.memory_space<vmem>>) dst(%dma_wait3A_22 : memref<5056xf32, #tpu.memory_space<hbm>>)
        tpu.yield
      }) : () -> ()
      "tpu.region"() ({
        %run_scoped3A = tpu.sem_alloc : memref<!tpu.dma_semaphore, #tpu.memory_space<semaphore_mem>>
        %dma_start3A = arith.constant 0 : i32
        %dma_start3A_13 = tpu.memref_slice %arg16[%add3A, %dma_start3A] : memref<20x5056xf32, #tpu.memory_space<hbm>> -> memref<1x5056xf32, #tpu.memory_space<hbm>>
        %dma_start3A_14 = tpu.memref_squeeze %dma_start3A_13 : memref<1x5056xf32, #tpu.memory_space<hbm>> -> memref<5056xf32, #tpu.memory_space<hbm>>
        %dma_start3A_15 = arith.constant 0 : i32
        %dma_start3A_16 = tpu.memref_slice %arg16[%add3A, %dma_start3A_15] : memref<20x5056xf32, #tpu.memory_space<hbm>> -> memref<1x5056xf32, #tpu.memory_space<hbm>>
        %dma_start3A_17 = tpu.memref_squeeze %dma_start3A_16 : memref<1x5056xf32, #tpu.memory_space<hbm>> -> memref<5056xf32, #tpu.memory_space<hbm>>
        tpu.enqueue_dma source(%arg32 : memref<5056xf32, #tpu.memory_space<vmem>>) target(%dma_start3A_17 : memref<5056xf32, #tpu.memory_space<hbm>>) target_semaphore(%run_scoped3A : memref<!tpu.dma_semaphore, #tpu.memory_space<semaphore_mem>>)
        %dma_wait3A = arith.constant 0 : i32
        %dma_wait3A_18 = tpu.memref_slice %arg16[%add3A, %dma_wait3A] : memref<20x5056xf32, #tpu.memory_space<hbm>> -> memref<1x5056xf32, #tpu.memory_space<hbm>>
        %dma_wait3A_19 = tpu.memref_squeeze %dma_wait3A_18 : memref<1x5056xf32, #tpu.memory_space<hbm>> -> memref<5056xf32, #tpu.memory_space<hbm>>
        %dma_wait3A_20 = arith.constant 0 : i32
        %dma_wait3A_21 = tpu.memref_slice %arg16[%add3A, %dma_wait3A_20] : memref<20x5056xf32, #tpu.memory_space<hbm>> -> memref<1x5056xf32, #tpu.memory_space<hbm>>
        %dma_wait3A_22 = tpu.memref_squeeze %dma_wait3A_21 : memref<1x5056xf32, #tpu.memory_space<hbm>> -> memref<5056xf32, #tpu.memory_space<hbm>>
        tpu.wait_dma2 semaphore(%run_scoped3A : memref<!tpu.dma_semaphore, #tpu.memory_space<semaphore_mem>>) src(%arg32 : memref<5056xf32, #tpu.memory_space<vmem>>) dst(%dma_wait3A_22 : memref<5056xf32, #tpu.memory_space<hbm>>)
        tpu.yield
      }) : () -> ()
      "tpu.region"() ({
        %run_scoped3A = tpu.sem_alloc : memref<!tpu.dma_semaphore, #tpu.memory_space<semaphore_mem>>
        %dma_start3A = arith.constant 0 : i32
        %dma_start3A_13 = tpu.memref_slice %arg17[%add3A, %dma_start3A] : memref<20x5056xf32, #tpu.memory_space<hbm>> -> memref<1x5056xf32, #tpu.memory_space<hbm>>
        %dma_start3A_14 = tpu.memref_squeeze %dma_start3A_13 : memref<1x5056xf32, #tpu.memory_space<hbm>> -> memref<5056xf32, #tpu.memory_space<hbm>>
        %dma_start3A_15 = arith.constant 0 : i32
        %dma_start3A_16 = tpu.memref_slice %arg17[%add3A, %dma_start3A_15] : memref<20x5056xf32, #tpu.memory_space<hbm>> -> memref<1x5056xf32, #tpu.memory_space<hbm>>
        %dma_start3A_17 = tpu.memref_squeeze %dma_start3A_16 : memref<1x5056xf32, #tpu.memory_space<hbm>> -> memref<5056xf32, #tpu.memory_space<hbm>>
        tpu.enqueue_dma source(%arg33 : memref<5056xf32, #tpu.memory_space<vmem>>) target(%dma_start3A_17 : memref<5056xf32, #tpu.memory_space<hbm>>) target_semaphore(%run_scoped3A : memref<!tpu.dma_semaphore, #tpu.memory_space<semaphore_mem>>)
        %dma_wait3A = arith.constant 0 : i32
        %dma_wait3A_18 = tpu.memref_slice %arg17[%add3A, %dma_wait3A] : memref<20x5056xf32, #tpu.memory_space<hbm>> -> memref<1x5056xf32, #tpu.memory_space<hbm>>
        %dma_wait3A_19 = tpu.memref_squeeze %dma_wait3A_18 : memref<1x5056xf32, #tpu.memory_space<hbm>> -> memref<5056xf32, #tpu.memory_space<hbm>>
        %dma_wait3A_20 = arith.constant 0 : i32
        %dma_wait3A_21 = tpu.memref_slice %arg17[%add3A, %dma_wait3A_20] : memref<20x5056xf32, #tpu.memory_space<hbm>> -> memref<1x5056xf32, #tpu.memory_space<hbm>>
        %dma_wait3A_22 = tpu.memref_squeeze %dma_wait3A_21 : memref<1x5056xf32, #tpu.memory_space<hbm>> -> memref<5056xf32, #tpu.memory_space<hbm>>
        tpu.wait_dma2 semaphore(%run_scoped3A : memref<!tpu.dma_semaphore, #tpu.memory_space<semaphore_mem>>) src(%arg33 : memref<5056xf32, #tpu.memory_space<vmem>>) dst(%dma_wait3A_22 : memref<5056xf32, #tpu.memory_space<hbm>>)
        tpu.yield
      }) : () -> ()
      "tpu.region"() ({
        %run_scoped3A = tpu.sem_alloc : memref<!tpu.dma_semaphore, #tpu.memory_space<semaphore_mem>>
        %dma_start3A = arith.constant 0 : i32
        %dma_start3A_13 = tpu.memref_slice %arg18[%add3A, %dma_start3A] : memref<20x5056xf32, #tpu.memory_space<hbm>> -> memref<1x5056xf32, #tpu.memory_space<hbm>>
        %dma_start3A_14 = tpu.memref_squeeze %dma_start3A_13 : memref<1x5056xf32, #tpu.memory_space<hbm>> -> memref<5056xf32, #tpu.memory_space<hbm>>
        %dma_start3A_15 = arith.constant 0 : i32
        %dma_start3A_16 = tpu.memref_slice %arg18[%add3A, %dma_start3A_15] : memref<20x5056xf32, #tpu.memory_space<hbm>> -> memref<1x5056xf32, #tpu.memory_space<hbm>>
        %dma_start3A_17 = tpu.memref_squeeze %dma_start3A_16 : memref<1x5056xf32, #tpu.memory_space<hbm>> -> memref<5056xf32, #tpu.memory_space<hbm>>
        tpu.enqueue_dma source(%arg34 : memref<5056xf32, #tpu.memory_space<vmem>>) target(%dma_start3A_17 : memref<5056xf32, #tpu.memory_space<hbm>>) target_semaphore(%run_scoped3A : memref<!tpu.dma_semaphore, #tpu.memory_space<semaphore_mem>>)
        %dma_wait3A = arith.constant 0 : i32
        %dma_wait3A_18 = tpu.memref_slice %arg18[%add3A, %dma_wait3A] : memref<20x5056xf32, #tpu.memory_space<hbm>> -> memref<1x5056xf32, #tpu.memory_space<hbm>>
        %dma_wait3A_19 = tpu.memref_squeeze %dma_wait3A_18 : memref<1x5056xf32, #tpu.memory_space<hbm>> -> memref<5056xf32, #tpu.memory_space<hbm>>
        %dma_wait3A_20 = arith.constant 0 : i32
        %dma_wait3A_21 = tpu.memref_slice %arg18[%add3A, %dma_wait3A_20] : memref<20x5056xf32, #tpu.memory_space<hbm>> -> memref<1x5056xf32, #tpu.memory_space<hbm>>
        %dma_wait3A_22 = tpu.memref_squeeze %dma_wait3A_21 : memref<1x5056xf32, #tpu.memory_space<hbm>> -> memref<5056xf32, #tpu.memory_space<hbm>>
        tpu.wait_dma2 semaphore(%run_scoped3A : memref<!tpu.dma_semaphore, #tpu.memory_space<semaphore_mem>>) src(%arg34 : memref<5056xf32, #tpu.memory_space<vmem>>) dst(%dma_wait3A_22 : memref<5056xf32, #tpu.memory_space<hbm>>)
        tpu.yield
      }) : () -> ()
      "tpu.region"() ({
        %run_scoped3A = tpu.sem_alloc : memref<!tpu.dma_semaphore, #tpu.memory_space<semaphore_mem>>
        %dma_start3A = arith.constant 0 : i32
        %dma_start3A_13 = tpu.memref_slice %arg19[%add3A, %dma_start3A] : memref<20x5056xf32, #tpu.memory_space<hbm>> -> memref<1x5056xf32, #tpu.memory_space<hbm>>
        %dma_start3A_14 = tpu.memref_squeeze %dma_start3A_13 : memref<1x5056xf32, #tpu.memory_space<hbm>> -> memref<5056xf32, #tpu.memory_space<hbm>>
        %dma_start3A_15 = arith.constant 0 : i32
        %dma_start3A_16 = tpu.memref_slice %arg19[%add3A, %dma_start3A_15] : memref<20x5056xf32, #tpu.memory_space<hbm>> -> memref<1x5056xf32, #tpu.memory_space<hbm>>
        %dma_start3A_17 = tpu.memref_squeeze %dma_start3A_16 : memref<1x5056xf32, #tpu.memory_space<hbm>> -> memref<5056xf32, #tpu.memory_space<hbm>>
        tpu.enqueue_dma source(%arg35 : memref<5056xf32, #tpu.memory_space<vmem>>) target(%dma_start3A_17 : memref<5056xf32, #tpu.memory_space<hbm>>) target_semaphore(%run_scoped3A : memref<!tpu.dma_semaphore, #tpu.memory_space<semaphore_mem>>)
        %dma_wait3A = arith.constant 0 : i32
        %dma_wait3A_18 = tpu.memref_slice %arg19[%add3A, %dma_wait3A] : memref<20x5056xf32, #tpu.memory_space<hbm>> -> memref<1x5056xf32, #tpu.memory_space<hbm>>
        %dma_wait3A_19 = tpu.memref_squeeze %dma_wait3A_18 : memref<1x5056xf32, #tpu.memory_space<hbm>> -> memref<5056xf32, #tpu.memory_space<hbm>>
        %dma_wait3A_20 = arith.constant 0 : i32
        %dma_wait3A_21 = tpu.memref_slice %arg19[%add3A, %dma_wait3A_20] : memref<20x5056xf32, #tpu.memory_space<hbm>> -> memref<1x5056xf32, #tpu.memory_space<hbm>>
        %dma_wait3A_22 = tpu.memref_squeeze %dma_wait3A_21 : memref<1x5056xf32, #tpu.memory_space<hbm>> -> memref<5056xf32, #tpu.memory_space<hbm>>
        tpu.wait_dma2 semaphore(%run_scoped3A : memref<!tpu.dma_semaphore, #tpu.memory_space<semaphore_mem>>) src(%arg35 : memref<5056xf32, #tpu.memory_space<vmem>>) dst(%dma_wait3A_22 : memref<5056xf32, #tpu.memory_space<hbm>>)
        tpu.yield
      }) : () -> ()
      "tpu.region"() ({
        %run_scoped3A = tpu.sem_alloc : memref<!tpu.dma_semaphore, #tpu.memory_space<semaphore_mem>>
        %dma_start3A = arith.constant 0 : i32
        %dma_start3A_13 = tpu.memref_slice %arg20[%add3A, %dma_start3A] : memref<20x5056xf32, #tpu.memory_space<hbm>> -> memref<1x5056xf32, #tpu.memory_space<hbm>>
        %dma_start3A_14 = tpu.memref_squeeze %dma_start3A_13 : memref<1x5056xf32, #tpu.memory_space<hbm>> -> memref<5056xf32, #tpu.memory_space<hbm>>
        %dma_start3A_15 = arith.constant 0 : i32
        %dma_start3A_16 = tpu.memref_slice %arg20[%add3A, %dma_start3A_15] : memref<20x5056xf32, #tpu.memory_space<hbm>> -> memref<1x5056xf32, #tpu.memory_space<hbm>>
        %dma_start3A_17 = tpu.memref_squeeze %dma_start3A_16 : memref<1x5056xf32, #tpu.memory_space<hbm>> -> memref<5056xf32, #tpu.memory_space<hbm>>
        tpu.enqueue_dma source(%arg36 : memref<5056xf32, #tpu.memory_space<vmem>>) target(%dma_start3A_17 : memref<5056xf32, #tpu.memory_space<hbm>>) target_semaphore(%run_scoped3A : memref<!tpu.dma_semaphore, #tpu.memory_space<semaphore_mem>>)
        %dma_wait3A = arith.constant 0 : i32
        %dma_wait3A_18 = tpu.memref_slice %arg20[%add3A, %dma_wait3A] : memref<20x5056xf32, #tpu.memory_space<hbm>> -> memref<1x5056xf32, #tpu.memory_space<hbm>>
        %dma_wait3A_19 = tpu.memref_squeeze %dma_wait3A_18 : memref<1x5056xf32, #tpu.memory_space<hbm>> -> memref<5056xf32, #tpu.memory_space<hbm>>
        %dma_wait3A_20 = arith.constant 0 : i32
        %dma_wait3A_21 = tpu.memref_slice %arg20[%add3A, %dma_wait3A_20] : memref<20x5056xf32, #tpu.memory_space<hbm>> -> memref<1x5056xf32, #tpu.memory_space<hbm>>
        %dma_wait3A_22 = tpu.memref_squeeze %dma_wait3A_21 : memref<1x5056xf32, #tpu.memory_space<hbm>> -> memref<5056xf32, #tpu.memory_space<hbm>>
        tpu.wait_dma2 semaphore(%run_scoped3A : memref<!tpu.dma_semaphore, #tpu.memory_space<semaphore_mem>>) src(%arg36 : memref<5056xf32, #tpu.memory_space<vmem>>) dst(%dma_wait3A_22 : memref<5056xf32, #tpu.memory_space<hbm>>)
        tpu.yield
      }) : () -> ()
    } else {
    }
    return
  }
}

</mosaic_0001>

<sc_bundles>
// kernel: gather_offload_async_start.1
scs
__scs_entry_jumppad:
0x0: {  	(pc) =	sbr.rel $0x88, $3  }
0x1: {  	(tag) =	ssettag $0x0;
	lr =	simm.s32 $0x1  }
0x2: {  	[smem:$0x3F9F] =	sst lr;
	_ =	strace $0xD0000000  }
0x3: {  	_ = 	snop  }
0x4: {  	_ = 	snop  }
0x5: {  	_ = 	snop  }
0x6: {  	_ = 	snop  }
0x7: {  	_ = 	snop  }
__scs_overlays_trampoline_lowered:
0x8: {  	[smem:$0x3FAE] =	sst s0  }
0x9: {  	[smem:$0x3FAF] =	sst s1  }
0xa: {  	[smem:$0x3FB0] =	sst s2  }
0xb: {  	[smem:$0x3FB1] =	sst s3  }
0xc: {  	[smem:$0x3FB2] =	sst s4  }
0xd: {  	[smem:$0x3FB3] =	sst s5  }
0xe: {  	[smem:$0x3FB4] =	sst s6  }
0xf: {  	[smem:$0x3FB5] =	sst s7  }
0x10: {  	[smem:$0x3FB6] =	sst s8  }
0x11: {  	[smem:$0x3FB7] =	sst s9;
	s0 =	simm.s32 @!p0 $0x0  }
0x12: {  	s1 =	sld [smem:$0x3F9D];
	s0 =	simm.s32 @p0 $0x1  }
0x13: {  	[smem:$0x3FB8] =	sst s0;
	s0 =	simm.s32 @!p1 $0x0  }
0x14: {  	s2 =	sld [smem:$0x3F9C];
	s0 =	simm.s32 @p1 $0x1  }
0x15: {  	[smem:$0x3FB9] =	sst s0;
	s0 =	simm.s32 @!p2 $0x0  }
0x16: {  	s3 =	sld [smem:$0x3FDB];
	s0 =	simm.s32 @p2 $0x1  }
0x17: {  	s4 =	simm.s32 $0x1BF5;
	[smem:$0x3FBB] =	sst s0  }
0x18: {  	s0 =	sld [smem:$0x3F9E];
	_ =	swait.ge [sflag:s4], $0x0  }
0x19: {  	s7 =	sld [smem:$0x3F9F]  }
0x1a: {  	s8 =	sadd.s32 $0xFFFFE003, lr  }
0x1b: {  	s9 =	sadd.s32 $0xFFFFFEF7, lr;
	s5 =	simm.s32 $0xFFFFFFFF;
	p2 =	slt.u32 s8, $0xFFFFF086  }
0x1c: {  	p1 =	slt.u32 s9, $0xF7A;
	s5 =	simm.s32 @!p2 $0x0  }
0x1d: {  	s5 =	simm.s32 @p1 $0x1;
	p0 =	seq.s32 s7, s2  }
0x1e: {  	s7 =	smul.u32 @!p0 $0xF7A, s2;
	p2 =	seq.s32 @!p0 s5, $0x0  }
0x1f: {  	s9 =	smul.u32 $0xF7A, s1;
	s8 =	simm.s32 @!p0 $0x1BF5;
	p2 =	por !p2, p0  }
0x20: {  	[sflag:s8] =	ssyncset.s32 @!p0 $0xFFFFF086;
	s6 =	sadd.s32 @!p0 s3, s7;
	s7 =	simm.s32 @!p0 $0x108  }
0x21: {  	s3 =	sadd.s32 s3, s9;
	s6 =	sadd.s32 @!p0 $0x88, s6;
	s7 =	simm.s32 @p2 $0x1082  }
0x22: {  	[simem:s7], [sflag:s8] =	dma.local @!p0 [hbm:s6], $0xF7A  }
0x23: {  	s9 =	sor.u32 $0xD0000000, s2;
	s6 =	simm.s32 $0x108;
	_ =	swait.ge @!p0 [sflag:s8], $0x0  }
0x24: {  	s3 =	sadd.s32 $0x88, s3;
	s6 =	simm.s32 @!p1 $0x1082;
	[sflag:s4] =	ssyncset.s32 $0xFFFFF086  }
0x25: {  	[simem:s6], [sflag:s4] =	dma.local [hbm:s3], $0xF7A  }
0x26: {  	[smem:$0x3F9F] =	sst s1;
	(tag) =	ssettag s2;
	_ =	strace s9  }
0x27: {  	s1 =	sld [smem:$0x3FAF]  }
0x28: {  	s2 =	sld [smem:$0x3FB0]  }
0x29: {  	s4 =	sld [smem:$0x3FB2]  }
0x2a: {  	p0 =	seq.s32 s5, $0x0;
	s5 =	sld [smem:$0x3FB3]  }
0x2b: {  	s6 =	sld [smem:$0x3FB4]  }
0x2c: {  	s7 =	sld [smem:$0x3FB5]  }
0x2d: {  	s3 =	simm.s32 $0x108;
	s8 =	sld [smem:$0x3FB6]  }
0x2e: {  	s3 =	simm.s32 @!p0 $0x1082;
	s9 =	sld [smem:$0x3FB7]  }
0x2f: {  	lr =	sadd.s32 s0, s3;
	s0 =	sld [smem:$0x3FAE]  }
0x30: {  	s3 =	sld [smem:$0x3FB1]  }
0x31: {  	[smem:$0x3FBA] =	sst s10  }
0x32: {  	s10 =	sld [smem:$0x3FB8];
	_ =	sdelay $0x3  }
0x33: {  	p0 =	seq.s32 s10, $0x1;
	s10 =	sld [smem:$0x3FBA];
	_ =	sdelay $0x3  }
0x34: {  	[smem:$0x3FBA] =	sst s10  }
0x35: {  	s10 =	sld [smem:$0x3FB9];
	_ =	sdelay $0x3  }
0x36: {  	p1 =	seq.s32 s10, $0x1;
	s10 =	sld [smem:$0x3FBA];
	_ =	sdelay $0x3  }
0x37: {  	[smem:$0x3FBA] =	sst s10  }
0x38: {  	s10 =	sld [smem:$0x3FBB]  }
0x39: {  	_ = 	snop;
	(pc) =	sbr.ind lr, $3  }
0x3a: {  	_ = 	snop  }
0x3b: {  	_ = 	snop  }
0x3c: {  	p2 =	seq.s32 s10, $0x1;
	s10 =	sld [smem:$0x3FBA]  }
0x3d: {  	_ =	shalt  }
0x3e: {  	_ =	shalt  }
0x3f: {  	_ =	shalt  }
0x40: {  	_ =	shalt  }
0x41: {  	_ =	shalt  }
0x42: {  	_ =	shalt  }
0x43: {  	_ =	shalt  }
0x44: {  	_ =	shalt  }
0x45: {  	_ =	shalt  }
0x46: {  	_ =	shalt  }
0x47: {  	_ =	shalt  }
0x48: {  	_ =	shalt  }
0x49: {  	_ =	shalt  }
0x4a: {  	_ =	shalt  }
0x4b: {  	_ =	shalt  }
0x4c: {  	_ =	shalt  }
0x4d: {  	_ =	shalt  }
0x4e: {  	_ =	shalt  }
0x4f: {  	_ =	shalt  }
0x50: {  	_ =	shalt  }
0x51: {  	_ =	shalt  }
0x52: {  	_ =	shalt  }
0x53: {  	_ =	shalt  }
0x54: {  	_ =	shalt  }
0x55: {  	_ =	shalt  }
0x56: {  	_ =	shalt  }
0x57: {  	_ =	shalt  }
0x58: {  	_ =	shalt  }
0x59: {  	_ =	shalt  }
0x5a: {  	_ =	shalt  }
0x5b: {  	_ =	shalt  }
0x5c: {  	_ =	shalt  }
0x5d: {  	_ =	shalt  }
0x5e: {  	_ =	shalt  }
0x5f: {  	_ =	shalt  }
0x60: {  	_ =	shalt  }
0x61: {  	_ =	shalt  }
0x62: {  	_ =	shalt  }
0x63: {  	_ =	shalt  }
0x64: {  	_ =	shalt  }
0x65: {  	_ =	shalt  }
0x66: {  	_ =	shalt  }
0x67: {  	_ =	shalt  }
0x68: {  	_ =	shalt  }
0x69: {  	_ =	shalt  }
0x6a: {  	_ =	shalt  }
0x6b: {  	_ =	shalt  }
0x6c: {  	_ =	shalt  }
0x6d: {  	_ =	shalt  }
0x6e: {  	_ =	shalt  }
0x6f: {  	_ =	shalt  }
0x70: {  	_ =	shalt  }
0x71: {  	_ =	shalt  }
0x72: {  	_ =	shalt  }
0x73: {  	_ =	shalt  }
0x74: {  	_ =	shalt  }
0x75: {  	_ =	shalt  }
0x76: {  	_ =	shalt  }
0x77: {  	_ =	shalt  }
0x78: {  	_ =	shalt  }
0x79: {  	_ =	shalt  }
0x7a: {  	_ =	shalt  }
0x7b: {  	_ =	shalt  }
0x7c: {  	_ =	shalt  }
0x7d: {  	_ =	shalt  }
0x7e: {  	_ =	shalt  }
0x7f: {  	_ =	shalt  }
0x80: {  	_ =	shalt  }
0x81: {  	_ =	shalt  }
0x82: {  	_ =	shalt  }
0x83: {  	_ =	shalt  }
0x84: {  	_ =	shalt  }
0x85: {  	_ =	shalt  }
0x86: {  	_ =	shalt  }
0x87: {  	_ =	shalt  }
.Lfunc_end0:
.L_simem_size_0:
called_computation.1_lowered:
.L_overlay_start_0:
0x88: {  	s2 =	sld [smem:$0x3FD9]  }
0x89: {  	s3 =	sld [smem:$0x3FFE];
	_ =	sdelay $0x1  }
0x8a: {  	s1 =	srdreg.scid  }
0x8b: {  	s0 =	sand.u32 $0x1, s1  }
0x8c: {  	s16 =	sshll.u32 s0, $0xA;
	s2 =	sadd.s32 s3, s2  }
0x8d: {  	s2 =	sadd.s32 s2, s16  }
0x8e: {  	[smem:$0x3FC6] =	sst s2  }
0x8f: {  	_ = 	snop  }
0x90: {  	(tm) =	ssettm $0x1  }
0x91: {  	s17 =	sld [smem:$0x3FFB];
	_ =	sdelay $0x3  }
0x92: {  	_ =	strace s17  }
0x93: {  	s2 =	sld [smem:$0x3FFC];
	_ =	sdelay $0x3  }
0x94: {  	_ =	strace s2  }
0x95: {  	s2 =	sld [smem:$0x3FFD];
	_ =	sdelay $0x3  }
0x96: {  	_ =	strace s2  }
0x97: {  	_ =	strace $0x8FFFFFFF  }
0x98: {  	s18 =	sld [smem:$0x3FDB];
	_ =	sdelay $0x1  }
0x99: {  	s19 =	simm.s32 $_scs_section_size  }
0x9a: {  	s4 =	simm.s32 $_size__tile_overlayer_lowered;
	s5 =	simm.s32 $_tile_overlayer_lowered  }
0x9b: {  	s22 =	simm.s32 $0x1BFF;
	s21 =	sshll.u32 s5, $0x1;
	s2 =	sadd.s32 s19, s18  }
0x9c: {  	s6 =	simm.s32 $0x0;
	s20 =	sshll.u32 s4, $0x1;
	s4 =	sadd.s32 s21, s2  }
0x9d: {  	[timem:s6], [sflag:s22] =	dma.local [hbm:s4], s20  }
0x9e: {  	_ =	swait.ge [sflag:s22], s20  }
0x9f: {  	s3 =	ssub.s32 $0x0, s20;
	[sflag:s22] =	ssyncset.done $0x0  }
0xa0: {  	[sflag:s22] =	ssyncadd.s32 s3;
	_ =	sdelay $0x1  }
0xa1: {  	s23 =	simm.s32 $0x1B8B  }
0xa2: {  	_ =	swait.ge [sflag:s23], $0x1  }
0xa3: {  	[sflag:s23] =	ssyncset.done $0x0  }
0xa4: {  	s25 =	simm.s32 $0x1B8E;
	s24 =	sld [smem:$0x3FFE];
	[sflag:s23] =	ssyncadd.s32 $0xFFFFFFFF  }
0xa5: {  	s26 =	simm.s32 $execute0_lowered;
	[smem:$0x3FD2] =	sst s25  }
0xa6: {  	s4 =	sshll.u32 s26, $0x1;
	_ =	strace $0x80000061;
	[dreg:$0x1] =	wrdreg $0xFFFFFFFF  }
0xa7: {  	s28 =	simm.s32 $_size_execute0_lowered;
	s2 =	sadd.s32 s2, s4;
	[dreg:$0x0] =	wrdreg $0x0  }
0xa8: {  	s4 =	sshll.u32 s28, $0x1;
	[dreg:$0x2] =	wrdreg s2  }
0xa9: {  	[dreg:$0x3] =	wrdreg s4  }
0xaa: {  	[dreg:$0x4] =	wrdreg $0xC0  }
0xab: {  	_ =	task [dreg:s6], $0x5FFFF  }
0xac: {  	[dreg:$0x1] =	wrdreg $0xFFFFFFFF  }
0xad: {  	[dreg:$0x0] =	wrdreg $0x60  }
0xae: {  	[dreg:$0x2] =	wrdreg s24  }
0xaf: {  	[dreg:$0x3] =	wrdreg $0x9  }
0xb0: {  	_ =	task.clear_ibuf [dreg:s6], $0x4FFFF;
	_ =	strace $0x90000061  }
0xb1: {  	s29 =	simm.s32 $0x9;
	_ =	strace $0x80000063  }
0xb2: {  	_ =	swait.ge [sflag:s29], $0x1  }
0xb3: {  	[sflag:s29] =	ssyncadd.s32 $0xFFFFFFFF  }
0xb4: {  	_ =	strace $0x90000063  }
0xb5: {  	_ =	sfence  }
0xb6: {  	s30 =	sld [smem:$0x0];
	_ =	sdelay $0x2  }
0xb7: {  	s31 =	sshll.u32 s1, $0xD;
	s1 =	sshrl.u32 s1, $0x2  }
0xb8: {  	s3 =	sand.u32 $0x4000, s31;
	s1 =	sadd.s32 s1, s30  }
0xb9: {  	s0 =	sor.u32 s3, s0;
	s1 =	sshll.u32 s1, $0x11  }
0xba: {  	s0 =	sor.u32 s1, s0  }
0xbb: {  	s0 =	sadd.s32 $0x8F2B, s0  }
0xbc: {  	[sflag:s0] =	ssyncadd.remote.s32 $0x1  }
0xbd: {  	_ =	sfence.sel $0xFFFF  }
0xbe: {  	[dreg:$0x0] =	wrdreg $0xFFFFFFFF;
	(pc) =	sbr.abs _section_cstart, $3  }
0xbf: {  	[dreg:$0x1] =	wrdreg $0xFFFFFFFF  }
0xc0: {  	_ =	task.clear_ibuf [dreg:s6], $0x2FFFF;
	_ =	strace $0x9FFFFFFF  }
0xc1: {  	(tm) =	ssettm $0x7FFFFFFF  }
tec
execute0_lowered:
.L_overlay_start_1:
0x0: {  	(tag) =	ssettag $0x1  }
0x1: {  	s8 =	rddreg [dreg:$0x0];
	s1 =	stileid.u32  }
0x2: {  	s2 =	srdreg.scid;
	s0 =	rddreg [dreg:$0x1]  }
0x3: {  	_ =	strace $0x80000062;
	s5 =	simm.s32 $0x1;
	s9 =	simm.s32 $0x1  }
0x4: {  	s10 =	simm.s32 $0x3;
	s2 =	sand.u32 $0x1, s2;
	s3 =	sshll.u32 s1, $0x1  }
0x5: {  	s13 =	simm.s32 $0x0;
	s12 =	simm.s32 $0x0;
	s6 =	sor.u32 s3, s2  }
0x6: {  	[sflag:s5] =	ssyncpa.u1 $0x0;
	s2 =	sadd.s32 $0x30E00, s8;
	s4 =	smul.u32 $0x9E0, s6  }
0x7: {  	s3 =	sadd.s32 $0x34A00, s8;
	p0 =	slt.u32 s6, $0x9;
	s6 =	simm.s32 $0x13C00  }
.Ltmp0:
0x8: {  	s6 =	simm.s32 @!p0 $0x0;
	s7 =	ssub.s32 $0x18B00, s4;
	(pc) =	sbr.rel .LBB2_1-.Ltmp0, $4  }
0x9: {  	s9 =	simm.s32 @!p0 $0x0;
	p0 =	sne.s32 s7, s6;
	s7 =	simm.s32 $0x1  }
0xa: {  	s8 =	sadd.s32 $0x37C00, s8;
	s6 =	simm.s32 $0x2;
	s7 =	simm.s32 @!p0 $0x0  }
0xb: {  	s11 =	smov.u32 s4;
	[sflag:s6] =	ssyncpa.u1 $0x0;
	s7 =	sadd.s32 s9, s7  }
0xc: {  	vm0 =	vmmov $0xffff;
	[sflag:s10] =	ssyncpa.u1 $0x0;
	s10 =	simm.s32 $0x0;
	s9 =	sadd.s32 $0x1, s7  }
.LBB2_4:
0xd: {  	vm1 =	veq.s32 v4, $0x80000000;
	v56 =	vand.u32 $0x1F, v4;
	v6 =	vand.u32 $0x1FFF, v6  }
0xe: {  	v2 =	vor.u32 v2, v5;
	v59 =	vshrl.u32 v1, $0x5;
	v60 =	vand.u32 $0x1F, v1  }
0xf: {  	v4 =	vsel vm1, $0xFFFFFFFF, v56;
	v6 =	vsel vm1, $0xFFFFFFFF, v6;
	v2 =	vor.u32 v3, v2  }
0x10: {  	vm1 =	veq.s32 v1, $0x80000000;
	v5 =	vand.u32 $0x1FFF, v59;
	v7 =	vshrl.u32 v4, $0x3  }
0x11: {  	v57 =	vshll.u32 v6, $0x3;
	v4 =	vshll.u32 v4, $0x7;
	v1 =	vsel vm1, $0xFFFFFFFF, v60  }
0x12: {  	v5 =	vsel vm1, $0xFFFFFFFF, v5;
	v6 =	vand.u32 $0x7F, v6;
	v7 =	vmul.u32 $0xA000, v7  }
0x13: {  	v58 =	vand.u32 $0xFFFFFC00, v57;
	v4 =	vand.u32 $0x380, v4;
	v61 =	vshrl.u32 v1, $0x3  }
0x14: {  	v62 =	vshll.u32 v5, $0x3;
	v3 =	vadd.s32 v7, v58;
	v7 =	vmul.u32 $0xA000, v61  }
0x15: {  	v1 =	vshll.u32 v1, $0x7;
	v3 =	vor.u32 v4, v3;
	v4 =	vand.u32 $0xFFFFFC00, v62  }
0x16: {  	v1 =	vand.u32 $0x380, v1;
	v3 =	vor.u32 v6, v3;
	v4 =	vadd.s32 v7, v4  }
0x17: {  	[tilespmem:s16], [sflag:$0x1] =	stream.indirect_vreg.gather [hbm4b:s2+s10], $0x1, v0, vm0, $0x4038;
	v63 =	vand.u32 $0x7F, v5;
	v1 =	vor.u32 v1, v4;
	[tilespmem:$0x2780] =	vst v63  }
0x18: {  	s15 =	sadd.s32 $0x10, s15;
	(ifvalue) =	ssetifvalue $0x7FFFFFFF;
	v0 =	vor.u32 v63, v1  }
0x19: {  	[tilespmem:s15], [sflag:$0x1] =	stream.indirect_vreg.gather [hbm4b:s2+s10], $0x1, v2, vm0, $0x4038;
	[tilespmem:$0x2780] =	vst v63  }
0x1a: {  	s15 =	sadd.s32 $0x10, s15;
	(ifvalue) =	ssetifvalue $0x7FFFFFFF  }
0x1b: {  	[tilespmem:s15], [sflag:$0x1] =	stream.indirect_vreg.gather [hbm4b:s2+s10], $0x1, v3, vm0, $0x4038;
	[tilespmem:$0x2780] =	vst v63  }
0x1c: {  	s15 =	sadd.s32 $0x10, s15;
	(ifvalue) =	ssetifvalue $0x7FFFFFFF  }
0x1d: {  	[tilespmem:s15], [sflag:$0x1] =	stream.indirect_vreg.gather [hbm4b:s2+s10], $0x1, v0, vm0, $0x4038;
	[tilespmem:$0x2780] =	vst v63  }
0x1e: {  	_ =	swait.ge [sflag:s5], $0x9E0  }
0x1f: {  	s30 =	sshrl.u32 s13, $0x3;
	[sflag:s5] =	ssyncset.done $0x0  }
0x20: {  	s31 =	sand.u32 $0x7, s13;
	s15 =	sadd.s32 s8, s30;
	[sflag:s5] =	ssyncadd.s32 $0xFFFFF620  }
0x21: {  	[hbm4b:s15+s31] =	stream.linear.scatter [tilespmem:s14], [sflag:$0x3], $0x9E0, $0x38;
	[tilespmem:$0x2780] =	vst v63  }
.LBB2_5:
0x22: {  	s15 =	sadd.s32 $0x13C00, s11  }
0x23: {  	p1 =	sgt.s32 s15, $0x18AFF  }
0x24: {  	s15 =	smov.u32 @p1 s4;
	p1 =	sne.s32 s12, s9  }
.Ltmp1:
0x25: {  	p0 =	slt.u32 s12, $0x2;
	(pc) =	sbr.rel @!p1 .LBB2_6-.Ltmp1, $4  }
0x26: {  	s14 =	simm.s32 @!p0 $0x3  }
0x27: {  	_ =	swait.ge @!p0 [sflag:s14], $0x9E0  }
0x28: {  	s16 =	sadd.s32 $0x1, s12;
	s13 =	smov.u32 s11;
	[sflag:s14] =	ssyncset.done @!p0 $0x0  }
0x29: {  	s12 =	smov.u32 s16;
	s11 =	smov.u32 s15;
	[sflag:s14] =	ssyncadd.s32 @!p0 $0xFFFFF620  }
.LBB2_1:
0x2a: {  	p0 =	sge.u32 s12, s7  }
0x2b: {  	s14 =	sxor.u32 @!p0 $0x1, s12  }
0x2c: {  	s14 =	smul.u32 @!p0 $0x2780, s14  }
0x2d: {  	s31 =	sadd.s32 $0xFFFFFFFF, s12;
	s15 =	sshrl.u32 @!p0 s11, $0x3  }
0x2e: {  	s16 =	sand.u32 @!p0 $0x7, s11;
	s15 =	sadd.s32 @!p0 s3, s15;
	s14 =	sshra.s32 @!p0 s14, $0x2  }
0x2f: {  	[tilespmem:s14], [sflag:$0x2] =	stream.linear.gather @!p0 [hbm4b:s15+s16], $0x9E0, $0x38;
	[tilespmem:$0x2780] =	vst v63  }
0x30: {  	p0 =	sge.u32 s31, s7  }
.Ltmp2:
0x31: {  	_ = 	snop;
	(pc) =	sbr.rel @p0 .LBB2_5-.Ltmp2, $1  }
0x32: {  	_ =	sdelay $0x3  }
0x33: {  	s14 =	sand.u32 $0x1, s12  }
0x34: {  	_ =	swait.ge [sflag:s6], $0x9E0;
	p0 =	seq.s32 s14, $0x1;
	s14 =	simm.s32 $0x9E0  }
0x35: {  	[sflag:s6] =	ssyncset.done $0x0;
	s14 =	simm.s32 @!p0 $0x0  }
0x36: {  	[sflag:s6] =	ssyncadd.s32 $0xFFFFF620;
	(ifvalue) =	ssetifvalue $0x7FFFFFFF;
	v0 =	vld.msk [tilespmem:s14+$0x0 ss:$0x1], $0xffff  }
0x37: {  	s15 =	sadd.s32 $0x10, s14  }
0x38: {  	v1 =	vld.msk [tilespmem:s15+$0x0 ss:$0x1], $0xffff;
	_ =	sdelay $0x2  }
0x39: {  	v2 =	vshrl.u32 v0, $0x5  }
0x3a: {  	vm1 =	veq.s32 v0, $0x80000000;
	v0 =	vand.u32 $0x1F, v0;
	v2 =	vand.u32 $0x1FFF, v2  }
0x3b: {  	v0 =	vsel vm1, $0xFFFFFFFF, v0;
	v6 =	vshrl.u32 v1, $0x5;
	v2 =	vsel vm1, $0xFFFFFFFF, v2  }
0x3c: {  	v3 =	vshrl.u32 v0, $0x3;
	v0 =	vshll.u32 v0, $0x7;
	vm1 =	veq.s32 v1, $0x80000000  }
0x3d: {  	s15 =	sadd.s32 $0x10, s15;
	v1 =	vand.u32 $0x1F, v1;
	v4 =	vshll.u32 v2, $0x3;
	v3 =	vmul.u32 $0xA000, v3  }
0x3e: {  	v0 =	vand.u32 $0x380, v0;
	v7 =	vand.u32 $0x7F, v2;
	v5 =	vand.u32 $0xFFFFFC00, v4;
	v4 =	vld.msk [tilespmem:s15+$0x0 ss:$0x1], $0xffff  }
0x3f: {  	v1 =	vsel vm1, $0xFFFFFFFF, v1;
	v2 =	vadd.s32 v3, v5;
	v3 =	vand.u32 $0x1FFF, v6  }
0x40: {  	v3 =	vsel vm1, $0xFFFFFFFF, v3;
	v0 =	vor.u32 v0, v2;
	v2 =	vshrl.u32 v1, $0x3  }
0x41: {  	v1 =	vshll.u32 v1, $0x7;
	v5 =	vshll.u32 v3, $0x3;
	v8 =	vmul.u32 $0xA000, v2  }
0x42: {  	s18 =	simm.s32 $0x30;
	s14 =	sadd.s32 $0x13C0, s14;
	s17 =	sadd.s32 $0x10, s15;
	v2 =	vand.u32 $0x380, v1;
	v0 =	vor.u32 v7, v0;
	v5 =	vand.u32 $0xFFFFFC00, v5  }
0x43: {  	s16 =	smov.u32 s14;
	s15 =	smov.u32 s14;
	v1 =	vld.msk [tilespmem:s17+$0x0 ss:$0x1], $0xffff;
	v3 =	vand.u32 $0x7F, v3;
	(ifvalue) =	ssetifvalue $0x7FFFFFFF;
	v6 =	vshrl.u32 v4, $0x5;
	v5 =	vadd.s32 v8, v5  }
.LBB2_3:
0x44: {  	s18 =	sadd.s32 $0x10, s18  }
0x45: {  	vm1 =	veq.s32 v4, $0x80000000;
	v4 =	vand.u32 $0x1F, v4;
	v6 =	vand.u32 $0x1FFF, v6;
	s15 =	sadd.s32 $0x10, s15;
	p0 =	slt.u32 s18, $0x9D0  }
.Ltmp3:
0x46: {  	v5 =	vor.u32 v2, v5;
	v4 =	vsel vm1, $0xFFFFFFFF, v4;
	v7 =	vsel vm1, $0xFFFFFFFF, v6;
	(pc) =	sbr.rel @p0 .LBB2_3-.Ltmp3, $4  }
0x47: {  	v2 =	vshrl.u32 v4, $0x3;
	v6 =	vshll.u32 v7, $0x3;
	v4 =	vshll.u32 v4, $0x7;
	[tilespmem:s16], [sflag:$0x1] =	stream.indirect_vreg.gather [hbm4b:s2+s10], $0x1, v0, vm0, $0x4038;
	[tilespmem:$0x2780] =	vst v63  }
0x48: {  	v0 =	vor.u32 v3, v5;
	s16 =	smov.u32 s15;
	v8 =	vmul.u32 $0xA000, v2;
	v2 =	vand.u32 $0x380, v4  }
0x49: {  	s17 =	sadd.s32 $0x10, s17;
	v9 =	vand.u32 $0xFFFFFC00, v6  }
0x4a: {  	v3 =	vand.u32 $0x7F, v7;
	v6 =	vshrl.u32 v1, $0x5;
	v5 =	vadd.s32 v8, v9;
	(ifvalue) =	ssetifvalue $0x7FFFFFFF;
	v4 =	vmovc v1;
	v1 =	vld.msk [tilespmem:s17+$0x0 ss:$0x1], $0xffff  }
.Ltmp4:
0x4b: {  	_ = 	snop;
	(pc) =	sbr.rel .LBB2_4-.Ltmp4, $1  }
0x4c: {  	_ =	sdelay $0x3  }
.LBB2_6:
0x4d: {  	_ =	sfence.sel $0x180000  }
0x4e: {  	s2 =	simm.s32 $0x2;
	[bflag:$0x0] =	sbarrier.arrive $0xFFFF  }
0x4f: {  	s30 =	simm.s32 $0x3;
	[sflag:s2] =	ssyncpa.u1 $0x1  }
0x50: {  	s31 =	simm.s32 $0x1;
	[sflag:s30] =	ssyncpa.u1 $0x1  }
0x51: {  	[sflag:s31] =	ssyncpa.u1 $0x1  }
0x52: {  	p0 =	sne.s32 s1, $0x0;
	_ =	strace $0x90000062  }
0x53: {  	s0 =	sadd.s32 @!p0 $0x100000, s0;
	[bflag:$0x2] =	sbarrier.arrive $0xFFFF  }
0x54: {  	[sflag:s0] =	ssyncadd.tile.s32 @!p0 $0x1;
	_ =	shalt  }
.Lfunc_end2:
_tile_overlayer_lowered:
.L_overlay_start_2:
0x55: {  	(tag) =	ssettag $0x2  }
0x56: {  	s0 =	rddreg [dreg:$0x0];
	s2 =	stileid.u32  }
0x57: {  	s1 =	rddreg [dreg:$0x1];
	p0 =	sne.s32 s2, $0x0  }
0x58: {  	s3 =	rddreg [dreg:$0x2];
	[bflag:$0x3] =	sbarrier.arrive $0xFFFF;
	s2 =	simm.s32 @!p0 $0x1C01  }
0x59: {  	[timem:s3], [sflag:s2] =	dma.local @!p0 [hbm:s0], s1  }
0x5a: {  	s0 =	simm.s32 @!p0 $0x1  }
0x5b: {  	_ =	swait.ge @!p0 [sflag:s0], s1  }
0x5c: {  	s1 =	ssub.s32 @!p0 $0x0, s1;
	[sflag:s0] =	ssyncset.done @!p0 $0x0  }
0x5d: {  	[sflag:s0] =	ssyncadd.s32 @!p0 s1  }
0x5e: {  	[bflag:$0x3] =	sbarrier.arrive $0xFFFF  }
0x5f: {  	_ =	shalt  }

// kernel: gather_offload_async_start.2
scs
__scs_entry_jumppad:
0x0: {  	(pc) =	sbr.rel $0x88, $3  }
0x1: {  	(tag) =	ssettag $0x0;
	lr =	simm.s32 $0x1  }
0x2: {  	[smem:$0x3F9F] =	sst lr;
	_ =	strace $0xD0000000  }
0x3: {  	_ = 	snop  }
0x4: {  	_ = 	snop  }
0x5: {  	_ = 	snop  }
0x6: {  	_ = 	snop  }
0x7: {  	_ = 	snop  }
__scs_overlays_trampoline_lowered:
0x8: {  	[smem:$0x3FAE] =	sst s0  }
0x9: {  	[smem:$0x3FAF] =	sst s1  }
0xa: {  	[smem:$0x3FB0] =	sst s2  }
0xb: {  	[smem:$0x3FB1] =	sst s3  }
0xc: {  	[smem:$0x3FB2] =	sst s4  }
0xd: {  	[smem:$0x3FB3] =	sst s5  }
0xe: {  	[smem:$0x3FB4] =	sst s6  }
0xf: {  	[smem:$0x3FB5] =	sst s7  }
0x10: {  	[smem:$0x3FB6] =	sst s8  }
0x11: {  	[smem:$0x3FB7] =	sst s9;
	s0 =	simm.s32 @!p0 $0x0  }
0x12: {  	s1 =	sld [smem:$0x3F9D];
	s0 =	simm.s32 @p0 $0x1  }
0x13: {  	[smem:$0x3FB8] =	sst s0;
	s0 =	simm.s32 @!p1 $0x0  }
0x14: {  	s2 =	sld [smem:$0x3F9C];
	s0 =	simm.s32 @p1 $0x1  }
0x15: {  	[smem:$0x3FB9] =	sst s0;
	s0 =	simm.s32 @!p2 $0x0  }
0x16: {  	s3 =	sld [smem:$0x3FDB];
	s0 =	simm.s32 @p2 $0x1  }
0x17: {  	s4 =	simm.s32 $0x1BF5;
	[smem:$0x3FBB] =	sst s0  }
0x18: {  	s0 =	sld [smem:$0x3F9E];
	_ =	swait.ge [sflag:s4], $0x0  }
0x19: {  	s7 =	sld [smem:$0x3F9F]  }
0x1a: {  	s8 =	sadd.s32 $0xFFFFE003, lr  }
0x1b: {  	s9 =	sadd.s32 $0xFFFFFEF7, lr;
	s5 =	simm.s32 $0xFFFFFFFF;
	p2 =	slt.u32 s8, $0xFFFFF086  }
0x1c: {  	p1 =	slt.u32 s9, $0xF7A;
	s5 =	simm.s32 @!p2 $0x0  }
0x1d: {  	s5 =	simm.s32 @p1 $0x1;
	p0 =	seq.s32 s7, s2  }
0x1e: {  	s7 =	smul.u32 @!p0 $0xF7A, s2;
	p2 =	seq.s32 @!p0 s5, $0x0  }
0x1f: {  	s9 =	smul.u32 $0xF7A, s1;
	s8 =	simm.s32 @!p0 $0x1BF5;
	p2 =	por !p2, p0  }
0x20: {  	[sflag:s8] =	ssyncset.s32 @!p0 $0xFFFFF086;
	s6 =	sadd.s32 @!p0 s3, s7;
	s7 =	simm.s32 @!p0 $0x108  }
0x21: {  	s3 =	sadd.s32 s3, s9;
	s6 =	sadd.s32 @!p0 $0x88, s6;
	s7 =	simm.s32 @p2 $0x1082  }
0x22: {  	[simem:s7], [sflag:s8] =	dma.local @!p0 [hbm:s6], $0xF7A  }
0x23: {  	s9 =	sor.u32 $0xD0000000, s2;
	s6 =	simm.s32 $0x108;
	_ =	swait.ge @!p0 [sflag:s8], $0x0  }
0x24: {  	s3 =	sadd.s32 $0x88, s3;
	s6 =	simm.s32 @!p1 $0x1082;
	[sflag:s4] =	ssyncset.s32 $0xFFFFF086  }
0x25: {  	[simem:s6], [sflag:s4] =	dma.local [hbm:s3], $0xF7A  }
0x26: {  	[smem:$0x3F9F] =	sst s1;
	(tag) =	ssettag s2;
	_ =	strace s9  }
0x27: {  	s1 =	sld [smem:$0x3FAF]  }
0x28: {  	s2 =	sld [smem:$0x3FB0]  }
0x29: {  	s4 =	sld [smem:$0x3FB2]  }
0x2a: {  	p0 =	seq.s32 s5, $0x0;
	s5 =	sld [smem:$0x3FB3]  }
0x2b: {  	s6 =	sld [smem:$0x3FB4]  }
0x2c: {  	s7 =	sld [smem:$0x3FB5]  }
0x2d: {  	s3 =	simm.s32 $0x108;
	s8 =	sld [smem:$0x3FB6]  }
0x2e: {  	s3 =	simm.s32 @!p0 $0x1082;
	s9 =	sld [smem:$0x3FB7]  }
0x2f: {  	lr =	sadd.s32 s0, s3;
	s0 =	sld [smem:$0x3FAE]  }
0x30: {  	s3 =	sld [smem:$0x3FB1]  }
0x31: {  	[smem:$0x3FBA] =	sst s10  }
0x32: {  	s10 =	sld [smem:$0x3FB8];
	_ =	sdelay $0x3  }
0x33: {  	p0 =	seq.s32 s10, $0x1;
	s10 =	sld [smem:$0x3FBA];
	_ =	sdelay $0x3  }
0x34: {  	[smem:$0x3FBA] =	sst s10  }
0x35: {  	s10 =	sld [smem:$0x3FB9];
	_ =	sdelay $0x3  }
0x36: {  	p1 =	seq.s32 s10, $0x1;
	s10 =	sld [smem:$0x3FBA];
	_ =	sdelay $0x3  }
0x37: {  	[smem:$0x3FBA] =	sst s10  }
0x38: {  	s10 =	sld [smem:$0x3FBB]  }
0x39: {  	_ = 	snop;
	(pc) =	sbr.ind lr, $3  }
0x3a: {  	_ = 	snop  }
0x3b: {  	_ = 	snop  }
0x3c: {  	p2 =	seq.s32 s10, $0x1;
	s10 =	sld [smem:$0x3FBA]  }
0x3d: {  	_ =	shalt  }
0x3e: {  	_ =	shalt  }
0x3f: {  	_ =	shalt  }
0x40: {  	_ =	shalt  }
0x41: {  	_ =	shalt  }
0x42: {  	_ =	shalt  }
0x43: {  	_ =	shalt  }
0x44: {  	_ =	shalt  }
0x45: {  	_ =	shalt  }
0x46: {  	_ =	shalt  }
0x47: {  	_ =	shalt  }
0x48: {  	_ =	shalt  }
0x49: {  	_ =	shalt  }
0x4a: {  	_ =	shalt  }
0x4b: {  	_ =	shalt  }
0x4c: {  	_ =	shalt  }
0x4d: {  	_ =	shalt  }
0x4e: {  	_ =	shalt  }
0x4f: {  	_ =	shalt  }
0x50: {  	_ =	shalt  }
0x51: {  	_ =	shalt  }
0x52: {  	_ =	shalt  }
0x53: {  	_ =	shalt  }
0x54: {  	_ =	shalt  }
0x55: {  	_ =	shalt  }
0x56: {  	_ =	shalt  }
0x57: {  	_ =	shalt  }
0x58: {  	_ =	shalt  }
0x59: {  	_ =	shalt  }
0x5a: {  	_ =	shalt  }
0x5b: {  	_ =	shalt  }
0x5c: {  	_ =	shalt  }
0x5d: {  	_ =	shalt  }
0x5e: {  	_ =	shalt  }
0x5f: {  	_ =	shalt  }
0x60: {  	_ =	shalt  }
0x61: {  	_ =	shalt  }
0x62: {  	_ =	shalt  }
0x63: {  	_ =	shalt  }
0x64: {  	_ =	shalt  }
0x65: {  	_ =	shalt  }
0x66: {  	_ =	shalt  }
0x67: {  	_ =	shalt  }
0x68: {  	_ =	shalt  }
0x69: {  	_ =	shalt  }
0x6a: {  	_ =	shalt  }
0x6b: {  	_ =	shalt  }
0x6c: {  	_ =	shalt  }
0x6d: {  	_ =	shalt  }
0x6e: {  	_ =	shalt  }
0x6f: {  	_ =	shalt  }
0x70: {  	_ =	shalt  }
0x71: {  	_ =	shalt  }
0x72: {  	_ =	shalt  }
0x73: {  	_ =	shalt  }
0x74: {  	_ =	shalt  }
0x75: {  	_ =	shalt  }
0x76: {  	_ =	shalt  }
0x77: {  	_ =	shalt  }
0x78: {  	_ =	shalt  }
0x79: {  	_ =	shalt  }
0x7a: {  	_ =	shalt  }
0x7b: {  	_ =	shalt  }
0x7c: {  	_ =	shalt  }
0x7d: {  	_ =	shalt  }
0x7e: {  	_ =	shalt  }
0x7f: {  	_ =	shalt  }
0x80: {  	_ =	shalt  }
0x81: {  	_ =	shalt  }
0x82: {  	_ =	shalt  }
0x83: {  	_ =	shalt  }
0x84: {  	_ =	shalt  }
0x85: {  	_ =	shalt  }
0x86: {  	_ =	shalt  }
0x87: {  	_ =	shalt  }
.Lfunc_end0:
.L_simem_size_0:
called_computation.2_lowered:
.L_overlay_start_0:
0x88: {  	s2 =	sld [smem:$0x3FD9]  }
0x89: {  	s3 =	sld [smem:$0x3FFE];
	_ =	sdelay $0x1  }
0x8a: {  	s1 =	srdreg.scid  }
0x8b: {  	s0 =	sand.u32 $0x1, s1  }
0x8c: {  	s14 =	sshll.u32 s0, $0xA;
	s2 =	sadd.s32 s3, s2  }
0x8d: {  	s2 =	sadd.s32 s2, s14  }
0x8e: {  	[smem:$0x3FC6] =	sst s2  }
0x8f: {  	_ = 	snop  }
0x90: {  	s2 =	sld [smem:$0x3FD0];
	_ =	sdelay $0x2  }
0x91: {  	s15 =	simm.s32 $0xB;
	s4 =	simm.s32 $0x10  }
0x92: {  	[smem:s4], [sflag:s15] =	dma.local [hbm:s2], $0x1  }
0x93: {  	_ =	swait.eq [sflag:s15], $0x1  }
0x94: {  	[sflag:s15] =	ssyncset.done $0x0  }
0x95: {  	[sflag:s15] =	ssyncadd.s32 $0xFFFFFFFF  }
0x96: {  	s16 =	sld [smem:$0x12];
	(tm) =	ssettm $0x1  }
0x97: {  	s17 =	sld [smem:$0x3FFB];
	_ =	sdelay $0x3  }
0x98: {  	_ =	strace s17  }
0x99: {  	s3 =	sld [smem:$0x3FFC];
	_ =	sdelay $0x3  }
0x9a: {  	_ =	strace s3  }
0x9b: {  	s3 =	sld [smem:$0x3FFD];
	_ =	sdelay $0x3  }
0x9c: {  	_ =	strace s3  }
0x9d: {  	_ =	strace $0x8FFFFFFF  }
0x9e: {  	s18 =	sld [smem:$0x3FDB];
	_ =	sdelay $0x1  }
0x9f: {  	s19 =	simm.s32 $_scs_section_size  }
0xa0: {  	s5 =	simm.s32 $_size__tile_overlayer_lowered;
	s6 =	simm.s32 $_tile_overlayer_lowered  }
0xa1: {  	s22 =	simm.s32 $0x1BFF;
	s21 =	sshll.u32 s6, $0x1;
	s3 =	sadd.s32 s19, s18  }
0xa2: {  	s7 =	simm.s32 $0x0;
	s20 =	sshll.u32 s5, $0x1;
	s5 =	sadd.s32 s21, s3  }
0xa3: {  	[timem:s7], [sflag:s22] =	dma.local [hbm:s5], s20  }
0xa4: {  	_ =	swait.ge [sflag:s22], s20  }
0xa5: {  	s4 =	ssub.s32 $0x0, s20;
	[sflag:s22] =	ssyncset.done $0x0  }
0xa6: {  	[sflag:s22] =	ssyncadd.s32 s4;
	_ =	sdelay $0x1  }
0xa7: {  	s23 =	simm.s32 $0x1B8B  }
0xa8: {  	_ =	swait.ge [sflag:s23], $0x1  }
0xa9: {  	[sflag:s23] =	ssyncset.done $0x0  }
0xaa: {  	s25 =	simm.s32 $0x1B8E;
	s24 =	sld [smem:$0x3FFE];
	[sflag:s23] =	ssyncadd.s32 $0xFFFFFFFF  }
0xab: {  	s26 =	simm.s32 $execute0_lowered;
	[smem:$0x3FD2] =	sst s25  }
0xac: {  	s5 =	sshll.u32 s26, $0x1;
	_ =	strace $0x80000049;
	[dreg:$0x1] =	wrdreg $0xFFFFFFFF  }
0xad: {  	s28 =	simm.s32 $_size_execute0_lowered;
	s3 =	sadd.s32 s3, s5;
	[dreg:$0x0] =	wrdreg $0x0  }
0xae: {  	s5 =	sshll.u32 s28, $0x1;
	[dreg:$0x2] =	wrdreg s3  }
0xaf: {  	[dreg:$0x3] =	wrdreg s5  }
0xb0: {  	[dreg:$0x4] =	wrdreg $0xC0  }
0xb1: {  	_ =	task [dreg:s7], $0x5FFFF  }
0xb2: {  	[dreg:$0x1] =	wrdreg $0xFFFFFFFF  }
0xb3: {  	[dreg:$0x0] =	wrdreg $0x60  }
0xb4: {  	[dreg:$0x2] =	wrdreg s24  }
0xb5: {  	[dreg:$0x3] =	wrdreg s16  }
0xb6: {  	[dreg:$0x4] =	wrdreg $0x9  }
0xb7: {  	_ =	task.clear_ibuf [dreg:s7], $0x5FFFF;
	_ =	strace $0x90000049  }
0xb8: {  	s29 =	simm.s32 $0x9;
	_ =	strace $0x8000004B  }
0xb9: {  	_ =	swait.ge [sflag:s29], $0x1  }
0xba: {  	[sflag:s29] =	ssyncadd.s32 $0xFFFFFFFF  }
0xbb: {  	_ =	strace $0x9000004B  }
0xbc: {  	_ =	sfence  }
0xbd: {  	s30 =	sld [smem:$0x0];
	_ =	sdelay $0x2  }
0xbe: {  	s31 =	sshll.u32 s1, $0xD;
	s1 =	sshrl.u32 s1, $0x2  }
0xbf: {  	s3 =	sand.u32 $0x4000, s31;
	s1 =	sadd.s32 s1, s30  }
0xc0: {  	s0 =	sor.u32 s3, s0;
	s1 =	sshll.u32 s1, $0x11  }
0xc1: {  	s0 =	sor.u32 s1, s0  }
0xc2: {  	s0 =	sadd.s32 $0x8F2B, s0  }
0xc3: {  	[sflag:s0] =	ssyncadd.remote.s32 $0x1  }
0xc4: {  	_ =	sfence.sel $0xFFFF  }
0xc5: {  	[dreg:$0x0] =	wrdreg $0xFFFFFFFF;
	(pc) =	sbr.abs _section_cstart, $3  }
0xc6: {  	[dreg:$0x1] =	wrdreg $0xFFFFFFFF  }
0xc7: {  	_ =	task.clear_ibuf [dreg:s7], $0x2FFFF;
	_ =	strace $0x9FFFFFFF  }
0xc8: {  	(tm) =	ssettm $0x7FFFFFFF  }
0xc9: {  	_ =	shalt  }
tec
execute0_lowered:
.L_overlay_start_1:
0x0: {  	(tag) =	ssettag $0x1  }
0x1: {  	s0 =	srdreg.scid  }
0x2: {  	s1 =	sshll.u32 s0, $0x4  }
0x3: {  	s0 =	stileid.u32;
	s1 =	sand.u32 $0x10, s1  }
0x4: {  	s2 =	sor.u32 s0, s1  }
0x5: {  	s1 =	smul.u32 $0x7, s2  }
0x6: {  	s3 =	smin.u32 s2, $0x1A  }
0x7: {  	s1 =	sadd.s32 s3, s1  }
0x8: {  	p0 =	slt.u32 s2, $0x1A;
	s2 =	simm.s32 $0xC80;
	s1 =	smul.u32 $0x190, s1  }
0x9: {  	s2 =	simm.s32 @!p0 $0xAF0  }
0xa: {  	s2 =	sadd.s32 s2, s1  }
0xb: {  	s3 =	smin.u32 s2, $0x186A0  }
0xc: {  	s7 =	ssub.s32 s3, s1  }
0xd: {  	p0 =	sgt.s32 s7, $0x0  }
0xe: {  	s7 =	simm.s32 @!p0 $0x0  }
0xf: {  	s9 =	rddreg [dreg:$0x0];
	s31 =	smulhi.u32 $0x51EB851F, s7  }
0x10: {  	s4 =	rddreg [dreg:$0x1];
	s6 =	simm.s32 $0x1  }
0x11: {  	s11 =	simm.s32 $0x3;
	s13 =	simm.s32 $0x0;
	s8 =	sshrl.u32 s31, $0x7  }
0x12: {  	s12 =	simm.s32 $0x0;
	s5 =	sadd.s32 $0x12E00, s9;
	s10 =	smul.u32 $0x190, s8  }
.Ltmp0:
0x13: {  	s9 =	sadd.s32 $0x199800, s9;
	s2 =	rddreg [dreg:$0x2];
	(pc) =	sbr.rel .LBB2_1-.Ltmp0, $4  }
0x14: {  	_ =	strace $0x8000004A;
	p0 =	sne.s32 s7, s10;
	s10 =	simm.s32 $0x1  }
0x15: {  	[sflag:s6] =	ssyncpa.u1 $0x0;
	s7 =	simm.s32 $0x2;
	s10 =	simm.s32 @!p0 $0x0  }
0x16: {  	[sflag:s7] =	ssyncpa.u1 $0x0;
	p0 =	por $0x0, $0x0;
	s8 =	sadd.s32 s10, s8  }
0x17: {  	vm0 =	vmmov $0xff;
	vm1 =	vcmask $0x3F20;
	[sflag:s11] =	ssyncpa.u1 $0x0;
	s11 =	smov.u32 s1;
	s10 =	sadd.s32 $0x1, s8  }
.LBB2_6:
0x18: {  	[hbm:s17] =	stream.linear.scatter [tilespmem:s14], [sflag:$0x3], $0x400, $0x38;
	[tilespmem:$0x19320] =	vst v63  }
.LBB2_7:
0x19: {  	s13 =	sadd.s32 $0x190, s11  }
0x1a: {  	s15 =	smov.u32 s1;
	p2 =	slt.s32 s13, s3  }
0x1b: {  	s15 =	smov.u32 @p2 s13;
	p2 =	sne.s32 s12, s10  }
.Ltmp1:
0x1c: {  	p1 =	slt.u32 s12, $0x2;
	(pc) =	sbr.rel @!p2 .LBB2_8-.Ltmp1, $4  }
0x1d: {  	s14 =	simm.s32 @!p1 $0x3  }
0x1e: {  	s16 =	sadd.s32 $0x1, s12;
	_ =	swait.ge @!p1 [sflag:s14], $0xC800  }
0x1f: {  	p0 =	por !p0, !p0;
	s13 =	smov.u32 s11;
	[sflag:s14] =	ssyncset.done @!p1 $0x0  }
0x20: {  	s12 =	smov.u32 s16;
	s11 =	smov.u32 s15;
	[sflag:s14] =	ssyncadd.s32 @!p1 $0xFFFF3800  }
.LBB2_1:
0x21: {  	p1 =	sge.u32 s12, s8  }
0x22: {  	s14 =	sxor.u32 @!p1 $0xFFFFFFFF, s12  }
0x23: {  	s14 =	sand.u32 @!p1 $0x1, s14  }
0x24: {  	s14 =	smul.u32 @!p1 $0x640, s14  }
0x25: {  	s31 =	sadd.s32 $0xFFFFFFFF, s12;
	s15 =	sshrl.u32 @!p1 s11, $0x3  }
0x26: {  	s16 =	sand.u32 @!p1 $0x7, s11;
	s15 =	sadd.s32 @!p1 s4, s15;
	s14 =	sshrl.u32 @!p1 s14, $0x2  }
0x27: {  	[tilespmem:s14], [sflag:$0x2] =	stream.linear.gather @!p1 [hbm4b:s15+s16], $0x190, $0x38;
	[tilespmem:$0x19320] =	vst v63  }
0x28: {  	p1 =	sge.u32 s31, s8  }
.Ltmp2:
0x29: {  	_ = 	snop;
	(pc) =	sbr.rel @p1 .LBB2_7-.Ltmp2, $1  }
0x2a: {  	_ =	sdelay $0x3  }
0x2b: {  	s14 =	simm.s32 $0x1  }
0x2c: {  	s14 =	simm.s32 @!p0 $0x0  }
0x2d: {  	s15 =	smul.u32 $0x640, s14  }
0x2e: {  	_ =	swait.ge [sflag:s7], $0x190  }
0x2f: {  	[sflag:s7] =	ssyncset.done $0x0;
	s16 =	sshrl.u32 s15, $0x2  }
0x30: {  	[sflag:s7] =	ssyncadd.s32 $0xFFFFFE70;
	s15 =	sadd.s32 $0x0, s16  }
0x31: {  	v0 =	vld.msk [tilespmem:s15+$0x0 ss:$0x1], $0xffff;
	_ =	sdelay $0x4  }
0x32: {  	v1 =	vand.u32 $0x1F, v0;
	v2 =	vshll.u32 v0, $0x2  }
0x33: {  	vm2 =	veq.s32 v0, $0x80000000;
	v0 =	vmul.u32 $0x9C400, v1;
	v1 =	vand.u32 $0xFFF80, v2  }
0x34: {  	v1 =	vsel vm2, $0xFFFFFF80, v1  }
0x35: {  	v0 =	vsel vm2, $0xFFF63C00, v0;
	v2 =	vand.u32 $0xFFFFFC00, v1  }
0x36: {  	v1 =	vand.u32 $0x380, v1;
	v0 =	vadd.s32 v0, v2  }
0x37: {  	v0 =	vor.u32 v1, v0  }
0x38: {  	v0 =	vshrl.u32 v0, $0x3  }
0x39: {  	s14 =	smul.u32 $0x32000, s14;
	_ =	sdelay $0x1  }
0x3a: {  	s14 =	sshrl.u32 s14, $0x2  }
0x3b: {  	s14 =	sor.u32 $0x320, s14  }
0x3c: {  	[tilespmem:s14], [sflag:$0x1] =	stream.indirect_vreg.gather [hbm:s5], $0x80, v0, vm0, $0x38;
	[tilespmem:$0x19320] =	vst v63  }
0x3d: {  	s17 =	sadd.s32 $0x10, s16;
	s15 =	sadd.s32 $0x400, s14  }
0x3e: {  	[tilespmem:s15], [sflag:$0x1] =	stream.indirect_vreg.gather [hbm:s5], $0x80, v0, vm1, $0x38;
	[tilespmem:$0x19320] =	vst v63  }
0x3f: {  	s18 =	simm.s32 $0x80;
	v0 =	vld.msk [tilespmem:s17+$0x0 ss:$0x1], $0xffff;
	s17 =	smov.u32 s14  }
.LBB2_3:
0x40: {  	p1 =	sne.s32 s18, $0x600;
	_ =	sdelay $0x4  }
0x41: {  	v1 =	vand.u32 $0x1F, v0;
	v2 =	vshll.u32 v0, $0x2  }
0x42: {  	vm2 =	veq.s32 v0, $0x80000000;
	v0 =	vmul.u32 $0x9C400, v1;
	v1 =	vand.u32 $0xFFF80, v2  }
0x43: {  	v1 =	vsel vm2, $0xFFFFFF80, v1  }
0x44: {  	v0 =	vsel vm2, $0xFFF63C00, v0;
	v2 =	vand.u32 $0xFFFFFC00, v1  }
0x45: {  	v1 =	vand.u32 $0x380, v1;
	v0 =	vadd.s32 v0, v2  }
0x46: {  	v0 =	vor.u32 v1, v0  }
0x47: {  	v0 =	vshrl.u32 v0, $0x3;
	_ =	sdelay $0x3  }
.Ltmp3:
0x48: {  	s19 =	sshra.s32 s18, $0x2;
	s17 =	sadd.s32 $0x800, s17;
	(pc) =	sbr.rel @p1 .LBB2_3-.Ltmp3, $4  }
0x49: {  	[tilespmem:s17], [sflag:$0x1] =	stream.indirect_vreg.gather [hbm:s5], $0x80, v0, vm0, $0x38;
	[tilespmem:$0x19320] =	vst v63  }
0x4a: {  	s19 =	sadd.s32 s19, s16;
	s20 =	sadd.s32 $0x400, s17  }
0x4b: {  	[tilespmem:s20], [sflag:$0x1] =	stream.indirect_vreg.gather [hbm:s5], $0x80, v0, vm1, $0x38;
	[tilespmem:$0x19320] =	vst v63  }
0x4c: {  	s18 =	sadd.s32 $0x40, s18;
	v0 =	vld.msk [tilespmem:s19+$0x0 ss:$0x1], $0xffff  }
0x4d: {  	_ =	sdelay $0x3  }
0x4e: {  	v1 =	vand.u32 $0x1F, v0;
	v2 =	vshll.u32 v0, $0x2  }
0x4f: {  	vm2 =	veq.s32 v0, $0x80000000;
	v61 =	vmul.u32 $0x9C400, v1;
	v62 =	vand.u32 $0xFFF80, v2  }
0x50: {  	v1 =	vsel vm2, $0xFFFFFF80, v62  }
0x51: {  	v0 =	vsel vm2, $0xFFF63C00, v61;
	v63 =	vand.u32 $0xFFFFFC00, v1  }
0x52: {  	v1 =	vand.u32 $0x380, v1;
	v0 =	vadd.s32 v0, v63  }
0x53: {  	v0 =	vor.u32 v1, v0  }
0x54: {  	v0 =	vshrl.u32 v0, $0x3;
	_ =	sdelay $0x3  }
0x55: {  	s16 =	sadd.s32 $0x800, s17  }
0x56: {  	[tilespmem:s16], [sflag:$0x1] =	stream.indirect_vreg.gather [hbm:s5], $0x80, v0, vm0, $0x38;
	[tilespmem:$0x19320] =	vst v63  }
0x57: {  	s16 =	sadd.s32 $0x400, s16  }
0x58: {  	[tilespmem:s16], [sflag:$0x1] =	stream.indirect_vreg.gather [hbm:s5], $0x80, v0, vm1, $0x38;
	[tilespmem:$0x19320] =	vst v63  }
0x59: {  	s13 =	sshll.u32 s13, $0x4;
	_ =	swait.ge [sflag:s6], $0xC800  }
0x5a: {  	s13 =	sadd.s32 s13, s9;
	[sflag:s6] =	ssyncset.done $0x0  }
0x5b: {  	s17 =	sadd.s32 $0x0, s13;
	s16 =	simm.s32 $0x80;
	[sflag:s6] =	ssyncadd.s32 $0xFFFF3800  }
.LBB2_5:
0x5c: {  	[hbm:s17] =	stream.linear.scatter [tilespmem:s14], [sflag:$0x3], $0x400, $0x38;
	[tilespmem:$0x19320] =	vst v63  }
0x5d: {  	s17 =	smov.u32 s16;
	s14 =	smov.u32 s15;
	p1 =	sne.s32 s16, $0x1880  }
.Ltmp4:
0x5e: {  	s16 =	sadd.s32 $0x80, s16;
	(pc) =	sbr.rel @p1 .LBB2_5-.Ltmp4, $2  }
0x5f: {  	_ =	sdelay $0x2  }
0x60: {  	s15 =	sadd.s32 $0x400, s15;
	s17 =	sadd.s32 s17, s13  }
.Ltmp5:
0x61: {  	_ = 	snop;
	(pc) =	sbr.rel .LBB2_6-.Ltmp5, $1  }
0x62: {  	_ =	sdelay $0x3  }
.LBB2_8:
0x63: {  	_ =	sfence.sel $0x180000  }
0x64: {  	s1 =	simm.s32 $0x2;
	[bflag:$0x0] =	sbarrier.arrive $0xFFFF  }
0x65: {  	s30 =	simm.s32 $0x3;
	[sflag:s1] =	ssyncpa.u1 $0x1  }
0x66: {  	s31 =	simm.s32 $0x1;
	[sflag:s30] =	ssyncpa.u1 $0x1  }
0x67: {  	[sflag:s31] =	ssyncpa.u1 $0x1  }
0x68: {  	p0 =	sne.s32 s0, $0x0;
	_ =	strace $0x9000004A  }
0x69: {  	s0 =	sadd.s32 @!p0 $0x100000, s2;
	[bflag:$0x2] =	sbarrier.arrive $0xFFFF  }
0x6a: {  	[sflag:s0] =	ssyncadd.tile.s32 @!p0 $0x1;
	_ =	shalt  }
.Lfunc_end2:
_tile_overlayer_lowered:
.L_overlay_start_2:
0x6b: {  	(tag) =	ssettag $0x2  }
0x6c: {  	s0 =	rddreg [dreg:$0x0];
	s2 =	stileid.u32  }
0x6d: {  	s1 =	rddreg [dreg:$0x1];
	p0 =	sne.s32 s2, $0x0  }
0x6e: {  	s3 =	rddreg [dreg:$0x2];
	[bflag:$0x3] =	sbarrier.arrive $0xFFFF;
	s2 =	simm.s32 @!p0 $0x1C01  }
0x6f: {  	[timem:s3], [sflag:s2] =	dma.local @!p0 [hbm:s0], s1  }
0x70: {  	s0 =	simm.s32 @!p0 $0x1  }
0x71: {  	_ =	swait.ge @!p0 [sflag:s0], s1  }
0x72: {  	s1 =	ssub.s32 @!p0 $0x0, s1;
	[sflag:s0] =	ssyncset.done @!p0 $0x0  }
0x73: {  	[sflag:s0] =	ssyncadd.s32 @!p0 s1  }
0x74: {  	[bflag:$0x3] =	sbarrier.arrive $0xFFFF  }
0x75: {  	_ =	shalt  }

// kernel: gather_offload_async_start.3
scs
__scs_entry_jumppad:
0x0: {  	(pc) =	sbr.rel $0x88, $3  }
0x1: {  	(tag) =	ssettag $0x0;
	lr =	simm.s32 $0x1  }
0x2: {  	[smem:$0x3F9F] =	sst lr;
	_ =	strace $0xD0000000  }
0x3: {  	_ = 	snop  }
0x4: {  	_ = 	snop  }
0x5: {  	_ = 	snop  }
0x6: {  	_ = 	snop  }
0x7: {  	_ = 	snop  }
__scs_overlays_trampoline_lowered:
0x8: {  	[smem:$0x3FAE] =	sst s0  }
0x9: {  	[smem:$0x3FAF] =	sst s1  }
0xa: {  	[smem:$0x3FB0] =	sst s2  }
0xb: {  	[smem:$0x3FB1] =	sst s3  }
0xc: {  	[smem:$0x3FB2] =	sst s4  }
0xd: {  	[smem:$0x3FB3] =	sst s5  }
0xe: {  	[smem:$0x3FB4] =	sst s6  }
0xf: {  	[smem:$0x3FB5] =	sst s7  }
0x10: {  	[smem:$0x3FB6] =	sst s8  }
0x11: {  	[smem:$0x3FB7] =	sst s9;
	s0 =	simm.s32 @!p0 $0x0  }
0x12: {  	s1 =	sld [smem:$0x3F9D];
	s0 =	simm.s32 @p0 $0x1  }
0x13: {  	[smem:$0x3FB8] =	sst s0;
	s0 =	simm.s32 @!p1 $0x0  }
0x14: {  	s2 =	sld [smem:$0x3F9C];
	s0 =	simm.s32 @p1 $0x1  }
0x15: {  	[smem:$0x3FB9] =	sst s0;
	s0 =	simm.s32 @!p2 $0x0  }
0x16: {  	s3 =	sld [smem:$0x3FDB];
	s0 =	simm.s32 @p2 $0x1  }
0x17: {  	s4 =	simm.s32 $0x1BF5;
	[smem:$0x3FBB] =	sst s0  }
0x18: {  	s0 =	sld [smem:$0x3F9E];
	_ =	swait.ge [sflag:s4], $0x0  }
0x19: {  	s7 =	sld [smem:$0x3F9F]  }
0x1a: {  	s8 =	sadd.s32 $0xFFFFE003, lr  }
0x1b: {  	s9 =	sadd.s32 $0xFFFFFEF7, lr;
	s5 =	simm.s32 $0xFFFFFFFF;
	p2 =	slt.u32 s8, $0xFFFFF086  }
0x1c: {  	p1 =	slt.u32 s9, $0xF7A;
	s5 =	simm.s32 @!p2 $0x0  }
0x1d: {  	s5 =	simm.s32 @p1 $0x1;
	p0 =	seq.s32 s7, s2  }
0x1e: {  	s7 =	smul.u32 @!p0 $0xF7A, s2;
	p2 =	seq.s32 @!p0 s5, $0x0  }
0x1f: {  	s9 =	smul.u32 $0xF7A, s1;
	s8 =	simm.s32 @!p0 $0x1BF5;
	p2 =	por !p2, p0  }
0x20: {  	[sflag:s8] =	ssyncset.s32 @!p0 $0xFFFFF086;
	s6 =	sadd.s32 @!p0 s3, s7;
	s7 =	simm.s32 @!p0 $0x108  }
0x21: {  	s3 =	sadd.s32 s3, s9;
	s6 =	sadd.s32 @!p0 $0x88, s6;
	s7 =	simm.s32 @p2 $0x1082  }
0x22: {  	[simem:s7], [sflag:s8] =	dma.local @!p0 [hbm:s6], $0xF7A  }
0x23: {  	s9 =	sor.u32 $0xD0000000, s2;
	s6 =	simm.s32 $0x108;
	_ =	swait.ge @!p0 [sflag:s8], $0x0  }
0x24: {  	s3 =	sadd.s32 $0x88, s3;
	s6 =	simm.s32 @!p1 $0x1082;
	[sflag:s4] =	ssyncset.s32 $0xFFFFF086  }
0x25: {  	[simem:s6], [sflag:s4] =	dma.local [hbm:s3], $0xF7A  }
0x26: {  	[smem:$0x3F9F] =	sst s1;
	(tag) =	ssettag s2;
	_ =	strace s9  }
0x27: {  	s1 =	sld [smem:$0x3FAF]  }
0x28: {  	s2 =	sld [smem:$0x3FB0]  }
0x29: {  	s4 =	sld [smem:$0x3FB2]  }
0x2a: {  	p0 =	seq.s32 s5, $0x0;
	s5 =	sld [smem:$0x3FB3]  }
0x2b: {  	s6 =	sld [smem:$0x3FB4]  }
0x2c: {  	s7 =	sld [smem:$0x3FB5]  }
0x2d: {  	s3 =	simm.s32 $0x108;
	s8 =	sld [smem:$0x3FB6]  }
0x2e: {  	s3 =	simm.s32 @!p0 $0x1082;
	s9 =	sld [smem:$0x3FB7]  }
0x2f: {  	lr =	sadd.s32 s0, s3;
	s0 =	sld [smem:$0x3FAE]  }
0x30: {  	s3 =	sld [smem:$0x3FB1]  }
0x31: {  	[smem:$0x3FBA] =	sst s10  }
0x32: {  	s10 =	sld [smem:$0x3FB8];
	_ =	sdelay $0x3  }
0x33: {  	p0 =	seq.s32 s10, $0x1;
	s10 =	sld [smem:$0x3FBA];
	_ =	sdelay $0x3  }
0x34: {  	[smem:$0x3FBA] =	sst s10  }
0x35: {  	s10 =	sld [smem:$0x3FB9];
	_ =	sdelay $0x3  }
0x36: {  	p1 =	seq.s32 s10, $0x1;
	s10 =	sld [smem:$0x3FBA];
	_ =	sdelay $0x3  }
0x37: {  	[smem:$0x3FBA] =	sst s10  }
0x38: {  	s10 =	sld [smem:$0x3FBB]  }
0x39: {  	_ = 	snop;
	(pc) =	sbr.ind lr, $3  }
0x3a: {  	_ = 	snop  }
0x3b: {  	_ = 	snop  }
0x3c: {  	p2 =	seq.s32 s10, $0x1;
	s10 =	sld [smem:$0x3FBA]  }
0x3d: {  	_ =	shalt  }
0x3e: {  	_ =	shalt  }
0x3f: {  	_ =	shalt  }
0x40: {  	_ =	shalt  }
0x41: {  	_ =	shalt  }
0x42: {  	_ =	shalt  }
0x43: {  	_ =	shalt  }
0x44: {  	_ =	shalt  }
0x45: {  	_ =	shalt  }
0x46: {  	_ =	shalt  }
0x47: {  	_ =	shalt  }
0x48: {  	_ =	shalt  }
0x49: {  	_ =	shalt  }
0x4a: {  	_ =	shalt  }
0x4b: {  	_ =	shalt  }
0x4c: {  	_ =	shalt  }
0x4d: {  	_ =	shalt  }
0x4e: {  	_ =	shalt  }
0x4f: {  	_ =	shalt  }
0x50: {  	_ =	shalt  }
0x51: {  	_ =	shalt  }
0x52: {  	_ =	shalt  }
0x53: {  	_ =	shalt  }
0x54: {  	_ =	shalt  }
0x55: {  	_ =	shalt  }
0x56: {  	_ =	shalt  }
0x57: {  	_ =	shalt  }
0x58: {  	_ =	shalt  }
0x59: {  	_ =	shalt  }
0x5a: {  	_ =	shalt  }
0x5b: {  	_ =	shalt  }
0x5c: {  	_ =	shalt  }
0x5d: {  	_ =	shalt  }
0x5e: {  	_ =	shalt  }
0x5f: {  	_ =	shalt  }
0x60: {  	_ =	shalt  }
0x61: {  	_ =	shalt  }
0x62: {  	_ =	shalt  }
0x63: {  	_ =	shalt  }
0x64: {  	_ =	shalt  }
0x65: {  	_ =	shalt  }
0x66: {  	_ =	shalt  }
0x67: {  	_ =	shalt  }
0x68: {  	_ =	shalt  }
0x69: {  	_ =	shalt  }
0x6a: {  	_ =	shalt  }
0x6b: {  	_ =	shalt  }
0x6c: {  	_ =	shalt  }
0x6d: {  	_ =	shalt  }
0x6e: {  	_ =	shalt  }
0x6f: {  	_ =	shalt  }
0x70: {  	_ =	shalt  }
0x71: {  	_ =	shalt  }
0x72: {  	_ =	shalt  }
0x73: {  	_ =	shalt  }
0x74: {  	_ =	shalt  }
0x75: {  	_ =	shalt  }
0x76: {  	_ =	shalt  }
0x77: {  	_ =	shalt  }
0x78: {  	_ =	shalt  }
0x79: {  	_ =	shalt  }
0x7a: {  	_ =	shalt  }
0x7b: {  	_ =	shalt  }
0x7c: {  	_ =	shalt  }
0x7d: {  	_ =	shalt  }
0x7e: {  	_ =	shalt  }
0x7f: {  	_ =	shalt  }
0x80: {  	_ =	shalt  }
0x81: {  	_ =	shalt  }
0x82: {  	_ =	shalt  }
0x83: {  	_ =	shalt  }
0x84: {  	_ =	shalt  }
0x85: {  	_ =	shalt  }
0x86: {  	_ =	shalt  }
0x87: {  	_ =	shalt  }
.Lfunc_end0:
.L_simem_size_0:
called_computation.3_lowered:
.L_overlay_start_0:
0x88: {  	s2 =	sld [smem:$0x3FD9]  }
0x89: {  	s3 =	sld [smem:$0x3FFE];
	_ =	sdelay $0x1  }
0x8a: {  	s1 =	srdreg.scid  }
0x8b: {  	s0 =	sand.u32 $0x1, s1  }
0x8c: {  	s14 =	sshll.u32 s0, $0xA;
	s2 =	sadd.s32 s3, s2  }
0x8d: {  	s2 =	sadd.s32 s2, s14  }
0x8e: {  	[smem:$0x3FC6] =	sst s2  }
0x8f: {  	_ = 	snop  }
0x90: {  	s2 =	sld [smem:$0x3FD0];
	_ =	sdelay $0x2  }
0x91: {  	s15 =	simm.s32 $0xB;
	s4 =	simm.s32 $0x10  }
0x92: {  	[smem:s4], [sflag:s15] =	dma.local [hbm:s2], $0x1  }
0x93: {  	_ =	swait.eq [sflag:s15], $0x1  }
0x94: {  	[sflag:s15] =	ssyncset.done $0x0  }
0x95: {  	s16 =	sld [smem:$0x11];
	[sflag:s15] =	ssyncadd.s32 $0xFFFFFFFF  }
0x96: {  	s17 =	sld [smem:$0x12];
	(tm) =	ssettm $0x1  }
0x97: {  	s18 =	sld [smem:$0x3FFB];
	_ =	sdelay $0x3  }
0x98: {  	_ =	strace s18  }
0x99: {  	s4 =	sld [smem:$0x3FFC];
	_ =	sdelay $0x3  }
0x9a: {  	_ =	strace s4  }
0x9b: {  	s4 =	sld [smem:$0x3FFD];
	_ =	sdelay $0x3  }
0x9c: {  	_ =	strace s4  }
0x9d: {  	_ =	strace $0x8FFFFFFF  }
0x9e: {  	s19 =	sld [smem:$0x3FDB];
	_ =	sdelay $0x1  }
0x9f: {  	s5 =	simm.s32 $_scs_section_size  }
0xa0: {  	s6 =	simm.s32 $_size__tile_overlayer_lowered;
	s7 =	simm.s32 $_tile_overlayer_lowered  }
0xa1: {  	s22 =	simm.s32 $0x1BFF;
	s21 =	sshll.u32 s7, $0x1;
	s4 =	sadd.s32 s5, s19  }
0xa2: {  	s8 =	simm.s32 $0x0;
	s20 =	sshll.u32 s6, $0x1;
	s6 =	sadd.s32 s21, s4  }
0xa3: {  	[timem:s8], [sflag:s22] =	dma.local [hbm:s6], s20  }
0xa4: {  	_ =	swait.ge [sflag:s22], s20  }
0xa5: {  	s5 =	ssub.s32 $0x0, s20;
	[sflag:s22] =	ssyncset.done $0x0  }
0xa6: {  	[sflag:s22] =	ssyncadd.s32 s5;
	_ =	sdelay $0x1  }
0xa7: {  	s23 =	simm.s32 $0x1B8B  }
0xa8: {  	_ =	swait.ge [sflag:s23], $0x1  }
0xa9: {  	[sflag:s23] =	ssyncset.done $0x0  }
0xaa: {  	s25 =	simm.s32 $0x1B8E;
	s24 =	sld [smem:$0x3FFE];
	[sflag:s23] =	ssyncadd.s32 $0xFFFFFFFF  }
0xab: {  	s26 =	simm.s32 $execute0_lowered;
	[smem:$0x3FD2] =	sst s25  }
0xac: {  	s6 =	sshll.u32 s26, $0x1;
	_ =	strace $0x80000046;
	[dreg:$0x1] =	wrdreg $0xFFFFFFFF  }
0xad: {  	s28 =	simm.s32 $_size_execute0_lowered;
	s4 =	sadd.s32 s4, s6;
	[dreg:$0x0] =	wrdreg $0x0  }
0xae: {  	s6 =	sshll.u32 s28, $0x1;
	[dreg:$0x2] =	wrdreg s4  }
0xaf: {  	[dreg:$0x3] =	wrdreg s6  }
0xb0: {  	[dreg:$0x4] =	wrdreg $0xC0  }
0xb1: {  	_ =	task [dreg:s8], $0x5FFFF  }
0xb2: {  	[dreg:$0x1] =	wrdreg $0xFFFFFFFF  }
0xb3: {  	[dreg:$0x0] =	wrdreg $0x60  }
0xb4: {  	[dreg:$0x2] =	wrdreg s24  }
0xb5: {  	[dreg:$0x3] =	wrdreg s17  }
0xb6: {  	[dreg:$0x4] =	wrdreg s16  }
0xb7: {  	[dreg:$0x5] =	wrdreg $0x9  }
0xb8: {  	_ =	task.clear_ibuf [dreg:s8], $0x6FFFF;
	_ =	strace $0x90000046  }
0xb9: {  	s29 =	simm.s32 $0x9;
	_ =	strace $0x80000048  }
0xba: {  	_ =	swait.ge [sflag:s29], $0x1  }
0xbb: {  	[sflag:s29] =	ssyncadd.s32 $0xFFFFFFFF  }
0xbc: {  	_ =	strace $0x90000048  }
0xbd: {  	_ =	sfence  }
0xbe: {  	s30 =	sld [smem:$0x0];
	_ =	sdelay $0x2  }
0xbf: {  	s31 =	sshll.u32 s1, $0xD;
	s1 =	sshrl.u32 s1, $0x2  }
0xc0: {  	s3 =	sand.u32 $0x4000, s31;
	s1 =	sadd.s32 s1, s30  }
0xc1: {  	s0 =	sor.u32 s3, s0;
	s1 =	sshll.u32 s1, $0x11  }
0xc2: {  	s0 =	sor.u32 s1, s0  }
0xc3: {  	s0 =	sadd.s32 $0x8F2B, s0  }
0xc4: {  	[sflag:s0] =	ssyncadd.remote.s32 $0x1  }
0xc5: {  	_ =	sfence.sel $0xFFFF  }
0xc6: {  	[dreg:$0x0] =	wrdreg $0xFFFFFFFF;
	(pc) =	sbr.abs _section_cstart, $3  }
0xc7: {  	[dreg:$0x1] =	wrdreg $0xFFFFFFFF  }
0xc8: {  	_ =	task.clear_ibuf [dreg:s8], $0x2FFFF;
	_ =	strace $0x9FFFFFFF  }
0xc9: {  	(tm) =	ssettm $0x7FFFFFFF  }
tec
execute0_lowered:
.L_overlay_start_1:
0x0: {  	(tag) =	ssettag $0x1  }
0x1: {  	s8 =	rddreg [dreg:$0x0]  }
0x2: {  	s2 =	rddreg [dreg:$0x1]  }
0x3: {  	s3 =	rddreg [dreg:$0x2];
	s1 =	stileid.u32  }
0x4: {  	s4 =	srdreg.scid;
	s0 =	rddreg [dreg:$0x3];
	_ =	strace $0x80000047  }
0x5: {  	s7 =	simm.s32 $0x1;
	s9 =	simm.s32 $0x1;
	s10 =	simm.s32 $0x3  }
0x6: {  	s13 =	simm.s32 $0x0;
	s5 =	sand.u32 $0x1, s4;
	s6 =	sshll.u32 s1, $0x1  }
0x7: {  	s12 =	simm.s32 $0x0;
	s4 =	simm.s32 $0x1;
	s5 =	sor.u32 s6, s5  }
.Ltmp0:
0x8: {  	[sflag:s4] =	ssyncpa.u1 $0x0;
	p0 =	slt.u32 s5, $0x13;
	(pc) =	sbr.rel .LBB2_1-.Ltmp0, $4  }
0x9: {  	s6 =	simm.s32 $0x2;
	s7 =	simm.s32 @!p0 $0x0;
	p0 =	sne.s32 s5, $0x12  }
0xa: {  	[sflag:s6] =	ssyncpa.u1 $0x0;
	s5 =	smul.u32 $0x7D0, s5;
	s9 =	simm.s32 @!p0 $0x0  }
0xb: {  	s8 =	sadd.s32 $0xB600, s8;
	[sflag:s10] =	ssyncpa.u1 $0x0;
	s7 =	sadd.s32 s9, s7  }
0xc: {  	vm0 =	vmmov $0xffff;
	s10 =	simm.s32 $0x0;
	s11 =	smov.u32 s5;
	s9 =	sadd.s32 $0x1, s7  }
.LBB2_4:
0xd: {  	vm1 =	veq.s32 v4, $0x80000000;
	v56 =	vand.u32 $0x1F, v4;
	v6 =	vand.u32 $0x1FFF, v6  }
0xe: {  	v2 =	vor.u32 v2, v5;
	v59 =	vshrl.u32 v1, $0x5;
	v60 =	vand.u32 $0x1F, v1  }
0xf: {  	v4 =	vsel vm1, $0xFFFFFFFF, v56;
	v6 =	vsel vm1, $0xFFFFFFFF, v6;
	v2 =	vor.u32 v3, v2  }
0x10: {  	vm1 =	veq.s32 v1, $0x80000000;
	v5 =	vand.u32 $0x1FFF, v59;
	v7 =	vshrl.u32 v4, $0x3  }
0x11: {  	v57 =	vshll.u32 v6, $0x3;
	v4 =	vshll.u32 v4, $0x7;
	v1 =	vsel vm1, $0xFFFFFFFF, v60  }
0x12: {  	v5 =	vsel vm1, $0xFFFFFFFF, v5;
	v6 =	vand.u32 $0x7F, v6;
	v7 =	vmul.u32 $0xA000, v7  }
0x13: {  	v58 =	vand.u32 $0xFFFFFC00, v57;
	v4 =	vand.u32 $0x380, v4;
	v61 =	vshrl.u32 v1, $0x3  }
0x14: {  	v62 =	vshll.u32 v5, $0x3;
	v3 =	vadd.s32 v7, v58;
	v7 =	vmul.u32 $0xA000, v61  }
0x15: {  	v1 =	vshll.u32 v1, $0x7;
	v3 =	vor.u32 v4, v3;
	v4 =	vand.u32 $0xFFFFFC00, v62  }
0x16: {  	v1 =	vand.u32 $0x380, v1;
	v3 =	vor.u32 v6, v3;
	v4 =	vadd.s32 v7, v4  }
0x17: {  	[tilespmem:s16], [sflag:$0x1] =	stream.indirect_vreg.gather [hbm4b:s8+s10], $0x1, v0, vm0, $0x4038;
	v63 =	vand.u32 $0x7F, v5;
	v1 =	vor.u32 v1, v4;
	[tilespmem:$0x1F40] =	vst v63  }
0x18: {  	s15 =	sadd.s32 $0x10, s15;
	(ifvalue) =	ssetifvalue $0x7FFFFFFF;
	v0 =	vor.u32 v63, v1  }
0x19: {  	[tilespmem:s15], [sflag:$0x1] =	stream.indirect_vreg.gather [hbm4b:s8+s10], $0x1, v2, vm0, $0x4038;
	[tilespmem:$0x1F40] =	vst v63  }
0x1a: {  	s15 =	sadd.s32 $0x10, s15;
	(ifvalue) =	ssetifvalue $0x7FFFFFFF  }
0x1b: {  	[tilespmem:s15], [sflag:$0x1] =	stream.indirect_vreg.gather [hbm4b:s8+s10], $0x1, v3, vm0, $0x4038;
	[tilespmem:$0x1F40] =	vst v63  }
0x1c: {  	s15 =	sadd.s32 $0x10, s15;
	(ifvalue) =	ssetifvalue $0x7FFFFFFF  }
0x1d: {  	[tilespmem:s15], [sflag:$0x1] =	stream.indirect_vreg.gather [hbm4b:s8+s10], $0x1, v0, vm0, $0x4038;
	[tilespmem:$0x1F40] =	vst v63  }
0x1e: {  	_ =	swait.ge [sflag:s4], $0x7D0  }
0x1f: {  	s30 =	sshrl.u32 s13, $0x3;
	[sflag:s4] =	ssyncset.done $0x0  }
0x20: {  	s31 =	sand.u32 $0x7, s13;
	s15 =	sadd.s32 s3, s30;
	[sflag:s4] =	ssyncadd.s32 $0xFFFFF830  }
0x21: {  	[hbm4b:s15+s31] =	stream.linear.scatter [tilespmem:s14], [sflag:$0x3], $0x7D0, $0x38;
	[tilespmem:$0x1F40] =	vst v63  }
.LBB2_5:
0x22: {  	s15 =	sadd.s32 $0xFA00, s11  }
0x23: {  	p1 =	sgt.s32 s15, $0x1869F  }
0x24: {  	s15 =	smov.u32 @p1 s5;
	p1 =	sne.s32 s12, s9  }
.Ltmp1:
0x25: {  	p0 =	slt.u32 s12, $0x2;
	(pc) =	sbr.rel @!p1 .LBB2_6-.Ltmp1, $4  }
0x26: {  	s14 =	simm.s32 @!p0 $0x3  }
0x27: {  	_ =	swait.ge @!p0 [sflag:s14], $0x7D0  }
0x28: {  	s16 =	sadd.s32 $0x1, s12;
	s13 =	smov.u32 s11;
	[sflag:s14] =	ssyncset.done @!p0 $0x0  }
0x29: {  	s12 =	smov.u32 s16;
	s11 =	smov.u32 s15;
	[sflag:s14] =	ssyncadd.s32 @!p0 $0xFFFFF830  }
.LBB2_1:
0x2a: {  	p0 =	sge.u32 s12, s7  }
0x2b: {  	s14 =	sxor.u32 @!p0 $0x1, s12  }
0x2c: {  	s14 =	smul.u32 @!p0 $0x1F40, s14  }
0x2d: {  	s31 =	sadd.s32 $0xFFFFFFFF, s12;
	s15 =	sshrl.u32 @!p0 s11, $0x3  }
0x2e: {  	s16 =	sand.u32 @!p0 $0x7, s11;
	s15 =	sadd.s32 @!p0 s2, s15;
	s14 =	sshra.s32 @!p0 s14, $0x2  }
0x2f: {  	[tilespmem:s14], [sflag:$0x2] =	stream.linear.gather @!p0 [hbm4b:s15+s16], $0x7D0, $0x38;
	[tilespmem:$0x1F40] =	vst v63  }
0x30: {  	p0 =	sge.u32 s31, s7  }
.Ltmp2:
0x31: {  	_ = 	snop;
	(pc) =	sbr.rel @p0 .LBB2_5-.Ltmp2, $1  }
0x32: {  	_ =	sdelay $0x3  }
0x33: {  	s14 =	sand.u32 $0x1, s12  }
0x34: {  	_ =	swait.ge [sflag:s6], $0x7D0;
	p0 =	seq.s32 s14, $0x1;
	s14 =	simm.s32 $0x7D0  }
0x35: {  	[sflag:s6] =	ssyncset.done $0x0;
	s14 =	simm.s32 @!p0 $0x0  }
0x36: {  	[sflag:s6] =	ssyncadd.s32 $0xFFFFF830;
	(ifvalue) =	ssetifvalue $0x7FFFFFFF;
	v0 =	vld.msk [tilespmem:s14+$0x0 ss:$0x1], $0xffff  }
0x37: {  	s15 =	sadd.s32 $0x10, s14  }
0x38: {  	v1 =	vld.msk [tilespmem:s15+$0x0 ss:$0x1], $0xffff;
	_ =	sdelay $0x2  }
0x39: {  	v2 =	vshrl.u32 v0, $0x5  }
0x3a: {  	vm1 =	veq.s32 v0, $0x80000000;
	v0 =	vand.u32 $0x1F, v0;
	v2 =	vand.u32 $0x1FFF, v2  }
0x3b: {  	v0 =	vsel vm1, $0xFFFFFFFF, v0;
	v6 =	vshrl.u32 v1, $0x5;
	v2 =	vsel vm1, $0xFFFFFFFF, v2  }
0x3c: {  	v3 =	vshrl.u32 v0, $0x3;
	v0 =	vshll.u32 v0, $0x7;
	vm1 =	veq.s32 v1, $0x80000000  }
0x3d: {  	s15 =	sadd.s32 $0x10, s15;
	v1 =	vand.u32 $0x1F, v1;
	v4 =	vshll.u32 v2, $0x3;
	v3 =	vmul.u32 $0xA000, v3  }
0x3e: {  	v0 =	vand.u32 $0x380, v0;
	v7 =	vand.u32 $0x7F, v2;
	v5 =	vand.u32 $0xFFFFFC00, v4;
	v4 =	vld.msk [tilespmem:s15+$0x0 ss:$0x1], $0xffff  }
0x3f: {  	v1 =	vsel vm1, $0xFFFFFFFF, v1;
	v2 =	vadd.s32 v3, v5;
	v3 =	vand.u32 $0x1FFF, v6  }
0x40: {  	v3 =	vsel vm1, $0xFFFFFFFF, v3;
	v0 =	vor.u32 v0, v2;
	v2 =	vshrl.u32 v1, $0x3  }
0x41: {  	v1 =	vshll.u32 v1, $0x7;
	v5 =	vshll.u32 v3, $0x3;
	v8 =	vmul.u32 $0xA000, v2  }
0x42: {  	s18 =	simm.s32 $0x30;
	s14 =	sadd.s32 $0xFA0, s14;
	s17 =	sadd.s32 $0x10, s15;
	v2 =	vand.u32 $0x380, v1;
	v0 =	vor.u32 v7, v0;
	v5 =	vand.u32 $0xFFFFFC00, v5  }
0x43: {  	s16 =	smov.u32 s14;
	s15 =	smov.u32 s14;
	v1 =	vld.msk [tilespmem:s17+$0x0 ss:$0x1], $0xffff;
	v3 =	vand.u32 $0x7F, v3;
	(ifvalue) =	ssetifvalue $0x7FFFFFFF;
	v6 =	vshrl.u32 v4, $0x5;
	v5 =	vadd.s32 v8, v5  }
.LBB2_3:
0x44: {  	s18 =	sadd.s32 $0x10, s18  }
0x45: {  	vm1 =	veq.s32 v4, $0x80000000;
	v4 =	vand.u32 $0x1F, v4;
	v6 =	vand.u32 $0x1FFF, v6;
	s15 =	sadd.s32 $0x10, s15;
	p0 =	slt.u32 s18, $0x7C0  }
.Ltmp3:
0x46: {  	v5 =	vor.u32 v2, v5;
	v4 =	vsel vm1, $0xFFFFFFFF, v4;
	v7 =	vsel vm1, $0xFFFFFFFF, v6;
	(pc) =	sbr.rel @p0 .LBB2_3-.Ltmp3, $4  }
0x47: {  	v2 =	vshrl.u32 v4, $0x3;
	v6 =	vshll.u32 v7, $0x3;
	v4 =	vshll.u32 v4, $0x7;
	[tilespmem:s16], [sflag:$0x1] =	stream.indirect_vreg.gather [hbm4b:s8+s10], $0x1, v0, vm0, $0x4038;
	[tilespmem:$0x1F40] =	vst v63  }
0x48: {  	v0 =	vor.u32 v3, v5;
	s16 =	smov.u32 s15;
	v8 =	vmul.u32 $0xA000, v2;
	v2 =	vand.u32 $0x380, v4  }
0x49: {  	s17 =	sadd.s32 $0x10, s17;
	v9 =	vand.u32 $0xFFFFFC00, v6  }
0x4a: {  	v3 =	vand.u32 $0x7F, v7;
	v6 =	vshrl.u32 v1, $0x5;
	v5 =	vadd.s32 v8, v9;
	(ifvalue) =	ssetifvalue $0x7FFFFFFF;
	v4 =	vmovc v1;
	v1 =	vld.msk [tilespmem:s17+$0x0 ss:$0x1], $0xffff  }
.Ltmp4:
0x4b: {  	_ = 	snop;
	(pc) =	sbr.rel .LBB2_4-.Ltmp4, $1  }
0x4c: {  	_ =	sdelay $0x3  }
.LBB2_6:
0x4d: {  	_ =	sfence.sel $0x180000  }
0x4e: {  	s2 =	simm.s32 $0x2;
	[bflag:$0x0] =	sbarrier.arrive $0xFFFF  }
0x4f: {  	s30 =	simm.s32 $0x3;
	[sflag:s2] =	ssyncpa.u1 $0x1  }
0x50: {  	s31 =	simm.s32 $0x1;
	[sflag:s30] =	ssyncpa.u1 $0x1  }
0x51: {  	[sflag:s31] =	ssyncpa.u1 $0x1  }
0x52: {  	p0 =	sne.s32 s1, $0x0;
	_ =	strace $0x90000047  }
0x53: {  	s0 =	sadd.s32 @!p0 $0x100000, s0;
	[bflag:$0x2] =	sbarrier.arrive $0xFFFF  }
0x54: {  	[sflag:s0] =	ssyncadd.tile.s32 @!p0 $0x1;
	_ =	shalt  }
.Lfunc_end2:
_tile_overlayer_lowered:
.L_overlay_start_2:
0x55: {  	(tag) =	ssettag $0x2  }
0x56: {  	s0 =	rddreg [dreg:$0x0];
	s2 =	stileid.u32  }
0x57: {  	s1 =	rddreg [dreg:$0x1];
	p0 =	sne.s32 s2, $0x0  }
0x58: {  	s3 =	rddreg [dreg:$0x2];
	[bflag:$0x3] =	sbarrier.arrive $0xFFFF;
	s2 =	simm.s32 @!p0 $0x1C01  }
0x59: {  	[timem:s3], [sflag:s2] =	dma.local @!p0 [hbm:s0], s1  }
0x5a: {  	s0 =	simm.s32 @!p0 $0x1  }
0x5b: {  	_ =	swait.ge @!p0 [sflag:s0], s1  }
0x5c: {  	s1 =	ssub.s32 @!p0 $0x0, s1;
	[sflag:s0] =	ssyncset.done @!p0 $0x0  }
0x5d: {  	[sflag:s0] =	ssyncadd.s32 @!p0 s1  }
0x5e: {  	[bflag:$0x3] =	sbarrier.arrive $0xFFFF  }
0x5f: {  	_ =	shalt  }

// kernel: gather_offload_async_start.4
scs
__scs_entry_jumppad:
0x0: {  	(pc) =	sbr.rel $0x88, $3  }
0x1: {  	(tag) =	ssettag $0x0;
	lr =	simm.s32 $0x1  }
0x2: {  	[smem:$0x3F9F] =	sst lr;
	_ =	strace $0xD0000000  }
0x3: {  	_ = 	snop  }
0x4: {  	_ = 	snop  }
0x5: {  	_ = 	snop  }
0x6: {  	_ = 	snop  }
0x7: {  	_ = 	snop  }
__scs_overlays_trampoline_lowered:
0x8: {  	[smem:$0x3FAE] =	sst s0  }
0x9: {  	[smem:$0x3FAF] =	sst s1  }
0xa: {  	[smem:$0x3FB0] =	sst s2  }
0xb: {  	[smem:$0x3FB1] =	sst s3  }
0xc: {  	[smem:$0x3FB2] =	sst s4  }
0xd: {  	[smem:$0x3FB3] =	sst s5  }
0xe: {  	[smem:$0x3FB4] =	sst s6  }
0xf: {  	[smem:$0x3FB5] =	sst s7  }
0x10: {  	[smem:$0x3FB6] =	sst s8  }
0x11: {  	[smem:$0x3FB7] =	sst s9;
	s0 =	simm.s32 @!p0 $0x0  }
0x12: {  	s1 =	sld [smem:$0x3F9D];
	s0 =	simm.s32 @p0 $0x1  }
0x13: {  	[smem:$0x3FB8] =	sst s0;
	s0 =	simm.s32 @!p1 $0x0  }
0x14: {  	s2 =	sld [smem:$0x3F9C];
	s0 =	simm.s32 @p1 $0x1  }
0x15: {  	[smem:$0x3FB9] =	sst s0;
	s0 =	simm.s32 @!p2 $0x0  }
0x16: {  	s3 =	sld [smem:$0x3FDB];
	s0 =	simm.s32 @p2 $0x1  }
0x17: {  	s4 =	simm.s32 $0x1BF5;
	[smem:$0x3FBB] =	sst s0  }
0x18: {  	s0 =	sld [smem:$0x3F9E];
	_ =	swait.ge [sflag:s4], $0x0  }
0x19: {  	s7 =	sld [smem:$0x3F9F]  }
0x1a: {  	s8 =	sadd.s32 $0xFFFFE003, lr  }
0x1b: {  	s9 =	sadd.s32 $0xFFFFFEF7, lr;
	s5 =	simm.s32 $0xFFFFFFFF;
	p2 =	slt.u32 s8, $0xFFFFF086  }
0x1c: {  	p1 =	slt.u32 s9, $0xF7A;
	s5 =	simm.s32 @!p2 $0x0  }
0x1d: {  	s5 =	simm.s32 @p1 $0x1;
	p0 =	seq.s32 s7, s2  }
0x1e: {  	s7 =	smul.u32 @!p0 $0xF7A, s2;
	p2 =	seq.s32 @!p0 s5, $0x0  }
0x1f: {  	s9 =	smul.u32 $0xF7A, s1;
	s8 =	simm.s32 @!p0 $0x1BF5;
	p2 =	por !p2, p0  }
0x20: {  	[sflag:s8] =	ssyncset.s32 @!p0 $0xFFFFF086;
	s6 =	sadd.s32 @!p0 s3, s7;
	s7 =	simm.s32 @!p0 $0x108  }
0x21: {  	s3 =	sadd.s32 s3, s9;
	s6 =	sadd.s32 @!p0 $0x88, s6;
	s7 =	simm.s32 @p2 $0x1082  }
0x22: {  	[simem:s7], [sflag:s8] =	dma.local @!p0 [hbm:s6], $0xF7A  }
0x23: {  	s9 =	sor.u32 $0xD0000000, s2;
	s6 =	simm.s32 $0x108;
	_ =	swait.ge @!p0 [sflag:s8], $0x0  }
0x24: {  	s3 =	sadd.s32 $0x88, s3;
	s6 =	simm.s32 @!p1 $0x1082;
	[sflag:s4] =	ssyncset.s32 $0xFFFFF086  }
0x25: {  	[simem:s6], [sflag:s4] =	dma.local [hbm:s3], $0xF7A  }
0x26: {  	[smem:$0x3F9F] =	sst s1;
	(tag) =	ssettag s2;
	_ =	strace s9  }
0x27: {  	s1 =	sld [smem:$0x3FAF]  }
0x28: {  	s2 =	sld [smem:$0x3FB0]  }
0x29: {  	s4 =	sld [smem:$0x3FB2]  }
0x2a: {  	p0 =	seq.s32 s5, $0x0;
	s5 =	sld [smem:$0x3FB3]  }
0x2b: {  	s6 =	sld [smem:$0x3FB4]  }
0x2c: {  	s7 =	sld [smem:$0x3FB5]  }
0x2d: {  	s3 =	simm.s32 $0x108;
	s8 =	sld [smem:$0x3FB6]  }
0x2e: {  	s3 =	simm.s32 @!p0 $0x1082;
	s9 =	sld [smem:$0x3FB7]  }
0x2f: {  	lr =	sadd.s32 s0, s3;
	s0 =	sld [smem:$0x3FAE]  }
0x30: {  	s3 =	sld [smem:$0x3FB1]  }
0x31: {  	[smem:$0x3FBA] =	sst s10  }
0x32: {  	s10 =	sld [smem:$0x3FB8];
	_ =	sdelay $0x3  }
0x33: {  	p0 =	seq.s32 s10, $0x1;
	s10 =	sld [smem:$0x3FBA];
	_ =	sdelay $0x3  }
0x34: {  	[smem:$0x3FBA] =	sst s10  }
0x35: {  	s10 =	sld [smem:$0x3FB9];
	_ =	sdelay $0x3  }
0x36: {  	p1 =	seq.s32 s10, $0x1;
	s10 =	sld [smem:$0x3FBA];
	_ =	sdelay $0x3  }
0x37: {  	[smem:$0x3FBA] =	sst s10  }
0x38: {  	s10 =	sld [smem:$0x3FBB]  }
0x39: {  	_ = 	snop;
	(pc) =	sbr.ind lr, $3  }
0x3a: {  	_ = 	snop  }
0x3b: {  	_ = 	snop  }
0x3c: {  	p2 =	seq.s32 s10, $0x1;
	s10 =	sld [smem:$0x3FBA]  }
0x3d: {  	_ =	shalt  }
0x3e: {  	_ =	shalt  }
0x3f: {  	_ =	shalt  }
0x40: {  	_ =	shalt  }
0x41: {  	_ =	shalt  }
0x42: {  	_ =	shalt  }
0x43: {  	_ =	shalt  }
0x44: {  	_ =	shalt  }
0x45: {  	_ =	shalt  }
0x46: {  	_ =	shalt  }
0x47: {  	_ =	shalt  }
0x48: {  	_ =	shalt  }
0x49: {  	_ =	shalt  }
0x4a: {  	_ =	shalt  }
0x4b: {  	_ =	shalt  }
0x4c: {  	_ =	shalt  }
0x4d: {  	_ =	shalt  }
0x4e: {  	_ =	shalt  }
0x4f: {  	_ =	shalt  }
0x50: {  	_ =	shalt  }
0x51: {  	_ =	shalt  }
0x52: {  	_ =	shalt  }
0x53: {  	_ =	shalt  }
0x54: {  	_ =	shalt  }
0x55: {  	_ =	shalt  }
0x56: {  	_ =	shalt  }
0x57: {  	_ =	shalt  }
0x58: {  	_ =	shalt  }
0x59: {  	_ =	shalt  }
0x5a: {  	_ =	shalt  }
0x5b: {  	_ =	shalt  }
0x5c: {  	_ =	shalt  }
0x5d: {  	_ =	shalt  }
0x5e: {  	_ =	shalt  }
0x5f: {  	_ =	shalt  }
0x60: {  	_ =	shalt  }
0x61: {  	_ =	shalt  }
0x62: {  	_ =	shalt  }
0x63: {  	_ =	shalt  }
0x64: {  	_ =	shalt  }
0x65: {  	_ =	shalt  }
0x66: {  	_ =	shalt  }
0x67: {  	_ =	shalt  }
0x68: {  	_ =	shalt  }
0x69: {  	_ =	shalt  }
0x6a: {  	_ =	shalt  }
0x6b: {  	_ =	shalt  }
0x6c: {  	_ =	shalt  }
0x6d: {  	_ =	shalt  }
0x6e: {  	_ =	shalt  }
0x6f: {  	_ =	shalt  }
0x70: {  	_ =	shalt  }
0x71: {  	_ =	shalt  }
0x72: {  	_ =	shalt  }
0x73: {  	_ =	shalt  }
0x74: {  	_ =	shalt  }
0x75: {  	_ =	shalt  }
0x76: {  	_ =	shalt  }
0x77: {  	_ =	shalt  }
0x78: {  	_ =	shalt  }
0x79: {  	_ =	shalt  }
0x7a: {  	_ =	shalt  }
0x7b: {  	_ =	shalt  }
0x7c: {  	_ =	shalt  }
0x7d: {  	_ =	shalt  }
0x7e: {  	_ =	shalt  }
0x7f: {  	_ =	shalt  }
0x80: {  	_ =	shalt  }
0x81: {  	_ =	shalt  }
0x82: {  	_ =	shalt  }
0x83: {  	_ =	shalt  }
0x84: {  	_ =	shalt  }
0x85: {  	_ =	shalt  }
0x86: {  	_ =	shalt  }
0x87: {  	_ =	shalt  }
.Lfunc_end0:
.L_simem_size_0:
called_computation.4_lowered:
.L_overlay_start_0:
0x88: {  	s2 =	sld [smem:$0x3FD9]  }
0x89: {  	s3 =	sld [smem:$0x3FFE];
	_ =	sdelay $0x1  }
0x8a: {  	s1 =	srdreg.scid  }
0x8b: {  	s0 =	sand.u32 $0x1, s1  }
0x8c: {  	s16 =	sshll.u32 s0, $0xA;
	s2 =	sadd.s32 s3, s2  }
0x8d: {  	s2 =	sadd.s32 s2, s16  }
0x8e: {  	[smem:$0x3FC6] =	sst s2  }
0x8f: {  	_ = 	snop  }
0x90: {  	(tm) =	ssettm $0x1  }
0x91: {  	s17 =	sld [smem:$0x3FFB];
	_ =	sdelay $0x3  }
0x92: {  	_ =	strace s17  }
0x93: {  	s2 =	sld [smem:$0x3FFC];
	_ =	sdelay $0x3  }
0x94: {  	_ =	strace s2  }
0x95: {  	s2 =	sld [smem:$0x3FFD];
	_ =	sdelay $0x3  }
0x96: {  	_ =	strace s2  }
0x97: {  	_ =	strace $0x8FFFFFFF  }
0x98: {  	s18 =	sld [smem:$0x3FDB];
	_ =	sdelay $0x1  }
0x99: {  	s19 =	simm.s32 $_scs_section_size  }
0x9a: {  	s4 =	simm.s32 $_size__tile_overlayer_lowered;
	s5 =	simm.s32 $_tile_overlayer_lowered  }
0x9b: {  	s22 =	simm.s32 $0x1BFF;
	s21 =	sshll.u32 s5, $0x1;
	s2 =	sadd.s32 s19, s18  }
0x9c: {  	s6 =	simm.s32 $0x0;
	s20 =	sshll.u32 s4, $0x1;
	s4 =	sadd.s32 s21, s2  }
0x9d: {  	[timem:s6], [sflag:s22] =	dma.local [hbm:s4], s20  }
0x9e: {  	_ =	swait.ge [sflag:s22], s20  }
0x9f: {  	s3 =	ssub.s32 $0x0, s20;
	[sflag:s22] =	ssyncset.done $0x0  }
0xa0: {  	[sflag:s22] =	ssyncadd.s32 s3;
	_ =	sdelay $0x1  }
0xa1: {  	s23 =	simm.s32 $0x1B8B  }
0xa2: {  	_ =	swait.ge [sflag:s23], $0x1  }
0xa3: {  	[sflag:s23] =	ssyncset.done $0x0  }
0xa4: {  	s25 =	simm.s32 $0x1B8E;
	s24 =	sld [smem:$0x3FFE];
	[sflag:s23] =	ssyncadd.s32 $0xFFFFFFFF  }
0xa5: {  	s26 =	simm.s32 $execute0_lowered;
	[smem:$0x3FD2] =	sst s25  }
0xa6: {  	s4 =	sshll.u32 s26, $0x1;
	_ =	strace $0x8000004C;
	[dreg:$0x1] =	wrdreg $0xFFFFFFFF  }
0xa7: {  	s28 =	simm.s32 $_size_execute0_lowered;
	s2 =	sadd.s32 s2, s4;
	[dreg:$0x0] =	wrdreg $0x0  }
0xa8: {  	s4 =	sshll.u32 s28, $0x1;
	[dreg:$0x2] =	wrdreg s2  }
0xa9: {  	[dreg:$0x3] =	wrdreg s4  }
0xaa: {  	[dreg:$0x4] =	wrdreg $0xC0  }
0xab: {  	_ =	task [dreg:s6], $0x5FFFF  }
0xac: {  	[dreg:$0x1] =	wrdreg $0xFFFFFFFF  }
0xad: {  	[dreg:$0x0] =	wrdreg $0x60  }
0xae: {  	[dreg:$0x2] =	wrdreg s24  }
0xaf: {  	[dreg:$0x3] =	wrdreg $0x9  }
0xb0: {  	_ =	task.clear_ibuf [dreg:s6], $0x4FFFF;
	_ =	strace $0x9000004C  }
0xb1: {  	s29 =	simm.s32 $0x9;
	_ =	strace $0x8000004E  }
0xb2: {  	_ =	swait.ge [sflag:s29], $0x1  }
0xb3: {  	[sflag:s29] =	ssyncadd.s32 $0xFFFFFFFF  }
0xb4: {  	_ =	strace $0x9000004E  }
0xb5: {  	_ =	sfence  }
0xb6: {  	s30 =	sld [smem:$0x0];
	_ =	sdelay $0x2  }
0xb7: {  	s31 =	sshll.u32 s1, $0xD;
	s1 =	sshrl.u32 s1, $0x2  }
0xb8: {  	s3 =	sand.u32 $0x4000, s31;
	s1 =	sadd.s32 s1, s30  }
0xb9: {  	s0 =	sor.u32 s3, s0;
	s1 =	sshll.u32 s1, $0x11  }
0xba: {  	s0 =	sor.u32 s1, s0  }
0xbb: {  	s0 =	sadd.s32 $0x8F2B, s0  }
0xbc: {  	[sflag:s0] =	ssyncadd.remote.s32 $0x1  }
0xbd: {  	_ =	sfence.sel $0xFFFF  }
0xbe: {  	[dreg:$0x0] =	wrdreg $0xFFFFFFFF;
	(pc) =	sbr.abs _section_cstart, $3  }
0xbf: {  	[dreg:$0x1] =	wrdreg $0xFFFFFFFF  }
0xc0: {  	_ =	task.clear_ibuf [dreg:s6], $0x2FFFF;
	_ =	strace $0x9FFFFFFF  }
0xc1: {  	(tm) =	ssettm $0x7FFFFFFF  }
tec
execute0_lowered:
.L_overlay_start_1:
0x0: {  	(tag) =	ssettag $0x1  }
0x1: {  	s8 =	rddreg [dreg:$0x0];
	s1 =	stileid.u32  }
0x2: {  	s2 =	srdreg.scid;
	s0 =	rddreg [dreg:$0x1]  }
0x3: {  	_ =	strace $0x8000004D;
	s5 =	simm.s32 $0x1;
	s9 =	simm.s32 $0x1  }
0x4: {  	s10 =	simm.s32 $0x3;
	s2 =	sand.u32 $0x1, s2;
	s3 =	sshll.u32 s1, $0x1  }
0x5: {  	s13 =	simm.s32 $0x0;
	s12 =	simm.s32 $0x0;
	s6 =	sor.u32 s3, s2  }
0x6: {  	[sflag:s5] =	ssyncpa.u1 $0x0;
	s2 =	sadd.s32 $0x1A600, s8;
	s4 =	smul.u32 $0x9E0, s6  }
0x7: {  	s3 =	sadd.s32 $0x21E00, s8;
	p0 =	slt.u32 s6, $0x9;
	s6 =	simm.s32 $0x13C00  }
.Ltmp0:
0x8: {  	s6 =	simm.s32 @!p0 $0x0;
	s7 =	ssub.s32 $0x18B00, s4;
	(pc) =	sbr.rel .LBB2_1-.Ltmp0, $4  }
0x9: {  	s9 =	simm.s32 @!p0 $0x0;
	p0 =	sne.s32 s7, s6;
	s7 =	simm.s32 $0x1  }
0xa: {  	s8 =	sadd.s32 $0x30E00, s8;
	s6 =	simm.s32 $0x2;
	s7 =	simm.s32 @!p0 $0x0  }
0xb: {  	s11 =	smov.u32 s4;
	[sflag:s6] =	ssyncpa.u1 $0x0;
	s7 =	sadd.s32 s9, s7  }
0xc: {  	vm0 =	vmmov $0xffff;
	[sflag:s10] =	ssyncpa.u1 $0x0;
	s10 =	simm.s32 $0x0;
	s9 =	sadd.s32 $0x1, s7  }
.LBB2_4:
0xd: {  	vm1 =	veq.s32 v4, $0x80000000;
	v56 =	vand.u32 $0x1F, v4;
	v6 =	vand.u32 $0x1FFF, v6  }
0xe: {  	v2 =	vor.u32 v2, v5;
	v59 =	vshrl.u32 v1, $0x5;
	v60 =	vand.u32 $0x1F, v1  }
0xf: {  	v4 =	vsel vm1, $0xFFFFFFFF, v56;
	v6 =	vsel vm1, $0xFFFFFFFF, v6;
	v2 =	vor.u32 v3, v2  }
0x10: {  	vm1 =	veq.s32 v1, $0x80000000;
	v5 =	vand.u32 $0x1FFF, v59;
	v7 =	vshrl.u32 v4, $0x3  }
0x11: {  	v57 =	vshll.u32 v6, $0x3;
	v4 =	vshll.u32 v4, $0x7;
	v1 =	vsel vm1, $0xFFFFFFFF, v60  }
0x12: {  	v5 =	vsel vm1, $0xFFFFFFFF, v5;
	v6 =	vand.u32 $0x7F, v6;
	v7 =	vmul.u32 $0xA000, v7  }
0x13: {  	v58 =	vand.u32 $0xFFFFFC00, v57;
	v4 =	vand.u32 $0x380, v4;
	v61 =	vshrl.u32 v1, $0x3  }
0x14: {  	v62 =	vshll.u32 v5, $0x3;
	v3 =	vadd.s32 v7, v58;
	v7 =	vmul.u32 $0xA000, v61  }
0x15: {  	v1 =	vshll.u32 v1, $0x7;
	v3 =	vor.u32 v4, v3;
	v4 =	vand.u32 $0xFFFFFC00, v62  }
0x16: {  	v1 =	vand.u32 $0x380, v1;
	v3 =	vor.u32 v6, v3;
	v4 =	vadd.s32 v7, v4  }
0x17: {  	[tilespmem:s16], [sflag:$0x1] =	stream.indirect_vreg.gather [hbm4b:s2+s10], $0x1, v0, vm0, $0x4038;
	v63 =	vand.u32 $0x7F, v5;
	v1 =	vor.u32 v1, v4;
	[tilespmem:$0x2780] =	vst v63  }
0x18: {  	s15 =	sadd.s32 $0x10, s15;
	(ifvalue) =	ssetifvalue $0x7FFFFFFF;
	v0 =	vor.u32 v63, v1  }
0x19: {  	[tilespmem:s15], [sflag:$0x1] =	stream.indirect_vreg.gather [hbm4b:s2+s10], $0x1, v2, vm0, $0x4038;
	[tilespmem:$0x2780] =	vst v63  }
0x1a: {  	s15 =	sadd.s32 $0x10, s15;
	(ifvalue) =	ssetifvalue $0x7FFFFFFF  }
0x1b: {  	[tilespmem:s15], [sflag:$0x1] =	stream.indirect_vreg.gather [hbm4b:s2+s10], $0x1, v3, vm0, $0x4038;
	[tilespmem:$0x2780] =	vst v63  }
0x1c: {  	s15 =	sadd.s32 $0x10, s15;
	(ifvalue) =	ssetifvalue $0x7FFFFFFF  }
0x1d: {  	[tilespmem:s15], [sflag:$0x1] =	stream.indirect_vreg.gather [hbm4b:s2+s10], $0x1, v0, vm0, $0x4038;
	[tilespmem:$0x2780] =	vst v63  }
0x1e: {  	_ =	swait.ge [sflag:s5], $0x9E0  }
0x1f: {  	s30 =	sshrl.u32 s13, $0x3;
	[sflag:s5] =	ssyncset.done $0x0  }
0x20: {  	s31 =	sand.u32 $0x7, s13;
	s15 =	sadd.s32 s8, s30;
	[sflag:s5] =	ssyncadd.s32 $0xFFFFF620  }
0x21: {  	[hbm4b:s15+s31] =	stream.linear.scatter [tilespmem:s14], [sflag:$0x3], $0x9E0, $0x38;
	[tilespmem:$0x2780] =	vst v63  }
.LBB2_5:
0x22: {  	s15 =	sadd.s32 $0x13C00, s11  }
0x23: {  	p1 =	sgt.s32 s15, $0x18AFF  }
0x24: {  	s15 =	smov.u32 @p1 s4;
	p1 =	sne.s32 s12, s9  }
.Ltmp1:
0x25: {  	p0 =	slt.u32 s12, $0x2;
	(pc) =	sbr.rel @!p1 .LBB2_6-.Ltmp1, $4  }
0x26: {  	s14 =	simm.s32 @!p0 $0x3  }
0x27: {  	_ =	swait.ge @!p0 [sflag:s14], $0x9E0  }
0x28: {  	s16 =	sadd.s32 $0x1, s12;
	s13 =	smov.u32 s11;
	[sflag:s14] =	ssyncset.done @!p0 $0x0  }
0x29: {  	s12 =	smov.u32 s16;
	s11 =	smov.u32 s15;
	[sflag:s14] =	ssyncadd.s32 @!p0 $0xFFFFF620  }
.LBB2_1:
0x2a: {  	p0 =	sge.u32 s12, s7  }
0x2b: {  	s14 =	sxor.u32 @!p0 $0x1, s12  }
0x2c: {  	s14 =	smul.u32 @!p0 $0x2780, s14  }
0x2d: {  	s31 =	sadd.s32 $0xFFFFFFFF, s12;
	s15 =	sshrl.u32 @!p0 s11, $0x3  }
0x2e: {  	s16 =	sand.u32 @!p0 $0x7, s11;
	s15 =	sadd.s32 @!p0 s3, s15;
	s14 =	sshra.s32 @!p0 s14, $0x2  }
0x2f: {  	[tilespmem:s14], [sflag:$0x2] =	stream.linear.gather @!p0 [hbm4b:s15+s16], $0x9E0, $0x38;
	[tilespmem:$0x2780] =	vst v63  }
0x30: {  	p0 =	sge.u32 s31, s7  }
.Ltmp2:
0x31: {  	_ = 	snop;
	(pc) =	sbr.rel @p0 .LBB2_5-.Ltmp2, $1  }
0x32: {  	_ =	sdelay $0x3  }
0x33: {  	s14 =	sand.u32 $0x1, s12  }
0x34: {  	_ =	swait.ge [sflag:s6], $0x9E0;
	p0 =	seq.s32 s14, $0x1;
	s14 =	simm.s32 $0x9E0  }
0x35: {  	[sflag:s6] =	ssyncset.done $0x0;
	s14 =	simm.s32 @!p0 $0x0  }
0x36: {  	[sflag:s6] =	ssyncadd.s32 $0xFFFFF620;
	(ifvalue) =	ssetifvalue $0x7FFFFFFF;
	v0 =	vld.msk [tilespmem:s14+$0x0 ss:$0x1], $0xffff  }
0x37: {  	s15 =	sadd.s32 $0x10, s14  }
0x38: {  	v1 =	vld.msk [tilespmem:s15+$0x0 ss:$0x1], $0xffff;
	_ =	sdelay $0x2  }
0x39: {  	v2 =	vshrl.u32 v0, $0x5  }
0x3a: {  	vm1 =	veq.s32 v0, $0x80000000;
	v0 =	vand.u32 $0x1F, v0;
	v2 =	vand.u32 $0x1FFF, v2  }
0x3b: {  	v0 =	vsel vm1, $0xFFFFFFFF, v0;
	v6 =	vshrl.u32 v1, $0x5;
	v2 =	vsel vm1, $0xFFFFFFFF, v2  }
0x3c: {  	v3 =	vshrl.u32 v0, $0x3;
	v0 =	vshll.u32 v0, $0x7;
	vm1 =	veq.s32 v1, $0x80000000  }
0x3d: {  	s15 =	sadd.s32 $0x10, s15;
	v1 =	vand.u32 $0x1F, v1;
	v4 =	vshll.u32 v2, $0x3;
	v3 =	vmul.u32 $0xA000, v3  }
0x3e: {  	v0 =	vand.u32 $0x380, v0;
	v7 =	vand.u32 $0x7F, v2;
	v5 =	vand.u32 $0xFFFFFC00, v4;
	v4 =	vld.msk [tilespmem:s15+$0x0 ss:$0x1], $0xffff  }
0x3f: {  	v1 =	vsel vm1, $0xFFFFFFFF, v1;
	v2 =	vadd.s32 v3, v5;
	v3 =	vand.u32 $0x1FFF, v6  }
0x40: {  	v3 =	vsel vm1, $0xFFFFFFFF, v3;
	v0 =	vor.u32 v0, v2;
	v2 =	vshrl.u32 v1, $0x3  }
0x41: {  	v1 =	vshll.u32 v1, $0x7;
	v5 =	vshll.u32 v3, $0x3;
	v8 =	vmul.u32 $0xA000, v2  }
0x42: {  	s18 =	simm.s32 $0x30;
	s14 =	sadd.s32 $0x13C0, s14;
	s17 =	sadd.s32 $0x10, s15;
	v2 =	vand.u32 $0x380, v1;
	v0 =	vor.u32 v7, v0;
	v5 =	vand.u32 $0xFFFFFC00, v5  }
0x43: {  	s16 =	smov.u32 s14;
	s15 =	smov.u32 s14;
	v1 =	vld.msk [tilespmem:s17+$0x0 ss:$0x1], $0xffff;
	v3 =	vand.u32 $0x7F, v3;
	(ifvalue) =	ssetifvalue $0x7FFFFFFF;
	v6 =	vshrl.u32 v4, $0x5;
	v5 =	vadd.s32 v8, v5  }
.LBB2_3:
0x44: {  	s18 =	sadd.s32 $0x10, s18  }
0x45: {  	vm1 =	veq.s32 v4, $0x80000000;
	v4 =	vand.u32 $0x1F, v4;
	v6 =	vand.u32 $0x1FFF, v6;
	s15 =	sadd.s32 $0x10, s15;
	p0 =	slt.u32 s18, $0x9D0  }
.Ltmp3:
0x46: {  	v5 =	vor.u32 v2, v5;
	v4 =	vsel vm1, $0xFFFFFFFF, v4;
	v7 =	vsel vm1, $0xFFFFFFFF, v6;
	(pc) =	sbr.rel @p0 .LBB2_3-.Ltmp3, $4  }
0x47: {  	v2 =	vshrl.u32 v4, $0x3;
	v6 =	vshll.u32 v7, $0x3;
	v4 =	vshll.u32 v4, $0x7;
	[tilespmem:s16], [sflag:$0x1] =	stream.indirect_vreg.gather [hbm4b:s2+s10], $0x1, v0, vm0, $0x4038;
	[tilespmem:$0x2780] =	vst v63  }
0x48: {  	v0 =	vor.u32 v3, v5;
	s16 =	smov.u32 s15;
	v8 =	vmul.u32 $0xA000, v2;
	v2 =	vand.u32 $0x380, v4  }
0x49: {  	s17 =	sadd.s32 $0x10, s17;
	v9 =	vand.u32 $0xFFFFFC00, v6  }
0x4a: {  	v3 =	vand.u32 $0x7F, v7;
	v6 =	vshrl.u32 v1, $0x5;
	v5 =	vadd.s32 v8, v9;
	(ifvalue) =	ssetifvalue $0x7FFFFFFF;
	v4 =	vmovc v1;
	v1 =	vld.msk [tilespmem:s17+$0x0 ss:$0x1], $0xffff  }
.Ltmp4:
0x4b: {  	_ = 	snop;
	(pc) =	sbr.rel .LBB2_4-.Ltmp4, $1  }
0x4c: {  	_ =	sdelay $0x3  }
.LBB2_6:
0x4d: {  	_ =	sfence.sel $0x180000  }
0x4e: {  	s2 =	simm.s32 $0x2;
	[bflag:$0x0] =	sbarrier.arrive $0xFFFF  }
0x4f: {  	s30 =	simm.s32 $0x3;
	[sflag:s2] =	ssyncpa.u1 $0x1  }
0x50: {  	s31 =	simm.s32 $0x1;
	[sflag:s30] =	ssyncpa.u1 $0x1  }
0x51: {  	[sflag:s31] =	ssyncpa.u1 $0x1  }
0x52: {  	p0 =	sne.s32 s1, $0x0;
	_ =	strace $0x9000004D  }
0x53: {  	s0 =	sadd.s32 @!p0 $0x100000, s0;
	[bflag:$0x2] =	sbarrier.arrive $0xFFFF  }
0x54: {  	[sflag:s0] =	ssyncadd.tile.s32 @!p0 $0x1;
	_ =	shalt  }
.Lfunc_end2:
_tile_overlayer_lowered:
.L_overlay_start_2:
0x55: {  	(tag) =	ssettag $0x2  }
0x56: {  	s0 =	rddreg [dreg:$0x0];
	s2 =	stileid.u32  }
0x57: {  	s1 =	rddreg [dreg:$0x1];
	p0 =	sne.s32 s2, $0x0  }
0x58: {  	s3 =	rddreg [dreg:$0x2];
	[bflag:$0x3] =	sbarrier.arrive $0xFFFF;
	s2 =	simm.s32 @!p0 $0x1C01  }
0x59: {  	[timem:s3], [sflag:s2] =	dma.local @!p0 [hbm:s0], s1  }
0x5a: {  	s0 =	simm.s32 @!p0 $0x1  }
0x5b: {  	_ =	swait.ge @!p0 [sflag:s0], s1  }
0x5c: {  	s1 =	ssub.s32 @!p0 $0x0, s1;
	[sflag:s0] =	ssyncset.done @!p0 $0x0  }
0x5d: {  	[sflag:s0] =	ssyncadd.s32 @!p0 s1  }
0x5e: {  	[bflag:$0x3] =	sbarrier.arrive $0xFFFF  }
0x5f: {  	_ =	shalt  }

// kernel: gather_offload_async_start.5
scs
__scs_entry_jumppad:
0x0: {  	(pc) =	sbr.rel $0x88, $3  }
0x1: {  	(tag) =	ssettag $0x0;
	lr =	simm.s32 $0x1  }
0x2: {  	[smem:$0x3F9F] =	sst lr;
	_ =	strace $0xD0000000  }
0x3: {  	_ = 	snop  }
0x4: {  	_ = 	snop  }
0x5: {  	_ = 	snop  }
0x6: {  	_ = 	snop  }
0x7: {  	_ = 	snop  }
__scs_overlays_trampoline_lowered:
0x8: {  	[smem:$0x3FAE] =	sst s0  }
0x9: {  	[smem:$0x3FAF] =	sst s1  }
0xa: {  	[smem:$0x3FB0] =	sst s2  }
0xb: {  	[smem:$0x3FB1] =	sst s3  }
0xc: {  	[smem:$0x3FB2] =	sst s4  }
0xd: {  	[smem:$0x3FB3] =	sst s5  }
0xe: {  	[smem:$0x3FB4] =	sst s6  }
0xf: {  	[smem:$0x3FB5] =	sst s7  }
0x10: {  	[smem:$0x3FB6] =	sst s8  }
0x11: {  	[smem:$0x3FB7] =	sst s9;
	s0 =	simm.s32 @!p0 $0x0  }
0x12: {  	s1 =	sld [smem:$0x3F9D];
	s0 =	simm.s32 @p0 $0x1  }
0x13: {  	[smem:$0x3FB8] =	sst s0;
	s0 =	simm.s32 @!p1 $0x0  }
0x14: {  	s2 =	sld [smem:$0x3F9C];
	s0 =	simm.s32 @p1 $0x1  }
0x15: {  	[smem:$0x3FB9] =	sst s0;
	s0 =	simm.s32 @!p2 $0x0  }
0x16: {  	s3 =	sld [smem:$0x3FDB];
	s0 =	simm.s32 @p2 $0x1  }
0x17: {  	s4 =	simm.s32 $0x1BF5;
	[smem:$0x3FBB] =	sst s0  }
0x18: {  	s0 =	sld [smem:$0x3F9E];
	_ =	swait.ge [sflag:s4], $0x0  }
0x19: {  	s7 =	sld [smem:$0x3F9F]  }
0x1a: {  	s8 =	sadd.s32 $0xFFFFE003, lr  }
0x1b: {  	s9 =	sadd.s32 $0xFFFFFEF7, lr;
	s5 =	simm.s32 $0xFFFFFFFF;
	p2 =	slt.u32 s8, $0xFFFFF086  }
0x1c: {  	p1 =	slt.u32 s9, $0xF7A;
	s5 =	simm.s32 @!p2 $0x0  }
0x1d: {  	s5 =	simm.s32 @p1 $0x1;
	p0 =	seq.s32 s7, s2  }
0x1e: {  	s7 =	smul.u32 @!p0 $0xF7A, s2;
	p2 =	seq.s32 @!p0 s5, $0x0  }
0x1f: {  	s9 =	smul.u32 $0xF7A, s1;
	s8 =	simm.s32 @!p0 $0x1BF5;
	p2 =	por !p2, p0  }
0x20: {  	[sflag:s8] =	ssyncset.s32 @!p0 $0xFFFFF086;
	s6 =	sadd.s32 @!p0 s3, s7;
	s7 =	simm.s32 @!p0 $0x108  }
0x21: {  	s3 =	sadd.s32 s3, s9;
	s6 =	sadd.s32 @!p0 $0x88, s6;
	s7 =	simm.s32 @p2 $0x1082  }
0x22: {  	[simem:s7], [sflag:s8] =	dma.local @!p0 [hbm:s6], $0xF7A  }
0x23: {  	s9 =	sor.u32 $0xD0000000, s2;
	s6 =	simm.s32 $0x108;
	_ =	swait.ge @!p0 [sflag:s8], $0x0  }
0x24: {  	s3 =	sadd.s32 $0x88, s3;
	s6 =	simm.s32 @!p1 $0x1082;
	[sflag:s4] =	ssyncset.s32 $0xFFFFF086  }
0x25: {  	[simem:s6], [sflag:s4] =	dma.local [hbm:s3], $0xF7A  }
0x26: {  	[smem:$0x3F9F] =	sst s1;
	(tag) =	ssettag s2;
	_ =	strace s9  }
0x27: {  	s1 =	sld [smem:$0x3FAF]  }
0x28: {  	s2 =	sld [smem:$0x3FB0]  }
0x29: {  	s4 =	sld [smem:$0x3FB2]  }
0x2a: {  	p0 =	seq.s32 s5, $0x0;
	s5 =	sld [smem:$0x3FB3]  }
0x2b: {  	s6 =	sld [smem:$0x3FB4]  }
0x2c: {  	s7 =	sld [smem:$0x3FB5]  }
0x2d: {  	s3 =	simm.s32 $0x108;
	s8 =	sld [smem:$0x3FB6]  }
0x2e: {  	s3 =	simm.s32 @!p0 $0x1082;
	s9 =	sld [smem:$0x3FB7]  }
0x2f: {  	lr =	sadd.s32 s0, s3;
	s0 =	sld [smem:$0x3FAE]  }
0x30: {  	s3 =	sld [smem:$0x3FB1]  }
0x31: {  	[smem:$0x3FBA] =	sst s10  }
0x32: {  	s10 =	sld [smem:$0x3FB8];
	_ =	sdelay $0x3  }
0x33: {  	p0 =	seq.s32 s10, $0x1;
	s10 =	sld [smem:$0x3FBA];
	_ =	sdelay $0x3  }
0x34: {  	[smem:$0x3FBA] =	sst s10  }
0x35: {  	s10 =	sld [smem:$0x3FB9];
	_ =	sdelay $0x3  }
0x36: {  	p1 =	seq.s32 s10, $0x1;
	s10 =	sld [smem:$0x3FBA];
	_ =	sdelay $0x3  }
0x37: {  	[smem:$0x3FBA] =	sst s10  }
0x38: {  	s10 =	sld [smem:$0x3FBB]  }
0x39: {  	_ = 	snop;
	(pc) =	sbr.ind lr, $3  }
0x3a: {  	_ = 	snop  }
0x3b: {  	_ = 	snop  }
0x3c: {  	p2 =	seq.s32 s10, $0x1;
	s10 =	sld [smem:$0x3FBA]  }
0x3d: {  	_ =	shalt  }
0x3e: {  	_ =	shalt  }
0x3f: {  	_ =	shalt  }
0x40: {  	_ =	shalt  }
0x41: {  	_ =	shalt  }
0x42: {  	_ =	shalt  }
0x43: {  	_ =	shalt  }
0x44: {  	_ =	shalt  }
0x45: {  	_ =	shalt  }
0x46: {  	_ =	shalt  }
0x47: {  	_ =	shalt  }
0x48: {  	_ =	shalt  }
0x49: {  	_ =	shalt  }
0x4a: {  	_ =	shalt  }
0x4b: {  	_ =	shalt  }
0x4c: {  	_ =	shalt  }
0x4d: {  	_ =	shalt  }
0x4e: {  	_ =	shalt  }
0x4f: {  	_ =	shalt  }
0x50: {  	_ =	shalt  }
0x51: {  	_ =	shalt  }
0x52: {  	_ =	shalt  }
0x53: {  	_ =	shalt  }
0x54: {  	_ =	shalt  }
0x55: {  	_ =	shalt  }
0x56: {  	_ =	shalt  }
0x57: {  	_ =	shalt  }
0x58: {  	_ =	shalt  }
0x59: {  	_ =	shalt  }
0x5a: {  	_ =	shalt  }
0x5b: {  	_ =	shalt  }
0x5c: {  	_ =	shalt  }
0x5d: {  	_ =	shalt  }
0x5e: {  	_ =	shalt  }
0x5f: {  	_ =	shalt  }
0x60: {  	_ =	shalt  }
0x61: {  	_ =	shalt  }
0x62: {  	_ =	shalt  }
0x63: {  	_ =	shalt  }
0x64: {  	_ =	shalt  }
0x65: {  	_ =	shalt  }
0x66: {  	_ =	shalt  }
0x67: {  	_ =	shalt  }
0x68: {  	_ =	shalt  }
0x69: {  	_ =	shalt  }
0x6a: {  	_ =	shalt  }
0x6b: {  	_ =	shalt  }
0x6c: {  	_ =	shalt  }
0x6d: {  	_ =	shalt  }
0x6e: {  	_ =	shalt  }
0x6f: {  	_ =	shalt  }
0x70: {  	_ =	shalt  }
0x71: {  	_ =	shalt  }
0x72: {  	_ =	shalt  }
0x73: {  	_ =	shalt  }
0x74: {  	_ =	shalt  }
0x75: {  	_ =	shalt  }
0x76: {  	_ =	shalt  }
0x77: {  	_ =	shalt  }
0x78: {  	_ =	shalt  }
0x79: {  	_ =	shalt  }
0x7a: {  	_ =	shalt  }
0x7b: {  	_ =	shalt  }
0x7c: {  	_ =	shalt  }
0x7d: {  	_ =	shalt  }
0x7e: {  	_ =	shalt  }
0x7f: {  	_ =	shalt  }
0x80: {  	_ =	shalt  }
0x81: {  	_ =	shalt  }
0x82: {  	_ =	shalt  }
0x83: {  	_ =	shalt  }
0x84: {  	_ =	shalt  }
0x85: {  	_ =	shalt  }
0x86: {  	_ =	shalt  }
0x87: {  	_ =	shalt  }
.Lfunc_end0:
.L_simem_size_0:
called_computation.5_lowered:
.L_overlay_start_0:
0x88: {  	s2 =	sld [smem:$0x3FD9]  }
0x89: {  	s3 =	sld [smem:$0x3FFE];
	_ =	sdelay $0x1  }
0x8a: {  	s1 =	srdreg.scid  }
0x8b: {  	s0 =	sand.u32 $0x1, s1  }
0x8c: {  	s16 =	sshll.u32 s0, $0xA;
	s2 =	sadd.s32 s3, s2  }
0x8d: {  	s2 =	sadd.s32 s2, s16  }
0x8e: {  	[smem:$0x3FC6] =	sst s2  }
0x8f: {  	_ = 	snop  }
0x90: {  	(tm) =	ssettm $0x1  }
0x91: {  	s17 =	sld [smem:$0x3FFB];
	_ =	sdelay $0x3  }
0x92: {  	_ =	strace s17  }
0x93: {  	s2 =	sld [smem:$0x3FFC];
	_ =	sdelay $0x3  }
0x94: {  	_ =	strace s2  }
0x95: {  	s2 =	sld [smem:$0x3FFD];
	_ =	sdelay $0x3  }
0x96: {  	_ =	strace s2  }
0x97: {  	_ =	strace $0x8FFFFFFF  }
0x98: {  	s18 =	sld [smem:$0x3FDB];
	_ =	sdelay $0x1  }
0x99: {  	s19 =	simm.s32 $_scs_section_size  }
0x9a: {  	s4 =	simm.s32 $_size__tile_overlayer_lowered;
	s5 =	simm.s32 $_tile_overlayer_lowered  }
0x9b: {  	s22 =	simm.s32 $0x1BFF;
	s21 =	sshll.u32 s5, $0x1;
	s2 =	sadd.s32 s19, s18  }
0x9c: {  	s6 =	simm.s32 $0x0;
	s20 =	sshll.u32 s4, $0x1;
	s4 =	sadd.s32 s21, s2  }
0x9d: {  	[timem:s6], [sflag:s22] =	dma.local [hbm:s4], s20  }
0x9e: {  	_ =	swait.ge [sflag:s22], s20  }
0x9f: {  	s3 =	ssub.s32 $0x0, s20;
	[sflag:s22] =	ssyncset.done $0x0  }
0xa0: {  	[sflag:s22] =	ssyncadd.s32 s3;
	_ =	sdelay $0x1  }
0xa1: {  	s23 =	simm.s32 $0x1B8B  }
0xa2: {  	_ =	swait.ge [sflag:s23], $0x1  }
0xa3: {  	[sflag:s23] =	ssyncset.done $0x0  }
0xa4: {  	s25 =	simm.s32 $0x1B8E;
	s24 =	sld [smem:$0x3FFE];
	[sflag:s23] =	ssyncadd.s32 $0xFFFFFFFF  }
0xa5: {  	s26 =	simm.s32 $execute0_lowered;
	[smem:$0x3FD2] =	sst s25  }
0xa6: {  	s4 =	sshll.u32 s26, $0x1;
	_ =	strace $0x80000052;
	[dreg:$0x1] =	wrdreg $0xFFFFFFFF  }
0xa7: {  	s28 =	simm.s32 $_size_execute0_lowered;
	s2 =	sadd.s32 s2, s4;
	[dreg:$0x0] =	wrdreg $0x0  }
0xa8: {  	s4 =	sshll.u32 s28, $0x1;
	[dreg:$0x2] =	wrdreg s2  }
0xa9: {  	[dreg:$0x3] =	wrdreg s4  }
0xaa: {  	[dreg:$0x4] =	wrdreg $0xC0  }
0xab: {  	_ =	task [dreg:s6], $0x5FFFF  }
0xac: {  	[dreg:$0x1] =	wrdreg $0xFFFFFFFF  }
0xad: {  	[dreg:$0x0] =	wrdreg $0x60  }
0xae: {  	[dreg:$0x2] =	wrdreg s24  }
0xaf: {  	[dreg:$0x3] =	wrdreg $0x9  }
0xb0: {  	_ =	task.clear_ibuf [dreg:s6], $0x4FFFF;
	_ =	strace $0x90000052  }
0xb1: {  	s29 =	simm.s32 $0x9;
	_ =	strace $0x80000054  }
0xb2: {  	_ =	swait.ge [sflag:s29], $0x1  }
0xb3: {  	[sflag:s29] =	ssyncadd.s32 $0xFFFFFFFF  }
0xb4: {  	_ =	strace $0x90000054  }
0xb5: {  	_ =	sfence  }
0xb6: {  	s30 =	sld [smem:$0x0];
	_ =	sdelay $0x2  }
0xb7: {  	s31 =	sshll.u32 s1, $0xD;
	s1 =	sshrl.u32 s1, $0x2  }
0xb8: {  	s3 =	sand.u32 $0x4000, s31;
	s1 =	sadd.s32 s1, s30  }
0xb9: {  	s0 =	sor.u32 s3, s0;
	s1 =	sshll.u32 s1, $0x11  }
0xba: {  	s0 =	sor.u32 s1, s0  }
0xbb: {  	s0 =	sadd.s32 $0x8F2B, s0  }
0xbc: {  	[sflag:s0] =	ssyncadd.remote.s32 $0x1  }
0xbd: {  	_ =	sfence.sel $0xFFFF  }
0xbe: {  	[dreg:$0x0] =	wrdreg $0xFFFFFFFF;
	(pc) =	sbr.abs _section_cstart, $3  }
0xbf: {  	[dreg:$0x1] =	wrdreg $0xFFFFFFFF  }
0xc0: {  	_ =	task.clear_ibuf [dreg:s6], $0x2FFFF;
	_ =	strace $0x9FFFFFFF  }
0xc1: {  	(tm) =	ssettm $0x7FFFFFFF  }
tec
execute0_lowered:
.L_overlay_start_1:
0x0: {  	(tag) =	ssettag $0x1  }
0x1: {  	s8 =	rddreg [dreg:$0x0];
	s1 =	stileid.u32  }
0x2: {  	s2 =	srdreg.scid;
	s0 =	rddreg [dreg:$0x1]  }
0x3: {  	_ =	strace $0x80000053;
	s5 =	simm.s32 $0x1;
	s9 =	simm.s32 $0x1  }
0x4: {  	s10 =	simm.s32 $0x3;
	s2 =	sand.u32 $0x1, s2;
	s3 =	sshll.u32 s1, $0x1  }
0x5: {  	s13 =	simm.s32 $0x0;
	s12 =	simm.s32 $0x0;
	s6 =	sor.u32 s3, s2  }
0x6: {  	[sflag:s5] =	ssyncpa.u1 $0x0;
	s2 =	sadd.s32 $0x2D200, s8;
	s4 =	smul.u32 $0x9E0, s6  }
0x7: {  	s3 =	sadd.s32 $0x21E00, s8;
	p0 =	slt.u32 s6, $0x9;
	s6 =	simm.s32 $0x13C00  }
.Ltmp0:
0x8: {  	s6 =	simm.s32 @!p0 $0x0;
	s7 =	ssub.s32 $0x18B00, s4;
	(pc) =	sbr.rel .LBB2_1-.Ltmp0, $4  }
0x9: {  	s9 =	simm.s32 @!p0 $0x0;
	p0 =	sne.s32 s7, s6;
	s7 =	simm.s32 $0x1  }
0xa: {  	s8 =	sadd.s32 $0x3C00, s8;
	s6 =	simm.s32 $0x2;
	s7 =	simm.s32 @!p0 $0x0  }
0xb: {  	s11 =	smov.u32 s4;
	[sflag:s6] =	ssyncpa.u1 $0x0;
	s7 =	sadd.s32 s9, s7  }
0xc: {  	vm0 =	vmmov $0xffff;
	[sflag:s10] =	ssyncpa.u1 $0x0;
	s10 =	simm.s32 $0x0;
	s9 =	sadd.s32 $0x1, s7  }
.LBB2_4:
0xd: {  	vm1 =	veq.s32 v4, $0x80000000;
	v56 =	vand.u32 $0x1F, v4;
	v6 =	vand.u32 $0x1FFF, v6  }
0xe: {  	v2 =	vor.u32 v2, v5;
	v59 =	vshrl.u32 v1, $0x5;
	v60 =	vand.u32 $0x1F, v1  }
0xf: {  	v4 =	vsel vm1, $0xFFFFFFFF, v56;
	v6 =	vsel vm1, $0xFFFFFFFF, v6;
	v2 =	vor.u32 v3, v2  }
0x10: {  	vm1 =	veq.s32 v1, $0x80000000;
	v5 =	vand.u32 $0x1FFF, v59;
	v7 =	vshrl.u32 v4, $0x3  }
0x11: {  	v57 =	vshll.u32 v6, $0x3;
	v4 =	vshll.u32 v4, $0x7;
	v1 =	vsel vm1, $0xFFFFFFFF, v60  }
0x12: {  	v5 =	vsel vm1, $0xFFFFFFFF, v5;
	v6 =	vand.u32 $0x7F, v6;
	v7 =	vmul.u32 $0xA000, v7  }
0x13: {  	v58 =	vand.u32 $0xFFFFFC00, v57;
	v4 =	vand.u32 $0x380, v4;
	v61 =	vshrl.u32 v1, $0x3  }
0x14: {  	v62 =	vshll.u32 v5, $0x3;
	v3 =	vadd.s32 v7, v58;
	v7 =	vmul.u32 $0xA000, v61  }
0x15: {  	v1 =	vshll.u32 v1, $0x7;
	v3 =	vor.u32 v4, v3;
	v4 =	vand.u32 $0xFFFFFC00, v62  }
0x16: {  	v1 =	vand.u32 $0x380, v1;
	v3 =	vor.u32 v6, v3;
	v4 =	vadd.s32 v7, v4  }
0x17: {  	[tilespmem:s16], [sflag:$0x1] =	stream.indirect_vreg.gather [hbm4b:s2+s10], $0x1, v0, vm0, $0x4038;
	v63 =	vand.u32 $0x7F, v5;
	v1 =	vor.u32 v1, v4;
	[tilespmem:$0x2780] =	vst v63  }
0x18: {  	s15 =	sadd.s32 $0x10, s15;
	(ifvalue) =	ssetifvalue $0x7FFFFFFF;
	v0 =	vor.u32 v63, v1  }
0x19: {  	[tilespmem:s15], [sflag:$0x1] =	stream.indirect_vreg.gather [hbm4b:s2+s10], $0x1, v2, vm0, $0x4038;
	[tilespmem:$0x2780] =	vst v63  }
0x1a: {  	s15 =	sadd.s32 $0x10, s15;
	(ifvalue) =	ssetifvalue $0x7FFFFFFF  }
0x1b: {  	[tilespmem:s15], [sflag:$0x1] =	stream.indirect_vreg.gather [hbm4b:s2+s10], $0x1, v3, vm0, $0x4038;
	[tilespmem:$0x2780] =	vst v63  }
0x1c: {  	s15 =	sadd.s32 $0x10, s15;
	(ifvalue) =	ssetifvalue $0x7FFFFFFF  }
0x1d: {  	[tilespmem:s15], [sflag:$0x1] =	stream.indirect_vreg.gather [hbm4b:s2+s10], $0x1, v0, vm0, $0x4038;
	[tilespmem:$0x2780] =	vst v63  }
0x1e: {  	_ =	swait.ge [sflag:s5], $0x9E0  }
0x1f: {  	s30 =	sshrl.u32 s13, $0x3;
	[sflag:s5] =	ssyncset.done $0x0  }
0x20: {  	s31 =	sand.u32 $0x7, s13;
	s15 =	sadd.s32 s8, s30;
	[sflag:s5] =	ssyncadd.s32 $0xFFFFF620  }
0x21: {  	[hbm4b:s15+s31] =	stream.linear.scatter [tilespmem:s14], [sflag:$0x3], $0x9E0, $0x38;
	[tilespmem:$0x2780] =	vst v63  }
.LBB2_5:
0x22: {  	s15 =	sadd.s32 $0x13C00, s11  }
0x23: {  	p1 =	sgt.s32 s15, $0x18AFF  }
0x24: {  	s15 =	smov.u32 @p1 s4;
	p1 =	sne.s32 s12, s9  }
.Ltmp1:
0x25: {  	p0 =	slt.u32 s12, $0x2;
	(pc) =	sbr.rel @!p1 .LBB2_6-.Ltmp1, $4  }
0x26: {  	s14 =	simm.s32 @!p0 $0x3  }
0x27: {  	_ =	swait.ge @!p0 [sflag:s14], $0x9E0  }
0x28: {  	s16 =	sadd.s32 $0x1, s12;
	s13 =	smov.u32 s11;
	[sflag:s14] =	ssyncset.done @!p0 $0x0  }
0x29: {  	s12 =	smov.u32 s16;
	s11 =	smov.u32 s15;
	[sflag:s14] =	ssyncadd.s32 @!p0 $0xFFFFF620  }
.LBB2_1:
0x2a: {  	p0 =	sge.u32 s12, s7  }
0x2b: {  	s14 =	sxor.u32 @!p0 $0x1, s12  }
0x2c: {  	s14 =	smul.u32 @!p0 $0x2780, s14  }
0x2d: {  	s31 =	sadd.s32 $0xFFFFFFFF, s12;
	s15 =	sshrl.u32 @!p0 s11, $0x3  }
0x2e: {  	s16 =	sand.u32 @!p0 $0x7, s11;
	s15 =	sadd.s32 @!p0 s3, s15;
	s14 =	sshra.s32 @!p0 s14, $0x2  }
0x2f: {  	[tilespmem:s14], [sflag:$0x2] =	stream.linear.gather @!p0 [hbm4b:s15+s16], $0x9E0, $0x38;
	[tilespmem:$0x2780] =	vst v63  }
0x30: {  	p0 =	sge.u32 s31, s7  }
.Ltmp2:
0x31: {  	_ = 	snop;
	(pc) =	sbr.rel @p0 .LBB2_5-.Ltmp2, $1  }
0x32: {  	_ =	sdelay $0x3  }
0x33: {  	s14 =	sand.u32 $0x1, s12  }
0x34: {  	_ =	swait.ge [sflag:s6], $0x9E0;
	p0 =	seq.s32 s14, $0x1;
	s14 =	simm.s32 $0x9E0  }
0x35: {  	[sflag:s6] =	ssyncset.done $0x0;
	s14 =	simm.s32 @!p0 $0x0  }
0x36: {  	[sflag:s6] =	ssyncadd.s32 $0xFFFFF620;
	(ifvalue) =	ssetifvalue $0x7FFFFFFF;
	v0 =	vld.msk [tilespmem:s14+$0x0 ss:$0x1], $0xffff  }
0x37: {  	s15 =	sadd.s32 $0x10, s14  }
0x38: {  	v1 =	vld.msk [tilespmem:s15+$0x0 ss:$0x1], $0xffff;
	_ =	sdelay $0x2  }
0x39: {  	v2 =	vshrl.u32 v0, $0x5  }
0x3a: {  	vm1 =	veq.s32 v0, $0x80000000;
	v0 =	vand.u32 $0x1F, v0;
	v2 =	vand.u32 $0x1FFF, v2  }
0x3b: {  	v0 =	vsel vm1, $0xFFFFFFFF, v0;
	v6 =	vshrl.u32 v1, $0x5;
	v2 =	vsel vm1, $0xFFFFFFFF, v2  }
0x3c: {  	v3 =	vshrl.u32 v0, $0x3;
	v0 =	vshll.u32 v0, $0x7;
	vm1 =	veq.s32 v1, $0x80000000  }
0x3d: {  	s15 =	sadd.s32 $0x10, s15;
	v1 =	vand.u32 $0x1F, v1;
	v4 =	vshll.u32 v2, $0x3;
	v3 =	vmul.u32 $0xA000, v3  }
0x3e: {  	v0 =	vand.u32 $0x380, v0;
	v7 =	vand.u32 $0x7F, v2;
	v5 =	vand.u32 $0xFFFFFC00, v4;
	v4 =	vld.msk [tilespmem:s15+$0x0 ss:$0x1], $0xffff  }
0x3f: {  	v1 =	vsel vm1, $0xFFFFFFFF, v1;
	v2 =	vadd.s32 v3, v5;
	v3 =	vand.u32 $0x1FFF, v6  }
0x40: {  	v3 =	vsel vm1, $0xFFFFFFFF, v3;
	v0 =	vor.u32 v0, v2;
	v2 =	vshrl.u32 v1, $0x3  }
0x41: {  	v1 =	vshll.u32 v1, $0x7;
	v5 =	vshll.u32 v3, $0x3;
	v8 =	vmul.u32 $0xA000, v2  }
0x42: {  	s18 =	simm.s32 $0x30;
	s14 =	sadd.s32 $0x13C0, s14;
	s17 =	sadd.s32 $0x10, s15;
	v2 =	vand.u32 $0x380, v1;
	v0 =	vor.u32 v7, v0;
	v5 =	vand.u32 $0xFFFFFC00, v5  }
0x43: {  	s16 =	smov.u32 s14;
	s15 =	smov.u32 s14;
	v1 =	vld.msk [tilespmem:s17+$0x0 ss:$0x1], $0xffff;
	v3 =	vand.u32 $0x7F, v3;
	(ifvalue) =	ssetifvalue $0x7FFFFFFF;
	v6 =	vshrl.u32 v4, $0x5;
	v5 =	vadd.s32 v8, v5  }
.LBB2_3:
0x44: {  	s18 =	sadd.s32 $0x10, s18  }
0x45: {  	vm1 =	veq.s32 v4, $0x80000000;
	v4 =	vand.u32 $0x1F, v4;
	v6 =	vand.u32 $0x1FFF, v6;
	s15 =	sadd.s32 $0x10, s15;
	p0 =	slt.u32 s18, $0x9D0  }
.Ltmp3:
0x46: {  	v5 =	vor.u32 v2, v5;
	v4 =	vsel vm1, $0xFFFFFFFF, v4;
	v7 =	vsel vm1, $0xFFFFFFFF, v6;
	(pc) =	sbr.rel @p0 .LBB2_3-.Ltmp3, $4  }
0x47: {  	v2 =	vshrl.u32 v4, $0x3;
	v6 =	vshll.u32 v7, $0x3;
	v4 =	vshll.u32 v4, $0x7;
	[tilespmem:s16], [sflag:$0x1] =	stream.indirect_vreg.gather [hbm4b:s2+s10], $0x1, v0, vm0, $0x4038;
	[tilespmem:$0x2780] =	vst v63  }
0x48: {  	v0 =	vor.u32 v3, v5;
	s16 =	smov.u32 s15;
	v8 =	vmul.u32 $0xA000, v2;
	v2 =	vand.u32 $0x380, v4  }
0x49: {  	s17 =	sadd.s32 $0x10, s17;
	v9 =	vand.u32 $0xFFFFFC00, v6  }
0x4a: {  	v3 =	vand.u32 $0x7F, v7;
	v6 =	vshrl.u32 v1, $0x5;
	v5 =	vadd.s32 v8, v9;
	(ifvalue) =	ssetifvalue $0x7FFFFFFF;
	v4 =	vmovc v1;
	v1 =	vld.msk [tilespmem:s17+$0x0 ss:$0x1], $0xffff  }
.Ltmp4:
0x4b: {  	_ = 	snop;
	(pc) =	sbr.rel .LBB2_4-.Ltmp4, $1  }
0x4c: {  	_ =	sdelay $0x3  }
.LBB2_6:
0x4d: {  	_ =	sfence.sel $0x180000  }
0x4e: {  	s2 =	simm.s32 $0x2;
	[bflag:$0x0] =	sbarrier.arrive $0xFFFF  }
0x4f: {  	s30 =	simm.s32 $0x3;
	[sflag:s2] =	ssyncpa.u1 $0x1  }
0x50: {  	s31 =	simm.s32 $0x1;
	[sflag:s30] =	ssyncpa.u1 $0x1  }
0x51: {  	[sflag:s31] =	ssyncpa.u1 $0x1  }
0x52: {  	p0 =	sne.s32 s1, $0x0;
	_ =	strace $0x90000053  }
0x53: {  	s0 =	sadd.s32 @!p0 $0x100000, s0;
	[bflag:$0x2] =	sbarrier.arrive $0xFFFF  }
0x54: {  	[sflag:s0] =	ssyncadd.tile.s32 @!p0 $0x1;
	_ =	shalt  }
.Lfunc_end2:
_tile_overlayer_lowered:
.L_overlay_start_2:
0x55: {  	(tag) =	ssettag $0x2  }
0x56: {  	s0 =	rddreg [dreg:$0x0];
	s2 =	stileid.u32  }
0x57: {  	s1 =	rddreg [dreg:$0x1];
	p0 =	sne.s32 s2, $0x0  }
0x58: {  	s3 =	rddreg [dreg:$0x2];
	[bflag:$0x3] =	sbarrier.arrive $0xFFFF;
	s2 =	simm.s32 @!p0 $0x1C01  }
0x59: {  	[timem:s3], [sflag:s2] =	dma.local @!p0 [hbm:s0], s1  }
0x5a: {  	s0 =	simm.s32 @!p0 $0x1  }
0x5b: {  	_ =	swait.ge @!p0 [sflag:s0], s1  }
0x5c: {  	s1 =	ssub.s32 @!p0 $0x0, s1;
	[sflag:s0] =	ssyncset.done @!p0 $0x0  }
0x5d: {  	[sflag:s0] =	ssyncadd.s32 @!p0 s1  }
0x5e: {  	[bflag:$0x3] =	sbarrier.arrive $0xFFFF  }
0x5f: {  	_ =	shalt  }

// kernel: gather_offload_async_start.6
scs
__scs_entry_jumppad:
0x0: {  	(pc) =	sbr.rel $0x88, $3  }
0x1: {  	(tag) =	ssettag $0x0;
	lr =	simm.s32 $0x1  }
0x2: {  	[smem:$0x3F9F] =	sst lr;
	_ =	strace $0xD0000000  }
0x3: {  	_ = 	snop  }
0x4: {  	_ = 	snop  }
0x5: {  	_ = 	snop  }
0x6: {  	_ = 	snop  }
0x7: {  	_ = 	snop  }
__scs_overlays_trampoline_lowered:
0x8: {  	[smem:$0x3FAE] =	sst s0  }
0x9: {  	[smem:$0x3FAF] =	sst s1  }
0xa: {  	[smem:$0x3FB0] =	sst s2  }
0xb: {  	[smem:$0x3FB1] =	sst s3  }
0xc: {  	[smem:$0x3FB2] =	sst s4  }
0xd: {  	[smem:$0x3FB3] =	sst s5  }
0xe: {  	[smem:$0x3FB4] =	sst s6  }
0xf: {  	[smem:$0x3FB5] =	sst s7  }
0x10: {  	[smem:$0x3FB6] =	sst s8  }
0x11: {  	[smem:$0x3FB7] =	sst s9;
	s0 =	simm.s32 @!p0 $0x0  }
0x12: {  	s1 =	sld [smem:$0x3F9D];
	s0 =	simm.s32 @p0 $0x1  }
0x13: {  	[smem:$0x3FB8] =	sst s0;
	s0 =	simm.s32 @!p1 $0x0  }
0x14: {  	s2 =	sld [smem:$0x3F9C];
	s0 =	simm.s32 @p1 $0x1  }
0x15: {  	[smem:$0x3FB9] =	sst s0;
	s0 =	simm.s32 @!p2 $0x0  }
0x16: {  	s3 =	sld [smem:$0x3FDB];
	s0 =	simm.s32 @p2 $0x1  }
0x17: {  	s4 =	simm.s32 $0x1BF5;
	[smem:$0x3FBB] =	sst s0  }
0x18: {  	s0 =	sld [smem:$0x3F9E];
	_ =	swait.ge [sflag:s4], $0x0  }
0x19: {  	s7 =	sld [smem:$0x3F9F]  }
0x1a: {  	s8 =	sadd.s32 $0xFFFFE003, lr  }
0x1b: {  	s9 =	sadd.s32 $0xFFFFFEF7, lr;
	s5 =	simm.s32 $0xFFFFFFFF;
	p2 =	slt.u32 s8, $0xFFFFF086  }
0x1c: {  	p1 =	slt.u32 s9, $0xF7A;
	s5 =	simm.s32 @!p2 $0x0  }
0x1d: {  	s5 =	simm.s32 @p1 $0x1;
	p0 =	seq.s32 s7, s2  }
0x1e: {  	s7 =	smul.u32 @!p0 $0xF7A, s2;
	p2 =	seq.s32 @!p0 s5, $0x0  }
0x1f: {  	s9 =	smul.u32 $0xF7A, s1;
	s8 =	simm.s32 @!p0 $0x1BF5;
	p2 =	por !p2, p0  }
0x20: {  	[sflag:s8] =	ssyncset.s32 @!p0 $0xFFFFF086;
	s6 =	sadd.s32 @!p0 s3, s7;
	s7 =	simm.s32 @!p0 $0x108  }
0x21: {  	s3 =	sadd.s32 s3, s9;
	s6 =	sadd.s32 @!p0 $0x88, s6;
	s7 =	simm.s32 @p2 $0x1082  }
0x22: {  	[simem:s7], [sflag:s8] =	dma.local @!p0 [hbm:s6], $0xF7A  }
0x23: {  	s9 =	sor.u32 $0xD0000000, s2;
	s6 =	simm.s32 $0x108;
	_ =	swait.ge @!p0 [sflag:s8], $0x0  }
0x24: {  	s3 =	sadd.s32 $0x88, s3;
	s6 =	simm.s32 @!p1 $0x1082;
	[sflag:s4] =	ssyncset.s32 $0xFFFFF086  }
0x25: {  	[simem:s6], [sflag:s4] =	dma.local [hbm:s3], $0xF7A  }
0x26: {  	[smem:$0x3F9F] =	sst s1;
	(tag) =	ssettag s2;
	_ =	strace s9  }
0x27: {  	s1 =	sld [smem:$0x3FAF]  }
0x28: {  	s2 =	sld [smem:$0x3FB0]  }
0x29: {  	s4 =	sld [smem:$0x3FB2]  }
0x2a: {  	p0 =	seq.s32 s5, $0x0;
	s5 =	sld [smem:$0x3FB3]  }
0x2b: {  	s6 =	sld [smem:$0x3FB4]  }
0x2c: {  	s7 =	sld [smem:$0x3FB5]  }
0x2d: {  	s3 =	simm.s32 $0x108;
	s8 =	sld [smem:$0x3FB6]  }
0x2e: {  	s3 =	simm.s32 @!p0 $0x1082;
	s9 =	sld [smem:$0x3FB7]  }
0x2f: {  	lr =	sadd.s32 s0, s3;
	s0 =	sld [smem:$0x3FAE]  }
0x30: {  	s3 =	sld [smem:$0x3FB1]  }
0x31: {  	[smem:$0x3FBA] =	sst s10  }
0x32: {  	s10 =	sld [smem:$0x3FB8];
	_ =	sdelay $0x3  }
0x33: {  	p0 =	seq.s32 s10, $0x1;
	s10 =	sld [smem:$0x3FBA];
	_ =	sdelay $0x3  }
0x34: {  	[smem:$0x3FBA] =	sst s10  }
0x35: {  	s10 =	sld [smem:$0x3FB9];
	_ =	sdelay $0x3  }
0x36: {  	p1 =	seq.s32 s10, $0x1;
	s10 =	sld [smem:$0x3FBA];
	_ =	sdelay $0x3  }
0x37: {  	[smem:$0x3FBA] =	sst s10  }
0x38: {  	s10 =	sld [smem:$0x3FBB]  }
0x39: {  	_ = 	snop;
	(pc) =	sbr.ind lr, $3  }
0x3a: {  	_ = 	snop  }
0x3b: {  	_ = 	snop  }
0x3c: {  	p2 =	seq.s32 s10, $0x1;
	s10 =	sld [smem:$0x3FBA]  }
0x3d: {  	_ =	shalt  }
0x3e: {  	_ =	shalt  }
0x3f: {  	_ =	shalt  }
0x40: {  	_ =	shalt  }
0x41: {  	_ =	shalt  }
0x42: {  	_ =	shalt  }
0x43: {  	_ =	shalt  }
0x44: {  	_ =	shalt  }
0x45: {  	_ =	shalt  }
0x46: {  	_ =	shalt  }
0x47: {  	_ =	shalt  }
0x48: {  	_ =	shalt  }
0x49: {  	_ =	shalt  }
0x4a: {  	_ =	shalt  }
0x4b: {  	_ =	shalt  }
0x4c: {  	_ =	shalt  }
0x4d: {  	_ =	shalt  }
0x4e: {  	_ =	shalt  }
0x4f: {  	_ =	shalt  }
0x50: {  	_ =	shalt  }
0x51: {  	_ =	shalt  }
0x52: {  	_ =	shalt  }
0x53: {  	_ =	shalt  }
0x54: {  	_ =	shalt  }
0x55: {  	_ =	shalt  }
0x56: {  	_ =	shalt  }
0x57: {  	_ =	shalt  }
0x58: {  	_ =	shalt  }
0x59: {  	_ =	shalt  }
0x5a: {  	_ =	shalt  }
0x5b: {  	_ =	shalt  }
0x5c: {  	_ =	shalt  }
0x5d: {  	_ =	shalt  }
0x5e: {  	_ =	shalt  }
0x5f: {  	_ =	shalt  }
0x60: {  	_ =	shalt  }
0x61: {  	_ =	shalt  }
0x62: {  	_ =	shalt  }
0x63: {  	_ =	shalt  }
0x64: {  	_ =	shalt  }
0x65: {  	_ =	shalt  }
0x66: {  	_ =	shalt  }
0x67: {  	_ =	shalt  }
0x68: {  	_ =	shalt  }
0x69: {  	_ =	shalt  }
0x6a: {  	_ =	shalt  }
0x6b: {  	_ =	shalt  }
0x6c: {  	_ =	shalt  }
0x6d: {  	_ =	shalt  }
0x6e: {  	_ =	shalt  }
0x6f: {  	_ =	shalt  }
0x70: {  	_ =	shalt  }
0x71: {  	_ =	shalt  }
0x72: {  	_ =	shalt  }
0x73: {  	_ =	shalt  }
0x74: {  	_ =	shalt  }
0x75: {  	_ =	shalt  }
0x76: {  	_ =	shalt  }
0x77: {  	_ =	shalt  }
0x78: {  	_ =	shalt  }
0x79: {  	_ =	shalt  }
0x7a: {  	_ =	shalt  }
0x7b: {  	_ =	shalt  }
0x7c: {  	_ =	shalt  }
0x7d: {  	_ =	shalt  }
0x7e: {  	_ =	shalt  }
0x7f: {  	_ =	shalt  }
0x80: {  	_ =	shalt  }
0x81: {  	_ =	shalt  }
0x82: {  	_ =	shalt  }
0x83: {  	_ =	shalt  }
0x84: {  	_ =	shalt  }
0x85: {  	_ =	shalt  }
0x86: {  	_ =	shalt  }
0x87: {  	_ =	shalt  }
.Lfunc_end0:
.L_simem_size_0:
called_computation.6_lowered:
.L_overlay_start_0:
0x88: {  	s2 =	sld [smem:$0x3FD9]  }
0x89: {  	s3 =	sld [smem:$0x3FFE];
	_ =	sdelay $0x1  }
0x8a: {  	s1 =	srdreg.scid  }
0x8b: {  	s0 =	sand.u32 $0x1, s1  }
0x8c: {  	s17 =	sshll.u32 s0, $0xA;
	s2 =	sadd.s32 s3, s2  }
0x8d: {  	s2 =	sadd.s32 s2, s17  }
0x8e: {  	[smem:$0x3FC6] =	sst s2  }
0x8f: {  	_ = 	snop  }
0x90: {  	(tm) =	ssettm $0x1  }
0x91: {  	s18 =	sld [smem:$0x3FFB];
	_ =	sdelay $0x3  }
0x92: {  	_ =	strace s18  }
0x93: {  	s2 =	sld [smem:$0x3FFC];
	_ =	sdelay $0x3  }
0x94: {  	_ =	strace s2  }
0x95: {  	s2 =	sld [smem:$0x3FFD];
	_ =	sdelay $0x3  }
0x96: {  	_ =	strace s2  }
0x97: {  	_ =	strace $0x8FFFFFFF  }
0x98: {  	s19 =	sld [smem:$0x3FDB];
	_ =	sdelay $0x1  }
0x99: {  	s20 =	simm.s32 $_scs_section_size  }
0x9a: {  	s4 =	simm.s32 $_size__tile_overlayer_lowered;
	s5 =	simm.s32 $_tile_overlayer_lowered  }
0x9b: {  	s6 =	simm.s32 $0x1BFF;
	s21 =	sshll.u32 s5, $0x1;
	s3 =	sadd.s32 s20, s19  }
0x9c: {  	s22 =	simm.s32 $0x0;
	s4 =	sshll.u32 s4, $0x1;
	s5 =	sadd.s32 s21, s3  }
0x9d: {  	[timem:s22], [sflag:s6] =	dma.local [hbm:s5], s4  }
0x9e: {  	_ =	swait.ge [sflag:s6], s4  }
0x9f: {  	s4 =	ssub.s32 $0x0, s4;
	[sflag:s6] =	ssyncset.done $0x0  }
0xa0: {  	[sflag:s6] =	ssyncadd.s32 s4;
	_ =	sdelay $0x1  }
0xa1: {  	s23 =	simm.s32 $0x1B8B  }
0xa2: {  	_ =	swait.ge [sflag:s23], $0x1  }
0xa3: {  	[sflag:s23] =	ssyncset.done $0x0  }
0xa4: {  	[sflag:s23] =	ssyncadd.s32 $0xFFFFFFFF  }
0xa5: {  	s4 =	sld [smem:$0x0]  }
0xa6: {  	s5 =	sand.u32 $0xFFFFFFFE, s1  }
0xa7: {  	p0 =	sne.s32 s1, s5  }
0xa8: {  	s5 =	sshll.u32 @p0 s5, $0xE  }
0xa9: {  	s5 =	sadd.s32 @p0 $0x11B8D, s5;
	s6 =	sshll.u32 @p0 s4, $0x11  }
0xaa: {  	s5 =	sor.u32 @p0 s6, s5  }
0xab: {  	[sflag:s5] =	ssyncadd.remote.s32 @p0 $0x1;
	_ =	sdelay $0x1  }
0xac: {  	s5 =	simm.s32 @p0 $0x1B8D  }
0xad: {  	_ =	swait.eq @p0 [sflag:s5], $0x1  }
0xae: {  	[sflag:s5] =	ssyncadd.s32 @p0 $0xFFFFFFFF  }
0xaf: {  	s6 =	sshll.u32 @!p0 s1, $0xE  }
0xb0: {  	s6 =	sor.u32 @!p0 $0x4000, s6;
	s5 =	simm.s32 @!p0 $0x1B8D  }
0xb1: {  	s4 =	sshll.u32 @!p0 s4, $0x11;
	s6 =	sadd.s32 @!p0 $0x11B8D, s6;
	_ =	swait.eq @!p0 [sflag:s5], $0x1  }
0xb2: {  	s4 =	sor.u32 @!p0 s4, s6;
	[sflag:s5] =	ssyncadd.s32 @!p0 $0xFFFFFFFF  }
0xb3: {  	s25 =	simm.s32 $0x1B8E;
	s24 =	sld [smem:$0x3FFE];
	[sflag:s4] =	ssyncadd.remote.s32 @!p0 $0x1  }
0xb4: {  	s26 =	simm.s32 $execute0_lowered;
	[smem:$0x3FD2] =	sst s25  }
0xb5: {  	s5 =	sshll.u32 s26, $0x1;
	_ =	strace $0x8000004F;
	[dreg:$0x1] =	wrdreg $0xFFFFFFFF  }
0xb6: {  	s28 =	simm.s32 $_size_execute0_lowered;
	s3 =	sadd.s32 s3, s5;
	[dreg:$0x0] =	wrdreg $0x0  }
0xb7: {  	s5 =	sshll.u32 s28, $0x1;
	[dreg:$0x2] =	wrdreg s3  }
0xb8: {  	[dreg:$0x3] =	wrdreg s5  }
0xb9: {  	[dreg:$0x4] =	wrdreg $0xC0  }
0xba: {  	_ =	task [dreg:s22], $0x5FFFF  }
0xbb: {  	[dreg:$0x1] =	wrdreg $0xFFFFFFFF  }
0xbc: {  	[dreg:$0x0] =	wrdreg $0x60  }
0xbd: {  	[dreg:$0x2] =	wrdreg s24  }
0xbe: {  	[dreg:$0x3] =	wrdreg $0xA  }
0xbf: {  	_ =	task.clear_ibuf [dreg:s22], $0x4FFFF;
	_ =	strace $0x9000004F  }
0xc0: {  	s29 =	simm.s32 $0xA;
	_ =	strace $0x80000051  }
0xc1: {  	_ =	swait.ge [sflag:s29], $0x1  }
0xc2: {  	[sflag:s29] =	ssyncadd.s32 $0xFFFFFFFF  }
0xc3: {  	_ =	strace $0x90000051  }
0xc4: {  	_ =	sfence  }
0xc5: {  	s30 =	sld [smem:$0x0];
	_ =	sdelay $0x2  }
0xc6: {  	s31 =	sshll.u32 s1, $0xD;
	s1 =	sshrl.u32 s1, $0x2  }
0xc7: {  	s4 =	sand.u32 $0x4000, s31;
	s1 =	sadd.s32 s1, s30  }
0xc8: {  	s0 =	sor.u32 s4, s0;
	s1 =	sshll.u32 s1, $0x11  }
0xc9: {  	s0 =	sor.u32 s1, s0  }
0xca: {  	s0 =	sadd.s32 $0x8F2B, s0  }
0xcb: {  	[sflag:s0] =	ssyncadd.remote.s32 $0x1  }
0xcc: {  	_ =	sfence.sel $0xFFFF  }
0xcd: {  	[dreg:$0x0] =	wrdreg $0xFFFFFFFF;
	(pc) =	sbr.abs _section_cstart, $3  }
0xce: {  	[dreg:$0x1] =	wrdreg $0xFFFFFFFF  }
0xcf: {  	_ =	task.clear_ibuf [dreg:s22], $0x2FFFF;
	_ =	strace $0x9FFFFFFF  }
0xd0: {  	(tm) =	ssettm $0x7FFFFFFF  }
0xd1: {  	_ =	shalt  }
tec
execute0_lowered:
.L_overlay_start_1:
0x0: {  	(tag) =	ssettag $0x1  }
0x1: {  	s8 =	rddreg [dreg:$0x0];
	s1 =	stileid.u32  }
0x2: {  	s2 =	srdreg.scid;
	s0 =	rddreg [dreg:$0x1]  }
0x3: {  	_ =	strace $0x80000050;
	s5 =	simm.s32 $0x1;
	s9 =	simm.s32 $0x1  }
0x4: {  	s10 =	simm.s32 $0x3;
	s2 =	sand.u32 $0x1, s2;
	s3 =	sshll.u32 s1, $0x1  }
0x5: {  	s13 =	simm.s32 $0x0;
	s12 =	simm.s32 $0x0;
	s6 =	sor.u32 s3, s2  }
0x6: {  	[sflag:s5] =	ssyncpa.u1 $0x0;
	s2 =	sadd.s32 $0x29600, s8;
	s4 =	smul.u32 $0x9E0, s6  }
0x7: {  	s3 =	sadd.s32 $0x21E00, s8;
	p0 =	slt.u32 s6, $0x9;
	s6 =	simm.s32 $0x13C00  }
.Ltmp0:
0x8: {  	s6 =	simm.s32 @!p0 $0x0;
	s7 =	ssub.s32 $0x18B00, s4;
	(pc) =	sbr.rel .LBB2_1-.Ltmp0, $4  }
0x9: {  	s9 =	simm.s32 @!p0 $0x0;
	p0 =	sne.s32 s7, s6;
	s7 =	simm.s32 $0x1  }
0xa: {  	s8 =	sadd.s32 $0x34000, s8;
	s6 =	simm.s32 $0x2;
	s7 =	simm.s32 @!p0 $0x0  }
0xb: {  	s11 =	smov.u32 s4;
	[sflag:s6] =	ssyncpa.u1 $0x0;
	s7 =	sadd.s32 s9, s7  }
0xc: {  	vm0 =	vmmov $0xffff;
	[sflag:s10] =	ssyncpa.u1 $0x0;
	s10 =	simm.s32 $0x0;
	s9 =	sadd.s32 $0x1, s7  }
.LBB2_4:
0xd: {  	vm1 =	veq.s32 v4, $0x80000000;
	v56 =	vand.u32 $0x1F, v4;
	v6 =	vand.u32 $0x1FFF, v6  }
0xe: {  	v2 =	vor.u32 v2, v5;
	v59 =	vshrl.u32 v1, $0x5;
	v60 =	vand.u32 $0x1F, v1  }
0xf: {  	v4 =	vsel vm1, $0xFFFFFFFF, v56;
	v6 =	vsel vm1, $0xFFFFFFFF, v6;
	v2 =	vor.u32 v3, v2  }
0x10: {  	vm1 =	veq.s32 v1, $0x80000000;
	v5 =	vand.u32 $0x1FFF, v59;
	v7 =	vshrl.u32 v4, $0x3  }
0x11: {  	v57 =	vshll.u32 v6, $0x3;
	v4 =	vshll.u32 v4, $0x7;
	v1 =	vsel vm1, $0xFFFFFFFF, v60  }
0x12: {  	v5 =	vsel vm1, $0xFFFFFFFF, v5;
	v6 =	vand.u32 $0x7F, v6;
	v7 =	vmul.u32 $0xA000, v7  }
0x13: {  	v58 =	vand.u32 $0xFFFFFC00, v57;
	v4 =	vand.u32 $0x380, v4;
	v61 =	vshrl.u32 v1, $0x3  }
0x14: {  	v62 =	vshll.u32 v5, $0x3;
	v3 =	vadd.s32 v7, v58;
	v7 =	vmul.u32 $0xA000, v61  }
0x15: {  	v1 =	vshll.u32 v1, $0x7;
	v3 =	vor.u32 v4, v3;
	v4 =	vand.u32 $0xFFFFFC00, v62  }
0x16: {  	v1 =	vand.u32 $0x380, v1;
	v3 =	vor.u32 v6, v3;
	v4 =	vadd.s32 v7, v4  }
0x17: {  	[tilespmem:s16], [sflag:$0x1] =	stream.indirect_vreg.gather [hbm4b:s2+s10], $0x1, v0, vm0, $0x4038;
	v63 =	vand.u32 $0x7F, v5;
	v1 =	vor.u32 v1, v4;
	[tilespmem:$0x2780] =	vst v63  }
0x18: {  	s15 =	sadd.s32 $0x10, s15;
	(ifvalue) =	ssetifvalue $0x7FFFFFFF;
	v0 =	vor.u32 v63, v1  }
0x19: {  	[tilespmem:s15], [sflag:$0x1] =	stream.indirect_vreg.gather [hbm4b:s2+s10], $0x1, v2, vm0, $0x4038;
	[tilespmem:$0x2780] =	vst v63  }
0x1a: {  	s15 =	sadd.s32 $0x10, s15;
	(ifvalue) =	ssetifvalue $0x7FFFFFFF  }
0x1b: {  	[tilespmem:s15], [sflag:$0x1] =	stream.indirect_vreg.gather [hbm4b:s2+s10], $0x1, v3, vm0, $0x4038;
	[tilespmem:$0x2780] =	vst v63  }
0x1c: {  	s15 =	sadd.s32 $0x10, s15;
	(ifvalue) =	ssetifvalue $0x7FFFFFFF  }
0x1d: {  	[tilespmem:s15], [sflag:$0x1] =	stream.indirect_vreg.gather [hbm4b:s2+s10], $0x1, v0, vm0, $0x4038;
	[tilespmem:$0x2780] =	vst v63  }
0x1e: {  	_ =	swait.ge [sflag:s5], $0x9E0  }
0x1f: {  	s30 =	sshrl.u32 s13, $0x3;
	[sflag:s5] =	ssyncset.done $0x0  }
0x20: {  	s31 =	sand.u32 $0x7, s13;
	s15 =	sadd.s32 s8, s30;
	[sflag:s5] =	ssyncadd.s32 $0xFFFFF620  }
0x21: {  	[hbm4b:s15+s31] =	stream.linear.scatter [tilespmem:s14], [sflag:$0x3], $0x9E0, $0x38;
	[tilespmem:$0x2780] =	vst v63  }
.LBB2_5:
0x22: {  	s15 =	sadd.s32 $0x13C00, s11  }
0x23: {  	p1 =	sgt.s32 s15, $0x18AFF  }
0x24: {  	s15 =	smov.u32 @p1 s4;
	p1 =	sne.s32 s12, s9  }
.Ltmp1:
0x25: {  	p0 =	slt.u32 s12, $0x2;
	(pc) =	sbr.rel @!p1 .LBB2_6-.Ltmp1, $4  }
0x26: {  	s14 =	simm.s32 @!p0 $0x3  }
0x27: {  	_ =	swait.ge @!p0 [sflag:s14], $0x9E0  }
0x28: {  	s16 =	sadd.s32 $0x1, s12;
	s13 =	smov.u32 s11;
	[sflag:s14] =	ssyncset.done @!p0 $0x0  }
0x29: {  	s12 =	smov.u32 s16;
	s11 =	smov.u32 s15;
	[sflag:s14] =	ssyncadd.s32 @!p0 $0xFFFFF620  }
.LBB2_1:
0x2a: {  	p0 =	sge.u32 s12, s7  }
0x2b: {  	s14 =	sxor.u32 @!p0 $0x1, s12  }
0x2c: {  	s14 =	smul.u32 @!p0 $0x2780, s14  }
0x2d: {  	s31 =	sadd.s32 $0xFFFFFFFF, s12;
	s15 =	sshrl.u32 @!p0 s11, $0x3  }
0x2e: {  	s16 =	sand.u32 @!p0 $0x7, s11;
	s15 =	sadd.s32 @!p0 s3, s15;
	s14 =	sshra.s32 @!p0 s14, $0x2  }
0x2f: {  	[tilespmem:s14], [sflag:$0x2] =	stream.linear.gather @!p0 [hbm4b:s15+s16], $0x9E0, $0x38;
	[tilespmem:$0x2780] =	vst v63  }
0x30: {  	p0 =	sge.u32 s31, s7  }
.Ltmp2:
0x31: {  	_ = 	snop;
	(pc) =	sbr.rel @p0 .LBB2_5-.Ltmp2, $1  }
0x32: {  	_ =	sdelay $0x3  }
0x33: {  	s14 =	sand.u32 $0x1, s12  }
0x34: {  	_ =	swait.ge [sflag:s6], $0x9E0;
	p0 =	seq.s32 s14, $0x1;
	s14 =	simm.s32 $0x9E0  }
0x35: {  	[sflag:s6] =	ssyncset.done $0x0;
	s14 =	simm.s32 @!p0 $0x0  }
0x36: {  	[sflag:s6] =	ssyncadd.s32 $0xFFFFF620;
	(ifvalue) =	ssetifvalue $0x7FFFFFFF;
	v0 =	vld.msk [tilespmem:s14+$0x0 ss:$0x1], $0xffff  }
0x37: {  	s15 =	sadd.s32 $0x10, s14  }
0x38: {  	v1 =	vld.msk [tilespmem:s15+$0x0 ss:$0x1], $0xffff;
	_ =	sdelay $0x2  }
0x39: {  	v2 =	vshrl.u32 v0, $0x5  }
0x3a: {  	vm1 =	veq.s32 v0, $0x80000000;
	v0 =	vand.u32 $0x1F, v0;
	v2 =	vand.u32 $0x1FFF, v2  }
0x3b: {  	v0 =	vsel vm1, $0xFFFFFFFF, v0;
	v6 =	vshrl.u32 v1, $0x5;
	v2 =	vsel vm1, $0xFFFFFFFF, v2  }
0x3c: {  	v3 =	vshrl.u32 v0, $0x3;
	v0 =	vshll.u32 v0, $0x7;
	vm1 =	veq.s32 v1, $0x80000000  }
0x3d: {  	s15 =	sadd.s32 $0x10, s15;
	v1 =	vand.u32 $0x1F, v1;
	v4 =	vshll.u32 v2, $0x3;
	v3 =	vmul.u32 $0xA000, v3  }
0x3e: {  	v0 =	vand.u32 $0x380, v0;
	v7 =	vand.u32 $0x7F, v2;
	v5 =	vand.u32 $0xFFFFFC00, v4;
	v4 =	vld.msk [tilespmem:s15+$0x0 ss:$0x1], $0xffff  }
0x3f: {  	v1 =	vsel vm1, $0xFFFFFFFF, v1;
	v2 =	vadd.s32 v3, v5;
	v3 =	vand.u32 $0x1FFF, v6  }
0x40: {  	v3 =	vsel vm1, $0xFFFFFFFF, v3;
	v0 =	vor.u32 v0, v2;
	v2 =	vshrl.u32 v1, $0x3  }
0x41: {  	v1 =	vshll.u32 v1, $0x7;
	v5 =	vshll.u32 v3, $0x3;
	v8 =	vmul.u32 $0xA000, v2  }
0x42: {  	s18 =	simm.s32 $0x30;
	s14 =	sadd.s32 $0x13C0, s14;
	s17 =	sadd.s32 $0x10, s15;
	v2 =	vand.u32 $0x380, v1;
	v0 =	vor.u32 v7, v0;
	v5 =	vand.u32 $0xFFFFFC00, v5  }
0x43: {  	s16 =	smov.u32 s14;
	s15 =	smov.u32 s14;
	v1 =	vld.msk [tilespmem:s17+$0x0 ss:$0x1], $0xffff;
	v3 =	vand.u32 $0x7F, v3;
	(ifvalue) =	ssetifvalue $0x7FFFFFFF;
	v6 =	vshrl.u32 v4, $0x5;
	v5 =	vadd.s32 v8, v5  }
.LBB2_3:
0x44: {  	s18 =	sadd.s32 $0x10, s18  }
0x45: {  	vm1 =	veq.s32 v4, $0x80000000;
	v4 =	vand.u32 $0x1F, v4;
	v6 =	vand.u32 $0x1FFF, v6;
	s15 =	sadd.s32 $0x10, s15;
	p0 =	slt.u32 s18, $0x9D0  }
.Ltmp3:
0x46: {  	v5 =	vor.u32 v2, v5;
	v4 =	vsel vm1, $0xFFFFFFFF, v4;
	v7 =	vsel vm1, $0xFFFFFFFF, v6;
	(pc) =	sbr.rel @p0 .LBB2_3-.Ltmp3, $4  }
0x47: {  	v2 =	vshrl.u32 v4, $0x3;
	v6 =	vshll.u32 v7, $0x3;
	v4 =	vshll.u32 v4, $0x7;
	[tilespmem:s16], [sflag:$0x1] =	stream.indirect_vreg.gather [hbm4b:s2+s10], $0x1, v0, vm0, $0x4038;
	[tilespmem:$0x2780] =	vst v63  }
0x48: {  	v0 =	vor.u32 v3, v5;
	s16 =	smov.u32 s15;
	v8 =	vmul.u32 $0xA000, v2;
	v2 =	vand.u32 $0x380, v4  }
0x49: {  	s17 =	sadd.s32 $0x10, s17;
	v9 =	vand.u32 $0xFFFFFC00, v6  }
0x4a: {  	v3 =	vand.u32 $0x7F, v7;
	v6 =	vshrl.u32 v1, $0x5;
	v5 =	vadd.s32 v8, v9;
	(ifvalue) =	ssetifvalue $0x7FFFFFFF;
	v4 =	vmovc v1;
	v1 =	vld.msk [tilespmem:s17+$0x0 ss:$0x1], $0xffff  }
.Ltmp4:
0x4b: {  	_ = 	snop;
	(pc) =	sbr.rel .LBB2_4-.Ltmp4, $1  }
0x4c: {  	_ =	sdelay $0x3  }
.LBB2_6:
0x4d: {  	_ =	sfence.sel $0x180000  }
0x4e: {  	s2 =	simm.s32 $0x2;
	[bflag:$0x0] =	sbarrier.arrive $0xFFFF  }
0x4f: {  	s30 =	simm.s32 $0x3;
	[sflag:s2] =	ssyncpa.u1 $0x1  }
0x50: {  	s31 =	simm.s32 $0x1;
	[sflag:s30] =	ssyncpa.u1 $0x1  }
0x51: {  	[sflag:s31] =	ssyncpa.u1 $0x1  }
0x52: {  	p0 =	sne.s32 s1, $0x0;
	_ =	strace $0x90000050  }
0x53: {  	s0 =	sadd.s32 @!p0 $0x100000, s0;
	[bflag:$0x2] =	sbarrier.arrive $0xFFFF  }
0x54: {  	[sflag:s0] =	ssyncadd.tile.s32 @!p0 $0x1;
	_ =	shalt  }
.Lfunc_end2:
_tile_overlayer_lowered:
.L_overlay_start_2:
0x55: {  	(tag) =	ssettag $0x2  }
0x56: {  	s0 =	rddreg [dreg:$0x0];
	s2 =	stileid.u32  }
0x57: {  	s1 =	rddreg [dreg:$0x1];
	p0 =	sne.s32 s2, $0x0  }
0x58: {  	s3 =	rddreg [dreg:$0x2];
	[bflag:$0x3] =	sbarrier.arrive $0xFFFF;
	s2 =	simm.s32 @!p0 $0x1C01  }
0x59: {  	[timem:s3], [sflag:s2] =	dma.local @!p0 [hbm:s0], s1  }
0x5a: {  	s0 =	simm.s32 @!p0 $0x1  }
0x5b: {  	_ =	swait.ge @!p0 [sflag:s0], s1  }
0x5c: {  	s1 =	ssub.s32 @!p0 $0x0, s1;
	[sflag:s0] =	ssyncset.done @!p0 $0x0  }
0x5d: {  	[sflag:s0] =	ssyncadd.s32 @!p0 s1  }
0x5e: {  	[bflag:$0x3] =	sbarrier.arrive $0xFFFF  }
0x5f: {  	_ =	shalt  }

// kernel: gather_offload_async_start.7
scs
__scs_entry_jumppad:
0x0: {  	(pc) =	sbr.rel $0x88, $3  }
0x1: {  	(tag) =	ssettag $0x0;
	lr =	simm.s32 $0x1  }
0x2: {  	[smem:$0x3F9F] =	sst lr;
	_ =	strace $0xD0000000  }
0x3: {  	_ = 	snop  }
0x4: {  	_ = 	snop  }
0x5: {  	_ = 	snop  }
0x6: {  	_ = 	snop  }
0x7: {  	_ = 	snop  }
__scs_overlays_trampoline_lowered:
0x8: {  	[smem:$0x3FAE] =	sst s0  }
0x9: {  	[smem:$0x3FAF] =	sst s1  }
0xa: {  	[smem:$0x3FB0] =	sst s2  }
0xb: {  	[smem:$0x3FB1] =	sst s3  }
0xc: {  	[smem:$0x3FB2] =	sst s4  }
0xd: {  	[smem:$0x3FB3] =	sst s5  }
0xe: {  	[smem:$0x3FB4] =	sst s6  }
0xf: {  	[smem:$0x3FB5] =	sst s7  }
0x10: {  	[smem:$0x3FB6] =	sst s8  }
0x11: {  	[smem:$0x3FB7] =	sst s9;
	s0 =	simm.s32 @!p0 $0x0  }
0x12: {  	s1 =	sld [smem:$0x3F9D];
	s0 =	simm.s32 @p0 $0x1  }
0x13: {  	[smem:$0x3FB8] =	sst s0;
	s0 =	simm.s32 @!p1 $0x0  }
0x14: {  	s2 =	sld [smem:$0x3F9C];
	s0 =	simm.s32 @p1 $0x1  }
0x15: {  	[smem:$0x3FB9] =	sst s0;
	s0 =	simm.s32 @!p2 $0x0  }
0x16: {  	s3 =	sld [smem:$0x3FDB];
	s0 =	simm.s32 @p2 $0x1  }
0x17: {  	s4 =	simm.s32 $0x1BF5;
	[smem:$0x3FBB] =	sst s0  }
0x18: {  	s0 =	sld [smem:$0x3F9E];
	_ =	swait.ge [sflag:s4], $0x0  }
0x19: {  	s7 =	sld [smem:$0x3F9F]  }
0x1a: {  	s8 =	sadd.s32 $0xFFFFE003, lr  }
0x1b: {  	s9 =	sadd.s32 $0xFFFFFEF7, lr;
	s5 =	simm.s32 $0xFFFFFFFF;
	p2 =	slt.u32 s8, $0xFFFFF086  }
0x1c: {  	p1 =	slt.u32 s9, $0xF7A;
	s5 =	simm.s32 @!p2 $0x0  }
0x1d: {  	s5 =	simm.s32 @p1 $0x1;
	p0 =	seq.s32 s7, s2  }
0x1e: {  	s7 =	smul.u32 @!p0 $0xF7A, s2;
	p2 =	seq.s32 @!p0 s5, $0x0  }
0x1f: {  	s9 =	smul.u32 $0xF7A, s1;
	s8 =	simm.s32 @!p0 $0x1BF5;
	p2 =	por !p2, p0  }
0x20: {  	[sflag:s8] =	ssyncset.s32 @!p0 $0xFFFFF086;
	s6 =	sadd.s32 @!p0 s3, s7;
	s7 =	simm.s32 @!p0 $0x108  }
0x21: {  	s3 =	sadd.s32 s3, s9;
	s6 =	sadd.s32 @!p0 $0x88, s6;
	s7 =	simm.s32 @p2 $0x1082  }
0x22: {  	[simem:s7], [sflag:s8] =	dma.local @!p0 [hbm:s6], $0xF7A  }
0x23: {  	s9 =	sor.u32 $0xD0000000, s2;
	s6 =	simm.s32 $0x108;
	_ =	swait.ge @!p0 [sflag:s8], $0x0  }
0x24: {  	s3 =	sadd.s32 $0x88, s3;
	s6 =	simm.s32 @!p1 $0x1082;
	[sflag:s4] =	ssyncset.s32 $0xFFFFF086  }
0x25: {  	[simem:s6], [sflag:s4] =	dma.local [hbm:s3], $0xF7A  }
0x26: {  	[smem:$0x3F9F] =	sst s1;
	(tag) =	ssettag s2;
	_ =	strace s9  }
0x27: {  	s1 =	sld [smem:$0x3FAF]  }
0x28: {  	s2 =	sld [smem:$0x3FB0]  }
0x29: {  	s4 =	sld [smem:$0x3FB2]  }
0x2a: {  	p0 =	seq.s32 s5, $0x0;
	s5 =	sld [smem:$0x3FB3]  }
0x2b: {  	s6 =	sld [smem:$0x3FB4]  }
0x2c: {  	s7 =	sld [smem:$0x3FB5]  }
0x2d: {  	s3 =	simm.s32 $0x108;
	s8 =	sld [smem:$0x3FB6]  }
0x2e: {  	s3 =	simm.s32 @!p0 $0x1082;
	s9 =	sld [smem:$0x3FB7]  }
0x2f: {  	lr =	sadd.s32 s0, s3;
	s0 =	sld [smem:$0x3FAE]  }
0x30: {  	s3 =	sld [smem:$0x3FB1]  }
0x31: {  	[smem:$0x3FBA] =	sst s10  }
0x32: {  	s10 =	sld [smem:$0x3FB8];
	_ =	sdelay $0x3  }
0x33: {  	p0 =	seq.s32 s10, $0x1;
	s10 =	sld [smem:$0x3FBA];
	_ =	sdelay $0x3  }
0x34: {  	[smem:$0x3FBA] =	sst s10  }
0x35: {  	s10 =	sld [smem:$0x3FB9];
	_ =	sdelay $0x3  }
0x36: {  	p1 =	seq.s32 s10, $0x1;
	s10 =	sld [smem:$0x3FBA];
	_ =	sdelay $0x3  }
0x37: {  	[smem:$0x3FBA] =	sst s10  }
0x38: {  	s10 =	sld [smem:$0x3FBB]  }
0x39: {  	_ = 	snop;
	(pc) =	sbr.ind lr, $3  }
0x3a: {  	_ = 	snop  }
0x3b: {  	_ = 	snop  }
0x3c: {  	p2 =	seq.s32 s10, $0x1;
	s10 =	sld [smem:$0x3FBA]  }
0x3d: {  	_ =	shalt  }
0x3e: {  	_ =	shalt  }
0x3f: {  	_ =	shalt  }
0x40: {  	_ =	shalt  }
0x41: {  	_ =	shalt  }
0x42: {  	_ =	shalt  }
0x43: {  	_ =	shalt  }
0x44: {  	_ =	shalt  }
0x45: {  	_ =	shalt  }
0x46: {  	_ =	shalt  }
0x47: {  	_ =	shalt  }
0x48: {  	_ =	shalt  }
0x49: {  	_ =	shalt  }
0x4a: {  	_ =	shalt  }
0x4b: {  	_ =	shalt  }
0x4c: {  	_ =	shalt  }
0x4d: {  	_ =	shalt  }
0x4e: {  	_ =	shalt  }
0x4f: {  	_ =	shalt  }
0x50: {  	_ =	shalt  }
0x51: {  	_ =	shalt  }
0x52: {  	_ =	shalt  }
0x53: {  	_ =	shalt  }
0x54: {  	_ =	shalt  }
0x55: {  	_ =	shalt  }
0x56: {  	_ =	shalt  }
0x57: {  	_ =	shalt  }
0x58: {  	_ =	shalt  }
0x59: {  	_ =	shalt  }
0x5a: {  	_ =	shalt  }
0x5b: {  	_ =	shalt  }
0x5c: {  	_ =	shalt  }
0x5d: {  	_ =	shalt  }
0x5e: {  	_ =	shalt  }
0x5f: {  	_ =	shalt  }
0x60: {  	_ =	shalt  }
0x61: {  	_ =	shalt  }
0x62: {  	_ =	shalt  }
0x63: {  	_ =	shalt  }
0x64: {  	_ =	shalt  }
0x65: {  	_ =	shalt  }
0x66: {  	_ =	shalt  }
0x67: {  	_ =	shalt  }
0x68: {  	_ =	shalt  }
0x69: {  	_ =	shalt  }
0x6a: {  	_ =	shalt  }
0x6b: {  	_ =	shalt  }
0x6c: {  	_ =	shalt  }
0x6d: {  	_ =	shalt  }
0x6e: {  	_ =	shalt  }
0x6f: {  	_ =	shalt  }
0x70: {  	_ =	shalt  }
0x71: {  	_ =	shalt  }
0x72: {  	_ =	shalt  }
0x73: {  	_ =	shalt  }
0x74: {  	_ =	shalt  }
0x75: {  	_ =	shalt  }
0x76: {  	_ =	shalt  }
0x77: {  	_ =	shalt  }
0x78: {  	_ =	shalt  }
0x79: {  	_ =	shalt  }
0x7a: {  	_ =	shalt  }
0x7b: {  	_ =	shalt  }
0x7c: {  	_ =	shalt  }
0x7d: {  	_ =	shalt  }
0x7e: {  	_ =	shalt  }
0x7f: {  	_ =	shalt  }
0x80: {  	_ =	shalt  }
0x81: {  	_ =	shalt  }
0x82: {  	_ =	shalt  }
0x83: {  	_ =	shalt  }
0x84: {  	_ =	shalt  }
0x85: {  	_ =	shalt  }
0x86: {  	_ =	shalt  }
0x87: {  	_ =	shalt  }
.Lfunc_end0:
.L_simem_size_0:
called_computation.7_lowered:
.L_overlay_start_0:
0x88: {  	s2 =	sld [smem:$0x3FD9]  }
0x89: {  	s3 =	sld [smem:$0x3FFE];
	_ =	sdelay $0x1  }
0x8a: {  	s1 =	srdreg.scid  }
0x8b: {  	s0 =	sand.u32 $0x1, s1  }
0x8c: {  	s16 =	sshll.u32 s0, $0xA;
	s2 =	sadd.s32 s3, s2  }
0x8d: {  	s2 =	sadd.s32 s2, s16  }
0x8e: {  	[smem:$0x3FC6] =	sst s2  }
0x8f: {  	_ = 	snop  }
0x90: {  	(tm) =	ssettm $0x1  }
0x91: {  	s17 =	sld [smem:$0x3FFB];
	_ =	sdelay $0x3  }
0x92: {  	_ =	strace s17  }
0x93: {  	s2 =	sld [smem:$0x3FFC];
	_ =	sdelay $0x3  }
0x94: {  	_ =	strace s2  }
0x95: {  	s2 =	sld [smem:$0x3FFD];
	_ =	sdelay $0x3  }
0x96: {  	_ =	strace s2  }
0x97: {  	_ =	strace $0x8FFFFFFF  }
0x98: {  	s18 =	sld [smem:$0x3FDB];
	_ =	sdelay $0x1  }
0x99: {  	s19 =	simm.s32 $_scs_section_size  }
0x9a: {  	s4 =	simm.s32 $_size__tile_overlayer_lowered;
	s5 =	simm.s32 $_tile_overlayer_lowered  }
0x9b: {  	s22 =	simm.s32 $0x1BFF;
	s21 =	sshll.u32 s5, $0x1;
	s2 =	sadd.s32 s19, s18  }
0x9c: {  	s6 =	simm.s32 $0x0;
	s20 =	sshll.u32 s4, $0x1;
	s4 =	sadd.s32 s21, s2  }
0x9d: {  	[timem:s6], [sflag:s22] =	dma.local [hbm:s4], s20  }
0x9e: {  	_ =	swait.ge [sflag:s22], s20  }
0x9f: {  	s3 =	ssub.s32 $0x0, s20;
	[sflag:s22] =	ssyncset.done $0x0  }
0xa0: {  	[sflag:s22] =	ssyncadd.s32 s3;
	_ =	sdelay $0x1  }
0xa1: {  	s23 =	simm.s32 $0x1B8B  }
0xa2: {  	_ =	swait.ge [sflag:s23], $0x1  }
0xa3: {  	[sflag:s23] =	ssyncset.done $0x0  }
0xa4: {  	s25 =	simm.s32 $0x1B8E;
	s24 =	sld [smem:$0x3FFE];
	[sflag:s23] =	ssyncadd.s32 $0xFFFFFFFF  }
0xa5: {  	s26 =	simm.s32 $execute0_lowered;
	[smem:$0x3FD2] =	sst s25  }
0xa6: {  	s4 =	sshll.u32 s26, $0x1;
	_ =	strace $0x80000055;
	[dreg:$0x1] =	wrdreg $0xFFFFFFFF  }
0xa7: {  	s28 =	simm.s32 $_size_execute0_lowered;
	s2 =	sadd.s32 s2, s4;
	[dreg:$0x0] =	wrdreg $0x0  }
0xa8: {  	s4 =	sshll.u32 s28, $0x1;
	[dreg:$0x2] =	wrdreg s2  }
0xa9: {  	[dreg:$0x3] =	wrdreg s4  }
0xaa: {  	[dreg:$0x4] =	wrdreg $0xC0  }
0xab: {  	_ =	task [dreg:s6], $0x5FFFF  }
0xac: {  	[dreg:$0x1] =	wrdreg $0xFFFFFFFF  }
0xad: {  	[dreg:$0x0] =	wrdreg $0x60  }
0xae: {  	[dreg:$0x2] =	wrdreg s24  }
0xaf: {  	[dreg:$0x3] =	wrdreg $0x9  }
0xb0: {  	_ =	task.clear_ibuf [dreg:s6], $0x4FFFF;
	_ =	strace $0x90000055  }
0xb1: {  	s29 =	simm.s32 $0x9;
	_ =	strace $0x80000057  }
0xb2: {  	_ =	swait.ge [sflag:s29], $0x1  }
0xb3: {  	[sflag:s29] =	ssyncadd.s32 $0xFFFFFFFF  }
0xb4: {  	_ =	strace $0x90000057  }
0xb5: {  	_ =	sfence  }
0xb6: {  	s30 =	sld [smem:$0x0];
	_ =	sdelay $0x2  }
0xb7: {  	s31 =	sshll.u32 s1, $0xD;
	s1 =	sshrl.u32 s1, $0x2  }
0xb8: {  	s3 =	sand.u32 $0x4000, s31;
	s1 =	sadd.s32 s1, s30  }
0xb9: {  	s0 =	sor.u32 s3, s0;
	s1 =	sshll.u32 s1, $0x11  }
0xba: {  	s0 =	sor.u32 s1, s0  }
0xbb: {  	s0 =	sadd.s32 $0x8F2B, s0  }
0xbc: {  	[sflag:s0] =	ssyncadd.remote.s32 $0x1  }
0xbd: {  	_ =	sfence.sel $0xFFFF  }
0xbe: {  	[dreg:$0x0] =	wrdreg $0xFFFFFFFF;
	(pc) =	sbr.abs _section_cstart, $3  }
0xbf: {  	[dreg:$0x1] =	wrdreg $0xFFFFFFFF  }
0xc0: {  	_ =	task.clear_ibuf [dreg:s6], $0x2FFFF;
	_ =	strace $0x9FFFFFFF  }
0xc1: {  	(tm) =	ssettm $0x7FFFFFFF  }
tec
execute0_lowered:
.L_overlay_start_1:
0x0: {  	(tag) =	ssettag $0x1  }
0x1: {  	s8 =	rddreg [dreg:$0x0];
	s1 =	stileid.u32  }
0x2: {  	s2 =	srdreg.scid;
	s0 =	rddreg [dreg:$0x1]  }
0x3: {  	_ =	strace $0x80000056;
	s5 =	simm.s32 $0x1;
	s9 =	simm.s32 $0x1  }
0x4: {  	s10 =	simm.s32 $0x3;
	s2 =	sand.u32 $0x1, s2;
	s3 =	sshll.u32 s1, $0x1  }
0x5: {  	s13 =	simm.s32 $0x0;
	s12 =	simm.s32 $0x0;
	s6 =	sor.u32 s3, s2  }
0x6: {  	[sflag:s5] =	ssyncpa.u1 $0x0;
	s2 =	sadd.s32 $0xF200, s8;
	s4 =	smul.u32 $0x9E0, s6  }
0x7: {  	s3 =	sadd.s32 $0x21E00, s8;
	p0 =	slt.u32 s6, $0x9;
	s6 =	simm.s32 $0x13C00  }
.Ltmp0:
0x8: {  	s6 =	simm.s32 @!p0 $0x0;
	s7 =	ssub.s32 $0x18B00, s4;
	(pc) =	sbr.rel .LBB2_1-.Ltmp0, $4  }
0x9: {  	s9 =	simm.s32 @!p0 $0x0;
	p0 =	sne.s32 s7, s6;
	s7 =	simm.s32 $0x1  }
0xa: {  	s8 =	sadd.s32 $0x12E00, s8;
	s6 =	simm.s32 $0x2;
	s7 =	simm.s32 @!p0 $0x0  }
0xb: {  	s11 =	smov.u32 s4;
	[sflag:s6] =	ssyncpa.u1 $0x0;
	s7 =	sadd.s32 s9, s7  }
0xc: {  	vm0 =	vmmov $0xffff;
	[sflag:s10] =	ssyncpa.u1 $0x0;
	s10 =	simm.s32 $0x0;
	s9 =	sadd.s32 $0x1, s7  }
.LBB2_4:
0xd: {  	vm1 =	veq.s32 v4, $0x80000000;
	v56 =	vand.u32 $0x1F, v4;
	v6 =	vand.u32 $0x1FFF, v6  }
0xe: {  	v2 =	vor.u32 v2, v5;
	v59 =	vshrl.u32 v1, $0x5;
	v60 =	vand.u32 $0x1F, v1  }
0xf: {  	v4 =	vsel vm1, $0xFFFFFFFF, v56;
	v6 =	vsel vm1, $0xFFFFFFFF, v6;
	v2 =	vor.u32 v3, v2  }
0x10: {  	vm1 =	veq.s32 v1, $0x80000000;
	v5 =	vand.u32 $0x1FFF, v59;
	v7 =	vshrl.u32 v4, $0x3  }
0x11: {  	v57 =	vshll.u32 v6, $0x3;
	v4 =	vshll.u32 v4, $0x7;
	v1 =	vsel vm1, $0xFFFFFFFF, v60  }
0x12: {  	v5 =	vsel vm1, $0xFFFFFFFF, v5;
	v6 =	vand.u32 $0x7F, v6;
	v7 =	vmul.u32 $0xA000, v7  }
0x13: {  	v58 =	vand.u32 $0xFFFFFC00, v57;
	v4 =	vand.u32 $0x380, v4;
	v61 =	vshrl.u32 v1, $0x3  }
0x14: {  	v62 =	vshll.u32 v5, $0x3;
	v3 =	vadd.s32 v7, v58;
	v7 =	vmul.u32 $0xA000, v61  }
0x15: {  	v1 =	vshll.u32 v1, $0x7;
	v3 =	vor.u32 v4, v3;
	v4 =	vand.u32 $0xFFFFFC00, v62  }
0x16: {  	v1 =	vand.u32 $0x380, v1;
	v3 =	vor.u32 v6, v3;
	v4 =	vadd.s32 v7, v4  }
0x17: {  	[tilespmem:s16], [sflag:$0x1] =	stream.indirect_vreg.gather [hbm4b:s2+s10], $0x1, v0, vm0, $0x4038;
	v63 =	vand.u32 $0x7F, v5;
	v1 =	vor.u32 v1, v4;
	[tilespmem:$0x2780] =	vst v63  }
0x18: {  	s15 =	sadd.s32 $0x10, s15;
	(ifvalue) =	ssetifvalue $0x7FFFFFFF;
	v0 =	vor.u32 v63, v1  }
0x19: {  	[tilespmem:s15], [sflag:$0x1] =	stream.indirect_vreg.gather [hbm4b:s2+s10], $0x1, v2, vm0, $0x4038;
	[tilespmem:$0x2780] =	vst v63  }
0x1a: {  	s15 =	sadd.s32 $0x10, s15;
	(ifvalue) =	ssetifvalue $0x7FFFFFFF  }
0x1b: {  	[tilespmem:s15], [sflag:$0x1] =	stream.indirect_vreg.gather [hbm4b:s2+s10], $0x1, v3, vm0, $0x4038;
	[tilespmem:$0x2780] =	vst v63  }
0x1c: {  	s15 =	sadd.s32 $0x10, s15;
	(ifvalue) =	ssetifvalue $0x7FFFFFFF  }
0x1d: {  	[tilespmem:s15], [sflag:$0x1] =	stream.indirect_vreg.gather [hbm4b:s2+s10], $0x1, v0, vm0, $0x4038;
	[tilespmem:$0x2780] =	vst v63  }
0x1e: {  	_ =	swait.ge [sflag:s5], $0x9E0  }
0x1f: {  	s30 =	sshrl.u32 s13, $0x3;
	[sflag:s5] =	ssyncset.done $0x0  }
0x20: {  	s31 =	sand.u32 $0x7, s13;
	s15 =	sadd.s32 s8, s30;
	[sflag:s5] =	ssyncadd.s32 $0xFFFFF620  }
0x21: {  	[hbm4b:s15+s31] =	stream.linear.scatter [tilespmem:s14], [sflag:$0x3], $0x9E0, $0x38;
	[tilespmem:$0x2780] =	vst v63  }
.LBB2_5:
0x22: {  	s15 =	sadd.s32 $0x13C00, s11  }
0x23: {  	p1 =	sgt.s32 s15, $0x18AFF  }
0x24: {  	s15 =	smov.u32 @p1 s4;
	p1 =	sne.s32 s12, s9  }
.Ltmp1:
0x25: {  	p0 =	slt.u32 s12, $0x2;
	(pc) =	sbr.rel @!p1 .LBB2_6-.Ltmp1, $4  }
0x26: {  	s14 =	simm.s32 @!p0 $0x3  }
0x27: {  	_ =	swait.ge @!p0 [sflag:s14], $0x9E0  }
0x28: {  	s16 =	sadd.s32 $0x1, s12;
	s13 =	smov.u32 s11;
	[sflag:s14] =	ssyncset.done @!p0 $0x0  }
0x29: {  	s12 =	smov.u32 s16;
	s11 =	smov.u32 s15;
	[sflag:s14] =	ssyncadd.s32 @!p0 $0xFFFFF620  }
.LBB2_1:
0x2a: {  	p0 =	sge.u32 s12, s7  }
0x2b: {  	s14 =	sxor.u32 @!p0 $0x1, s12  }
0x2c: {  	s14 =	smul.u32 @!p0 $0x2780, s14  }
0x2d: {  	s31 =	sadd.s32 $0xFFFFFFFF, s12;
	s15 =	sshrl.u32 @!p0 s11, $0x3  }
0x2e: {  	s16 =	sand.u32 @!p0 $0x7, s11;
	s15 =	sadd.s32 @!p0 s3, s15;
	s14 =	sshra.s32 @!p0 s14, $0x2  }
0x2f: {  	[tilespmem:s14], [sflag:$0x2] =	stream.linear.gather @!p0 [hbm4b:s15+s16], $0x9E0, $0x38;
	[tilespmem:$0x2780] =	vst v63  }
0x30: {  	p0 =	sge.u32 s31, s7  }
.Ltmp2:
0x31: {  	_ = 	snop;
	(pc) =	sbr.rel @p0 .LBB2_5-.Ltmp2, $1  }
0x32: {  	_ =	sdelay $0x3  }
0x33: {  	s14 =	sand.u32 $0x1, s12  }
0x34: {  	_ =	swait.ge [sflag:s6], $0x9E0;
	p0 =	seq.s32 s14, $0x1;
	s14 =	simm.s32 $0x9E0  }
0x35: {  	[sflag:s6] =	ssyncset.done $0x0;
	s14 =	simm.s32 @!p0 $0x0  }
0x36: {  	[sflag:s6] =	ssyncadd.s32 $0xFFFFF620;
	(ifvalue) =	ssetifvalue $0x7FFFFFFF;
	v0 =	vld.msk [tilespmem:s14+$0x0 ss:$0x1], $0xffff  }
0x37: {  	s15 =	sadd.s32 $0x10, s14  }
0x38: {  	v1 =	vld.msk [tilespmem:s15+$0x0 ss:$0x1], $0xffff;
	_ =	sdelay $0x2  }
0x39: {  	v2 =	vshrl.u32 v0, $0x5  }
0x3a: {  	vm1 =	veq.s32 v0, $0x80000000;
	v0 =	vand.u32 $0x1F, v0;
	v2 =	vand.u32 $0x1FFF, v2  }
0x3b: {  	v0 =	vsel vm1, $0xFFFFFFFF, v0;
	v6 =	vshrl.u32 v1, $0x5;
	v2 =	vsel vm1, $0xFFFFFFFF, v2  }
0x3c: {  	v3 =	vshrl.u32 v0, $0x3;
	v0 =	vshll.u32 v0, $0x7;
	vm1 =	veq.s32 v1, $0x80000000  }
0x3d: {  	s15 =	sadd.s32 $0x10, s15;
	v1 =	vand.u32 $0x1F, v1;
	v4 =	vshll.u32 v2, $0x3;
	v3 =	vmul.u32 $0xA000, v3  }
0x3e: {  	v0 =	vand.u32 $0x380, v0;
	v7 =	vand.u32 $0x7F, v2;
	v5 =	vand.u32 $0xFFFFFC00, v4;
	v4 =	vld.msk [tilespmem:s15+$0x0 ss:$0x1], $0xffff  }
0x3f: {  	v1 =	vsel vm1, $0xFFFFFFFF, v1;
	v2 =	vadd.s32 v3, v5;
	v3 =	vand.u32 $0x1FFF, v6  }
0x40: {  	v3 =	vsel vm1, $0xFFFFFFFF, v3;
	v0 =	vor.u32 v0, v2;
	v2 =	vshrl.u32 v1, $0x3  }
0x41: {  	v1 =	vshll.u32 v1, $0x7;
	v5 =	vshll.u32 v3, $0x3;
	v8 =	vmul.u32 $0xA000, v2  }
0x42: {  	s18 =	simm.s32 $0x30;
	s14 =	sadd.s32 $0x13C0, s14;
	s17 =	sadd.s32 $0x10, s15;
	v2 =	vand.u32 $0x380, v1;
	v0 =	vor.u32 v7, v0;
	v5 =	vand.u32 $0xFFFFFC00, v5  }
0x43: {  	s16 =	smov.u32 s14;
	s15 =	smov.u32 s14;
	v1 =	vld.msk [tilespmem:s17+$0x0 ss:$0x1], $0xffff;
	v3 =	vand.u32 $0x7F, v3;
	(ifvalue) =	ssetifvalue $0x7FFFFFFF;
	v6 =	vshrl.u32 v4, $0x5;
	v5 =	vadd.s32 v8, v5  }
.LBB2_3:
0x44: {  	s18 =	sadd.s32 $0x10, s18  }
0x45: {  	vm1 =	veq.s32 v4, $0x80000000;
	v4 =	vand.u32 $0x1F, v4;
	v6 =	vand.u32 $0x1FFF, v6;
	s15 =	sadd.s32 $0x10, s15;
	p0 =	slt.u32 s18, $0x9D0  }
.Ltmp3:
0x46: {  	v5 =	vor.u32 v2, v5;
	v4 =	vsel vm1, $0xFFFFFFFF, v4;
	v7 =	vsel vm1, $0xFFFFFFFF, v6;
	(pc) =	sbr.rel @p0 .LBB2_3-.Ltmp3, $4  }
0x47: {  	v2 =	vshrl.u32 v4, $0x3;
	v6 =	vshll.u32 v7, $0x3;
	v4 =	vshll.u32 v4, $0x7;
	[tilespmem:s16], [sflag:$0x1] =	stream.indirect_vreg.gather [hbm4b:s2+s10], $0x1, v0, vm0, $0x4038;
	[tilespmem:$0x2780] =	vst v63  }
0x48: {  	v0 =	vor.u32 v3, v5;
	s16 =	smov.u32 s15;
	v8 =	vmul.u32 $0xA000, v2;
	v2 =	vand.u32 $0x380, v4  }
0x49: {  	s17 =	sadd.s32 $0x10, s17;
	v9 =	vand.u32 $0xFFFFFC00, v6  }
0x4a: {  	v3 =	vand.u32 $0x7F, v7;
	v6 =	vshrl.u32 v1, $0x5;
	v5 =	vadd.s32 v8, v9;
	(ifvalue) =	ssetifvalue $0x7FFFFFFF;
	v4 =	vmovc v1;
	v1 =	vld.msk [tilespmem:s17+$0x0 ss:$0x1], $0xffff  }
.Ltmp4:
0x4b: {  	_ = 	snop;
	(pc) =	sbr.rel .LBB2_4-.Ltmp4, $1  }
0x4c: {  	_ =	sdelay $0x3  }
.LBB2_6:
0x4d: {  	_ =	sfence.sel $0x180000  }
0x4e: {  	s2 =	simm.s32 $0x2;
	[bflag:$0x0] =	sbarrier.arrive $0xFFFF  }
0x4f: {  	s30 =	simm.s32 $0x3;
	[sflag:s2] =	ssyncpa.u1 $0x1  }
0x50: {  	s31 =	simm.s32 $0x1;
	[sflag:s30] =	ssyncpa.u1 $0x1  }
0x51: {  	[sflag:s31] =	ssyncpa.u1 $0x1  }
0x52: {  	p0 =	sne.s32 s1, $0x0;
	_ =	strace $0x90000056  }
0x53: {  	s0 =	sadd.s32 @!p0 $0x100000, s0;
	[bflag:$0x2] =	sbarrier.arrive $0xFFFF  }
0x54: {  	[sflag:s0] =	ssyncadd.tile.s32 @!p0 $0x1;
	_ =	shalt  }
.Lfunc_end2:
_tile_overlayer_lowered:
.L_overlay_start_2:
0x55: {  	(tag) =	ssettag $0x2  }
0x56: {  	s0 =	rddreg [dreg:$0x0];
	s2 =	stileid.u32  }
0x57: {  	s1 =	rddreg [dreg:$0x1];
	p0 =	sne.s32 s2, $0x0  }
0x58: {  	s3 =	rddreg [dreg:$0x2];
	[bflag:$0x3] =	sbarrier.arrive $0xFFFF;
	s2 =	simm.s32 @!p0 $0x1C01  }
0x59: {  	[timem:s3], [sflag:s2] =	dma.local @!p0 [hbm:s0], s1  }
0x5a: {  	s0 =	simm.s32 @!p0 $0x1  }
0x5b: {  	_ =	swait.ge @!p0 [sflag:s0], s1  }
0x5c: {  	s1 =	ssub.s32 @!p0 $0x0, s1;
	[sflag:s0] =	ssyncset.done @!p0 $0x0  }
0x5d: {  	[sflag:s0] =	ssyncadd.s32 @!p0 s1  }
0x5e: {  	[bflag:$0x3] =	sbarrier.arrive $0xFFFF  }
0x5f: {  	_ =	shalt  }

// kernel: gather_offload_async_start.8
scs
__scs_entry_jumppad:
0x0: {  	(pc) =	sbr.rel $0x88, $3  }
0x1: {  	(tag) =	ssettag $0x0;
	lr =	simm.s32 $0x1  }
0x2: {  	[smem:$0x3F9F] =	sst lr;
	_ =	strace $0xD0000000  }
0x3: {  	_ = 	snop  }
0x4: {  	_ = 	snop  }
0x5: {  	_ = 	snop  }
0x6: {  	_ = 	snop  }
0x7: {  	_ = 	snop  }
__scs_overlays_trampoline_lowered:
0x8: {  	[smem:$0x3FAE] =	sst s0  }
0x9: {  	[smem:$0x3FAF] =	sst s1  }
0xa: {  	[smem:$0x3FB0] =	sst s2  }
0xb: {  	[smem:$0x3FB1] =	sst s3  }
0xc: {  	[smem:$0x3FB2] =	sst s4  }
0xd: {  	[smem:$0x3FB3] =	sst s5  }
0xe: {  	[smem:$0x3FB4] =	sst s6  }
0xf: {  	[smem:$0x3FB5] =	sst s7  }
0x10: {  	[smem:$0x3FB6] =	sst s8  }
0x11: {  	[smem:$0x3FB7] =	sst s9;
	s0 =	simm.s32 @!p0 $0x0  }
0x12: {  	s1 =	sld [smem:$0x3F9D];
	s0 =	simm.s32 @p0 $0x1  }
0x13: {  	[smem:$0x3FB8] =	sst s0;
	s0 =	simm.s32 @!p1 $0x0  }
0x14: {  	s2 =	sld [smem:$0x3F9C];
	s0 =	simm.s32 @p1 $0x1  }
0x15: {  	[smem:$0x3FB9] =	sst s0;
	s0 =	simm.s32 @!p2 $0x0  }
0x16: {  	s3 =	sld [smem:$0x3FDB];
	s0 =	simm.s32 @p2 $0x1  }
0x17: {  	s4 =	simm.s32 $0x1BF5;
	[smem:$0x3FBB] =	sst s0  }
0x18: {  	s0 =	sld [smem:$0x3F9E];
	_ =	swait.ge [sflag:s4], $0x0  }
0x19: {  	s7 =	sld [smem:$0x3F9F]  }
0x1a: {  	s8 =	sadd.s32 $0xFFFFE003, lr  }
0x1b: {  	s9 =	sadd.s32 $0xFFFFFEF7, lr;
	s5 =	simm.s32 $0xFFFFFFFF;
	p2 =	slt.u32 s8, $0xFFFFF086  }
0x1c: {  	p1 =	slt.u32 s9, $0xF7A;
	s5 =	simm.s32 @!p2 $0x0  }
0x1d: {  	s5 =	simm.s32 @p1 $0x1;
	p0 =	seq.s32 s7, s2  }
0x1e: {  	s7 =	smul.u32 @!p0 $0xF7A, s2;
	p2 =	seq.s32 @!p0 s5, $0x0  }
0x1f: {  	s9 =	smul.u32 $0xF7A, s1;
	s8 =	simm.s32 @!p0 $0x1BF5;
	p2 =	por !p2, p0  }
0x20: {  	[sflag:s8] =	ssyncset.s32 @!p0 $0xFFFFF086;
	s6 =	sadd.s32 @!p0 s3, s7;
	s7 =	simm.s32 @!p0 $0x108  }
0x21: {  	s3 =	sadd.s32 s3, s9;
	s6 =	sadd.s32 @!p0 $0x88, s6;
	s7 =	simm.s32 @p2 $0x1082  }
0x22: {  	[simem:s7], [sflag:s8] =	dma.local @!p0 [hbm:s6], $0xF7A  }
0x23: {  	s9 =	sor.u32 $0xD0000000, s2;
	s6 =	simm.s32 $0x108;
	_ =	swait.ge @!p0 [sflag:s8], $0x0  }
0x24: {  	s3 =	sadd.s32 $0x88, s3;
	s6 =	simm.s32 @!p1 $0x1082;
	[sflag:s4] =	ssyncset.s32 $0xFFFFF086  }
0x25: {  	[simem:s6], [sflag:s4] =	dma.local [hbm:s3], $0xF7A  }
0x26: {  	[smem:$0x3F9F] =	sst s1;
	(tag) =	ssettag s2;
	_ =	strace s9  }
0x27: {  	s1 =	sld [smem:$0x3FAF]  }
0x28: {  	s2 =	sld [smem:$0x3FB0]  }
0x29: {  	s4 =	sld [smem:$0x3FB2]  }
0x2a: {  	p0 =	seq.s32 s5, $0x0;
	s5 =	sld [smem:$0x3FB3]  }
0x2b: {  	s6 =	sld [smem:$0x3FB4]  }
0x2c: {  	s7 =	sld [smem:$0x3FB5]  }
0x2d: {  	s3 =	simm.s32 $0x108;
	s8 =	sld [smem:$0x3FB6]  }
0x2e: {  	s3 =	simm.s32 @!p0 $0x1082;
	s9 =	sld [smem:$0x3FB7]  }
0x2f: {  	lr =	sadd.s32 s0, s3;
	s0 =	sld [smem:$0x3FAE]  }
0x30: {  	s3 =	sld [smem:$0x3FB1]  }
0x31: {  	[smem:$0x3FBA] =	sst s10  }
0x32: {  	s10 =	sld [smem:$0x3FB8];
	_ =	sdelay $0x3  }
0x33: {  	p0 =	seq.s32 s10, $0x1;
	s10 =	sld [smem:$0x3FBA];
	_ =	sdelay $0x3  }
0x34: {  	[smem:$0x3FBA] =	sst s10  }
0x35: {  	s10 =	sld [smem:$0x3FB9];
	_ =	sdelay $0x3  }
0x36: {  	p1 =	seq.s32 s10, $0x1;
	s10 =	sld [smem:$0x3FBA];
	_ =	sdelay $0x3  }
0x37: {  	[smem:$0x3FBA] =	sst s10  }
0x38: {  	s10 =	sld [smem:$0x3FBB]  }
0x39: {  	_ = 	snop;
	(pc) =	sbr.ind lr, $3  }
0x3a: {  	_ = 	snop  }
0x3b: {  	_ = 	snop  }
0x3c: {  	p2 =	seq.s32 s10, $0x1;
	s10 =	sld [smem:$0x3FBA]  }
0x3d: {  	_ =	shalt  }
0x3e: {  	_ =	shalt  }
0x3f: {  	_ =	shalt  }
0x40: {  	_ =	shalt  }
0x41: {  	_ =	shalt  }
0x42: {  	_ =	shalt  }
0x43: {  	_ =	shalt  }
0x44: {  	_ =	shalt  }
0x45: {  	_ =	shalt  }
0x46: {  	_ =	shalt  }
0x47: {  	_ =	shalt  }
0x48: {  	_ =	shalt  }
0x49: {  	_ =	shalt  }
0x4a: {  	_ =	shalt  }
0x4b: {  	_ =	shalt  }
0x4c: {  	_ =	shalt  }
0x4d: {  	_ =	shalt  }
0x4e: {  	_ =	shalt  }
0x4f: {  	_ =	shalt  }
0x50: {  	_ =	shalt  }
0x51: {  	_ =	shalt  }
0x52: {  	_ =	shalt  }
0x53: {  	_ =	shalt  }
0x54: {  	_ =	shalt  }
0x55: {  	_ =	shalt  }
0x56: {  	_ =	shalt  }
0x57: {  	_ =	shalt  }
0x58: {  	_ =	shalt  }
0x59: {  	_ =	shalt  }
0x5a: {  	_ =	shalt  }
0x5b: {  	_ =	shalt  }
0x5c: {  	_ =	shalt  }
0x5d: {  	_ =	shalt  }
0x5e: {  	_ =	shalt  }
0x5f: {  	_ =	shalt  }
0x60: {  	_ =	shalt  }
0x61: {  	_ =	shalt  }
0x62: {  	_ =	shalt  }
0x63: {  	_ =	shalt  }
0x64: {  	_ =	shalt  }
0x65: {  	_ =	shalt  }
0x66: {  	_ =	shalt  }
0x67: {  	_ =	shalt  }
0x68: {  	_ =	shalt  }
0x69: {  	_ =	shalt  }
0x6a: {  	_ =	shalt  }
0x6b: {  	_ =	shalt  }
0x6c: {  	_ =	shalt  }
0x6d: {  	_ =	shalt  }
0x6e: {  	_ =	shalt  }
0x6f: {  	_ =	shalt  }
0x70: {  	_ =	shalt  }
0x71: {  	_ =	shalt  }
0x72: {  	_ =	shalt  }
0x73: {  	_ =	shalt  }
0x74: {  	_ =	shalt  }
0x75: {  	_ =	shalt  }
0x76: {  	_ =	shalt  }
0x77: {  	_ =	shalt  }
0x78: {  	_ =	shalt  }
0x79: {  	_ =	shalt  }
0x7a: {  	_ =	shalt  }
0x7b: {  	_ =	shalt  }
0x7c: {  	_ =	shalt  }
0x7d: {  	_ =	shalt  }
0x7e: {  	_ =	shalt  }
0x7f: {  	_ =	shalt  }
0x80: {  	_ =	shalt  }
0x81: {  	_ =	shalt  }
0x82: {  	_ =	shalt  }
0x83: {  	_ =	shalt  }
0x84: {  	_ =	shalt  }
0x85: {  	_ =	shalt  }
0x86: {  	_ =	shalt  }
0x87: {  	_ =	shalt  }
.Lfunc_end0:
.L_simem_size_0:
called_computation.8_lowered:
.L_overlay_start_0:
0x88: {  	s2 =	sld [smem:$0x3FD9]  }
0x89: {  	s3 =	sld [smem:$0x3FFE];
	_ =	sdelay $0x1  }
0x8a: {  	s1 =	srdreg.scid  }
0x8b: {  	s0 =	sand.u32 $0x1, s1  }
0x8c: {  	s17 =	sshll.u32 s0, $0xA;
	s2 =	sadd.s32 s3, s2  }
0x8d: {  	s2 =	sadd.s32 s2, s17  }
0x8e: {  	[smem:$0x3FC6] =	sst s2  }
0x8f: {  	_ = 	snop  }
0x90: {  	(tm) =	ssettm $0x1  }
0x91: {  	s18 =	sld [smem:$0x3FFB];
	_ =	sdelay $0x3  }
0x92: {  	_ =	strace s18  }
0x93: {  	s2 =	sld [smem:$0x3FFC];
	_ =	sdelay $0x3  }
0x94: {  	_ =	strace s2  }
0x95: {  	s2 =	sld [smem:$0x3FFD];
	_ =	sdelay $0x3  }
0x96: {  	_ =	strace s2  }
0x97: {  	_ =	strace $0x8FFFFFFF  }
0x98: {  	s19 =	sld [smem:$0x3FDB];
	_ =	sdelay $0x1  }
0x99: {  	s20 =	simm.s32 $_scs_section_size  }
0x9a: {  	s4 =	simm.s32 $_size__tile_overlayer_lowered;
	s5 =	simm.s32 $_tile_overlayer_lowered  }
0x9b: {  	s6 =	simm.s32 $0x1BFF;
	s21 =	sshll.u32 s5, $0x1;
	s3 =	sadd.s32 s20, s19  }
0x9c: {  	s22 =	simm.s32 $0x0;
	s4 =	sshll.u32 s4, $0x1;
	s5 =	sadd.s32 s21, s3  }
0x9d: {  	[timem:s22], [sflag:s6] =	dma.local [hbm:s5], s4  }
0x9e: {  	_ =	swait.ge [sflag:s6], s4  }
0x9f: {  	s4 =	ssub.s32 $0x0, s4;
	[sflag:s6] =	ssyncset.done $0x0  }
0xa0: {  	[sflag:s6] =	ssyncadd.s32 s4;
	_ =	sdelay $0x1  }
0xa1: {  	s23 =	simm.s32 $0x1B8B  }
0xa2: {  	_ =	swait.ge [sflag:s23], $0x1  }
0xa3: {  	[sflag:s23] =	ssyncset.done $0x0  }
0xa4: {  	[sflag:s23] =	ssyncadd.s32 $0xFFFFFFFF  }
0xa5: {  	s4 =	sld [smem:$0x0]  }
0xa6: {  	s5 =	sand.u32 $0xFFFFFFFE, s1  }
0xa7: {  	p0 =	sne.s32 s1, s5  }
0xa8: {  	s5 =	sshll.u32 @p0 s5, $0xE  }
0xa9: {  	s5 =	sadd.s32 @p0 $0x11B8D, s5;
	s6 =	sshll.u32 @p0 s4, $0x11  }
0xaa: {  	s5 =	sor.u32 @p0 s6, s5  }
0xab: {  	[sflag:s5] =	ssyncadd.remote.s32 @p0 $0x1;
	_ =	sdelay $0x1  }
0xac: {  	s5 =	simm.s32 @p0 $0x1B8D  }
0xad: {  	_ =	swait.eq @p0 [sflag:s5], $0x1  }
0xae: {  	[sflag:s5] =	ssyncadd.s32 @p0 $0xFFFFFFFF  }
0xaf: {  	s6 =	sshll.u32 @!p0 s1, $0xE  }
0xb0: {  	s6 =	sor.u32 @!p0 $0x4000, s6;
	s5 =	simm.s32 @!p0 $0x1B8D  }
0xb1: {  	s4 =	sshll.u32 @!p0 s4, $0x11;
	s6 =	sadd.s32 @!p0 $0x11B8D, s6;
	_ =	swait.eq @!p0 [sflag:s5], $0x1  }
0xb2: {  	s4 =	sor.u32 @!p0 s4, s6;
	[sflag:s5] =	ssyncadd.s32 @!p0 $0xFFFFFFFF  }
0xb3: {  	s25 =	simm.s32 $0x1B8E;
	s24 =	sld [smem:$0x3FFE];
	[sflag:s4] =	ssyncadd.remote.s32 @!p0 $0x1  }
0xb4: {  	s26 =	simm.s32 $execute0_lowered;
	[smem:$0x3FD2] =	sst s25  }
0xb5: {  	s5 =	sshll.u32 s26, $0x1;
	_ =	strace $0x80000058;
	[dreg:$0x1] =	wrdreg $0xFFFFFFFF  }
0xb6: {  	s28 =	simm.s32 $_size_execute0_lowered;
	s3 =	sadd.s32 s3, s5;
	[dreg:$0x0] =	wrdreg $0x0  }
0xb7: {  	s5 =	sshll.u32 s28, $0x1;
	[dreg:$0x2] =	wrdreg s3  }
0xb8: {  	[dreg:$0x3] =	wrdreg s5  }
0xb9: {  	[dreg:$0x4] =	wrdreg $0xC0  }
0xba: {  	_ =	task [dreg:s22], $0x5FFFF  }
0xbb: {  	[dreg:$0x1] =	wrdreg $0xFFFFFFFF  }
0xbc: {  	[dreg:$0x0] =	wrdreg $0x60  }
0xbd: {  	[dreg:$0x2] =	wrdreg s24  }
0xbe: {  	[dreg:$0x3] =	wrdreg $0xA  }
0xbf: {  	_ =	task.clear_ibuf [dreg:s22], $0x4FFFF;
	_ =	strace $0x90000058  }
0xc0: {  	s29 =	simm.s32 $0xA;
	_ =	strace $0x8000005A  }
0xc1: {  	_ =	swait.ge [sflag:s29], $0x1  }
0xc2: {  	[sflag:s29] =	ssyncadd.s32 $0xFFFFFFFF  }
0xc3: {  	_ =	strace $0x9000005A  }
0xc4: {  	_ =	sfence  }
0xc5: {  	s30 =	sld [smem:$0x0];
	_ =	sdelay $0x2  }
0xc6: {  	s31 =	sshll.u32 s1, $0xD;
	s1 =	sshrl.u32 s1, $0x2  }
0xc7: {  	s4 =	sand.u32 $0x4000, s31;
	s1 =	sadd.s32 s1, s30  }
0xc8: {  	s0 =	sor.u32 s4, s0;
	s1 =	sshll.u32 s1, $0x11  }
0xc9: {  	s0 =	sor.u32 s1, s0  }
0xca: {  	s0 =	sadd.s32 $0x8F2B, s0  }
0xcb: {  	[sflag:s0] =	ssyncadd.remote.s32 $0x1  }
0xcc: {  	_ =	sfence.sel $0xFFFF  }
0xcd: {  	[dreg:$0x0] =	wrdreg $0xFFFFFFFF;
	(pc) =	sbr.abs _section_cstart, $3  }
0xce: {  	[dreg:$0x1] =	wrdreg $0xFFFFFFFF  }
0xcf: {  	_ =	task.clear_ibuf [dreg:s22], $0x2FFFF;
	_ =	strace $0x9FFFFFFF  }
0xd0: {  	(tm) =	ssettm $0x7FFFFFFF  }
0xd1: {  	_ =	shalt  }
tec
execute0_lowered:
.L_overlay_start_1:
0x0: {  	(tag) =	ssettag $0x1  }
0x1: {  	s8 =	rddreg [dreg:$0x0];
	s1 =	stileid.u32  }
0x2: {  	s2 =	srdreg.scid;
	s0 =	rddreg [dreg:$0x1]  }
0x3: {  	_ =	strace $0x80000059;
	s5 =	simm.s32 $0x1;
	s9 =	simm.s32 $0x1  }
0x4: {  	s10 =	simm.s32 $0x3;
	s2 =	sand.u32 $0x1, s2;
	s3 =	sshll.u32 s1, $0x1  }
0x5: {  	s13 =	simm.s32 $0x0;
	s12 =	simm.s32 $0x0;
	s6 =	sor.u32 s3, s2  }
0x6: {  	[sflag:s5] =	ssyncpa.u1 $0x0;
	s2 =	sadd.s32 $0xB600, s8;
	s4 =	smul.u32 $0x9E0, s6  }
0x7: {  	s3 =	sadd.s32 $0x21E00, s8;
	p0 =	slt.u32 s6, $0x9;
	s6 =	simm.s32 $0x13C00  }
.Ltmp0:
0x8: {  	s6 =	simm.s32 @!p0 $0x0;
	s7 =	ssub.s32 $0x18B00, s4;
	(pc) =	sbr.rel .LBB2_1-.Ltmp0, $4  }
0x9: {  	s9 =	simm.s32 @!p0 $0x0;
	p0 =	sne.s32 s7, s6;
	s7 =	simm.s32 $0x1  }
0xa: {  	s8 =	sadd.s32 $0x3C00, s8;
	s6 =	simm.s32 $0x2;
	s7 =	simm.s32 @!p0 $0x0  }
0xb: {  	s11 =	smov.u32 s4;
	[sflag:s6] =	ssyncpa.u1 $0x0;
	s7 =	sadd.s32 s9, s7  }
0xc: {  	vm0 =	vmmov $0xffff;
	[sflag:s10] =	ssyncpa.u1 $0x0;
	s10 =	simm.s32 $0x0;
	s9 =	sadd.s32 $0x1, s7  }
.LBB2_4:
0xd: {  	vm1 =	veq.s32 v4, $0x80000000;
	v56 =	vand.u32 $0x1F, v4;
	v6 =	vand.u32 $0x1FFF, v6  }
0xe: {  	v2 =	vor.u32 v2, v5;
	v59 =	vshrl.u32 v1, $0x5;
	v60 =	vand.u32 $0x1F, v1  }
0xf: {  	v4 =	vsel vm1, $0xFFFFFFFF, v56;
	v6 =	vsel vm1, $0xFFFFFFFF, v6;
	v2 =	vor.u32 v3, v2  }
0x10: {  	vm1 =	veq.s32 v1, $0x80000000;
	v5 =	vand.u32 $0x1FFF, v59;
	v7 =	vshrl.u32 v4, $0x3  }
0x11: {  	v57 =	vshll.u32 v6, $0x3;
	v4 =	vshll.u32 v4, $0x7;
	v1 =	vsel vm1, $0xFFFFFFFF, v60  }
0x12: {  	v5 =	vsel vm1, $0xFFFFFFFF, v5;
	v6 =	vand.u32 $0x7F, v6;
	v7 =	vmul.u32 $0xA000, v7  }
0x13: {  	v58 =	vand.u32 $0xFFFFFC00, v57;
	v4 =	vand.u32 $0x380, v4;
	v61 =	vshrl.u32 v1, $0x3  }
0x14: {  	v62 =	vshll.u32 v5, $0x3;
	v3 =	vadd.s32 v7, v58;
	v7 =	vmul.u32 $0xA000, v61  }
0x15: {  	v1 =	vshll.u32 v1, $0x7;
	v3 =	vor.u32 v4, v3;
	v4 =	vand.u32 $0xFFFFFC00, v62  }
0x16: {  	v1 =	vand.u32 $0x380, v1;
	v3 =	vor.u32 v6, v3;
	v4 =	vadd.s32 v7, v4  }
0x17: {  	[tilespmem:s16], [sflag:$0x1] =	stream.indirect_vreg.gather [hbm4b:s2+s10], $0x1, v0, vm0, $0x4038;
	v63 =	vand.u32 $0x7F, v5;
	v1 =	vor.u32 v1, v4;
	[tilespmem:$0x2780] =	vst v63  }
0x18: {  	s15 =	sadd.s32 $0x10, s15;
	(ifvalue) =	ssetifvalue $0x7FFFFFFF;
	v0 =	vor.u32 v63, v1  }
0x19: {  	[tilespmem:s15], [sflag:$0x1] =	stream.indirect_vreg.gather [hbm4b:s2+s10], $0x1, v2, vm0, $0x4038;
	[tilespmem:$0x2780] =	vst v63  }
0x1a: {  	s15 =	sadd.s32 $0x10, s15;
	(ifvalue) =	ssetifvalue $0x7FFFFFFF  }
0x1b: {  	[tilespmem:s15], [sflag:$0x1] =	stream.indirect_vreg.gather [hbm4b:s2+s10], $0x1, v3, vm0, $0x4038;
	[tilespmem:$0x2780] =	vst v63  }
0x1c: {  	s15 =	sadd.s32 $0x10, s15;
	(ifvalue) =	ssetifvalue $0x7FFFFFFF  }
0x1d: {  	[tilespmem:s15], [sflag:$0x1] =	stream.indirect_vreg.gather [hbm4b:s2+s10], $0x1, v0, vm0, $0x4038;
	[tilespmem:$0x2780] =	vst v63  }
0x1e: {  	_ =	swait.ge [sflag:s5], $0x9E0  }
0x1f: {  	s30 =	sshrl.u32 s13, $0x3;
	[sflag:s5] =	ssyncset.done $0x0  }
0x20: {  	s31 =	sand.u32 $0x7, s13;
	s15 =	sadd.s32 s8, s30;
	[sflag:s5] =	ssyncadd.s32 $0xFFFFF620  }
0x21: {  	[hbm4b:s15+s31] =	stream.linear.scatter [tilespmem:s14], [sflag:$0x3], $0x9E0, $0x38;
	[tilespmem:$0x2780] =	vst v63  }
.LBB2_5:
0x22: {  	s15 =	sadd.s32 $0x13C00, s11  }
0x23: {  	p1 =	sgt.s32 s15, $0x18AFF  }
0x24: {  	s15 =	smov.u32 @p1 s4;
	p1 =	sne.s32 s12, s9  }
.Ltmp1:
0x25: {  	p0 =	slt.u32 s12, $0x2;
	(pc) =	sbr.rel @!p1 .LBB2_6-.Ltmp1, $4  }
0x26: {  	s14 =	simm.s32 @!p0 $0x3  }
0x27: {  	_ =	swait.ge @!p0 [sflag:s14], $0x9E0  }
0x28: {  	s16 =	sadd.s32 $0x1, s12;
	s13 =	smov.u32 s11;
	[sflag:s14] =	ssyncset.done @!p0 $0x0  }
0x29: {  	s12 =	smov.u32 s16;
	s11 =	smov.u32 s15;
	[sflag:s14] =	ssyncadd.s32 @!p0 $0xFFFFF620  }
.LBB2_1:
0x2a: {  	p0 =	sge.u32 s12, s7  }
0x2b: {  	s14 =	sxor.u32 @!p0 $0x1, s12  }
0x2c: {  	s14 =	smul.u32 @!p0 $0x2780, s14  }
0x2d: {  	s31 =	sadd.s32 $0xFFFFFFFF, s12;
	s15 =	sshrl.u32 @!p0 s11, $0x3  }
0x2e: {  	s16 =	sand.u32 @!p0 $0x7, s11;
	s15 =	sadd.s32 @!p0 s3, s15;
	s14 =	sshra.s32 @!p0 s14, $0x2  }
0x2f: {  	[tilespmem:s14], [sflag:$0x2] =	stream.linear.gather @!p0 [hbm4b:s15+s16], $0x9E0, $0x38;
	[tilespmem:$0x2780] =	vst v63  }
0x30: {  	p0 =	sge.u32 s31, s7  }
.Ltmp2:
0x31: {  	_ = 	snop;
	(pc) =	sbr.rel @p0 .LBB2_5-.Ltmp2, $1  }
0x32: {  	_ =	sdelay $0x3  }
0x33: {  	s14 =	sand.u32 $0x1, s12  }
0x34: {  	_ =	swait.ge [sflag:s6], $0x9E0;
	p0 =	seq.s32 s14, $0x1;
	s14 =	simm.s32 $0x9E0  }
0x35: {  	[sflag:s6] =	ssyncset.done $0x0;
	s14 =	simm.s32 @!p0 $0x0  }
0x36: {  	[sflag:s6] =	ssyncadd.s32 $0xFFFFF620;
	(ifvalue) =	ssetifvalue $0x7FFFFFFF;
	v0 =	vld.msk [tilespmem:s14+$0x0 ss:$0x1], $0xffff  }
0x37: {  	s15 =	sadd.s32 $0x10, s14  }
0x38: {  	v1 =	vld.msk [tilespmem:s15+$0x0 ss:$0x1], $0xffff;
	_ =	sdelay $0x2  }
0x39: {  	v2 =	vshrl.u32 v0, $0x5  }
0x3a: {  	vm1 =	veq.s32 v0, $0x80000000;
	v0 =	vand.u32 $0x1F, v0;
	v2 =	vand.u32 $0x1FFF, v2  }
0x3b: {  	v0 =	vsel vm1, $0xFFFFFFFF, v0;
	v6 =	vshrl.u32 v1, $0x5;
	v2 =	vsel vm1, $0xFFFFFFFF, v2  }
0x3c: {  	v3 =	vshrl.u32 v0, $0x3;
	v0 =	vshll.u32 v0, $0x7;
	vm1 =	veq.s32 v1, $0x80000000  }
0x3d: {  	s15 =	sadd.s32 $0x10, s15;
	v1 =	vand.u32 $0x1F, v1;
	v4 =	vshll.u32 v2, $0x3;
	v3 =	vmul.u32 $0xA000, v3  }
0x3e: {  	v0 =	vand.u32 $0x380, v0;
	v7 =	vand.u32 $0x7F, v2;
	v5 =	vand.u32 $0xFFFFFC00, v4;
	v4 =	vld.msk [tilespmem:s15+$0x0 ss:$0x1], $0xffff  }
0x3f: {  	v1 =	vsel vm1, $0xFFFFFFFF, v1;
	v2 =	vadd.s32 v3, v5;
	v3 =	vand.u32 $0x1FFF, v6  }
0x40: {  	v3 =	vsel vm1, $0xFFFFFFFF, v3;
	v0 =	vor.u32 v0, v2;
	v2 =	vshrl.u32 v1, $0x3  }
0x41: {  	v1 =	vshll.u32 v1, $0x7;
	v5 =	vshll.u32 v3, $0x3;
	v8 =	vmul.u32 $0xA000, v2  }
0x42: {  	s18 =	simm.s32 $0x30;
	s14 =	sadd.s32 $0x13C0, s14;
	s17 =	sadd.s32 $0x10, s15;
	v2 =	vand.u32 $0x380, v1;
	v0 =	vor.u32 v7, v0;
	v5 =	vand.u32 $0xFFFFFC00, v5  }
0x43: {  	s16 =	smov.u32 s14;
	s15 =	smov.u32 s14;
	v1 =	vld.msk [tilespmem:s17+$0x0 ss:$0x1], $0xffff;
	v3 =	vand.u32 $0x7F, v3;
	(ifvalue) =	ssetifvalue $0x7FFFFFFF;
	v6 =	vshrl.u32 v4, $0x5;
	v5 =	vadd.s32 v8, v5  }
.LBB2_3:
0x44: {  	s18 =	sadd.s32 $0x10, s18  }
0x45: {  	vm1 =	veq.s32 v4, $0x80000000;
	v4 =	vand.u32 $0x1F, v4;
	v6 =	vand.u32 $0x1FFF, v6;
	s15 =	sadd.s32 $0x10, s15;
	p0 =	slt.u32 s18, $0x9D0  }
.Ltmp3:
0x46: {  	v5 =	vor.u32 v2, v5;
	v4 =	vsel vm1, $0xFFFFFFFF, v4;
	v7 =	vsel vm1, $0xFFFFFFFF, v6;
	(pc) =	sbr.rel @p0 .LBB2_3-.Ltmp3, $4  }
0x47: {  	v2 =	vshrl.u32 v4, $0x3;
	v6 =	vshll.u32 v7, $0x3;
	v4 =	vshll.u32 v4, $0x7;
	[tilespmem:s16], [sflag:$0x1] =	stream.indirect_vreg.gather [hbm4b:s2+s10], $0x1, v0, vm0, $0x4038;
	[tilespmem:$0x2780] =	vst v63  }
0x48: {  	v0 =	vor.u32 v3, v5;
	s16 =	smov.u32 s15;
	v8 =	vmul.u32 $0xA000, v2;
	v2 =	vand.u32 $0x380, v4  }
0x49: {  	s17 =	sadd.s32 $0x10, s17;
	v9 =	vand.u32 $0xFFFFFC00, v6  }
0x4a: {  	v3 =	vand.u32 $0x7F, v7;
	v6 =	vshrl.u32 v1, $0x5;
	v5 =	vadd.s32 v8, v9;
	(ifvalue) =	ssetifvalue $0x7FFFFFFF;
	v4 =	vmovc v1;
	v1 =	vld.msk [tilespmem:s17+$0x0 ss:$0x1], $0xffff  }
.Ltmp4:
0x4b: {  	_ = 	snop;
	(pc) =	sbr.rel .LBB2_4-.Ltmp4, $1  }
0x4c: {  	_ =	sdelay $0x3  }
.LBB2_6:
0x4d: {  	_ =	sfence.sel $0x180000  }
0x4e: {  	s2 =	simm.s32 $0x2;
	[bflag:$0x0] =	sbarrier.arrive $0xFFFF  }
0x4f: {  	s30 =	simm.s32 $0x3;
	[sflag:s2] =	ssyncpa.u1 $0x1  }
0x50: {  	s31 =	simm.s32 $0x1;
	[sflag:s30] =	ssyncpa.u1 $0x1  }
0x51: {  	[sflag:s31] =	ssyncpa.u1 $0x1  }
0x52: {  	p0 =	sne.s32 s1, $0x0;
	_ =	strace $0x90000059  }
0x53: {  	s0 =	sadd.s32 @!p0 $0x100000, s0;
	[bflag:$0x2] =	sbarrier.arrive $0xFFFF  }
0x54: {  	[sflag:s0] =	ssyncadd.tile.s32 @!p0 $0x1;
	_ =	shalt  }
.Lfunc_end2:
_tile_overlayer_lowered:
.L_overlay_start_2:
0x55: {  	(tag) =	ssettag $0x2  }
0x56: {  	s0 =	rddreg [dreg:$0x0];
	s2 =	stileid.u32  }
0x57: {  	s1 =	rddreg [dreg:$0x1];
	p0 =	sne.s32 s2, $0x0  }
0x58: {  	s3 =	rddreg [dreg:$0x2];
	[bflag:$0x3] =	sbarrier.arrive $0xFFFF;
	s2 =	simm.s32 @!p0 $0x1C01  }
0x59: {  	[timem:s3], [sflag:s2] =	dma.local @!p0 [hbm:s0], s1  }
0x5a: {  	s0 =	simm.s32 @!p0 $0x1  }
0x5b: {  	_ =	swait.ge @!p0 [sflag:s0], s1  }
0x5c: {  	s1 =	ssub.s32 @!p0 $0x0, s1;
	[sflag:s0] =	ssyncset.done @!p0 $0x0  }
0x5d: {  	[sflag:s0] =	ssyncadd.s32 @!p0 s1  }
0x5e: {  	[bflag:$0x3] =	sbarrier.arrive $0xFFFF  }
0x5f: {  	_ =	shalt  }

// kernel: gather_offload_async_start
scs
__scs_entry_jumppad:
0x0: {  	(pc) =	sbr.rel $0x88, $3  }
0x1: {  	(tag) =	ssettag $0x0;
	lr =	simm.s32 $0x1  }
0x2: {  	[smem:$0x3F9F] =	sst lr;
	_ =	strace $0xD0000000  }
0x3: {  	_ = 	snop  }
0x4: {  	_ = 	snop  }
0x5: {  	_ = 	snop  }
0x6: {  	_ = 	snop  }
0x7: {  	_ = 	snop  }
__scs_overlays_trampoline_lowered:
0x8: {  	[smem:$0x3FAE] =	sst s0  }
0x9: {  	[smem:$0x3FAF] =	sst s1  }
0xa: {  	[smem:$0x3FB0] =	sst s2  }
0xb: {  	[smem:$0x3FB1] =	sst s3  }
0xc: {  	[smem:$0x3FB2] =	sst s4  }
0xd: {  	[smem:$0x3FB3] =	sst s5  }
0xe: {  	[smem:$0x3FB4] =	sst s6  }
0xf: {  	[smem:$0x3FB5] =	sst s7  }
0x10: {  	[smem:$0x3FB6] =	sst s8  }
0x11: {  	[smem:$0x3FB7] =	sst s9;
	s0 =	simm.s32 @!p0 $0x0  }
0x12: {  	s1 =	sld [smem:$0x3F9D];
	s0 =	simm.s32 @p0 $0x1  }
0x13: {  	[smem:$0x3FB8] =	sst s0;
	s0 =	simm.s32 @!p1 $0x0  }
0x14: {  	s2 =	sld [smem:$0x3F9C];
	s0 =	simm.s32 @p1 $0x1  }
0x15: {  	[smem:$0x3FB9] =	sst s0;
	s0 =	simm.s32 @!p2 $0x0  }
0x16: {  	s3 =	sld [smem:$0x3FDB];
	s0 =	simm.s32 @p2 $0x1  }
0x17: {  	s4 =	simm.s32 $0x1BF5;
	[smem:$0x3FBB] =	sst s0  }
0x18: {  	s0 =	sld [smem:$0x3F9E];
	_ =	swait.ge [sflag:s4], $0x0  }
0x19: {  	s7 =	sld [smem:$0x3F9F]  }
0x1a: {  	s8 =	sadd.s32 $0xFFFFE003, lr  }
0x1b: {  	s9 =	sadd.s32 $0xFFFFFEF7, lr;
	s5 =	simm.s32 $0xFFFFFFFF;
	p2 =	slt.u32 s8, $0xFFFFF086  }
0x1c: {  	p1 =	slt.u32 s9, $0xF7A;
	s5 =	simm.s32 @!p2 $0x0  }
0x1d: {  	s5 =	simm.s32 @p1 $0x1;
	p0 =	seq.s32 s7, s2  }
0x1e: {  	s7 =	smul.u32 @!p0 $0xF7A, s2;
	p2 =	seq.s32 @!p0 s5, $0x0  }
0x1f: {  	s9 =	smul.u32 $0xF7A, s1;
	s8 =	simm.s32 @!p0 $0x1BF5;
	p2 =	por !p2, p0  }
0x20: {  	[sflag:s8] =	ssyncset.s32 @!p0 $0xFFFFF086;
	s6 =	sadd.s32 @!p0 s3, s7;
	s7 =	simm.s32 @!p0 $0x108  }
0x21: {  	s3 =	sadd.s32 s3, s9;
	s6 =	sadd.s32 @!p0 $0x88, s6;
	s7 =	simm.s32 @p2 $0x1082  }
0x22: {  	[simem:s7], [sflag:s8] =	dma.local @!p0 [hbm:s6], $0xF7A  }
0x23: {  	s9 =	sor.u32 $0xD0000000, s2;
	s6 =	simm.s32 $0x108;
	_ =	swait.ge @!p0 [sflag:s8], $0x0  }
0x24: {  	s3 =	sadd.s32 $0x88, s3;
	s6 =	simm.s32 @!p1 $0x1082;
	[sflag:s4] =	ssyncset.s32 $0xFFFFF086  }
0x25: {  	[simem:s6], [sflag:s4] =	dma.local [hbm:s3], $0xF7A  }
0x26: {  	[smem:$0x3F9F] =	sst s1;
	(tag) =	ssettag s2;
	_ =	strace s9  }
0x27: {  	s1 =	sld [smem:$0x3FAF]  }
0x28: {  	s2 =	sld [smem:$0x3FB0]  }
0x29: {  	s4 =	sld [smem:$0x3FB2]  }
0x2a: {  	p0 =	seq.s32 s5, $0x0;
	s5 =	sld [smem:$0x3FB3]  }
0x2b: {  	s6 =	sld [smem:$0x3FB4]  }
0x2c: {  	s7 =	sld [smem:$0x3FB5]  }
0x2d: {  	s3 =	simm.s32 $0x108;
	s8 =	sld [smem:$0x3FB6]  }
0x2e: {  	s3 =	simm.s32 @!p0 $0x1082;
	s9 =	sld [smem:$0x3FB7]  }
0x2f: {  	lr =	sadd.s32 s0, s3;
	s0 =	sld [smem:$0x3FAE]  }
0x30: {  	s3 =	sld [smem:$0x3FB1]  }
0x31: {  	[smem:$0x3FBA] =	sst s10  }
0x32: {  	s10 =	sld [smem:$0x3FB8];
	_ =	sdelay $0x3  }
0x33: {  	p0 =	seq.s32 s10, $0x1;
	s10 =	sld [smem:$0x3FBA];
	_ =	sdelay $0x3  }
0x34: {  	[smem:$0x3FBA] =	sst s10  }
0x35: {  	s10 =	sld [smem:$0x3FB9];
	_ =	sdelay $0x3  }
0x36: {  	p1 =	seq.s32 s10, $0x1;
	s10 =	sld [smem:$0x3FBA];
	_ =	sdelay $0x3  }
0x37: {  	[smem:$0x3FBA] =	sst s10  }
0x38: {  	s10 =	sld [smem:$0x3FBB]  }
0x39: {  	_ = 	snop;
	(pc) =	sbr.ind lr, $3  }
0x3a: {  	_ = 	snop  }
0x3b: {  	_ = 	snop  }
0x3c: {  	p2 =	seq.s32 s10, $0x1;
	s10 =	sld [smem:$0x3FBA]  }
0x3d: {  	_ =	shalt  }
0x3e: {  	_ =	shalt  }
0x3f: {  	_ =	shalt  }
0x40: {  	_ =	shalt  }
0x41: {  	_ =	shalt  }
0x42: {  	_ =	shalt  }
0x43: {  	_ =	shalt  }
0x44: {  	_ =	shalt  }
0x45: {  	_ =	shalt  }
0x46: {  	_ =	shalt  }
0x47: {  	_ =	shalt  }
0x48: {  	_ =	shalt  }
0x49: {  	_ =	shalt  }
0x4a: {  	_ =	shalt  }
0x4b: {  	_ =	shalt  }
0x4c: {  	_ =	shalt  }
0x4d: {  	_ =	shalt  }
0x4e: {  	_ =	shalt  }
0x4f: {  	_ =	shalt  }
0x50: {  	_ =	shalt  }
0x51: {  	_ =	shalt  }
0x52: {  	_ =	shalt  }
0x53: {  	_ =	shalt  }
0x54: {  	_ =	shalt  }
0x55: {  	_ =	shalt  }
0x56: {  	_ =	shalt  }
0x57: {  	_ =	shalt  }
0x58: {  	_ =	shalt  }
0x59: {  	_ =	shalt  }
0x5a: {  	_ =	shalt  }
0x5b: {  	_ =	shalt  }
0x5c: {  	_ =	shalt  }
0x5d: {  	_ =	shalt  }
0x5e: {  	_ =	shalt  }
0x5f: {  	_ =	shalt  }
0x60: {  	_ =	shalt  }
0x61: {  	_ =	shalt  }
0x62: {  	_ =	shalt  }
0x63: {  	_ =	shalt  }
0x64: {  	_ =	shalt  }
0x65: {  	_ =	shalt  }
0x66: {  	_ =	shalt  }
0x67: {  	_ =	shalt  }
0x68: {  	_ =	shalt  }
0x69: {  	_ =	shalt  }
0x6a: {  	_ =	shalt  }
0x6b: {  	_ =	shalt  }
0x6c: {  	_ =	shalt  }
0x6d: {  	_ =	shalt  }
0x6e: {  	_ =	shalt  }
0x6f: {  	_ =	shalt  }
0x70: {  	_ =	shalt  }
0x71: {  	_ =	shalt  }
0x72: {  	_ =	shalt  }
0x73: {  	_ =	shalt  }
0x74: {  	_ =	shalt  }
0x75: {  	_ =	shalt  }
0x76: {  	_ =	shalt  }
0x77: {  	_ =	shalt  }
0x78: {  	_ =	shalt  }
0x79: {  	_ =	shalt  }
0x7a: {  	_ =	shalt  }
0x7b: {  	_ =	shalt  }
0x7c: {  	_ =	shalt  }
0x7d: {  	_ =	shalt  }
0x7e: {  	_ =	shalt  }
0x7f: {  	_ =	shalt  }
0x80: {  	_ =	shalt  }
0x81: {  	_ =	shalt  }
0x82: {  	_ =	shalt  }
0x83: {  	_ =	shalt  }
0x84: {  	_ =	shalt  }
0x85: {  	_ =	shalt  }
0x86: {  	_ =	shalt  }
0x87: {  	_ =	shalt  }
.Lfunc_end0:
.L_simem_size_0:
called_computation_lowered:
.L_overlay_start_0:
0x88: {  	s2 =	sld [smem:$0x3FD9]  }
0x89: {  	s3 =	sld [smem:$0x3FFE];
	_ =	sdelay $0x1  }
0x8a: {  	s1 =	srdreg.scid  }
0x8b: {  	s0 =	sand.u32 $0x1, s1  }
0x8c: {  	s16 =	sshll.u32 s0, $0xA;
	s2 =	sadd.s32 s3, s2  }
0x8d: {  	s2 =	sadd.s32 s2, s16  }
0x8e: {  	[smem:$0x3FC6] =	sst s2  }
0x8f: {  	_ = 	snop  }
0x90: {  	(tm) =	ssettm $0x1  }
0x91: {  	s17 =	sld [smem:$0x3FFB];
	_ =	sdelay $0x3  }
0x92: {  	_ =	strace s17  }
0x93: {  	s2 =	sld [smem:$0x3FFC];
	_ =	sdelay $0x3  }
0x94: {  	_ =	strace s2  }
0x95: {  	s2 =	sld [smem:$0x3FFD];
	_ =	sdelay $0x3  }
0x96: {  	_ =	strace s2  }
0x97: {  	_ =	strace $0x8FFFFFFF  }
0x98: {  	s18 =	sld [smem:$0x3FDB];
	_ =	sdelay $0x1  }
0x99: {  	s19 =	simm.s32 $_scs_section_size  }
0x9a: {  	s4 =	simm.s32 $_size__tile_overlayer_lowered;
	s5 =	simm.s32 $_tile_overlayer_lowered  }
0x9b: {  	s22 =	simm.s32 $0x1BFF;
	s21 =	sshll.u32 s5, $0x1;
	s2 =	sadd.s32 s19, s18  }
0x9c: {  	s6 =	simm.s32 $0x0;
	s20 =	sshll.u32 s4, $0x1;
	s4 =	sadd.s32 s21, s2  }
0x9d: {  	[timem:s6], [sflag:s22] =	dma.local [hbm:s4], s20  }
0x9e: {  	_ =	swait.ge [sflag:s22], s20  }
0x9f: {  	s3 =	ssub.s32 $0x0, s20;
	[sflag:s22] =	ssyncset.done $0x0  }
0xa0: {  	[sflag:s22] =	ssyncadd.s32 s3;
	_ =	sdelay $0x1  }
0xa1: {  	s23 =	simm.s32 $0x1B8B  }
0xa2: {  	_ =	swait.ge [sflag:s23], $0x1  }
0xa3: {  	[sflag:s23] =	ssyncset.done $0x0  }
0xa4: {  	s25 =	simm.s32 $0x1B8E;
	s24 =	sld [smem:$0x3FFE];
	[sflag:s23] =	ssyncadd.s32 $0xFFFFFFFF  }
0xa5: {  	s26 =	simm.s32 $execute0_lowered;
	[smem:$0x3FD2] =	sst s25  }
0xa6: {  	s4 =	sshll.u32 s26, $0x1;
	_ =	strace $0x8000005E;
	[dreg:$0x1] =	wrdreg $0xFFFFFFFF  }
0xa7: {  	s28 =	simm.s32 $_size_execute0_lowered;
	s2 =	sadd.s32 s2, s4;
	[dreg:$0x0] =	wrdreg $0x0  }
0xa8: {  	s4 =	sshll.u32 s28, $0x1;
	[dreg:$0x2] =	wrdreg s2  }
0xa9: {  	[dreg:$0x3] =	wrdreg s4  }
0xaa: {  	[dreg:$0x4] =	wrdreg $0xC0  }
0xab: {  	_ =	task [dreg:s6], $0x5FFFF  }
0xac: {  	[dreg:$0x1] =	wrdreg $0xFFFFFFFF  }
0xad: {  	[dreg:$0x0] =	wrdreg $0x60  }
0xae: {  	[dreg:$0x2] =	wrdreg s24  }
0xaf: {  	[dreg:$0x3] =	wrdreg $0x9  }
0xb0: {  	_ =	task.clear_ibuf [dreg:s6], $0x4FFFF;
	_ =	strace $0x9000005E  }
0xb1: {  	s29 =	simm.s32 $0x9;
	_ =	strace $0x80000060  }
0xb2: {  	_ =	swait.ge [sflag:s29], $0x1  }
0xb3: {  	[sflag:s29] =	ssyncadd.s32 $0xFFFFFFFF  }
0xb4: {  	_ =	strace $0x90000060  }
0xb5: {  	_ =	sfence  }
0xb6: {  	s30 =	sld [smem:$0x0];
	_ =	sdelay $0x2  }
0xb7: {  	s31 =	sshll.u32 s1, $0xD;
	s1 =	sshrl.u32 s1, $0x2  }
0xb8: {  	s3 =	sand.u32 $0x4000, s31;
	s1 =	sadd.s32 s1, s30  }
0xb9: {  	s0 =	sor.u32 s3, s0;
	s1 =	sshll.u32 s1, $0x11  }
0xba: {  	s0 =	sor.u32 s1, s0  }
0xbb: {  	s0 =	sadd.s32 $0x8F2B, s0  }
0xbc: {  	[sflag:s0] =	ssyncadd.remote.s32 $0x1  }
0xbd: {  	_ =	sfence.sel $0xFFFF  }
0xbe: {  	[dreg:$0x0] =	wrdreg $0xFFFFFFFF;
	(pc) =	sbr.abs _section_cstart, $3  }
0xbf: {  	[dreg:$0x1] =	wrdreg $0xFFFFFFFF  }
0xc0: {  	_ =	task.clear_ibuf [dreg:s6], $0x2FFFF;
	_ =	strace $0x9FFFFFFF  }
0xc1: {  	(tm) =	ssettm $0x7FFFFFFF  }
tec
execute0_lowered:
.L_overlay_start_1:
0x0: {  	(tag) =	ssettag $0x1  }
0x1: {  	s8 =	rddreg [dreg:$0x0];
	s1 =	stileid.u32  }
0x2: {  	s2 =	srdreg.scid;
	s0 =	rddreg [dreg:$0x1]  }
0x3: {  	_ =	strace $0x8000005F;
	s5 =	simm.s32 $0x1;
	s9 =	simm.s32 $0x1  }
0x4: {  	s10 =	simm.s32 $0x3;
	s2 =	sand.u32 $0x1, s2;
	s3 =	sshll.u32 s1, $0x1  }
0x5: {  	s13 =	simm.s32 $0x0;
	s12 =	simm.s32 $0x0;
	s6 =	sor.u32 s3, s2  }
0x6: {  	[sflag:s5] =	ssyncpa.u1 $0x0;
	s2 =	sadd.s32 $0x30E00, s8;
	s4 =	smul.u32 $0x9E0, s6  }
0x7: {  	s3 =	sadd.s32 $0x34A00, s8;
	p0 =	slt.u32 s6, $0x9;
	s6 =	simm.s32 $0x13C00  }
.Ltmp0:
0x8: {  	s6 =	simm.s32 @!p0 $0x0;
	s7 =	ssub.s32 $0x18B00, s4;
	(pc) =	sbr.rel .LBB2_1-.Ltmp0, $4  }
0x9: {  	s9 =	simm.s32 @!p0 $0x0;
	p0 =	sne.s32 s7, s6;
	s7 =	simm.s32 $0x1  }
0xa: {  	s8 =	sadd.s32 $0x37C00, s8;
	s6 =	simm.s32 $0x2;
	s7 =	simm.s32 @!p0 $0x0  }
0xb: {  	s11 =	smov.u32 s4;
	[sflag:s6] =	ssyncpa.u1 $0x0;
	s7 =	sadd.s32 s9, s7  }
0xc: {  	vm0 =	vmmov $0xffff;
	[sflag:s10] =	ssyncpa.u1 $0x0;
	s10 =	simm.s32 $0x0;
	s9 =	sadd.s32 $0x1, s7  }
.LBB2_4:
0xd: {  	vm1 =	veq.s32 v4, $0x80000000;
	v56 =	vand.u32 $0x1F, v4;
	v6 =	vand.u32 $0x1FFF, v6  }
0xe: {  	v2 =	vor.u32 v2, v5;
	v59 =	vshrl.u32 v1, $0x5;
	v60 =	vand.u32 $0x1F, v1  }
0xf: {  	v4 =	vsel vm1, $0xFFFFFFFF, v56;
	v6 =	vsel vm1, $0xFFFFFFFF, v6;
	v2 =	vor.u32 v3, v2  }
0x10: {  	vm1 =	veq.s32 v1, $0x80000000;
	v5 =	vand.u32 $0x1FFF, v59;
	v7 =	vshrl.u32 v4, $0x3  }
0x11: {  	v57 =	vshll.u32 v6, $0x3;
	v4 =	vshll.u32 v4, $0x7;
	v1 =	vsel vm1, $0xFFFFFFFF, v60  }
0x12: {  	v5 =	vsel vm1, $0xFFFFFFFF, v5;
	v6 =	vand.u32 $0x7F, v6;
	v7 =	vmul.u32 $0xA000, v7  }
0x13: {  	v58 =	vand.u32 $0xFFFFFC00, v57;
	v4 =	vand.u32 $0x380, v4;
	v61 =	vshrl.u32 v1, $0x3  }
0x14: {  	v62 =	vshll.u32 v5, $0x3;
	v3 =	vadd.s32 v7, v58;
	v7 =	vmul.u32 $0xA000, v61  }
0x15: {  	v1 =	vshll.u32 v1, $0x7;
	v3 =	vor.u32 v4, v3;
	v4 =	vand.u32 $0xFFFFFC00, v62  }
0x16: {  	v1 =	vand.u32 $0x380, v1;
	v3 =	vor.u32 v6, v3;
	v4 =	vadd.s32 v7, v4  }
0x17: {  	[tilespmem:s16], [sflag:$0x1] =	stream.indirect_vreg.gather [hbm4b:s2+s10], $0x1, v0, vm0, $0x4038;
	v63 =	vand.u32 $0x7F, v5;
	v1 =	vor.u32 v1, v4;
	[tilespmem:$0x2780] =	vst v63  }
0x18: {  	s15 =	sadd.s32 $0x10, s15;
	(ifvalue) =	ssetifvalue $0x7FFFFFFF;
	v0 =	vor.u32 v63, v1  }
0x19: {  	[tilespmem:s15], [sflag:$0x1] =	stream.indirect_vreg.gather [hbm4b:s2+s10], $0x1, v2, vm0, $0x4038;
	[tilespmem:$0x2780] =	vst v63  }
0x1a: {  	s15 =	sadd.s32 $0x10, s15;
	(ifvalue) =	ssetifvalue $0x7FFFFFFF  }
0x1b: {  	[tilespmem:s15], [sflag:$0x1] =	stream.indirect_vreg.gather [hbm4b:s2+s10], $0x1, v3, vm0, $0x4038;
	[tilespmem:$0x2780] =	vst v63  }
0x1c: {  	s15 =	sadd.s32 $0x10, s15;
	(ifvalue) =	ssetifvalue $0x7FFFFFFF  }
0x1d: {  	[tilespmem:s15], [sflag:$0x1] =	stream.indirect_vreg.gather [hbm4b:s2+s10], $0x1, v0, vm0, $0x4038;
	[tilespmem:$0x2780] =	vst v63  }
0x1e: {  	_ =	swait.ge [sflag:s5], $0x9E0  }
0x1f: {  	s30 =	sshrl.u32 s13, $0x3;
	[sflag:s5] =	ssyncset.done $0x0  }
0x20: {  	s31 =	sand.u32 $0x7, s13;
	s15 =	sadd.s32 s8, s30;
	[sflag:s5] =	ssyncadd.s32 $0xFFFFF620  }
0x21: {  	[hbm4b:s15+s31] =	stream.linear.scatter [tilespmem:s14], [sflag:$0x3], $0x9E0, $0x38;
	[tilespmem:$0x2780] =	vst v63  }
.LBB2_5:
0x22: {  	s15 =	sadd.s32 $0x13C00, s11  }
0x23: {  	p1 =	sgt.s32 s15, $0x18AFF  }
0x24: {  	s15 =	smov.u32 @p1 s4;
	p1 =	sne.s32 s12, s9  }
.Ltmp1:
0x25: {  	p0 =	slt.u32 s12, $0x2;
	(pc) =	sbr.rel @!p1 .LBB2_6-.Ltmp1, $4  }
0x26: {  	s14 =	simm.s32 @!p0 $0x3  }
0x27: {  	_ =	swait.ge @!p0 [sflag:s14], $0x9E0  }
0x28: {  	s16 =	sadd.s32 $0x1, s12;
	s13 =	smov.u32 s11;
	[sflag:s14] =	ssyncset.done @!p0 $0x0  }
0x29: {  	s12 =	smov.u32 s16;
	s11 =	smov.u32 s15;
	[sflag:s14] =	ssyncadd.s32 @!p0 $0xFFFFF620  }
.LBB2_1:
0x2a: {  	p0 =	sge.u32 s12, s7  }
0x2b: {  	s14 =	sxor.u32 @!p0 $0x1, s12  }
0x2c: {  	s14 =	smul.u32 @!p0 $0x2780, s14  }
0x2d: {  	s31 =	sadd.s32 $0xFFFFFFFF, s12;
	s15 =	sshrl.u32 @!p0 s11, $0x3  }
0x2e: {  	s16 =	sand.u32 @!p0 $0x7, s11;
	s15 =	sadd.s32 @!p0 s3, s15;
	s14 =	sshra.s32 @!p0 s14, $0x2  }
0x2f: {  	[tilespmem:s14], [sflag:$0x2] =	stream.linear.gather @!p0 [hbm4b:s15+s16], $0x9E0, $0x38;
	[tilespmem:$0x2780] =	vst v63  }
0x30: {  	p0 =	sge.u32 s31, s7  }
.Ltmp2:
0x31: {  	_ = 	snop;
	(pc) =	sbr.rel @p0 .LBB2_5-.Ltmp2, $1  }
0x32: {  	_ =	sdelay $0x3  }
0x33: {  	s14 =	sand.u32 $0x1, s12  }
0x34: {  	_ =	swait.ge [sflag:s6], $0x9E0;
	p0 =	seq.s32 s14, $0x1;
	s14 =	simm.s32 $0x9E0  }
0x35: {  	[sflag:s6] =	ssyncset.done $0x0;
	s14 =	simm.s32 @!p0 $0x0  }
0x36: {  	[sflag:s6] =	ssyncadd.s32 $0xFFFFF620;
	(ifvalue) =	ssetifvalue $0x7FFFFFFF;
	v0 =	vld.msk [tilespmem:s14+$0x0 ss:$0x1], $0xffff  }
0x37: {  	s15 =	sadd.s32 $0x10, s14  }
0x38: {  	v1 =	vld.msk [tilespmem:s15+$0x0 ss:$0x1], $0xffff;
	_ =	sdelay $0x2  }
0x39: {  	v2 =	vshrl.u32 v0, $0x5  }
0x3a: {  	vm1 =	veq.s32 v0, $0x80000000;
	v0 =	vand.u32 $0x1F, v0;
	v2 =	vand.u32 $0x1FFF, v2  }
0x3b: {  	v0 =	vsel vm1, $0xFFFFFFFF, v0;
	v6 =	vshrl.u32 v1, $0x5;
	v2 =	vsel vm1, $0xFFFFFFFF, v2  }
0x3c: {  	v3 =	vshrl.u32 v0, $0x3;
	v0 =	vshll.u32 v0, $0x7;
	vm1 =	veq.s32 v1, $0x80000000  }
0x3d: {  	s15 =	sadd.s32 $0x10, s15;
	v1 =	vand.u32 $0x1F, v1;
	v4 =	vshll.u32 v2, $0x3;
	v3 =	vmul.u32 $0xA000, v3  }
0x3e: {  	v0 =	vand.u32 $0x380, v0;
	v7 =	vand.u32 $0x7F, v2;
	v5 =	vand.u32 $0xFFFFFC00, v4;
	v4 =	vld.msk [tilespmem:s15+$0x0 ss:$0x1], $0xffff  }
0x3f: {  	v1 =	vsel vm1, $0xFFFFFFFF, v1;
	v2 =	vadd.s32 v3, v5;
	v3 =	vand.u32 $0x1FFF, v6  }
0x40: {  	v3 =	vsel vm1, $0xFFFFFFFF, v3;
	v0 =	vor.u32 v0, v2;
	v2 =	vshrl.u32 v1, $0x3  }
0x41: {  	v1 =	vshll.u32 v1, $0x7;
	v5 =	vshll.u32 v3, $0x3;
	v8 =	vmul.u32 $0xA000, v2  }
0x42: {  	s18 =	simm.s32 $0x30;
	s14 =	sadd.s32 $0x13C0, s14;
	s17 =	sadd.s32 $0x10, s15;
	v2 =	vand.u32 $0x380, v1;
	v0 =	vor.u32 v7, v0;
	v5 =	vand.u32 $0xFFFFFC00, v5  }
0x43: {  	s16 =	smov.u32 s14;
	s15 =	smov.u32 s14;
	v1 =	vld.msk [tilespmem:s17+$0x0 ss:$0x1], $0xffff;
	v3 =	vand.u32 $0x7F, v3;
	(ifvalue) =	ssetifvalue $0x7FFFFFFF;
	v6 =	vshrl.u32 v4, $0x5;
	v5 =	vadd.s32 v8, v5  }
.LBB2_3:
0x44: {  	s18 =	sadd.s32 $0x10, s18  }
0x45: {  	vm1 =	veq.s32 v4, $0x80000000;
	v4 =	vand.u32 $0x1F, v4;
	v6 =	vand.u32 $0x1FFF, v6;
	s15 =	sadd.s32 $0x10, s15;
	p0 =	slt.u32 s18, $0x9D0  }
.Ltmp3:
0x46: {  	v5 =	vor.u32 v2, v5;
	v4 =	vsel vm1, $0xFFFFFFFF, v4;
	v7 =	vsel vm1, $0xFFFFFFFF, v6;
	(pc) =	sbr.rel @p0 .LBB2_3-.Ltmp3, $4  }
0x47: {  	v2 =	vshrl.u32 v4, $0x3;
	v6 =	vshll.u32 v7, $0x3;
	v4 =	vshll.u32 v4, $0x7;
	[tilespmem:s16], [sflag:$0x1] =	stream.indirect_vreg.gather [hbm4b:s2+s10], $0x1, v0, vm0, $0x4038;
	[tilespmem:$0x2780] =	vst v63  }
0x48: {  	v0 =	vor.u32 v3, v5;
	s16 =	smov.u32 s15;
	v8 =	vmul.u32 $0xA000, v2;
	v2 =	vand.u32 $0x380, v4  }
0x49: {  	s17 =	sadd.s32 $0x10, s17;
	v9 =	vand.u32 $0xFFFFFC00, v6  }
0x4a: {  	v3 =	vand.u32 $0x7F, v7;
	v6 =	vshrl.u32 v1, $0x5;
	v5 =	vadd.s32 v8, v9;
	(ifvalue) =	ssetifvalue $0x7FFFFFFF;
	v4 =	vmovc v1;
	v1 =	vld.msk [tilespmem:s17+$0x0 ss:$0x1], $0xffff  }
.Ltmp4:
0x4b: {  	_ = 	snop;
	(pc) =	sbr.rel .LBB2_4-.Ltmp4, $1  }
0x4c: {  	_ =	sdelay $0x3  }
.LBB2_6:
0x4d: {  	_ =	sfence.sel $0x180000  }
0x4e: {  	s2 =	simm.s32 $0x2;
	[bflag:$0x0] =	sbarrier.arrive $0xFFFF  }
0x4f: {  	s30 =	simm.s32 $0x3;
	[sflag:s2] =	ssyncpa.u1 $0x1  }
0x50: {  	s31 =	simm.s32 $0x1;
	[sflag:s30] =	ssyncpa.u1 $0x1  }
0x51: {  	[sflag:s31] =	ssyncpa.u1 $0x1  }
0x52: {  	p0 =	sne.s32 s1, $0x0;
	_ =	strace $0x9000005F  }
0x53: {  	s0 =	sadd.s32 @!p0 $0x100000, s0;
	[bflag:$0x2] =	sbarrier.arrive $0xFFFF  }
0x54: {  	[sflag:s0] =	ssyncadd.tile.s32 @!p0 $0x1;
	_ =	shalt  }
.Lfunc_end2:
_tile_overlayer_lowered:
.L_overlay_start_2:
0x55: {  	(tag) =	ssettag $0x2  }
0x56: {  	s0 =	rddreg [dreg:$0x0];
	s2 =	stileid.u32  }
0x57: {  	s1 =	rddreg [dreg:$0x1];
	p0 =	sne.s32 s2, $0x0  }
0x58: {  	s3 =	rddreg [dreg:$0x2];
	[bflag:$0x3] =	sbarrier.arrive $0xFFFF;
	s2 =	simm.s32 @!p0 $0x1C01  }
0x59: {  	[timem:s3], [sflag:s2] =	dma.local @!p0 [hbm:s0], s1  }
0x5a: {  	s0 =	simm.s32 @!p0 $0x1  }
0x5b: {  	_ =	swait.ge @!p0 [sflag:s0], s1  }
0x5c: {  	s1 =	ssub.s32 @!p0 $0x0, s1;
	[sflag:s0] =	ssyncset.done @!p0 $0x0  }
0x5d: {  	[sflag:s0] =	ssyncadd.s32 @!p0 s1  }
0x5e: {  	[bflag:$0x3] =	sbarrier.arrive $0xFFFF  }
0x5f: {  	_ =	shalt  }

// kernel: kernel.3.cloned.1.call-start
scs
__scs_entry_jumppad:
0x0: {  	(pc) =	sbr.rel $0x88, $3  }
0x1: {  	(tag) =	ssettag $0x0;
	lr =	simm.s32 $0x1  }
0x2: {  	[smem:$0x3F9F] =	sst lr;
	_ =	strace $0xD0000000  }
0x3: {  	_ = 	snop  }
0x4: {  	_ = 	snop  }
0x5: {  	_ = 	snop  }
0x6: {  	_ = 	snop  }
0x7: {  	_ = 	snop  }
__scs_overlays_trampoline_lowered:
0x8: {  	[smem:$0x3FAE] =	sst s0  }
0x9: {  	[smem:$0x3FAF] =	sst s1  }
0xa: {  	[smem:$0x3FB0] =	sst s2  }
0xb: {  	[smem:$0x3FB1] =	sst s3  }
0xc: {  	[smem:$0x3FB2] =	sst s4  }
0xd: {  	[smem:$0x3FB3] =	sst s5  }
0xe: {  	[smem:$0x3FB4] =	sst s6  }
0xf: {  	[smem:$0x3FB5] =	sst s7  }
0x10: {  	[smem:$0x3FB6] =	sst s8  }
0x11: {  	[smem:$0x3FB7] =	sst s9;
	s0 =	simm.s32 @!p0 $0x0  }
0x12: {  	s1 =	sld [smem:$0x3F9D];
	s0 =	simm.s32 @p0 $0x1  }
0x13: {  	[smem:$0x3FB8] =	sst s0;
	s0 =	simm.s32 @!p1 $0x0  }
0x14: {  	s2 =	sld [smem:$0x3F9C];
	s0 =	simm.s32 @p1 $0x1  }
0x15: {  	[smem:$0x3FB9] =	sst s0;
	s0 =	simm.s32 @!p2 $0x0  }
0x16: {  	s3 =	sld [smem:$0x3FDB];
	s0 =	simm.s32 @p2 $0x1  }
0x17: {  	s4 =	simm.s32 $0x1BF5;
	[smem:$0x3FBB] =	sst s0  }
0x18: {  	s0 =	sld [smem:$0x3F9E];
	_ =	swait.ge [sflag:s4], $0x0  }
0x19: {  	s7 =	sld [smem:$0x3F9F]  }
0x1a: {  	s8 =	sadd.s32 $0xFFFFE003, lr  }
0x1b: {  	s9 =	sadd.s32 $0xFFFFFEF7, lr;
	s5 =	simm.s32 $0xFFFFFFFF;
	p2 =	slt.u32 s8, $0xFFFFF086  }
0x1c: {  	p1 =	slt.u32 s9, $0xF7A;
	s5 =	simm.s32 @!p2 $0x0  }
0x1d: {  	s5 =	simm.s32 @p1 $0x1;
	p0 =	seq.s32 s7, s2  }
0x1e: {  	s7 =	smul.u32 @!p0 $0xF7A, s2;
	p2 =	seq.s32 @!p0 s5, $0x0  }
0x1f: {  	s9 =	smul.u32 $0xF7A, s1;
	s8 =	simm.s32 @!p0 $0x1BF5;
	p2 =	por !p2, p0  }
0x20: {  	[sflag:s8] =	ssyncset.s32 @!p0 $0xFFFFF086;
	s6 =	sadd.s32 @!p0 s3, s7;
	s7 =	simm.s32 @!p0 $0x108  }
0x21: {  	s3 =	sadd.s32 s3, s9;
	s6 =	sadd.s32 @!p0 $0x88, s6;
	s7 =	simm.s32 @p2 $0x1082  }
0x22: {  	[simem:s7], [sflag:s8] =	dma.local @!p0 [hbm:s6], $0xF7A  }
0x23: {  	s9 =	sor.u32 $0xD0000000, s2;
	s6 =	simm.s32 $0x108;
	_ =	swait.ge @!p0 [sflag:s8], $0x0  }
0x24: {  	s3 =	sadd.s32 $0x88, s3;
	s6 =	simm.s32 @!p1 $0x1082;
	[sflag:s4] =	ssyncset.s32 $0xFFFFF086  }
0x25: {  	[simem:s6], [sflag:s4] =	dma.local [hbm:s3], $0xF7A  }
0x26: {  	[smem:$0x3F9F] =	sst s1;
	(tag) =	ssettag s2;
	_ =	strace s9  }
0x27: {  	s1 =	sld [smem:$0x3FAF]  }
0x28: {  	s2 =	sld [smem:$0x3FB0]  }
0x29: {  	s4 =	sld [smem:$0x3FB2]  }
0x2a: {  	p0 =	seq.s32 s5, $0x0;
	s5 =	sld [smem:$0x3FB3]  }
0x2b: {  	s6 =	sld [smem:$0x3FB4]  }
0x2c: {  	s7 =	sld [smem:$0x3FB5]  }
0x2d: {  	s3 =	simm.s32 $0x108;
	s8 =	sld [smem:$0x3FB6]  }
0x2e: {  	s3 =	simm.s32 @!p0 $0x1082;
	s9 =	sld [smem:$0x3FB7]  }
0x2f: {  	lr =	sadd.s32 s0, s3;
	s0 =	sld [smem:$0x3FAE]  }
0x30: {  	s3 =	sld [smem:$0x3FB1]  }
0x31: {  	[smem:$0x3FBA] =	sst s10  }
0x32: {  	s10 =	sld [smem:$0x3FB8];
	_ =	sdelay $0x3  }
0x33: {  	p0 =	seq.s32 s10, $0x1;
	s10 =	sld [smem:$0x3FBA];
	_ =	sdelay $0x3  }
0x34: {  	[smem:$0x3FBA] =	sst s10  }
0x35: {  	s10 =	sld [smem:$0x3FB9];
	_ =	sdelay $0x3  }
0x36: {  	p1 =	seq.s32 s10, $0x1;
	s10 =	sld [smem:$0x3FBA];
	_ =	sdelay $0x3  }
0x37: {  	[smem:$0x3FBA] =	sst s10  }
0x38: {  	s10 =	sld [smem:$0x3FBB]  }
0x39: {  	_ = 	snop;
	(pc) =	sbr.ind lr, $3  }
0x3a: {  	_ = 	snop  }
0x3b: {  	_ = 	snop  }
0x3c: {  	p2 =	seq.s32 s10, $0x1;
	s10 =	sld [smem:$0x3FBA]  }
0x3d: {  	_ =	shalt  }
0x3e: {  	_ =	shalt  }
0x3f: {  	_ =	shalt  }
0x40: {  	_ =	shalt  }
0x41: {  	_ =	shalt  }
0x42: {  	_ =	shalt  }
0x43: {  	_ =	shalt  }
0x44: {  	_ =	shalt  }
0x45: {  	_ =	shalt  }
0x46: {  	_ =	shalt  }
0x47: {  	_ =	shalt  }
0x48: {  	_ =	shalt  }
0x49: {  	_ =	shalt  }
0x4a: {  	_ =	shalt  }
0x4b: {  	_ =	shalt  }
0x4c: {  	_ =	shalt  }
0x4d: {  	_ =	shalt  }
0x4e: {  	_ =	shalt  }
0x4f: {  	_ =	shalt  }
0x50: {  	_ =	shalt  }
0x51: {  	_ =	shalt  }
0x52: {  	_ =	shalt  }
0x53: {  	_ =	shalt  }
0x54: {  	_ =	shalt  }
0x55: {  	_ =	shalt  }
0x56: {  	_ =	shalt  }
0x57: {  	_ =	shalt  }
0x58: {  	_ =	shalt  }
0x59: {  	_ =	shalt  }
0x5a: {  	_ =	shalt  }
0x5b: {  	_ =	shalt  }
0x5c: {  	_ =	shalt  }
0x5d: {  	_ =	shalt  }
0x5e: {  	_ =	shalt  }
0x5f: {  	_ =	shalt  }
0x60: {  	_ =	shalt  }
0x61: {  	_ =	shalt  }
0x62: {  	_ =	shalt  }
0x63: {  	_ =	shalt  }
0x64: {  	_ =	shalt  }
0x65: {  	_ =	shalt  }
0x66: {  	_ =	shalt  }
0x67: {  	_ =	shalt  }
0x68: {  	_ =	shalt  }
0x69: {  	_ =	shalt  }
0x6a: {  	_ =	shalt  }
0x6b: {  	_ =	shalt  }
0x6c: {  	_ =	shalt  }
0x6d: {  	_ =	shalt  }
0x6e: {  	_ =	shalt  }
0x6f: {  	_ =	shalt  }
0x70: {  	_ =	shalt  }
0x71: {  	_ =	shalt  }
0x72: {  	_ =	shalt  }
0x73: {  	_ =	shalt  }
0x74: {  	_ =	shalt  }
0x75: {  	_ =	shalt  }
0x76: {  	_ =	shalt  }
0x77: {  	_ =	shalt  }
0x78: {  	_ =	shalt  }
0x79: {  	_ =	shalt  }
0x7a: {  	_ =	shalt  }
0x7b: {  	_ =	shalt  }
0x7c: {  	_ =	shalt  }
0x7d: {  	_ =	shalt  }
0x7e: {  	_ =	shalt  }
0x7f: {  	_ =	shalt  }
0x80: {  	_ =	shalt  }
0x81: {  	_ =	shalt  }
0x82: {  	_ =	shalt  }
0x83: {  	_ =	shalt  }
0x84: {  	_ =	shalt  }
0x85: {  	_ =	shalt  }
0x86: {  	_ =	shalt  }
0x87: {  	_ =	shalt  }
.Lfunc_end0:
.L_simem_size_0:
called_computation.9_lowered:
.L_overlay_start_0:
0x88: {  	s2 =	sld [smem:$0x3FD9]  }
0x89: {  	s3 =	sld [smem:$0x3FFE];
	_ =	sdelay $0x1  }
0x8a: {  	s1 =	srdreg.scid  }
0x8b: {  	s0 =	sand.u32 $0x1, s1  }
0x8c: {  	s14 =	sshll.u32 s0, $0xA;
	s2 =	sadd.s32 s3, s2  }
0x8d: {  	s2 =	sadd.s32 s2, s14  }
0x8e: {  	[smem:$0x3FC6] =	sst s2  }
0x8f: {  	_ = 	snop  }
0x90: {  	s2 =	sld [smem:$0x3FD0];
	_ =	sdelay $0x2  }
0x91: {  	s15 =	simm.s32 $0xB;
	s4 =	simm.s32 $0x10  }
0x92: {  	[smem:s4], [sflag:s15] =	dma.local [hbm:s2], $0x1  }
0x93: {  	_ =	swait.eq [sflag:s15], $0x1  }
0x94: {  	[sflag:s15] =	ssyncset.done $0x0  }
0x95: {  	[sflag:s15] =	ssyncadd.s32 $0xFFFFFFFF  }
0x96: {  	s16 =	sld [smem:$0x10];
	(tm) =	ssettm $0x1  }
0x97: {  	s17 =	sld [smem:$0x3FFB];
	_ =	sdelay $0x3  }
0x98: {  	_ =	strace s17  }
0x99: {  	s3 =	sld [smem:$0x3FFC];
	_ =	sdelay $0x3  }
0x9a: {  	_ =	strace s3  }
0x9b: {  	s3 =	sld [smem:$0x3FFD];
	_ =	sdelay $0x3  }
0x9c: {  	_ =	strace s3  }
0x9d: {  	_ =	strace $0x8FFFFFFF  }
0x9e: {  	s18 =	sld [smem:$0x3FDB];
	_ =	sdelay $0x1  }
0x9f: {  	s19 =	simm.s32 $_scs_section_size  }
0xa0: {  	s5 =	simm.s32 $_size__tile_overlayer_lowered;
	s6 =	simm.s32 $_tile_overlayer_lowered  }
0xa1: {  	s22 =	simm.s32 $0x1BFF;
	s21 =	sshll.u32 s6, $0x1;
	s3 =	sadd.s32 s19, s18  }
0xa2: {  	s7 =	simm.s32 $0x0;
	s20 =	sshll.u32 s5, $0x1;
	s5 =	sadd.s32 s21, s3  }
0xa3: {  	[timem:s7], [sflag:s22] =	dma.local [hbm:s5], s20  }
0xa4: {  	_ =	swait.ge [sflag:s22], s20  }
0xa5: {  	s4 =	ssub.s32 $0x0, s20;
	[sflag:s22] =	ssyncset.done $0x0  }
0xa6: {  	[sflag:s22] =	ssyncadd.s32 s4;
	_ =	sdelay $0x1  }
0xa7: {  	s23 =	simm.s32 $0x1B8B  }
0xa8: {  	_ =	swait.ge [sflag:s23], $0x1  }
0xa9: {  	[sflag:s23] =	ssyncset.done $0x0  }
0xaa: {  	s25 =	simm.s32 $0x1B8E;
	s24 =	sld [smem:$0x3FFE];
	[sflag:s23] =	ssyncadd.s32 $0xFFFFFFFF  }
0xab: {  	s26 =	simm.s32 $execute0_lowered;
	[smem:$0x3FD2] =	sst s25  }
0xac: {  	s5 =	sshll.u32 s26, $0x1;
	_ =	strace $0x8000005B;
	[dreg:$0x1] =	wrdreg $0xFFFFFFFF  }
0xad: {  	s28 =	simm.s32 $_size_execute0_lowered;
	s3 =	sadd.s32 s3, s5;
	[dreg:$0x0] =	wrdreg $0x0  }
0xae: {  	s5 =	sshll.u32 s28, $0x1;
	[dreg:$0x2] =	wrdreg s3  }
0xaf: {  	[dreg:$0x3] =	wrdreg s5  }
0xb0: {  	[dreg:$0x4] =	wrdreg $0xC0  }
0xb1: {  	_ =	task [dreg:s7], $0x5FFFF  }
0xb2: {  	[dreg:$0x1] =	wrdreg $0xFFFFFFFF  }
0xb3: {  	[dreg:$0x0] =	wrdreg $0x60  }
0xb4: {  	[dreg:$0x2] =	wrdreg s24  }
0xb5: {  	[dreg:$0x3] =	wrdreg s16  }
0xb6: {  	[dreg:$0x4] =	wrdreg $0x9  }
0xb7: {  	_ =	task.clear_ibuf [dreg:s7], $0x5FFFF;
	_ =	strace $0x9000005B  }
0xb8: {  	s29 =	simm.s32 $0x9;
	_ =	strace $0x8000005D  }
0xb9: {  	_ =	swait.ge [sflag:s29], $0x1  }
0xba: {  	[sflag:s29] =	ssyncadd.s32 $0xFFFFFFFF  }
0xbb: {  	_ =	strace $0x9000005D  }
0xbc: {  	_ =	sfence  }
0xbd: {  	s30 =	sld [smem:$0x0];
	_ =	sdelay $0x2  }
0xbe: {  	s31 =	sshll.u32 s1, $0xD;
	s1 =	sshrl.u32 s1, $0x2  }
0xbf: {  	s3 =	sand.u32 $0x4000, s31;
	s1 =	sadd.s32 s1, s30  }
0xc0: {  	s0 =	sor.u32 s3, s0;
	s1 =	sshll.u32 s1, $0x11  }
0xc1: {  	s0 =	sor.u32 s1, s0  }
0xc2: {  	s0 =	sadd.s32 $0x8F2B, s0  }
0xc3: {  	[sflag:s0] =	ssyncadd.remote.s32 $0x1  }
0xc4: {  	_ =	sfence.sel $0xFFFF  }
0xc5: {  	[dreg:$0x0] =	wrdreg $0xFFFFFFFF;
	(pc) =	sbr.abs _section_cstart, $3  }
0xc6: {  	[dreg:$0x1] =	wrdreg $0xFFFFFFFF  }
0xc7: {  	_ =	task.clear_ibuf [dreg:s7], $0x2FFFF;
	_ =	strace $0x9FFFFFFF  }
0xc8: {  	(tm) =	ssettm $0x7FFFFFFF  }
0xc9: {  	_ =	shalt  }
tec
execute0_lowered:
.L_overlay_start_1:
0x0: {  	(tag) =	ssettag $0x1  }
0x1: {  	s2 =	stileid.u32  }
0x2: {  	p0 =	sgt.u32 s2, $0x9  }
.Ltmp0:
0x3: {  	_ = 	snop;
	(pc) =	sbr.rel @p0 .LBB2_16-.Ltmp0, $4  }
0x4: {  	_ = 	snop  }
0x5: {  	s1 =	rddreg [dreg:$0x0];
	s3 =	simm.s32 $0x0  }
0x6: {  	[smem:$0x7FF] =	sst s3  }
0x7: {  	s0 =	rddreg [dreg:$0x1];
	_ =	strace $0x8000005C  }
0x8: {  	vm0 =	vmmov $0x3;
	v2 =	vimm.s32 $0x0  }
0x9: {  	v2 =	vsel vm0, $0xFFFFFFFF, v2  }
0xa: {  	s2 =	srdreg.scid;
	s4 =	stileid.u32;
	vm0 =	vmmov $0x7;
	[tilespmem:$0x1FF20] =	vst v2;
	v2 =	vimm.s32 $0x0  }
0xb: {  	s2 =	sand.u32 $0x1, s2;
	s3 =	sshrl.u32 s4, $0x2;
	s4 =	sshll.u32 s4, $0x8;
	v2 =	vsel vm0, $0xFFFFFFFF, v2  }
0xc: {  	s3 =	smul.u32 $0xA000, s3;
	s5 =	sshll.u32 s2, $0x7;
	s4 =	sand.u32 $0x300, s4;
	vm0 =	vmmov $0xf;
	[tilespmem:$0x1FF30] =	vst v2;
	v2 =	vimm.s32 $0x0  }
0xd: {  	s4 =	sor.u32 s5, s4;
	v2 =	vsel vm0, $0xFFFFFFFF, v2  }
0xe: {  	vm8 =	vmmov $0x1fff;
	s3 =	sor.u32 s3, s4;
	[tilespmem:$0x1FF40] =	vst v2;
	v2 =	vimm.s32 $0x0  }
0xf: {  	s4 =	sshrl.u32 s3, $0x3;
	v2 =	vsel vm8, $0xFFFFFFFF, v2  }
0x10: {  	vm9 =	vmmov $0x3fff;
	s0 =	sadd.s32 s0, s4;
	[tilespmem:$0x1FF50] =	vst v2;
	v2 =	vimm.s32 $0x0  }
0x11: {  	s12 =	sadd.s32 $0x30E00, s1;
	s3 =	sadd.s32 s1, s4;
	[dreg:$0x7] =	wrdreg s0;
	v2 =	vsel vm9, $0xFFFFFFFF, v2  }
0x12: {  	vm10 =	vmmov $0x7fff;
	s31 =	sadd.s32 s12, s4;
	[dreg:$0x3] =	wrdreg s3;
	[tilespmem:$0x1FF60] =	vst v2;
	v2 =	vimm.s32 $0x0  }
0x13: {  	s1 =	sadd.s32 $0x12E00, s3;
	[dreg:$0x15] =	wrdreg s31;
	v2 =	vsel vm10, $0xFFFFFFFF, v2  }
0x14: {  	vm13 =	vmmov $0xfff;
	s13 =	sadd.s32 $0x1E200, s3;
	[dreg:$0x4] =	wrdreg s1;
	[tilespmem:$0x1FF70] =	vst v2;
	v2 =	vimm.s32 $0x0  }
0x15: {  	s14 =	sadd.s32 $0x21E00, s3;
	[dreg:$0x5] =	wrdreg s13;
	v2 =	vsel vm13, $0xFFFFFFFF, v2  }
0x16: {  	vm6 =	vmmov $0x7ff;
	s15 =	sadd.s32 $0x25A00, s3;
	[dreg:$0x6] =	wrdreg s14;
	[tilespmem:$0x1FF80] =	vst v2;
	v2 =	vimm.s32 $0x0  }
0x17: {  	s16 =	sadd.s32 $0x6E00, s3;
	[dreg:$0x8] =	wrdreg s15;
	v2 =	vsel vm6, $0xFFFFFFFF, v2  }
0x18: {  	vm11 =	vmmov $0x3ff;
	s17 =	sadd.s32 $0x1A600, s3;
	[dreg:$0x9] =	wrdreg s16;
	[tilespmem:$0x1FF90] =	vst v2;
	v2 =	vimm.s32 $0x0  }
0x19: {  	s18 =	sadd.s32 $0x2D200, s3;
	[dreg:$0xa] =	wrdreg s17;
	v2 =	vsel vm11, $0xFFFFFFFF, v2  }
0x1a: {  	s6 =	simm.s32 $0x11800;
	vm0 =	vmmov $0x1f;
	s19 =	sadd.s32 $0x29600, s3;
	[dreg:$0xb] =	wrdreg s18;
	[tilespmem:$0x1FFA0] =	vst v2;
	v2 =	vimm.s32 $0x0  }
0x1b: {  	s25 =	ssub.s32 $0x2, s2;
	s20 =	sadd.s32 $0xF200, s3;
	[dreg:$0xc] =	wrdreg s19;
	v2 =	vsel vm0, $0xFFFFFFFF, v2  }
0x1c: {  	vm1 =	vmmov $0x3f;
	s2 =	simm.s32 $0xC800;
	s21 =	sadd.s32 $0xB600, s3;
	[dreg:$0xd] =	wrdreg s20;
	[tilespmem:$0x1FFB0] =	vst v2;
	v2 =	vimm.s32 $0x0  }
0x1d: {  	s29 =	sshrl.u32 s25, $0x1;
	s22 =	sadd.s32 $0x16A00, s3;
	[dreg:$0xe] =	wrdreg s21;
	v2 =	vsel vm1, $0xFFFFFFFF, v2  }
0x1e: {  	vm2 =	vmmov $0x7f;
	s5 =	simm.s32 $0x10400;
	s23 =	sadd.s32 $0x34A00, s3;
	[dreg:$0xf] =	wrdreg s22;
	[tilespmem:$0x1FFC0] =	vst v2;
	v2 =	vimm.s32 $0x0  }
0x1f: {  	s4 =	simm.s32 $0xF000;
	s24 =	sadd.s32 $0x38600, s3;
	[dreg:$0x10] =	wrdreg s23;
	v2 =	vsel vm2, $0xFFFFFFFF, v2  }
0x20: {  	vm15 =	vmmov $0xff;
	s26 =	sadd.s32 $0x3C200, s3;
	s28 =	sadd.s32 $0x3FE00, s3;
	[dreg:$0x11] =	wrdreg s24;
	[tilespmem:$0x1FFD0] =	vst v2;
	v2 =	vimm.s32 $0x0  }
0x21: {  	s30 =	sadd.s32 $0x43A00, s3;
	s0 =	ssub.s32 s25, s29;
	[dreg:$0x12] =	wrdreg s26;
	v2 =	vsel vm15, $0xFFFFFFFF, v2  }
0x22: {  	vm12 =	vmmov $0x1ff;
	s25 =	simm.s32 $0x1;
	s3 =	simm.s32 $0xDC00;
	[dreg:$0x13] =	wrdreg s28;
	[tilespmem:$0x1FFE0] =	vst v2;
	v2 =	vimm.s32 $0x0  }
0x23: {  	[dreg:$0x14] =	wrdreg s30;
	s0 =	smax.u32 s0, $0x1;
	s23 =	simm.s32 $0x80;
	v2 =	vsel vm12, $0xFFFFFFFF, v2  }
0x24: {  	v0 =	vimm.f32 $0.0e+00;
	v1 =	vlaneseq.u32;
	s24 =	simm.s32 $0x400;
	s1 =	simm.s32 $0x0;
	[dreg:$0x16] =	wrdreg s0;
	[tilespmem:$0x1FFF0] =	vst v2  }
.LBB2_2:
0x25: {  	[dreg:$0x17] =	wrdreg s1  }
0x26: {  	s0 =	simm.s32 $0x0;
	s29 =	rddreg [dreg:$0x15]  }
0x27: {  	[tilespmem:s0], [sflag:$0x1] =	stream.strided.gather [hbm4b:s29+s23], $0x1400, s24, s23, $0x38;
	[tilespmem:$0x14000] =	vst v63  }
0x28: {  	_ =	swait.ge [sflag:s25], $0x1400  }
0x29: {  	[sflag:s25] =	ssyncset.done $0x0  }
0x2a: {  	s31 =	simm.s32 $0x1400;
	s30 =	rddreg [dreg:$0x4];
	[sflag:s25] =	ssyncadd.s32 $0xFFFFEC00  }
0x2b: {  	[tilespmem:s31], [sflag:$0x1] =	stream.strided.gather [hbm4b:s30+s23], $0x1400, s24, s23, $0x38;
	[tilespmem:$0x14000] =	vst v63  }
0x2c: {  	_ =	swait.ge [sflag:s25], $0x1400  }
0x2d: {  	[sflag:s25] =	ssyncset.done $0x0  }
0x2e: {  	s7 =	simm.s32 $0x2800;
	s1 =	rddreg [dreg:$0x5];
	[sflag:s25] =	ssyncadd.s32 $0xFFFFEC00  }
0x2f: {  	[tilespmem:s7], [sflag:$0x1] =	stream.strided.gather [hbm4b:s1+s23], $0x1400, s24, s23, $0x38;
	[tilespmem:$0x14000] =	vst v63  }
0x30: {  	_ =	swait.ge [sflag:s25], $0x1400  }
0x31: {  	[sflag:s25] =	ssyncset.done $0x0  }
0x32: {  	s9 =	simm.s32 $0x3C00;
	s8 =	rddreg [dreg:$0x6];
	[sflag:s25] =	ssyncadd.s32 $0xFFFFEC00  }
0x33: {  	[tilespmem:s9], [sflag:$0x1] =	stream.strided.gather [hbm4b:s8+s23], $0x1400, s24, s23, $0x38;
	[tilespmem:$0x14000] =	vst v63  }
0x34: {  	_ =	swait.ge [sflag:s25], $0x1400  }
0x35: {  	[sflag:s25] =	ssyncset.done $0x0  }
0x36: {  	s11 =	simm.s32 $0x6400;
	s10 =	rddreg [dreg:$0x7];
	[sflag:s25] =	ssyncadd.s32 $0xFFFFEC00  }
0x37: {  	[tilespmem:s11], [sflag:$0x1] =	stream.strided.gather [hbm4b:s10+s23], $0x1400, s24, s23, $0x38;
	[tilespmem:$0x14000] =	vst v63  }
0x38: {  	_ =	swait.ge [sflag:s25], $0x1400  }
0x39: {  	[sflag:s25] =	ssyncset.done $0x0  }
0x3a: {  	s13 =	simm.s32 $0x8C00;
	s12 =	rddreg [dreg:$0x8];
	[sflag:s25] =	ssyncadd.s32 $0xFFFFEC00  }
0x3b: {  	[tilespmem:s13], [sflag:$0x1] =	stream.strided.gather [hbm4b:s12+s23], $0x1400, s24, s23, $0x38;
	[tilespmem:$0x14000] =	vst v63  }
0x3c: {  	_ =	swait.ge [sflag:s25], $0x1400  }
0x3d: {  	[sflag:s25] =	ssyncset.done $0x0  }
0x3e: {  	s15 =	simm.s32 $0xA000;
	s14 =	rddreg [dreg:$0x9];
	[sflag:s25] =	ssyncadd.s32 $0xFFFFEC00  }
0x3f: {  	[tilespmem:s15], [sflag:$0x1] =	stream.strided.gather [hbm4b:s14+s23], $0x1400, s24, s23, $0x38;
	[tilespmem:$0x14000] =	vst v63  }
0x40: {  	_ =	swait.ge [sflag:s25], $0x1400  }
0x41: {  	[sflag:s25] =	ssyncset.done $0x0  }
0x42: {  	s17 =	simm.s32 $0xB400;
	s16 =	rddreg [dreg:$0x3];
	[sflag:s25] =	ssyncadd.s32 $0xFFFFEC00  }
0x43: {  	[tilespmem:s17], [sflag:$0x1] =	stream.strided.gather [hbm4b:s16+s23], $0x1400, s24, s23, $0x38;
	[tilespmem:$0x14000] =	vst v63  }
0x44: {  	_ =	swait.ge [sflag:s25], $0x1400  }
0x45: {  	[sflag:s25] =	ssyncset.done $0x0  }
0x46: {  	s18 =	rddreg [dreg:$0xa];
	[sflag:s25] =	ssyncadd.s32 $0xFFFFEC00  }
0x47: {  	[tilespmem:s2], [sflag:$0x1] =	stream.strided.gather [hbm4b:s18+s23], $0x1400, s24, s23, $0x38;
	[tilespmem:$0x14000] =	vst v63  }
0x48: {  	_ =	swait.ge [sflag:s25], $0x1400  }
0x49: {  	[sflag:s25] =	ssyncset.done $0x0  }
0x4a: {  	s19 =	rddreg [dreg:$0xb];
	[sflag:s25] =	ssyncadd.s32 $0xFFFFEC00  }
0x4b: {  	[tilespmem:s3], [sflag:$0x1] =	stream.strided.gather [hbm4b:s19+s23], $0x1400, s24, s23, $0x38;
	[tilespmem:$0x14000] =	vst v63  }
0x4c: {  	_ =	swait.ge [sflag:s25], $0x1400  }
0x4d: {  	[sflag:s25] =	ssyncset.done $0x0  }
0x4e: {  	s20 =	rddreg [dreg:$0xc];
	[sflag:s25] =	ssyncadd.s32 $0xFFFFEC00  }
0x4f: {  	[tilespmem:s4], [sflag:$0x1] =	stream.strided.gather [hbm4b:s20+s23], $0x1400, s24, s23, $0x38;
	[tilespmem:$0x14000] =	vst v63  }
0x50: {  	_ =	swait.ge [sflag:s25], $0x1400  }
0x51: {  	[sflag:s25] =	ssyncset.done $0x0  }
0x52: {  	s21 =	rddreg [dreg:$0xd];
	[sflag:s25] =	ssyncadd.s32 $0xFFFFEC00  }
0x53: {  	[tilespmem:s5], [sflag:$0x1] =	stream.strided.gather [hbm4b:s21+s23], $0x1400, s24, s23, $0x38;
	[tilespmem:$0x14000] =	vst v63  }
0x54: {  	_ =	swait.ge [sflag:s25], $0x1400  }
0x55: {  	[sflag:s25] =	ssyncset.done $0x0  }
0x56: {  	s22 =	rddreg [dreg:$0xe];
	[sflag:s25] =	ssyncadd.s32 $0xFFFFEC00  }
0x57: {  	[tilespmem:s6], [sflag:$0x1] =	stream.strided.gather [hbm4b:s22+s23], $0x1400, s24, s23, $0x38;
	[tilespmem:$0x14000] =	vst v63  }
0x58: {  	_ =	swait.ge [sflag:s25], $0x1400  }
0x59: {  	[sflag:s25] =	ssyncset.done $0x0  }
0x5a: {  	s26 =	simm.s32 $0x2820;
	[sflag:s25] =	ssyncadd.s32 $0xFFFFEC00  }
0x5b: {  	s28 =	simm.s32 $0x20;
	v2 =	vld [tilespmem:s26+$0x10]  }
0x5c: {  	s29 =	simm.s32 $0x3C20;
	v3 =	vld [tilespmem:s28+$0x10]  }
0x5d: {  	s30 =	simm.s32 $0x1420;
	v4 =	vld [tilespmem:s29+$0x10]  }
0x5e: {  	v5 =	vld [tilespmem:s30+$0x10]  }
0x5f: {  	v6 =	vld [tilespmem:s28+$0xFFFFFFE0]  }
0x60: {  	v7 =	vld [tilespmem:s29+$0xFFFFFFE0]  }
0x61: {  	v8 =	vld [tilespmem:s30+$0xFFFFFFE0]  }
0x62: {  	v9 =	vld [tilespmem:s26+$0xFFFFFFF0]  }
0x63: {  	v10 =	vld [tilespmem:s28+$0xFFFFFFF0]  }
0x64: {  	v11 =	vld [tilespmem:s26+$0x0]  }
0x65: {  	v12 =	vld [tilespmem:s29+$0x0]  }
0x66: {  	v14 =	vld [tilespmem:s30+$0x0]  }
0x67: {  	s7 =	simm.s32 $0x2860;
	v15 =	vld [tilespmem:s26+$0xFFFFFFE0]  }
0x68: {  	s0 =	simm.s32 $0x60;
	v16 =	vld [tilespmem:s7+$0x10]  }
0x69: {  	s2 =	simm.s32 $0x3C60;
	v17 =	vld [tilespmem:s0+$0x10]  }
0x6a: {  	s4 =	simm.s32 $0x1460;
	v18 =	vld [tilespmem:s2+$0x10]  }
0x6b: {  	v19 =	vld [tilespmem:s4+$0x10]  }
0x6c: {  	v20 =	vld [tilespmem:s2+$0xFFFFFFE0]  }
0x6d: {  	v21 =	vld [tilespmem:s4+$0xFFFFFFE0]  }
0x6e: {  	v57 =	vld [tilespmem:s0+$0xFFFFFFF0]  }
0x6f: {  	v60 =	vld [tilespmem:s7+$0x0]  }
0x70: {  	v2 =	vsub.f32 v2, v3;
	v3 =	vsub.f32 v4, v5;
	v4 =	vld [tilespmem:s29+$0xFFFFFFF0]  }
0x71: {  	vm6 =	vmmov vm12;
	v5 =	vld [tilespmem:s30+$0xFFFFFFF0]  }
0x72: {  	vm7 =	vmmov vm15;
	v61 =	vld [tilespmem:s0+$0x0];
	v7 =	vsub.f32 v7, v8;
	v16 =	vsub.f32 v16, v17  }
0x73: {  	v8 =	vld [tilespmem:s7+$0xFFFFFFF0];
	v56 =	vsub.f32 v18, v19;
	v2 =	vmax.f32 v2, $0.0e+00;
	v3 =	vmax.f32 v3, $0.0e+00  }
0x74: {  	vm10 =	vmmov vm2;
	v9 =	vsub.f32 v9, v10;
	v2 =	vmul.f32 v3, v2;
	v3 =	vld [tilespmem:s28+$0x0]  }
0x75: {  	s9 =	simm.s32 $0x5020;
	v6 =	vsub.f32 v15, v6;
	v10 =	vld [tilespmem:s4+$0xFFFFFFF0];
	v58 =	vmax.f32 v16, $0.0e+00;
	v59 =	vmax.f32 v56, $0.0e+00  }
0x76: {  	vm13 =	vmmov vm1;
	s31 =	simm.s32 $0x6420;
	v15 =	vmul.f32 v59, v58;
	[tilespmem:s9+$0x10] =	vst v2;
	v4 =	vsub.f32 v4, v5;
	v5 =	vld [tilespmem:s2+$0xFFFFFFF0]  }
0x77: {  	s5 =	simm.s32 $0x5060;
	v9 =	vmax.f32 v9, $0.0e+00;
	v7 =	vmax.f32 v7, $0.0e+00;
	v6 =	vmax.f32 v6, $0.0e+00;
	v13 =	vld [tilespmem:s31+$0x10]  }
0x78: {  	s8 =	simm.s32 $0x6460;
	v6 =	vmul.f32 v7, v6;
	v2 =	vld [tilespmem:s0+$0xFFFFFFE0];
	[tilespmem:s5+$0x10] =	vst v15;
	v7 =	vsub.f32 v8, v57;
	v4 =	vmax.f32 v4, $0.0e+00  }
0x79: {  	v62 =	vld [tilespmem:s8+$0x10];
	v3 =	vsub.f32 v11, v3;
	v11 =	vmul.f32 v4, v9;
	v9 =	vsub.f32 v12, v14  }
0x7a: {  	vm8 =	vmmov vm0;
	v8 =	vld [tilespmem:s4+$0x0];
	[tilespmem:s9+$0xFFFFFFE0] =	vst v6;
	v6 =	vsub.f32 v20, v21;
	v12 =	vsub.f32 v60, v61  }
0x7b: {  	v4 =	vld [tilespmem:s2+$0x0];
	v3 =	vmax.f32 v3, $0.0e+00;
	v9 =	vmax.f32 v9, $0.0e+00;
	v5 =	vsub.f32 v5, v10  }
0x7c: {  	vm0 =	vlt.f32 v13, $-Inf;
	vm1 =	vgt.f32 v13, $-Inf;
	v3 =	vmul.f32 v9, v3;
	v9 =	vld [tilespmem:s7+$0xFFFFFFE0]  }
0x7d: {  	[tilespmem:s9+$0xFFFFFFF0] =	vst v11;
	v10 =	vmax.f32 v7, $0.0e+00;
	v7 =	vld [tilespmem:s31+$0xFFFFFFE0];
	vm0 =	vmor vm1, vm0;
	v5 =	vmax.f32 v5, $0.0e+00  }
0x7e: {  	s10 =	simm.s32 $0x4;
	s7 =	simm.s32 $0x7820;
	vm1 =	vgt.f32 v62, $-Inf;
	[tilespmem:s9+$0x0] =	vst v3;
	v63 =	vsel vm0, $0x3F800000, v0;
	v11 =	vmul.f32 v5, v10;
	v5 =	vld [tilespmem:s31+$0xFFFFFFF0]  }
0x7f: {  	s11 =	simm.s32 $0x28A0;
	s6 =	simm.s32 $0x7820;
	v3 =	vmax.f32 v6, $0.0e+00;
	v10 =	vmax.f32 v12, $0.0e+00;
	vm0 =	vlt.f32 v62, $-Inf;
	s9 =	simm.s32 $0x6460;
	[tilespmem:s7+$0x10] =	vst v63;
	v6 =	vld [tilespmem:s31+$0x0]  }
.LBB2_3:
0x80: {  	v12 =	vld [tilespmem:s11+$0x10];
	[tilespmem:s5+$0xFFFFFFF0] =	vst v11;
	v4 =	vsub.f32 v4, v8;
	vm0 =	vmor vm1, vm0;
	s0 =	sadd.s32 $0x40, s0  }
0x81: {  	s2 =	sadd.s32 $0x40, s2;
	s7 =	sadd.s32 $0x40, s7;
	v8 =	vld [tilespmem:s0+$0x10];
	v2 =	vsub.f32 v9, v2;
	v9 =	vsel vm0, $0x3F800000, v0  }
0x82: {  	s4 =	sadd.s32 $0x40, s4;
	v11 =	vld [tilespmem:s2+$0x10];
	v4 =	vmax.f32 v4, $0.0e+00;
	[tilespmem:s7+$0x10] =	vst v9;
	vm0 =	vlt.f32 v7, $-Inf;
	vm1 =	vgt.f32 v7, $-Inf  }
0x83: {  	s10 =	sadd.s32 $0x4, s10;
	v7 =	vld [tilespmem:s4+$0x10];
	v9 =	vmax.f32 v2, $0.0e+00;
	v4 =	vmul.f32 v4, v10;
	vm2 =	vlt.f32 v5, $-Inf  }
0x84: {  	p0 =	slt.u32 s10, $0x138;
	vm3 =	vgt.f32 v5, $-Inf;
	v2 =	vld [tilespmem:s0+$0xFFFFFFE0];
	v3 =	vmul.f32 v3, v9;
	vm4 =	vlt.f32 v6, $-Inf  }
0x85: {  	vm0 =	vmor vm1, vm0;
	vm1 =	vmor vm3, vm2;
	vm2 =	vgt.f32 v6, $-Inf;
	v5 =	vld [tilespmem:s2+$0xFFFFFFE0];
	[tilespmem:s5+$0x0] =	vst v4  }
0x86: {  	v6 =	vsel vm1, $0x3F800000, v0;
	v4 =	vld [tilespmem:s4+$0xFFFFFFE0];
	[tilespmem:s5+$0xFFFFFFE0] =	vst v3;
	v3 =	vsel vm0, $0x3F800000, v0;
	vm0 =	vmor vm2, vm4  }
0x87: {  	v9 =	vld [tilespmem:s11+$0xFFFFFFF0];
	[tilespmem:s6+$0xFFFFFFE0] =	vst v3;
	v3 =	vsel vm0, $0x3F800000, v0  }
0x88: {  	v8 =	vsub.f32 v12, v8;
	v10 =	vld [tilespmem:s0+$0xFFFFFFF0];
	v7 =	vsub.f32 v11, v7;
	[tilespmem:s6+$0xFFFFFFF0] =	vst v6  }
0x89: {  	v6 =	vld [tilespmem:s2+$0xFFFFFFF0];
	[tilespmem:s6+$0x0] =	vst v3;
	s6 =	smov.u32 s7  }
0x8a: {  	v3 =	vmax.f32 v8, $0.0e+00;
	v11 =	vld [tilespmem:s4+$0xFFFFFFF0];
	v7 =	vmax.f32 v7, $0.0e+00  }
0x8b: {  	v4 =	vsub.f32 v5, v4;
	v5 =	vld [tilespmem:s11+$0x0];
	v7 =	vmul.f32 v7, v3  }
0x8c: {  	s5 =	sadd.s32 $0x40, s5;
	v12 =	vld [tilespmem:s0+$0x0]  }
0x8d: {  	s8 =	sadd.s32 $0x40, s8;
	v3 =	vmax.f32 v4, $0.0e+00;
	v8 =	vsub.f32 v9, v10;
	v4 =	vld [tilespmem:s2+$0x0];
	[tilespmem:s5+$0x10] =	vst v7  }
0x8e: {  	v13 =	vld [tilespmem:s8+$0x10]  }
.Ltmp1:
0x8f: {  	v10 =	vmax.f32 v8, $0.0e+00;
	v6 =	vsub.f32 v6, v11;
	v8 =	vld [tilespmem:s4+$0x0];
	(pc) =	sbr.rel @p0 .LBB2_3-.Ltmp1, $4  }
0x90: {  	v9 =	vld [tilespmem:s11+$0xFFFFFFE0]  }
0x91: {  	v6 =	vmax.f32 v6, $0.0e+00;
	v12 =	vsub.f32 v5, v12;
	v7 =	vld [tilespmem:s9+$0xFFFFFFE0]  }
0x92: {  	v11 =	vmul.f32 v6, v10;
	v5 =	vld [tilespmem:s9+$0xFFFFFFF0]  }
0x93: {  	s11 =	sadd.s32 $0x40, s11;
	v10 =	vmax.f32 v12, $0.0e+00;
	vm0 =	vlt.f32 v13, $-Inf;
	vm1 =	vgt.f32 v13, $-Inf;
	v6 =	vld [tilespmem:s9+$0x0];
	s9 =	smov.u32 s8  }
0x94: {  	_ = 	snop  }
0x95: {  	v2 =	vsub.f32 v9, v2;
	_ =	sdelay $0x1  }
0x96: {  	v4 =	vsub.f32 v4, v8;
	v2 =	vmax.f32 v2, $0.0e+00  }
0x97: {  	v2 =	vmul.f32 v3, v2  }
0x98: {  	v3 =	vmax.f32 v4, $0.0e+00  }
0x99: {  	v3 =	vmul.f32 v3, v10;
	[tilespmem:s5+$0xFFFFFFE0] =	vst v2  }
0x9a: {  	[tilespmem:s5+$0xFFFFFFF0] =	vst v11;
	vm0 =	vmor vm1, vm0;
	v2 =	vld [tilespmem:s9+$0xFFFFFFE0]  }
0x9b: {  	v59 =	vsel vm0, $0x3F800000, v0;
	[tilespmem:s5+$0x0] =	vst v3;
	v3 =	vld [tilespmem:s9+$0xFFFFFFF0]  }
0x9c: {  	vm0 =	vlt.f32 v7, $-Inf;
	vm1 =	vgt.f32 v7, $-Inf;
	vm2 =	vlt.f32 v5, $-Inf;
	v60 =	vld [tilespmem:s9+$0x0]  }
0x9d: {  	vm3 =	vgt.f32 v5, $-Inf;
	vm4 =	vlt.f32 v6, $-Inf;
	vm15 =	vgt.f32 v6, $-Inf  }
0x9e: {  	s2 =	sadd.s32 $0x40, s7;
	vm0 =	vmor vm1, vm0;
	vm1 =	vmor vm3, vm2;
	vm2 =	vmor vm15, vm4  }
0x9f: {  	[tilespmem:s2+$0x10] =	vst v59;
	v61 =	vsel vm0, $0x3F800000, v0;
	v62 =	vsel vm1, $0x3F800000, v0;
	v63 =	vsel vm2, $0x3F800000, v0  }
0xa0: {  	[tilespmem:s6+$0xFFFFFFE0] =	vst v61;
	vm0 =	vlt.f32 v2, $-Inf;
	vm1 =	vgt.f32 v2, $-Inf;
	vm2 =	vlt.f32 v3, $-Inf  }
0xa1: {  	[tilespmem:s6+$0xFFFFFFF0] =	vst v62;
	vm3 =	vgt.f32 v3, $-Inf;
	vm4 =	vlt.f32 v60, $-Inf;
	vm0 =	vmor vm1, vm0  }
0xa2: {  	[tilespmem:s6+$0x0] =	vst v63;
	vm1 =	vmor vm3, vm2;
	vm2 =	vgt.f32 v60, $-Inf;
	v2 =	vsel vm0, $0x3F800000, v0  }
0xa3: {  	v3 =	vsel vm1, $0x3F800000, v0;
	vm0 =	vmor vm2, vm4;
	[tilespmem:s2+$0xFFFFFFE0] =	vst v2  }
0xa4: {  	v2 =	vsel vm0, $0x3F800000, v0;
	[tilespmem:s2+$0xFFFFFFF0] =	vst v3  }
0xa5: {  	[tilespmem:s2+$0x0] =	vst v2  }
0xa6: {  	v2 =	vld [tilespmem:$0x1FF20];
	_ =	sdelay $0x4  }
0xa7: {  	vm2 =	vnez.u8 v2;
	v2 =	vld [tilespmem:$0x1FF40]  }
.Ltmp2:
0xa8: {  	_ = 	snop;
	(pc) =	sbr.rel .LBB2_5-.Ltmp2, $2  }
0xa9: {  	_ =	sdelay $0x2  }
0xaa: {  	s0 =	simm.s32 $0x0;
	vm14 =	vcmask $0x704;
	vm5 =	vnez.u8 v2  }
.LBB2_12:
0xab: {  	s0 =	sadd.s32 $0x1, s0  }
0xac: {  	p0 =	sne.s32 s0, $0x1388  }
.Ltmp3:
0xad: {  	_ = 	snop;
	(pc) =	sbr.rel @!p0 .LBB2_13-.Ltmp3, $1  }
0xae: {  	_ =	sdelay $0x3  }
.LBB2_5:
0xaf: {  	v7 =	vld [tilespmem:s0+$0x8C00];
	_ =	sdelay $0x4  }
0xb0: {  	(v2sf) =	vpush v7, $0x0;
	_ =	sdelay $0xe  }
0xb1: {  	s2 =	spop (v2sf)  }
0xb2: {  	v2 =	vld [tilespmem:s2+$0x7800];
	_ =	sdelay $0x4  }
0xb3: {  	(v2sf) =	vpush v2, $0x0;
	_ =	sdelay $0xe  }
0xb4: {  	s31 =	spop (v2sf)  }
0xb5: {  	p0 =	sgt.f32 s31, $0.0e+00  }
.Ltmp4:
0xb6: {  	_ = 	snop;
	(pc) =	sbr.rel @!p0 .LBB2_12-.Ltmp4, $1  }
0xb7: {  	_ =	sdelay $0x3  }
0xb8: {  	v2 =	vld [tilespmem:s0+$0xC800]  }
0xb9: {  	v3 =	vld [tilespmem:s0+$0xDC00]  }
0xba: {  	v4 =	vld [tilespmem:s0+$0xF000]  }
0xbb: {  	v5 =	vld [tilespmem:s0+$0x10400]  }
0xbc: {  	v6 =	vld [tilespmem:s0+$0xA000]  }
0xbd: {  	v8 =	vld [tilespmem:s0+$0xB400];
	(v2sf) =	vpush v2, $0x0  }
0xbe: {  	(v2sf) =	vpush v3, $0x0  }
0xbf: {  	(v2sf) =	vpush v4, $0x0  }
0xc0: {  	(v2sf) =	vpush v5, $0x0  }
0xc1: {  	(v2sf) =	vpush v6, $0x0  }
0xc2: {  	(v2sf) =	vpush v8, $0x0;
	_ =	sdelay $0x9  }
0xc3: {  	s2 =	spop (v2sf)  }
0xc4: {  	s5 =	spop (v2sf)  }
0xc5: {  	s4 =	spop (v2sf)  }
0xc6: {  	s6 =	spop (v2sf)  }
0xc7: {  	s7 =	spop (v2sf)  }
0xc8: {  	s11 =	simm.s32 $0x1;
	s8 =	sshra.s32 s7, $0x1F;
	s9 =	spop (v2sf)  }
0xc9: {  	s10 =	sand.u32 $0xF, s7;
	p0 =	slt.s32 s7, $0x1;
	s8 =	sshrl.u32 s8, $0x1C  }
0xca: {  	s9 =	sadd.s32 $0xF, s9;
	p1 =	sne.s32 s10, $0x0;
	s10 =	simm.s32 $0x1  }
0xcb: {  	s8 =	sadd.s32 s8, s7;
	s26 =	sand.u32 $0xF, s9;
	p0 =	por !p0, !p1  }
0xcc: {  	p6 =	slt.s32 s9, $0x1;
	s29 =	sshra.s32 s9, $0x1F;
	p2 =	sne.s32 s26, $0x0  }
0xcd: {  	s28 =	sshra.s32 s8, $0x4;
	s8 =	sshrl.u32 s29, $0x1C;
	p1 =	por !p6, !p2  }
0xce: {  	p0 =	por !p0, !p0;
	s8 =	sadd.s32 s8, s9;
	p1 =	por !p1, !p1  }
0xcf: {  	s10 =	simm.s32 @!p0 $0x0;
	s8 =	sshra.s32 s8, $0x4;
	s11 =	simm.s32 @!p1 $0x0  }
0xd0: {  	s12 =	ssub.f32 s4, s2;
	s9 =	ssub.s32 s28, s10;
	s4 =	ssub.s32 s8, s11  }
0xd1: {  	s5 =	ssub.f32 s6, s5;
	s2 =	ssub.s32 s4, s9  }
0xd2: {  	s30 =	sshrl.u32 s2, $0x1E  }
0xd3: {  	s31 =	smax.f32 s12, $0.0e+00;
	s5 =	smax.f32 s5, $0.0e+00;
	s6 =	sadd.s32 s30, s2  }
0xd4: {  	s7 =	smul.f32 s5, s31;
	s5 =	sand.u32 $0xFFFFFFFC, s6  }
0xd5: {  	p0 =	slt.s32 s5, $0x1  }
.Ltmp5:
0xd6: {  	_ = 	snop;
	(pc) =	sbr.rel @p0 .LBB2_9-.Ltmp5, $4  }
0xd7: {  	_ = 	snop  }
0xd8: {  	v7 =	vbroadcast v7, $0x0  }
0xd9: {  	v2 =	vbroadcast v2, $0x0;
	v3 =	vbroadcast v3, $0x0  }
0xda: {  	v4 =	vbroadcast v4, $0x0;
	v5 =	vbroadcast v5, $0x0;
	v6 =	vmov s7;
	s6 =	sadd.s32 s9, s5  }
0xdb: {  	s12 =	sshll.u32 s9, $0x6  }
0xdc: {  	s15 =	sshra.s32 s12, $0x2  }
0xdd: {  	v8 =	vmov s15;
	_ =	sdelay $0x3  }
0xde: {  	s31 =	simm.s32 $0x20  }
0xdf: {  	s14 =	simm.s32 $0x1420;
	v9 =	vld.idx.msk [tilespmem:v8+s31+$0x10 ss:$0x1], $0xffff  }
0xe0: {  	s13 =	simm.s32 $0x2820;
	v10 =	vld.idx.msk [tilespmem:v8+s14+$0x10 ss:$0x1], $0xffff  }
0xe1: {  	s11 =	simm.s32 $0x3C20;
	v11 =	vld.idx.msk [tilespmem:v8+s13+$0x10 ss:$0x1], $0xffff  }
0xe2: {  	v12 =	vld.idx.msk [tilespmem:v8+s11+$0x10 ss:$0x1], $0xffff  }
0xe3: {  	v13 =	vld.idx.msk [tilespmem:v8+s14+$0xFFFFFFE0 ss:$0x1], $0xffff  }
0xe4: {  	v14 =	vld.idx.msk [tilespmem:v8+s13+$0xFFFFFFE0 ss:$0x1], $0xffff  }
0xe5: {  	s10 =	simm.s32 $0x5030;
	v15 =	vld.idx.msk [tilespmem:v8+s11+$0xFFFFFFE0 ss:$0x1], $0xffff  }
0xe6: {  	v16 =	vld.idx.msk [tilespmem:v8+s10+$0x0 ss:$0x1], $0xffff  }
0xe7: {  	v17 =	vld.idx.msk [tilespmem:v8+s31+$0xFFFFFFF0 ss:$0x1], $0xffff  }
0xe8: {  	v18 =	vld.idx.msk [tilespmem:v8+s14+$0xFFFFFFF0 ss:$0x1], $0xffff;
	v9 =	vmax.f32 v9, v2  }
0xe9: {  	v20 =	vld.idx.msk [tilespmem:v8+s11+$0xFFFFFFF0 ss:$0x1], $0xffff;
	v10 =	vmax.f32 v10, v3;
	v11 =	vmin.f32 v11, v4;
	v12 =	vmin.f32 v12, v5  }
0xea: {  	v19 =	vld.idx.msk [tilespmem:v8+s13+$0xFFFFFFF0 ss:$0x1], $0xffff;
	v9 =	vsub.f32 v11, v9;
	v10 =	vsub.f32 v12, v10  }
0xeb: {  	v11 =	vmax.f32 v13, v3;
	v13 =	vld.idx.msk [tilespmem:v8+s31+$0x0 ss:$0x1], $0xffff  }
0xec: {  	v12 =	vmin.f32 v15, v5;
	v15 =	vld.idx.msk [tilespmem:v8+s14+$0x0 ss:$0x1], $0xffff;
	v9 =	vmax.f32 v9, $0.0e+00;
	v10 =	vmax.f32 v10, $0.0e+00  }
0xed: {  	v12 =	vsub.f32 v12, v11;
	v11 =	vmul.f32 v10, v9;
	v9 =	vadd.f32 v16, v6;
	v10 =	vld.idx.msk [tilespmem:v8+s13+$0x0 ss:$0x1], $0xffff  }
0xee: {  	v18 =	vmax.f32 v18, v3;
	v20 =	vmin.f32 v20, v5;
	v16 =	vmax.f32 v17, v2;
	v17 =	vld.idx.msk [tilespmem:v8+s11+$0x0 ss:$0x1], $0xffff  }
0xef: {  	v21 =	vld.idx.msk [tilespmem:v8+s31+$0xFFFFFFE0 ss:$0x1], $0xffff;
	v19 =	vmin.f32 v19, v4;
	v18 =	vsub.f32 v20, v18;
	v9 =	vsub.f32 v9, v11  }
0xf0: {  	v22 =	vld.idx.msk [tilespmem:v8+s10+$0xFFFFFFD0 ss:$0x1], $0xffff;
	v14 =	vmin.f32 v14, v4;
	v16 =	vsub.f32 v19, v16  }
0xf1: {  	v18 =	vmax.f32 v18, $0.0e+00;
	v12 =	vmax.f32 v12, $0.0e+00;
	s13 =	sadd.s32 $0x4, s9;
	v19 =	vld.idx.msk [tilespmem:v8+s10+$0xFFFFFFE0 ss:$0x1], $0xffff;
	v9 =	vmax.f32 v9, $9.999999710e-10  }
0xf2: {  	p1 =	slt.s32 s13, s6;
	v13 =	vmax.f32 v13, v2;
	(erf) = vrcp.f32 v9;
	v9 =	vmax.f32 v16, $0.0e+00;
	v16 =	vld.idx.msk [tilespmem:v8+s10+$0xFFFFFFF0 ss:$0x1], $0xffff  }
.Ltmp6:
0xf3: {  	v15 =	vmax.f32 v15, v3;
	v10 =	vmin.f32 v10, v4;
	v17 =	vmin.f32 v17, v5;
	(pc) =	sbr.rel @!p1 .LBB2_8-.Ltmp6, $4  }
0xf4: {  	v10 =	vsub.f32 v10, v13;
	v13 =	vmax.f32 v21, v2;
	v15 =	vsub.f32 v17, v15  }
0xf5: {  	v9 =	vmul.f32 v18, v9;
	v17 =	vadd.f32 v22, v6;
	v13 =	vsub.f32 v14, v13  }
0xf6: {  	s7 =	simm.s32 $0x7830;
	v18 =	vadd.f32 v19, v6;
	v10 =	vmax.f32 v10, $0.0e+00;
	v14 =	vmax.f32 v15, $0.0e+00  }
0xf7: {  	s8 =	sshll.u32 s9, $0x4;
	p0 =	por $0x0, $0x0;
	s14 =	simm.s32 $0x60;
	v15 =	vld.idx.msk [tilespmem:v8+s7+$0x0 ss:$0x1], $0xffff;
	v20 =	vmax.f32 v13, $0.0e+00;
	v10 =	vmul.f32 v14, v10;
	v19 =	vadd.f32 v16, v6  }
0xf8: {  	_ =	sdelay $0x3  }
0xf9: {  	v13 =	vmul.f32 v12, v20;
	v12 =	vld.idx.msk [tilespmem:v8+s14+$0x10 ss:$0x1], $0xffff  }
0xfa: {  	v14 =	vsub.f32 v18, v9;
	s9 =	simm.s32 $0x1460;
	v24 =	vld.idx.msk [tilespmem:v8+s14+$0xFFFFFFF0 ss:$0x1], $0xffff  }
0xfb: {  	s10 =	simm.s32 $0x2860;
	v16 =	vld.idx.msk [tilespmem:v8+s9+$0x10 ss:$0x1], $0xffff;
	v17 =	vsub.f32 v17, v13  }
0xfc: {  	s11 =	simm.s32 $0x3C60;
	v23 =	vor.u32 s8, v1;
	v18 =	vsub.f32 v19, v10;
	v20 =	vld.idx.msk [tilespmem:v8+s10+$0x10 ss:$0x1], $0xffff;
	v14 =	vmax.f32 v14, $9.999999710e-10;
	v19 =	vpop (erf)  }
0xfd: {  	s12 =	sadd.s32 $0x30, s8;
	(erf) = vrcp.f32 v14;
	v11 =	vmul.f32 v19, v11;
	v19 =	vld.idx.msk [tilespmem:v8+s11+$0x10 ss:$0x1], $0xffff;
	v14 =	vmax.f32 v17, $9.999999710e-10  }
0xfe: {  	s15 =	sadd.s32 $0x20, s8;
	v21 =	vld.idx.msk [tilespmem:v8+s9+$0xFFFFFFE0 ss:$0x1], $0xffff;
	v17 =	vmax.f32 v18, $9.999999710e-10;
	v18 =	vor.u32 s12, v1;
	(erf) = vrcp.f32 v14  }
0xff: {  	s31 =	sadd.s32 $0x10, s8;
	vm1 =	vne.s32 v18, v7;
	v14 =	vld.idx.msk [tilespmem:v8+s10+$0xFFFFFFE0 ss:$0x1], $0xffff;
	v18 =	vor.u32 s15, v1;
	v12 =	vmax.f32 v12, v2  }
0x100: {  	s12 =	simm.s32 $0x5070;
	vm0 =	vgt.f32 v11, $3.000000120e-01;
	(erf) = vrcp.f32 v17;
	v11 =	vor.u32 s31, v1;
	v17 =	vld.idx.msk [tilespmem:v8+s11+$0xFFFFFFE0 ss:$0x1], $0xffff  }
0x101: {  	v22 =	vld.idx.msk [tilespmem:v8+s12+$0x0 ss:$0x1], $0xffff;
	v16 =	vmax.f32 v16, v3;
	v20 =	vmin.f32 v20, v4;
	vm0 =	vmand vm1, vm0  }
0x102: {  	vm1 =	vne.s32 v18, v7;
	v18 =	vld.idx.msk [tilespmem:v8+s10+$0xFFFFFFF0 ss:$0x1], $0xffff;
	v15 =	vsel vm0, $0x0, v15;
	v19 =	vmin.f32 v19, v5  }
0x103: {  	vm0 =	vne.s32 v11, v7;
	v11 =	vsub.f32 v20, v12;
	v12 =	vsub.f32 v19, v16  }
0x104: {  	v25 =	vld.idx.msk [tilespmem:v8+s9+$0xFFFFFFF0 ss:$0x1], $0xffff;
	vm15 =	vne.s32 v23, v7;
	v16 =	vmax.f32 v21, v3  }
0x105: {  	v19 =	vld.idx.msk [tilespmem:v8+s11+$0xFFFFFFF0 ss:$0x1], $0xffff;
	v11 =	vmax.f32 v11, $0.0e+00;
	v17 =	vmin.f32 v17, v5;
	v12 =	vmax.f32 v12, $0.0e+00  }
0x106: {  	v20 =	vld.idx.msk [tilespmem:v8+s14+$0x0 ss:$0x1], $0xffff;
	v16 =	vsub.f32 v17, v16;
	v17 =	vadd.f32 v22, v6;
	v11 =	vmul.f32 v12, v11  }
0x107: {  	v23 =	vmax.f32 v24, v2;
	v21 =	vpop (erf);
	v22 =	vmin.f32 v14, v4;
	v14 =	vld.idx.msk [tilespmem:v8+s9+$0x0 ss:$0x1], $0xffff;
	v18 =	vmin.f32 v18, v4  }
0x108: {  	v61 =	vld.idx.msk [tilespmem:v8+s10+$0x0 ss:$0x1], $0xffff;
	v9 =	vmul.f32 v21, v9;
	v18 =	vsub.f32 v18, v23;
	v21 =	vpop (erf);
	v17 =	vsub.f32 v17, v11  }
0x109: {  	v26 =	vld.idx.msk [tilespmem:v8+s11+$0x0 ss:$0x1], $0xffff;
	v12 =	vmax.f32 v16, $0.0e+00;
	v16 =	vmax.f32 v25, v3;
	v13 =	vmul.f32 v21, v13  }
0x10a: {  	v62 =	vpop (erf);
	v21 =	vld.idx.msk [tilespmem:v8+s14+$0xFFFFFFE0 ss:$0x1], $0xffff;
	v19 =	vmin.f32 v19, v5;
	vm2 =	vgt.f32 v9, $3.000000120e-01;
	v17 =	vmax.f32 v17, $9.999999710e-10  }
0x10b: {  	v23 =	vld.idx.msk [tilespmem:v8+s12+$0xFFFFFFD0 ss:$0x1], $0xffff;
	v10 =	vmul.f32 v62, v10;
	v16 =	vsub.f32 v19, v16;
	(erf) = vrcp.f32 v17  }
0x10c: {  	s14 =	sadd.s32 $0x4, s13;
	v19 =	vmax.f32 v20, v2;
	v20 =	vld.idx.msk [tilespmem:v8+s12+$0xFFFFFFE0 ss:$0x1], $0xffff;
	v14 =	vmax.f32 v14, v3;
	vm4 =	vgt.f32 v13, $3.000000120e-01  }
0x10d: {  	v63 =	vld.idx.msk [tilespmem:v8+s12+$0xFFFFFFF0 ss:$0x1], $0xffff;
	p1 =	slt.s32 s14, s6;
	v17 =	vmax.f32 v18, $0.0e+00;
	v13 =	vmax.f32 v16, $0.0e+00;
	v16 =	vmin.f32 v61, v4  }
.Ltmp7:
0x10e: {  	vm3 =	vgt.f32 v10, $3.000000120e-01;
	v9 =	vmul.f32 v13, v17;
	v13 =	vmin.f32 v26, v5;
	(pc) =	sbr.rel @!p1 .LBB2_18-.Ltmp7, $4  }
0x10f: {  	v18 =	vsub.f32 v16, v19;
	v16 =	vld.idx.msk [tilespmem:v8+s7+$0xFFFFFFD0 ss:$0x1], $0xffff;
	v17 =	vmax.f32 v21, v2;
	v19 =	vsub.f32 v13, v14  }
0x110: {  	vm15 =	vmand vm15, vm4;
	v14 =	vld.idx.msk [tilespmem:v8+s7+$0xFFFFFFE0 ss:$0x1], $0xffff;
	v10 =	vsub.f32 v22, v17;
	v17 =	vadd.f32 v23, v6  }
0x111: {  	s15 =	simm.s32 $0x7870;
	[tilespmem:v8+s7+$0x0 ss:$0x1] =	vst.idx.msk $0xffff, v15;
	v13 =	vld.idx.msk [tilespmem:v8+s7+$0xFFFFFFF0 ss:$0x1], $0xffff;
	v21 =	vmax.f32 v18, $0.0e+00;
	v18 =	vadd.f32 v20, v6;
	v15 =	vmax.f32 v19, $0.0e+00  }
0x112: {  	s16 =	simm.s32 $0xA0;
	p0 =	por $0x1, $0x1;
	s13 =	smov.u32 s8;
	v19 =	vadd.f32 v63, v6;
	v20 =	vmax.f32 v10, $0.0e+00;
	v10 =	vmul.f32 v15, v21;
	v15 =	vld.idx.msk [tilespmem:v8+s15+$0x0 ss:$0x1], $0xffff  }
.LBB2_19:
0x113: {  	v21 =	vld.idx.msk [tilespmem:v8+s16+$0x10 ss:$0x1], $0xffff;
	v20 =	vmul.f32 v12, v20;
	v12 =	vsub.f32 v18, v9;
	s9 =	sadd.s32 $0x40, s9;
	vm4 =	vmand vm0, vm2  }
0x114: {  	s10 =	sadd.s32 $0x40, s10;
	v16 =	vsel vm15, $0x0, v16;
	vm2 =	vmand vm1, vm3;
	s13 =	sadd.s32 $0x40, s13;
	v18 =	vld.idx.msk [tilespmem:v8+s9+$0x10 ss:$0x1], $0xffff;
	v19 =	vsub.f32 v19, v10;
	v22 =	vpop (erf)  }
0x115: {  	s11 =	sadd.s32 $0x40, s11;
	s17 =	sadd.s32 $0x10, s13;
	s18 =	sadd.s32 $0x30, s13;
	v23 =	vld.idx.msk [tilespmem:v8+s10+$0x10 ss:$0x1], $0xffff;
	v17 =	vsub.f32 v17, v20;
	v12 =	vmax.f32 v12, $9.999999710e-10;
	v11 =	vmul.f32 v22, v11  }
0x116: {  	s14 =	sadd.s32 $0x4, s14;
	s19 =	sadd.s32 $0x20, s13;
	v24 =	vor.u32 s18, v1;
	v22 =	vld.idx.msk [tilespmem:v8+s11+$0x10 ss:$0x1], $0xffff;
	v19 =	vmax.f32 v19, $9.999999710e-10;
	(erf) = vrcp.f32 v12;
	[tilespmem:v8+s7+$0xFFFFFFD0 ss:$0x1] =	vst.idx.msk $0xffff, v16  }
0x117: {  	p1 =	slt.s32 s14, s6;
	vm1 =	vne.s32 v24, v7;
	v12 =	vld.idx.msk [tilespmem:v8+s9+$0xFFFFFFE0 ss:$0x1], $0xffff;
	v16 =	vmax.f32 v17, $9.999999710e-10;
	vm0 =	vgt.f32 v11, $3.000000120e-01  }
0x118: {  	v17 =	vor.u32 s17, v1;
	v11 =	vld.idx.msk [tilespmem:v8+s10+$0xFFFFFFE0 ss:$0x1], $0xffff;
	vm0 =	vmand vm1, vm0;
	(erf) = vrcp.f32 v16  }
0x119: {  	s12 =	sadd.s32 $0x40, s12;
	v24 =	vor.u32 s19, v1;
	v16 =	vld.idx.msk [tilespmem:v8+s11+$0xFFFFFFE0 ss:$0x1], $0xffff;
	v15 =	vsel vm0, $0x0, v15;
	(erf) = vrcp.f32 v19  }
0x11a: {  	v25 =	vor.u32 s13, v1;
	v14 =	vsel vm4, $0x0, v14;
	vm0 =	vne.s32 v17, v7;
	v19 =	vld.idx.msk [tilespmem:v8+s12+$0x0 ss:$0x1], $0xffff;
	[tilespmem:v8+s15+$0x0 ss:$0x1] =	vst.idx.msk $0xffff, v15  }
0x11b: {  	vm15 =	vne.s32 v25, v7;
	vm1 =	vne.s32 v24, v7;
	v17 =	vmax.f32 v21, v2;
	v15 =	vld.idx.msk [tilespmem:v8+s16+$0xFFFFFFF0 ss:$0x1], $0xffff  }
0x11c: {  	v18 =	vmax.f32 v18, v3;
	v23 =	vmin.f32 v23, v4;
	v22 =	vmin.f32 v22, v5;
	v21 =	vld.idx.msk [tilespmem:v8+s9+$0xFFFFFFF0 ss:$0x1], $0xffff  }
0x11d: {  	v17 =	vsub.f32 v23, v17;
	v12 =	vmax.f32 v12, v3;
	v25 =	vsub.f32 v22, v18;
	v24 =	vld.idx.msk [tilespmem:v8+s10+$0xFFFFFFF0 ss:$0x1], $0xffff  }
0x11e: {  	v22 =	vmin.f32 v11, v4;
	v11 =	vsel vm2, $0x0, v13;
	v23 =	vld.idx.msk [tilespmem:v8+s11+$0xFFFFFFF0 ss:$0x1], $0xffff;
	[tilespmem:v8+s7+$0xFFFFFFE0 ss:$0x1] =	vst.idx.msk $0xffff, v14  }
0x11f: {  	v13 =	vmin.f32 v16, v5;
	v16 =	vmax.f32 v17, $0.0e+00;
	v17 =	vmax.f32 v25, $0.0e+00;
	v14 =	vld.idx.msk [tilespmem:v8+s16+$0x0 ss:$0x1], $0xffff;
	v18 =	vpop (erf);
	[tilespmem:v8+s7+$0xFFFFFFF0 ss:$0x1] =	vst.idx.msk $0xffff, v11;
	s7 =	smov.u32 s15  }
0x120: {  	v12 =	vsub.f32 v13, v12;
	v11 =	vmul.f32 v17, v16;
	v16 =	vadd.f32 v19, v6;
	v13 =	vld.idx.msk [tilespmem:v8+s9+$0x0 ss:$0x1], $0xffff  }
0x121: {  	v15 =	vmax.f32 v15, v2;
	v9 =	vmul.f32 v18, v9;
	v17 =	vld.idx.msk [tilespmem:v8+s10+$0x0 ss:$0x1], $0xffff;
	v18 =	vpop (erf)  }
0x122: {  	v12 =	vmax.f32 v12, $0.0e+00;
	v19 =	vmax.f32 v21, v3;
	v16 =	vsub.f32 v16, v11;
	v21 =	vld.idx.msk [tilespmem:v8+s11+$0x0 ss:$0x1], $0xffff;
	v25 =	vpop (erf)  }
0x123: {  	v24 =	vmin.f32 v24, v4;
	v18 =	vmul.f32 v18, v20;
	v26 =	vld.idx.msk [tilespmem:v8+s16+$0xFFFFFFE0 ss:$0x1], $0xffff;
	v10 =	vmul.f32 v25, v10  }
0x124: {  	v23 =	vmin.f32 v23, v5;
	v15 =	vsub.f32 v24, v15;
	v16 =	vmax.f32 v16, $9.999999710e-10;
	v20 =	vld.idx.msk [tilespmem:v8+s12+$0xFFFFFFD0 ss:$0x1], $0xffff  }
0x125: {  	v19 =	vsub.f32 v23, v19;
	v14 =	vmax.f32 v14, v2;
	v23 =	vld.idx.msk [tilespmem:v8+s12+$0xFFFFFFE0 ss:$0x1], $0xffff;
	(erf) = vrcp.f32 v16  }
0x126: {  	vm4 =	vgt.f32 v18, $3.000000120e-01;
	v15 =	vmax.f32 v15, $0.0e+00;
	v13 =	vmax.f32 v13, v3;
	v24 =	vld.idx.msk [tilespmem:v8+s12+$0xFFFFFFF0 ss:$0x1], $0xffff  }
0x127: {  	vm2 =	vgt.f32 v9, $3.000000120e-01;
	v18 =	vmax.f32 v19, $0.0e+00;
	v17 =	vmin.f32 v17, v4;
	v16 =	vld.idx.msk [tilespmem:v8+s15+$0xFFFFFFD0 ss:$0x1], $0xffff  }
.Ltmp8:
0x128: {  	v9 =	vmul.f32 v18, v15;
	v15 =	vmin.f32 v21, v5;
	v18 =	vsub.f32 v17, v14;
	v14 =	vld.idx.msk [tilespmem:v8+s15+$0xFFFFFFE0 ss:$0x1], $0xffff;
	(pc) =	sbr.rel @p1 .LBB2_19-.Ltmp8, $4  }
0x129: {  	vm3 =	vgt.f32 v10, $3.000000120e-01;
	v17 =	vmax.f32 v26, v2;
	v15 =	vsub.f32 v15, v13;
	v13 =	vld.idx.msk [tilespmem:v8+s15+$0xFFFFFFF0 ss:$0x1], $0xffff  }
0x12a: {  	v10 =	vsub.f32 v22, v17;
	v17 =	vadd.f32 v20, v6;
	v19 =	vmax.f32 v18, $0.0e+00  }
0x12b: {  	vm15 =	vmand vm15, vm4;
	s15 =	sadd.s32 $0x40, s15;
	v18 =	vadd.f32 v23, v6;
	v15 =	vmax.f32 v15, $0.0e+00  }
0x12c: {  	s16 =	sadd.s32 $0x40, s16;
	v20 =	vmax.f32 v10, $0.0e+00;
	v10 =	vmul.f32 v15, v19;
	v19 =	vadd.f32 v24, v6;
	v15 =	vld.idx.msk [tilespmem:v8+s15+$0x0 ss:$0x1], $0xffff  }
0x12d: {  	s9 =	smov.u32 s7;
	s7 =	smov.u32 s15  }
.LBB2_21:
0x12e: {  	v12 =	vmul.f32 v12, v20  }
0x12f: {  	v18 =	vsub.f32 v18, v9  }
0x130: {  	v17 =	vsub.f32 v17, v12  }
0x131: {  	v19 =	vsub.f32 v19, v10;
	v18 =	vmax.f32 v18, $9.999999710e-10  }
0x132: {  	(erf) = vrcp.f32 v18;
	v17 =	vmax.f32 v17, $9.999999710e-10  }
0x133: {  	v46 =	vmax.f32 v19, $9.999999710e-10;
	(erf) = vrcp.f32 v17  }
0x134: {  	(erf) = vrcp.f32 v46;
	_ =	sdelay $0x2  }
0x135: {  	s10 =	sadd.s32 @p0 $0x40, s13;
	v47 =	vpop (erf)  }
0x136: {  	vm0 =	vmand @p0 vm0, vm2;
	s8 =	smov.u32 @p0 s10;
	v11 =	vmul.f32 v47, v11  }
0x137: {  	vm1 =	vmand @p0 vm1, vm3;
	v14 =	vsel @p0 vm0, $0x0, v14;
	s10 =	sadd.s32 $0x30, s8;
	v54 =	vor.u32 s8, v1  }
0x138: {  	s31 =	sadd.s32 $0x10, s8;
	s11 =	sadd.s32 $0x20, s8;
	v48 =	vor.u32 s10, v1;
	vm2 =	vgt.f32 v11, $3.000000120e-01;
	v11 =	vsel @p0 vm15, $0x0, v16  }
0x139: {  	v56 =	vld.idx.msk [tilespmem:v8+s7+$0xFFFFFFE0 ss:$0x1], $0xffff;
	v50 =	vor.u32 s31, v1;
	v51 =	vor.u32 s11, v1;
	vm4 =	vne.s32 v48, v7;
	v49 =	vpop (erf)  }
0x13a: {  	v53 =	vld.idx.msk [tilespmem:v8+s7+$0xFFFFFFD0 ss:$0x1], $0xffff;
	vm0 =	vne.s32 v54, v7;
	vm2 =	vmand vm4, vm2;
	v57 =	vmul.f32 v49, v9;
	v52 =	vpop (erf)  }
0x13b: {  	v59 =	vld.idx.msk [tilespmem:v8+s7+$0xFFFFFFF0 ss:$0x1], $0xffff;
	[tilespmem:v8+s9+$0xFFFFFFD0 ss:$0x1] =	vst.idx.msk @p0 $0xffff, v11;
	v11 =	vsel @p0 vm1, $0x0, v13;
	v15 =	vsel vm2, $0x0, v15;
	v55 =	vmul.f32 v52, v12;
	v58 =	vpop (erf)  }
0x13c: {  	[tilespmem:v8+s9+$0xFFFFFFE0 ss:$0x1] =	vst.idx.msk @p0 $0xffff, v14;
	vm2 =	vne.s32 v50, v7;
	vm1 =	vgt.f32 v57, $3.000000120e-01;
	v60 =	vmul.f32 v58, v10  }
0x13d: {  	vm3 =	vne.s32 v51, v7;
	[tilespmem:v8+s9+$0xFFFFFFF0 ss:$0x1] =	vst.idx.msk @p0 $0xffff, v11;
	vm1 =	vmand vm2, vm1;
	vm4 =	vgt.f32 v55, $3.000000120e-01  }
0x13e: {  	[tilespmem:v8+s7+$0x0 ss:$0x1] =	vst.idx.msk $0xffff, v15;
	v62 =	vsel vm1, $0x0, v56;
	vm0 =	vmand vm0, vm4;
	vm4 =	vgt.f32 v60, $3.000000120e-01  }
0x13f: {  	[tilespmem:v8+s7+$0xFFFFFFE0 ss:$0x1] =	vst.idx.msk $0xffff, v62;
	v61 =	vsel vm0, $0x0, v53;
	vm0 =	vmand vm3, vm4  }
0x140: {  	[tilespmem:v8+s7+$0xFFFFFFD0 ss:$0x1] =	vst.idx.msk $0xffff, v61;
	v63 =	vsel vm0, $0x0, v59  }
0x141: {  	[tilespmem:v8+s7+$0xFFFFFFF0 ss:$0x1] =	vst.idx.msk $0xffff, v63  }
0x142: {  	v8 =	vld [tilespmem:$0x1FF20];
	_ =	sdelay $0x4  }
0x143: {  	vm14 =	vcmask $0x704;
	vm2 =	vnez.u8 v8  }
.LBB2_9:
0x144: {  	p0 =	sge.s32 s6, s4  }
.Ltmp9:
0x145: {  	_ = 	snop;
	(pc) =	sbr.rel @p0 .LBB2_12-.Ltmp9, $1  }
0x146: {  	_ =	sdelay $0x3  }
0x147: {  	s8 =	sshll.u32 s6, $0x6  }
0x148: {  	s11 =	sshra.s32 s8, $0x2  }
0x149: {  	v8 =	vmov s11;
	_ =	sdelay $0x1  }
0x14a: {  	s2 =	ssub.s32 s2, s5;
	s4 =	sshll.u32 s6, $0x4  }
0x14b: {  	s5 =	simm.s32 $0x0;
	s6 =	simm.s32 $0x1400;
	s7 =	simm.s32 $0x2800  }
0x14c: {  	s9 =	simm.s32 $0x5000;
	s10 =	simm.s32 $0x7800;
	s8 =	simm.s32 $0x3C00  }
.LBB2_11:
0x14d: {  	v9 =	vld.idx.msk [tilespmem:v8+s5+$0x0 ss:$0x1], $0xffff  }
0x14e: {  	v10 =	vld.idx.msk [tilespmem:v8+s6+$0x0 ss:$0x1], $0xffff  }
0x14f: {  	v11 =	vld.idx.msk [tilespmem:v8+s7+$0x0 ss:$0x1], $0xffff  }
0x150: {  	v12 =	vld.idx.msk [tilespmem:v8+s8+$0x0 ss:$0x1], $0xffff;
	_ =	sdelay $0x3  }
0x151: {  	v13 =	vld.idx.msk [tilespmem:v8+s9+$0x0 ss:$0x1], $0xffff;
	v9 =	vmax.f32 v9, v2  }
0x152: {  	v10 =	vmax.f32 v10, v3;
	v11 =	vmin.f32 v11, v4;
	v12 =	vmin.f32 v12, v5  }
0x153: {  	v9 =	vsub.f32 v11, v9;
	v10 =	vsub.f32 v12, v10;
	_ =	sdelay $0x1  }
0x154: {  	v9 =	vmax.f32 v9, $0.0e+00;
	v10 =	vmax.f32 v10, $0.0e+00  }
0x155: {  	v9 =	vmul.f32 v10, v9;
	v10 =	vadd.f32 v13, v6;
	_ =	sdelay $0x1  }
0x156: {  	v10 =	vsub.f32 v10, v9;
	_ =	sdelay $0x1  }
0x157: {  	v10 =	vmax.f32 v10, $9.999999710e-10  }
0x158: {  	(erf) = vrcp.f32 v10;
	_ =	sdelay $0x8  }
0x159: {  	v11 =	vld.idx.msk [tilespmem:v8+s10+$0x0 ss:$0x1], $0xffff;
	v10 =	vpop (erf)  }
0x15a: {  	p0 =	sne.s32 s2, $0x1;
	v9 =	vmul.f32 v10, v9  }
.Ltmp10:
0x15b: {  	v10 =	vor.u32 s4, v1;
	(pc) =	sbr.rel @p0 .LBB2_11-.Ltmp10, $4  }
0x15c: {  	vm1 =	vne.s32 v10, v7;
	vm0 =	vgt.f32 v9, $3.000000120e-01  }
0x15d: {  	s5 =	sadd.s32 $0x10, s5;
	s6 =	sadd.s32 $0x10, s6;
	vm0 =	vmand vm1, vm0  }
0x15e: {  	s7 =	sadd.s32 $0x10, s7;
	s8 =	sadd.s32 $0x10, s8;
	s9 =	sadd.s32 $0x10, s9;
	v9 =	vsel vm0, $0x0, v11  }
0x15f: {  	s2 =	sadd.s32 $0xFFFFFFFF, s2;
	s4 =	sadd.s32 $0x10, s4;
	[tilespmem:v8+s10+$0x0 ss:$0x1] =	vst.idx.msk $0xffff, v9;
	s10 =	sadd.s32 $0x10, s10  }
.Ltmp11:
0x160: {  	_ = 	snop;
	(pc) =	sbr.rel .LBB2_12-.Ltmp11, $1  }
0x161: {  	_ =	sdelay $0x3  }
.LBB2_8:
.Ltmp12:
0x162: {  	(pc) =	sbr.rel .LBB2_21-.Ltmp12, $2  }
0x163: {  	_ =	sdelay $0x2  }
0x164: {  	s13 =	smov.u32 s8  }
.LBB2_18:
.Ltmp13:
0x165: {  	(pc) =	sbr.rel .LBB2_21-.Ltmp13, $2  }
0x166: {  	_ =	sdelay $0x2  }
0x167: {  	s13 =	smov.u32 s8;
	s9 =	simm.s32 $0x7830;
	s7 =	simm.s32 $0x7870  }
.LBB2_13:
0x168: {  	s0 =	simm.s32 $0x8C10  }
0x169: {  	v2 =	vld [tilespmem:s0+$0x0];
	_ =	sdelay $0x2  }
0x16a: {  	v3 =	vld [tilespmem:s0+$0xFFFFFFF0];
	_ =	sdelay $0x1  }
0x16b: {  	v2 =	vadd.s32 $0x7800, v2  }
0x16c: {  	(v2sf) =	vpush v2, $0x0  }
0x16d: {  	(v2sf) =	vpush v2, $0x2  }
0x16e: {  	v3 =	vadd.s32 $0x7800, v3;
	(v2sf) =	vpush v2, $0x1  }
0x16f: {  	(v2sf) =	vpush v3, $0x1  }
0x170: {  	(v2sf) =	vpush v2, $0x3  }
0x171: {  	(v2sf) =	vpush v2, $0x4  }
0x172: {  	(v2sf) =	vpush v2, $0x5  }
0x173: {  	(v2sf) =	vpush v2, $0x6  }
0x174: {  	(v2sf) =	vpush v2, $0x7  }
0x175: {  	(v2sf) =	vpush v2, $0x8  }
0x176: {  	(v2sf) =	vpush v2, $0x9  }
0x177: {  	v10 =	vld [tilespmem:$0x1FF30];
	(v2sf) =	vpush v2, $0xA;
	_ =	sdelay $0x3  }
0x178: {  	(v2sf) =	vpush v2, $0xB;
	s22 =	spop (v2sf)  }
0x179: {  	vm11 =	vnez.u8 v10;
	v10 =	vld [tilespmem:$0x1FFA0];
	(v2sf) =	vpush v2, $0xC;
	s2 =	spop (v2sf)  }
0x17a: {  	(v2sf) =	vpush v2, $0xD;
	v4 =	vld [tilespmem:s22+$0x0];
	s26 =	spop (v2sf)  }
0x17b: {  	(v2sf) =	vpush v2, $0xE;
	s4 =	spop (v2sf);
	v5 =	vld.msk [tilespmem:s26+$0x0 ss:$0x0], $0xffff  }
0x17c: {  	(v2sf) =	vpush v2, $0xF;
	v2 =	vld.msk [tilespmem:s2+$0x0 ss:$0x0], $0xffff;
	s31 =	spop (v2sf)  }
0x17d: {  	v6 =	vld.msk [tilespmem:s31+$0x0 ss:$0x0], $0xffff;
	s1 =	spop (v2sf)  }
0x17e: {  	v7 =	vld.msk [tilespmem:s1+$0x0 ss:$0x0], $0xffff;
	s2 =	spop (v2sf)  }
0x17f: {  	v8 =	vld.msk [tilespmem:s2+$0x0 ss:$0x0], $0xffff;
	s3 =	spop (v2sf)  }
0x180: {  	v9 =	vld.msk [tilespmem:s3+$0x0 ss:$0x0], $0xffff;
	s5 =	spop (v2sf);
	v4 =	vsel vm14, v5, v4  }
0x181: {  	v5 =	vld.msk [tilespmem:s5+$0x0 ss:$0x0], $0xffff;
	s6 =	spop (v2sf);
	v2 =	vsel vm2, v4, v2  }
0x182: {  	v4 =	vld.msk [tilespmem:s6+$0x0 ss:$0x0], $0xffff;
	s7 =	spop (v2sf);
	v2 =	vsel vm11, v2, v6  }
0x183: {  	v6 =	vld.msk [tilespmem:s7+$0x0 ss:$0x0], $0xffff;
	s8 =	spop (v2sf);
	v2 =	vsel vm5, v2, v7  }
0x184: {  	v7 =	vld.msk [tilespmem:s8+$0x0 ss:$0x0], $0xffff;
	v2 =	vsel vm8, v2, v8  }
0x185: {  	v2 =	vsel vm13, v2, v9  }
0x186: {  	v2 =	vsel vm10, v2, v5  }
0x187: {  	v2 =	vsel vm7, v2, v4  }
0x188: {  	vm15 =	vmmov vm8;
	vm8 =	vnez.u8 v10;
	v2 =	vsel vm6, v2, v6  }
0x189: {  	s9 =	spop (v2sf);
	v2 =	vsel vm8, v2, v7;
	v7 =	vld [tilespmem:$0x1FF90]  }
0x18a: {  	v8 =	vld.msk [tilespmem:s9+$0x0 ss:$0x0], $0xffff;
	_ =	sdelay $0x1  }
0x18b: {  	s10 =	spop (v2sf)  }
0x18c: {  	v9 =	vld.msk [tilespmem:s10+$0x0 ss:$0x0], $0xffff  }
0x18d: {  	vm0 =	vmmov vm7;
	vm7 =	vnez.u8 v7;
	v7 =	vld [tilespmem:$0x1FF80]  }
0x18e: {  	(v2sf) =	vpush v3, $0x0;
	s11 =	spop (v2sf);
	v2 =	vsel vm7, v2, v8;
	v8 =	vld [tilespmem:$0x1FF50]  }
0x18f: {  	(v2sf) =	vpush v3, $0x2;
	v5 =	vld.msk [tilespmem:s11+$0x0 ss:$0x0], $0xffff;
	_ =	sdelay $0x1  }
0x190: {  	(v2sf) =	vpush v3, $0x3  }
0x191: {  	vm9 =	vmmov vm6;
	(v2sf) =	vpush v3, $0x4;
	vm4 =	vnez.u8 v7  }
0x192: {  	(v2sf) =	vpush v3, $0x5;
	v2 =	vsel vm4, v2, v9;
	vm6 =	vnez.u8 v8  }
0x193: {  	(v2sf) =	vpush v3, $0x6;
	s12 =	spop (v2sf);
	v2 =	vsel vm6, v2, v5;
	v5 =	vld [tilespmem:$0x1FF60]  }
0x194: {  	(v2sf) =	vpush v3, $0x7;
	v4 =	vld.msk [tilespmem:s12+$0x0 ss:$0x0], $0xffff  }
0x195: {  	(v2sf) =	vpush v3, $0x8  }
0x196: {  	s13 =	spop (v2sf);
	(v2sf) =	vpush v3, $0x9  }
0x197: {  	s2 =	simm.s32 $0xC810;
	v6 =	vld.msk [tilespmem:s13+$0x0 ss:$0x0], $0xffff;
	(v2sf) =	vpush v3, $0xA  }
0x198: {  	s14 =	simm.s32 $0x8C30;
	(v2sf) =	vpush v3, $0xB;
	v7 =	vld [tilespmem:s2+$0x0];
	vm3 =	vnez.u8 v5  }
0x199: {  	(v2sf) =	vpush v3, $0xC;
	v2 =	vsel vm3, v2, v4;
	v4 =	vld [tilespmem:s14+$0x0]  }
0x19a: {  	v5 =	vld [tilespmem:$0x1FF70];
	_ =	sdelay $0x1  }
0x19b: {  	(v2sf) =	vpush v3, $0xD;
	s5 =	spop (v2sf);
	v9 =	vld.msk [tilespmem:s4+$0x0 ss:$0x0], $0xffff  }
0x19c: {  	v10 =	vld [tilespmem:s5+$0x0];
	(v2sf) =	vpush v3, $0xE;
	s15 =	spop (v2sf)  }
0x19d: {  	(v2sf) =	vpush v3, $0xF;
	v20 =	vld.msk [tilespmem:s15+$0x0 ss:$0x0], $0xffff  }
0x19e: {  	s16 =	spop (v2sf);
	vm1 =	vnez.u8 v5;
	v5 =	vld [tilespmem:s14+$0xFFFFFFF0]  }
0x19f: {  	vm12 =	vmmov vm10;
	s17 =	spop (v2sf);
	v19 =	vld.msk [tilespmem:s16+$0x0 ss:$0x0], $0xffff;
	v2 =	vsel vm1, v2, v6  }
0x1a0: {  	vm10 =	vmmov vm5;
	s18 =	spop (v2sf);
	v11 =	vld.msk [tilespmem:s17+$0x0 ss:$0x0], $0xffff;
	v3 =	vadd.s32 $0x7800, v4;
	vm5 =	vgt.f32 v2, $0.0e+00  }
0x1a1: {  	s19 =	spop (v2sf);
	v12 =	vld.msk [tilespmem:s18+$0x0 ss:$0x0], $0xffff;
	(v2sf) =	vpush v3, $0x0;
	v2 =	vnsel vm5, $0x0, v7  }
0x1a2: {  	s7 =	simm.s32 $0xDC10;
	v15 =	vld.msk [tilespmem:s19+$0x0 ss:$0x0], $0xffff;
	(v2sf) =	vpush v3, $0x2;
	[tilespmem:s2+$0x0] =	vst v2  }
0x1a3: {  	s20 =	spop (v2sf);
	(v2sf) =	vpush v3, $0x1;
	v2 =	vld [tilespmem:s7+$0x0];
	v22 =	vadd.s32 $0x7800, v5  }
0x1a4: {  	v13 =	vld.msk [tilespmem:s20+$0x0 ss:$0x0], $0xffff;
	s21 =	spop (v2sf);
	(v2sf) =	vpush v22, $0x1  }
0x1a5: {  	s22 =	spop (v2sf);
	v17 =	vld.msk [tilespmem:s21+$0x0 ss:$0x0], $0xffff;
	(v2sf) =	vpush v3, $0x3  }
0x1a6: {  	s26 =	spop (v2sf);
	v18 =	vld.msk [tilespmem:s22+$0x0 ss:$0x0], $0xffff;
	(v2sf) =	vpush v3, $0x4  }
0x1a7: {  	s31 =	spop (v2sf);
	v16 =	vld.msk [tilespmem:s26+$0x0 ss:$0x0], $0xffff;
	(v2sf) =	vpush v3, $0x5  }
0x1a8: {  	v4 =	vimm.s32 $0x0;
	s1 =	spop (v2sf);
	v14 =	vld.msk [tilespmem:s31+$0x0 ss:$0x0], $0xffff;
	v2 =	vnsel vm5, $0x0, v2;
	(v2sf) =	vpush v3, $0x6  }
0x1a9: {  	s9 =	simm.s32 $0xF010;
	v4 =	vsel vm5, $0xFFFFFFFF, v4;
	v7 =	vld.msk [tilespmem:s1+$0x0 ss:$0x0], $0xffff;
	[tilespmem:s7+$0x0] =	vst v2;
	(v2sf) =	vpush v3, $0x7  }
0x1aa: {  	s3 =	spop (v2sf);
	v2 =	vld [tilespmem:s9+$0x0];
	(v2sf) =	vpush v3, $0x8;
	[tilespmem:$0x1FEC0] =	vst v4  }
0x1ab: {  	s4 =	spop (v2sf);
	(v2sf) =	vpush v3, $0x9;
	v6 =	vld.msk [tilespmem:s3+$0x0 ss:$0x0], $0xffff  }
0x1ac: {  	s5 =	spop (v2sf);
	v21 =	vld.msk [tilespmem:s4+$0x0 ss:$0x0], $0xffff;
	(v2sf) =	vpush v3, $0xA  }
0x1ad: {  	v8 =	vld.msk [tilespmem:s5+$0x0 ss:$0x0], $0xffff;
	(v2sf) =	vpush v3, $0xB  }
0x1ae: {  	v4 =	vld [tilespmem:s2+$0xFFFFFFF0];
	s3 =	simm.s32 $0x8C50;
	(v2sf) =	vpush v3, $0xC  }
0x1af: {  	v38 =	vld [tilespmem:s3+$0x0];
	(v2sf) =	vpush v3, $0xD  }
0x1b0: {  	v40 =	vld [tilespmem:s3+$0xFFFFFFF0];
	s6 =	spop (v2sf);
	v2 =	vnsel vm5, $0x0, v2;
	(v2sf) =	vpush v3, $0xE  }
0x1b1: {  	s8 =	simm.s32 $0x10410;
	v5 =	vld [tilespmem:s6+$0x0];
	s10 =	spop (v2sf);
	[tilespmem:s9+$0x0] =	vst v2;
	(v2sf) =	vpush v3, $0xF  }
0x1b2: {  	s11 =	spop (v2sf);
	v2 =	vld [tilespmem:s8+$0x0]  }
0x1b3: {  	v23 =	vld.msk [tilespmem:s11+$0x0 ss:$0x0], $0xffff;
	s12 =	spop (v2sf)  }
0x1b4: {  	v3 =	vld.msk [tilespmem:s10+$0x0 ss:$0x0], $0xffff;
	s13 =	spop (v2sf)  }
0x1b5: {  	(v2sf) =	vpush v22, $0x0;
	v24 =	vld.msk [tilespmem:s13+$0x0 ss:$0x0], $0xffff;
	s14 =	spop (v2sf)  }
0x1b6: {  	(v2sf) =	vpush v22, $0x2;
	v25 =	vld.msk [tilespmem:s14+$0x0 ss:$0x0], $0xffff;
	s15 =	spop (v2sf)  }
0x1b7: {  	(v2sf) =	vpush v22, $0x3;
	v26 =	vld.msk [tilespmem:s15+$0x0 ss:$0x0], $0xffff;
	s16 =	spop (v2sf)  }
0x1b8: {  	v5 =	vsel vm14, v23, v5;
	v27 =	vld.msk [tilespmem:s16+$0x0 ss:$0x0], $0xffff;
	s17 =	spop (v2sf);
	(v2sf) =	vpush v22, $0x4  }
0x1b9: {  	v3 =	vsel vm2, v5, v3;
	v31 =	vld.msk [tilespmem:s17+$0x0 ss:$0x0], $0xffff;
	s18 =	spop (v2sf);
	(v2sf) =	vpush v22, $0x5  }
0x1ba: {  	v5 =	vld.msk [tilespmem:s18+$0x0 ss:$0x0], $0xffff;
	s19 =	spop (v2sf);
	v3 =	vsel vm11, v3, v24  }
0x1bb: {  	(v2sf) =	vpush v22, $0x6;
	v32 =	vld.msk [tilespmem:s19+$0x0 ss:$0x0], $0xffff;
	s20 =	spop (v2sf);
	v3 =	vsel vm10, v3, v25  }
0x1bc: {  	v33 =	vld.msk [tilespmem:s20+$0x0 ss:$0x0], $0xffff;
	s21 =	spop (v2sf);
	(v2sf) =	vpush v22, $0x7;
	v3 =	vsel vm15, v3, v26  }
0x1bd: {  	v34 =	vld.msk [tilespmem:s21+$0x0 ss:$0x0], $0xffff;
	s22 =	spop (v2sf);
	(v2sf) =	vpush v22, $0x8;
	v3 =	vsel vm13, v3, v27  }
0x1be: {  	v35 =	vld.msk [tilespmem:s22+$0x0 ss:$0x0], $0xffff;
	s26 =	spop (v2sf);
	(v2sf) =	vpush v22, $0x9;
	v3 =	vsel vm12, v3, v31  }
0x1bf: {  	v36 =	vld.msk [tilespmem:s26+$0x0 ss:$0x0], $0xffff;
	s31 =	spop (v2sf);
	(v2sf) =	vpush v22, $0xA;
	v3 =	vsel vm0, v3, v5  }
0x1c0: {  	v28 =	vld.msk [tilespmem:s31+$0x0 ss:$0x0], $0xffff;
	s1 =	spop (v2sf);
	(v2sf) =	vpush v22, $0xB;
	v5 =	vsel vm9, v3, v32  }
0x1c1: {  	s10 =	simm.s32 $0xC830;
	v2 =	vnsel vm5, $0x0, v2;
	v37 =	vld.msk [tilespmem:s1+$0x0 ss:$0x0], $0xffff;
	v5 =	vsel vm8, v5, v33  }
0x1c2: {  	s0 =	simm.s32 $0x11810;
	v9 =	vsel vm14, v9, v10;
	v39 =	vld [tilespmem:s10+$0x0];
	[tilespmem:s8+$0x0] =	vst v2;
	(v2sf) =	vpush v22, $0xC;
	v5 =	vsel vm7, v5, v34  }
0x1c3: {  	v20 =	vsel vm2, v9, v20;
	v2 =	vld [tilespmem:s0+$0x0];
	(v2sf) =	vpush v22, $0xD;
	v26 =	vsel vm4, v5, v35  }
0x1c4: {  	v19 =	vsel vm11, v20, v19;
	v3 =	vld.msk [tilespmem:s12+$0x0 ss:$0x0], $0xffff;
	s6 =	spop (v2sf);
	(v2sf) =	vpush v22, $0xE;
	v23 =	vsel vm6, v26, v36  }
0x1c5: {  	v19 =	vsel vm10, v19, v11;
	v5 =	vld [tilespmem:s6+$0x0];
	s11 =	spop (v2sf);
	v10 =	vsel vm3, v23, v28  }
0x1c6: {  	v19 =	vsel vm15, v19, v12;
	(v2sf) =	vpush v22, $0xF;
	v9 =	vld.msk [tilespmem:s11+$0x0 ss:$0x0], $0xffff;
	s12 =	spop (v2sf);
	v23 =	vsel vm1, v10, v37  }
0x1c7: {  	v15 =	vsel vm13, v19, v15;
	v41 =	vadd.s32 $0x7800, v38;
	v10 =	vld.msk [tilespmem:s12+$0x0 ss:$0x0], $0xffff;
	s13 =	spop (v2sf);
	vm5 =	vgt.f32 v23, $0.0e+00  }
0x1c8: {  	v13 =	vsel vm12, v15, v13;
	(v2sf) =	vpush v41, $0x0;
	s14 =	spop (v2sf);
	v11 =	vld.msk [tilespmem:s13+$0x0 ss:$0x0], $0xffff;
	v42 =	vnsel vm5, $0x0, v39  }
0x1c9: {  	v13 =	vsel vm0, v13, v17;
	v12 =	vld.msk [tilespmem:s14+$0x0 ss:$0x0], $0xffff;
	[tilespmem:s10+$0x0] =	vst v42;
	s14 =	simm.s32 $0xDC30  }
0x1ca: {  	v13 =	vsel vm9, v13, v18;
	(v2sf) =	vpush v41, $0x2;
	s15 =	spop (v2sf);
	v20 =	vld [tilespmem:s14+$0x0]  }
0x1cb: {  	v13 =	vsel vm8, v13, v16;
	v15 =	vld.msk [tilespmem:s15+$0x0 ss:$0x0], $0xffff;
	s16 =	spop (v2sf)  }
0x1cc: {  	v13 =	vsel vm7, v13, v14;
	s17 =	spop (v2sf);
	v44 =	vld.msk [tilespmem:s16+$0x0 ss:$0x0], $0xffff  }
0x1cd: {  	v7 =	vsel vm4, v13, v7;
	v43 =	vadd.s32 $0x7800, v40;
	(v2sf) =	vpush v41, $0x1;
	s18 =	spop (v2sf);
	v45 =	vld.msk [tilespmem:s17+$0x0 ss:$0x0], $0xffff  }
0x1ce: {  	v6 =	vsel vm6, v7, v6;
	(v2sf) =	vpush v43, $0x1;
	s19 =	spop (v2sf);
	v46 =	vld.msk [tilespmem:s18+$0x0 ss:$0x0], $0xffff  }
0x1cf: {  	v6 =	vsel vm3, v6, v21;
	(v2sf) =	vpush v41, $0x3;
	s20 =	spop (v2sf);
	v47 =	vld.msk [tilespmem:s19+$0x0 ss:$0x0], $0xffff;
	v14 =	vnsel vm5, $0x0, v20  }
0x1d0: {  	v6 =	vsel vm1, v6, v8;
	vm10 =	vmmov vm12;
	s13 =	simm.s32 $0xF030;
	(v2sf) =	vpush v41, $0x4;
	v48 =	vld.msk [tilespmem:s20+$0x0 ss:$0x0], $0xffff;
	[tilespmem:s14+$0x0] =	vst v14  }
0x1d1: {  	vm12 =	vmmov vm0;
	vm0 =	vgt.f32 v6, $0.0e+00;
	v6 =	vimm.s32 $0x0;
	s21 =	spop (v2sf);
	v7 =	vld [tilespmem:s13+$0x0]  }
0x1d2: {  	v6 =	vsel vm0, $0xFFFFFFFF, v6;
	(v2sf) =	vpush v41, $0x5;
	s22 =	spop (v2sf);
	v49 =	vld.msk [tilespmem:s21+$0x0 ss:$0x0], $0xffff  }
0x1d3: {  	(v2sf) =	vpush v41, $0x6;
	s26 =	spop (v2sf);
	v50 =	vld.msk [tilespmem:s22+$0x0 ss:$0x0], $0xffff;
	[tilespmem:$0x1FEB0] =	vst v6  }
0x1d4: {  	v4 =	vnsel vm0, $0x0, v4;
	(v2sf) =	vpush v41, $0x7;
	v6 =	vimm.s32 $0x0;
	v51 =	vld.msk [tilespmem:s26+$0x0 ss:$0x0], $0xffff  }
0x1d5: {  	(v2sf) =	vpush v41, $0x8;
	s31 =	spop (v2sf);
	[tilespmem:s2+$0xFFFFFFF0] =	vst v4;
	v13 =	vld [tilespmem:s10+$0xFFFFFFF0];
	v6 =	vsel vm5, $0xFFFFFFFF, v6  }
0x1d6: {  	(v2sf) =	vpush v41, $0x9;
	v52 =	vld.msk [tilespmem:s31+$0x0 ss:$0x0], $0xffff;
	[tilespmem:$0x1FED0] =	vst v6  }
0x1d7: {  	(v2sf) =	vpush v41, $0xA;
	v14 =	vld [tilespmem:s7+$0xFFFFFFF0];
	v4 =	vnsel vm5, $0x0, v7;
	s1 =	spop (v2sf)  }
0x1d8: {  	s2 =	simm.s32 $0x10430;
	(v2sf) =	vpush v41, $0xB;
	[tilespmem:s13+$0x0] =	vst v4;
	v6 =	vld [tilespmem:s1+$0x0]  }
0x1d9: {  	(v2sf) =	vpush v41, $0xC;
	s3 =	spop (v2sf);
	v4 =	vld [tilespmem:s2+$0x0]  }
0x1da: {  	(v2sf) =	vpush v41, $0xD;
	v8 =	vld.msk [tilespmem:s3+$0x0 ss:$0x0], $0xffff  }
0x1db: {  	(v2sf) =	vpush v41, $0xE;
	v30 =	vld [tilespmem:$0x1FF30]  }
0x1dc: {  	(v2sf) =	vpush v41, $0xF;
	s11 =	spop (v2sf);
	v57 =	vld [tilespmem:$0x1FF40]  }
0x1dd: {  	v59 =	vld [tilespmem:$0x1FFB0];
	s6 =	spop (v2sf)  }
0x1de: {  	v7 =	vld.msk [tilespmem:s11+$0x0 ss:$0x0], $0xffff;
	s12 =	spop (v2sf)  }
0x1df: {  	v53 =	vld.msk [tilespmem:s12+$0x0 ss:$0x0], $0xffff;
	s15 =	spop (v2sf)  }
0x1e0: {  	s12 =	simm.s32 $0x8C70;
	v54 =	vld.msk [tilespmem:s15+$0x0 ss:$0x0], $0xffff  }
0x1e1: {  	(v2sf) =	vpush v43, $0x0;
	s16 =	spop (v2sf);
	v33 =	vld [tilespmem:s12+$0x0]  }
0x1e2: {  	vm11 =	vmmov vm8;
	(v2sf) =	vpush v43, $0x2;
	v55 =	vld.msk [tilespmem:s16+$0x0 ss:$0x0], $0xffff;
	s17 =	spop (v2sf)  }
0x1e3: {  	vm8 =	vmmov vm3;
	(v2sf) =	vpush v43, $0x3;
	v6 =	vsel vm14, v7, v6;
	v29 =	vld.msk [tilespmem:s17+$0x0 ss:$0x0], $0xffff;
	s18 =	spop (v2sf)  }
0x1e4: {  	vm3 =	vnez.u8 v30;
	v6 =	vsel vm2, v6, v8;
	(v2sf) =	vpush v43, $0x4;
	v7 =	vld.msk [tilespmem:s18+$0x0 ss:$0x0], $0xffff;
	s19 =	spop (v2sf)  }
0x1e5: {  	vm15 =	vmmov vm6;
	vm0 =	vnez.u8 v57;
	v8 =	vld.msk [tilespmem:s19+$0x0 ss:$0x0], $0xffff;
	s20 =	spop (v2sf);
	v6 =	vsel vm3, v6, v53  }
0x1e6: {  	vm6 =	vnez.u8 v59;
	(v2sf) =	vpush v43, $0x5;
	v56 =	vld.msk [tilespmem:s20+$0x0 ss:$0x0], $0xffff;
	s21 =	spop (v2sf);
	v6 =	vsel vm0, v6, v54  }
0x1e7: {  	(v2sf) =	vpush v43, $0x6;
	v58 =	vld.msk [tilespmem:s21+$0x0 ss:$0x0], $0xffff;
	s22 =	spop (v2sf);
	v6 =	vsel vm6, v6, v55  }
0x1e8: {  	(v2sf) =	vpush v43, $0x7;
	v60 =	vld.msk [tilespmem:s22+$0x0 ss:$0x0], $0xffff;
	s26 =	spop (v2sf);
	v6 =	vsel vm13, v6, v29  }
0x1e9: {  	v61 =	vld.msk [tilespmem:s26+$0x0 ss:$0x0], $0xffff;
	s31 =	spop (v2sf);
	v6 =	vsel vm10, v6, v7;
	(v2sf) =	vpush v43, $0x8  }
0x1ea: {  	v7 =	vld.msk [tilespmem:s31+$0x0 ss:$0x0], $0xffff;
	s1 =	spop (v2sf);
	v6 =	vsel vm12, v6, v8;
	(v2sf) =	vpush v43, $0x9  }
0x1eb: {  	v5 =	vsel vm14, v3, v5;
	v8 =	vld.msk [tilespmem:s1+$0x0 ss:$0x0], $0xffff;
	s3 =	spop (v2sf);
	v6 =	vsel vm9, v6, v56;
	(v2sf) =	vpush v43, $0xA  }
0x1ec: {  	v5 =	vsel vm2, v5, v9;
	v62 =	vld.msk [tilespmem:s3+$0x0 ss:$0x0], $0xffff;
	v6 =	vsel vm11, v6, v58  }
0x1ed: {  	v4 =	vnsel vm5, $0x0, v4;
	s15 =	simm.s32 $0xC850;
	v9 =	vld [tilespmem:s12+$0xFFFFFFF0];
	(v2sf) =	vpush v43, $0xB;
	v6 =	vsel vm7, v6, v60  }
0x1ee: {  	s4 =	simm.s32 $0x11830;
	[tilespmem:s2+$0x0] =	vst v4;
	v32 =	vld [tilespmem:s15+$0x0];
	(v2sf) =	vpush v43, $0xC;
	v63 =	vsel vm4, v6, v61  }
0x1ef: {  	v4 =	vld [tilespmem:s4+$0x0];
	(v2sf) =	vpush v43, $0xD;
	v27 =	vsel vm15, v63, v7  }
0x1f0: {  	v5 =	vsel vm3, v5, v10;
	s11 =	spop (v2sf);
	v6 =	vld.msk [tilespmem:s6+$0x0 ss:$0x0], $0xffff;
	(v2sf) =	vpush v43, $0xE;
	v8 =	vsel vm8, v27, v8  }
0x1f1: {  	v5 =	vsel vm0, v5, v11;
	v7 =	vld [tilespmem:s11+$0x0];
	s16 =	spop (v2sf);
	v24 =	vsel vm1, v8, v62  }
0x1f2: {  	vm5 =	vmmov vm4;
	v5 =	vsel vm6, v5, v12;
	s11 =	spop (v2sf);
	v8 =	vld.msk [tilespmem:s16+$0x0 ss:$0x0], $0xffff;
	vm4 =	vgt.f32 v24, $0.0e+00  }
0x1f3: {  	v5 =	vsel vm13, v5, v15;
	v3 =	vld.msk [tilespmem:s11+$0x0 ss:$0x0], $0xffff;
	s17 =	spop (v2sf);
	v34 =	vnsel vm4, $0x0, v32  }
0x1f4: {  	v5 =	vsel vm10, v5, v44;
	s16 =	simm.s32 $0xDC50;
	v11 =	vld.msk [tilespmem:s17+$0x0 ss:$0x0], $0xffff;
	[tilespmem:s15+$0x0] =	vst v34  }
0x1f5: {  	v5 =	vsel vm12, v5, v45;
	s18 =	spop (v2sf);
	v10 =	vld [tilespmem:s16+$0x0]  }
0x1f6: {  	v5 =	vsel vm9, v5, v46;
	s19 =	spop (v2sf);
	v12 =	vld.msk [tilespmem:s18+$0x0 ss:$0x0], $0xffff  }
0x1f7: {  	v5 =	vsel vm11, v5, v47;
	s20 =	spop (v2sf);
	v15 =	vld.msk [tilespmem:s19+$0x0 ss:$0x0], $0xffff  }
0x1f8: {  	v5 =	vsel vm7, v5, v48;
	v36 =	vld.msk [tilespmem:s20+$0x0 ss:$0x0], $0xffff;
	s21 =	spop (v2sf)  }
0x1f9: {  	v5 =	vsel vm5, v5, v49;
	s22 =	spop (v2sf);
	v37 =	vld.msk [tilespmem:s21+$0x0 ss:$0x0], $0xffff  }
0x1fa: {  	v5 =	vsel vm15, v5, v50;
	v27 =	vadd.s32 $0x7800, v9;
	v9 =	vnsel vm4, $0x0, v10;
	v38 =	vld.msk [tilespmem:s22+$0x0 ss:$0x0], $0xffff;
	s26 =	spop (v2sf)  }
0x1fb: {  	s5 =	simm.s32 $0xF050;
	v5 =	vsel vm8, v5, v51;
	(v2sf) =	vpush v43, $0xF;
	[tilespmem:s16+$0x0] =	vst v9;
	v39 =	vld.msk [tilespmem:s26+$0x0 ss:$0x0], $0xffff  }
0x1fc: {  	v35 =	vadd.s32 $0x7800, v33;
	v5 =	vsel vm1, v5, v52;
	s31 =	spop (v2sf);
	v9 =	vld [tilespmem:s5+$0x0]  }
0x1fd: {  	vm15 =	vgt.f32 v5, $0.0e+00;
	(v2sf) =	vpush v35, $0x0;
	s1 =	spop (v2sf);
	v23 =	vld.msk [tilespmem:s31+$0x0 ss:$0x0], $0xffff  }
0x1fe: {  	(v2sf) =	vpush v35, $0x2;
	vm6 =	vmmov vm4;
	v10 =	vimm.s32 $0x0;
	s3 =	spop (v2sf);
	v40 =	vld.msk [tilespmem:s1+$0x0 ss:$0x0], $0xffff  }
0x1ff: {  	v5 =	vimm.s32 $0x0;
	(v2sf) =	vpush v35, $0x1;
	v10 =	vsel vm6, $0xFFFFFFFF, v10;
	s12 =	spop (v2sf);
	v41 =	vld.msk [tilespmem:s3+$0x0 ss:$0x0], $0xffff  }
0x200: {  	v5 =	vsel vm15, $0xFFFFFFFF, v5;
	(v2sf) =	vpush v27, $0x1;
	v42 =	vld.msk [tilespmem:s12+$0x0 ss:$0x0], $0xffff;
	[tilespmem:$0x1FEE0] =	vst v10  }
0x201: {  	(v2sf) =	vpush v35, $0x3;
	[tilespmem:$0x1FEA0] =	vst v5;
	v9 =	vnsel vm6, $0x0, v9  }
0x202: {  	(v2sf) =	vpush v35, $0x4;
	[tilespmem:s5+$0x0] =	vst v9  }
0x203: {  	(v2sf) =	vpush v35, $0x5;
	v5 =	vld [tilespmem:$0x1FEB0]  }
0x204: {  	(v2sf) =	vpush v35, $0x6  }
0x205: {  	(v2sf) =	vpush v35, $0x7;
	_ =	sdelay $0x1  }
0x206: {  	(v2sf) =	vpush v35, $0x8  }
0x207: {  	vm4 =	vmmov vm5;
	vm5 =	vmmov vm0;
	vm0 =	vnez.u8 v5  }
0x208: {  	v5 =	vimm.s32 $0x0;
	vm0 =	vmmov vm0  }
0x209: {  	s17 =	spop (v2sf);
	v5 =	vsel vm0, $0xFFFFFFFF, v5  }
0x20a: {  	s6 =	simm.s32 $0x10450;
	(v2sf) =	vpush v35, $0x9;
	v43 =	vld.msk [tilespmem:s17+$0x0 ss:$0x0], $0xffff;
	[tilespmem:$0x1FE90] =	vst v5  }
0x20b: {  	(v2sf) =	vpush v35, $0xA;
	s18 =	spop (v2sf);
	v44 =	vld [tilespmem:s6+$0x0]  }
0x20c: {  	(v2sf) =	vpush v35, $0xB;
	s19 =	spop (v2sf);
	v5 =	vnsel vm15, $0x0, v13;
	v13 =	vld [tilespmem:s15+$0xFFFFFFF0]  }
0x20d: {  	(v2sf) =	vpush v35, $0xC;
	s20 =	spop (v2sf);
	v9 =	vnsel vm0, $0x0, v14;
	v14 =	vld [tilespmem:s18+$0x0]  }
0x20e: {  	(v2sf) =	vpush v35, $0xD;
	[tilespmem:s10+$0xFFFFFFF0] =	vst v5;
	v45 =	vld.msk [tilespmem:s19+$0x0 ss:$0x0], $0xffff;
	s10 =	spop (v2sf)  }
0x20f: {  	(v2sf) =	vpush v35, $0xE;
	v46 =	vld.msk [tilespmem:s20+$0x0 ss:$0x0], $0xffff;
	s21 =	spop (v2sf)  }
0x210: {  	(v2sf) =	vpush v35, $0xF;
	v47 =	vld.msk [tilespmem:s21+$0x0 ss:$0x0], $0xffff;
	s22 =	spop (v2sf)  }
0x211: {  	v48 =	vld.msk [tilespmem:s22+$0x0 ss:$0x0], $0xffff;
	s26 =	spop (v2sf)  }
0x212: {  	vm10 =	vmmov vm7;
	vm7 =	vmmov vm8;
	vm8 =	vmmov vm6;
	v49 =	vld.msk [tilespmem:s26+$0x0 ss:$0x0], $0xffff;
	s31 =	spop (v2sf)  }
0x213: {  	[tilespmem:s7+$0xFFFFFFF0] =	vst v9;
	v5 =	vnsel vm8, $0x0, v44;
	v50 =	vld.msk [tilespmem:s31+$0x0 ss:$0x0], $0xffff;
	s1 =	spop (v2sf)  }
0x214: {  	[tilespmem:s6+$0x0] =	vst v5;
	v51 =	vld.msk [tilespmem:s1+$0x0 ss:$0x0], $0xffff  }
0x215: {  	s3 =	spop (v2sf);
	v31 =	vld [tilespmem:$0x1FFB0]  }
0x216: {  	v52 =	vld.msk [tilespmem:s3+$0x0 ss:$0x0], $0xffff  }
0x217: {  	vm12 =	vmmov vm9;
	v14 =	vsel vm14, v46, v14;
	v56 =	vld [tilespmem:$0x1FFD0]  }
0x218: {  	vm6 =	vmmov vm3;
	(v2sf) =	vpush v27, $0x0;
	v14 =	vsel vm2, v14, v45;
	v58 =	vld [tilespmem:$0x1FFE0]  }
0x219: {  	vm3 =	vmmov vm14;
	(v2sf) =	vpush v27, $0x2;
	v14 =	vsel vm6, v14, v47;
	s12 =	spop (v2sf);
	v33 =	vld [tilespmem:$0x1FF50]  }
0x21a: {  	(v2sf) =	vpush v27, $0x3;
	v14 =	vsel vm5, v14, v48;
	v53 =	vld.msk [tilespmem:s12+$0x0 ss:$0x0], $0xffff;
	s17 =	spop (v2sf);
	vm8 =	vnez.u8 v31  }
0x21b: {  	(v2sf) =	vpush v27, $0x4;
	vm14 =	vmmov vm13;
	v54 =	vld.msk [tilespmem:s17+$0x0 ss:$0x0], $0xffff;
	s18 =	spop (v2sf);
	v14 =	vsel vm8, v14, v49  }
0x21c: {  	(v2sf) =	vpush v27, $0x5;
	v55 =	vld.msk [tilespmem:s18+$0x0 ss:$0x0], $0xffff;
	s19 =	spop (v2sf);
	v14 =	vsel vm13, v14, v50;
	vm13 =	vnez.u8 v56  }
0x21d: {  	vm9 =	vmmov vm11;
	v57 =	vld.msk [tilespmem:s19+$0x0 ss:$0x0], $0xffff;
	s20 =	spop (v2sf);
	vm11 =	vnez.u8 v58;
	v14 =	vsel vm13, v14, v51  }
0x21e: {  	(v2sf) =	vpush v27, $0x6;
	v59 =	vld.msk [tilespmem:s20+$0x0 ss:$0x0], $0xffff;
	s21 =	spop (v2sf);
	v14 =	vsel vm11, v14, v52  }
0x21f: {  	(v2sf) =	vpush v27, $0x7;
	v60 =	vld.msk [tilespmem:s21+$0x0 ss:$0x0], $0xffff;
	s22 =	spop (v2sf);
	v14 =	vsel vm12, v14, v53  }
0x220: {  	v61 =	vld.msk [tilespmem:s22+$0x0 ss:$0x0], $0xffff;
	v14 =	vsel vm9, v14, v54  }
0x221: {  	v6 =	vsel vm3, v6, v7;
	v10 =	vld [tilespmem:s14+$0xFFFFFFF0];
	s17 =	simm.s32 $0xC870;
	(v2sf) =	vpush v27, $0x8;
	v14 =	vsel vm10, v14, v55  }
0x222: {  	vm15 =	vmmov vm2;
	v63 =	vld [tilespmem:s17+$0x0];
	vm2 =	vnez.u8 v33;
	v14 =	vsel vm4, v14, v57  }
0x223: {  	vm0 =	vmmov vm7;
	v9 =	vld [tilespmem:s9+$0xFFFFFFF0];
	(v2sf) =	vpush v27, $0x9;
	v14 =	vsel vm2, v14, v59  }
0x224: {  	v6 =	vsel vm15, v6, v8;
	v62 =	vld.msk [tilespmem:s10+$0x0 ss:$0x0], $0xffff;
	s31 =	simm.s32 $0x8C90;
	(v2sf) =	vpush v27, $0xA;
	v14 =	vsel vm7, v14, v60  }
0x225: {  	v3 =	vsel vm6, v6, v3;
	v35 =	vld [tilespmem:s31+$0x0];
	(v2sf) =	vpush v27, $0xB;
	v7 =	vsel vm1, v14, v61  }
0x226: {  	s7 =	simm.s32 $0x11850;
	v6 =	vld [tilespmem:s31+$0xFFFFFFF0];
	(v2sf) =	vpush v27, $0xC;
	vm7 =	vmmov vm3;
	vm3 =	vgt.f32 v7, $0.0e+00  }
0x227: {  	v5 =	vld [tilespmem:s7+$0x0];
	s26 =	spop (v2sf);
	v8 =	vnsel vm3, $0x0, v63  }
0x228: {  	s10 =	simm.s32 $0xDC70;
	(v2sf) =	vpush v27, $0xD;
	v34 =	vld [tilespmem:s26+$0x0];
	s1 =	spop (v2sf);
	[tilespmem:s17+$0x0] =	vst v8  }
0x229: {  	v3 =	vsel vm5, v3, v11;
	s12 =	spop (v2sf);
	v11 =	vld [tilespmem:s10+$0x0]  }
0x22a: {  	s3 =	spop (v2sf);
	v14 =	vld.msk [tilespmem:s1+$0x0 ss:$0x0], $0xffff  }
0x22b: {  	v3 =	vsel vm8, v3, v12;
	v7 =	vld.msk [tilespmem:s12+$0x0 ss:$0x0], $0xffff;
	s12 =	spop (v2sf)  }
0x22c: {  	v3 =	vsel vm14, v3, v15;
	v15 =	vld.msk [tilespmem:s12+$0x0 ss:$0x0], $0xffff  }
0x22d: {  	v3 =	vsel vm13, v3, v36;
	s18 =	spop (v2sf);
	v8 =	vld.msk [tilespmem:s3+$0x0 ss:$0x0], $0xffff  }
0x22e: {  	v3 =	vsel vm11, v3, v37;
	s19 =	spop (v2sf);
	v36 =	vld.msk [tilespmem:s18+$0x0 ss:$0x0], $0xffff;
	v11 =	vnsel vm3, $0x0, v11  }
0x22f: {  	(v2sf) =	vpush v27, $0xE;
	v3 =	vsel vm12, v3, v38;
	v37 =	vld.msk [tilespmem:s19+$0x0 ss:$0x0], $0xffff;
	[tilespmem:s10+$0x0] =	vst v11  }
0x230: {  	v12 =	vadd.s32 $0x7800, v35;
	(v2sf) =	vpush v27, $0xF;
	v3 =	vsel vm9, v3, v39;
	s20 =	spop (v2sf);
	v44 =	vld [tilespmem:$0x1FE90]  }
0x231: {  	s11 =	simm.s32 $0xF070;
	v3 =	vsel vm10, v3, v23;
	(v2sf) =	vpush v12, $0x0;
	v38 =	vld.msk [tilespmem:s20+$0x0 ss:$0x0], $0xffff  }
0x232: {  	v3 =	vsel vm4, v3, v40;
	(v2sf) =	vpush v12, $0x2;
	s21 =	spop (v2sf);
	v40 =	vld [tilespmem:s11+$0x0]  }
0x233: {  	v45 =	vimm.s32 $0x0;
	v6 =	vadd.s32 $0x7800, v6;
	(v2sf) =	vpush v12, $0x1;
	s22 =	spop (v2sf);
	v47 =	vld [tilespmem:$0x1FEA0]  }
0x234: {  	vm9 =	vmmov vm0;
	v3 =	vsel vm2, v3, v41;
	(v2sf) =	vpush v6, $0x1;
	v39 =	vld.msk [tilespmem:s21+$0x0 ss:$0x0], $0xffff;
	s26 =	spop (v2sf)  }
0x235: {  	v3 =	vsel vm0, v3, v42;
	(v2sf) =	vpush v12, $0x3;
	s18 =	spop (v2sf);
	v41 =	vld.msk [tilespmem:s26+$0x0 ss:$0x0], $0xffff;
	vm0 =	vnez.u8 v44  }
0x236: {  	v3 =	vsel vm1, v3, v43;
	(v2sf) =	vpush v12, $0x4;
	v42 =	vld.msk [tilespmem:s18+$0x0 ss:$0x0], $0xffff;
	vm2 =	vmmov vm0  }
0x237: {  	vm15 =	vmmov vm5;
	vm5 =	vgt.f32 v3, $0.0e+00;
	s31 =	spop (v2sf);
	v11 =	vld.msk [tilespmem:s22+$0x0 ss:$0x0], $0xffff;
	v23 =	vsel vm2, $0xFFFFFFFF, v45  }
0x238: {  	v3 =	vsel vm7, v62, v34;
	v43 =	vld.msk [tilespmem:s31+$0x0 ss:$0x0], $0xffff;
	v19 =	vnsel vm3, $0x0, v40;
	vm0 =	vnez.u8 v47;
	[tilespmem:$0x1FEF0] =	vst v23  }
0x239: {  	v13 =	vnsel vm5, $0x0, v13;
	(v2sf) =	vpush v12, $0x5;
	vm7 =	vmmov vm0;
	[tilespmem:s11+$0x0] =	vst v19  }
0x23a: {  	(v2sf) =	vpush v12, $0x6;
	v10 =	vnsel vm7, $0x0, v10;
	[tilespmem:s15+$0xFFFFFFF0] =	vst v13  }
0x23b: {  	(v2sf) =	vpush v12, $0x7;
	v13 =	vld [tilespmem:$0x1FF20];
	[tilespmem:s14+$0xFFFFFFF0] =	vst v10  }
0x23c: {  	(v2sf) =	vpush v12, $0x8;
	v10 =	vld [tilespmem:$0x1FF30]  }
0x23d: {  	(v2sf) =	vpush v12, $0x9  }
0x23e: {  	s1 =	spop (v2sf);
	(v2sf) =	vpush v12, $0xA  }
0x23f: {  	s12 =	simm.s32 $0x10470;
	s3 =	spop (v2sf);
	(v2sf) =	vpush v12, $0xB  }
0x240: {  	(v2sf) =	vpush v12, $0xC;
	s19 =	spop (v2sf);
	vm1 =	vnez.u8 v13;
	v13 =	vld [tilespmem:s12+$0x0]  }
0x241: {  	v9 =	vnsel vm2, $0x0, v9;
	s20 =	spop (v2sf);
	v23 =	vld.msk [tilespmem:s1+$0x0 ss:$0x0], $0xffff;
	v3 =	vsel vm1, v3, v14;
	vm2 =	vnez.u8 v10  }
0x242: {  	(v2sf) =	vpush v12, $0xD;
	s21 =	spop (v2sf);
	v46 =	vld.msk [tilespmem:s3+$0x0 ss:$0x0], $0xffff;
	v3 =	vsel vm2, v3, v7  }
0x243: {  	(v2sf) =	vpush v12, $0xE;
	v48 =	vld [tilespmem:s17+$0xFFFFFFF0];
	s18 =	spop (v2sf);
	v3 =	vsel vm15, v3, v8  }
0x244: {  	(v2sf) =	vpush v12, $0xF;
	v12 =	vld.msk [tilespmem:s20+$0x0 ss:$0x0], $0xffff;
	s22 =	spop (v2sf);
	[tilespmem:s9+$0xFFFFFFF0] =	vst v9;
	v3 =	vsel vm8, v3, v15  }
0x245: {  	s26 =	spop (v2sf);
	v9 =	vld [tilespmem:s8+$0xFFFFFFF0];
	v3 =	vsel vm14, v3, v36;
	v13 =	vnsel vm3, $0x0, v13  }
0x246: {  	v51 =	vld.msk [tilespmem:s26+$0x0 ss:$0x0], $0xffff;
	v3 =	vsel vm13, v3, v37;
	[tilespmem:s12+$0x0] =	vst v13  }
0x247: {  	v14 =	vsel vm11, v3, v38;
	v3 =	vld [tilespmem:$0x1FEB0]  }
0x248: {  	s31 =	spop (v2sf);
	v49 =	vld [tilespmem:$0x1FEC0]  }
0x249: {  	s1 =	spop (v2sf);
	v53 =	vld.msk [tilespmem:s31+$0x0 ss:$0x0], $0xffff  }
0x24a: {  	v57 =	vld.msk [tilespmem:s1+$0x0 ss:$0x0], $0xffff  }
0x24b: {  	v10 =	vld [tilespmem:s19+$0x0]  }
0x24c: {  	vm6 =	vmmov vm4;
	v7 =	vld [tilespmem:s16+$0xFFFFFFF0];
	vm4 =	vnez.u8 v3  }
0x24d: {  	v8 =	vld [tilespmem:s13+$0xFFFFFFF0];
	v3 =	vsel vm4, $0x3F800000, v0;
	vm4 =	vnez.u8 v49  }
0x24e: {  	(v2sf) =	vpush v6, $0x0;
	v16 =	vnsel vm4, $0x0, v2;
	v2 =	vld [tilespmem:$0x1FFA0]  }
0x24f: {  	(v2sf) =	vpush v6, $0x2;
	v52 =	vld [tilespmem:$0x1FED0]  }
0x250: {  	(v2sf) =	vpush v6, $0x3;
	v13 =	vld.msk [tilespmem:s21+$0x0 ss:$0x0], $0xffff  }
0x251: {  	(v2sf) =	vpush v6, $0x4;
	v56 =	vld [tilespmem:$0x1FF50]  }
0x252: {  	v60 =	vsel vm3, $0x3F800000, v0;
	s9 =	simm.s32 $0x11870;
	(v2sf) =	vpush v6, $0x5;
	v55 =	vld [tilespmem:$0x1FEE0]  }
0x253: {  	(v2sf) =	vpush v6, $0x6;
	v15 =	vld [tilespmem:s9+$0x0];
	v14 =	vsel vm12, v14, v39;
	vm8 =	vnez.u8 v2  }
0x254: {  	s26 =	simm.s32 $0x12C10;
	v59 =	vld [tilespmem:$0x1FF70];
	[tilespmem:s0+$0x0] =	vst v16;
	v2 =	vsel vm8, v14, v11;
	v14 =	vsel vm4, $0x3F800000, v0;
	vm4 =	vnez.u8 v52  }
0x255: {  	s3 =	spop (v2sf);
	v11 =	vld.msk [tilespmem:s22+$0x0 ss:$0x0], $0xffff;
	v50 =	vsel vm10, v2, v41;
	v2 =	vsel vm0, $0x3F800000, v0;
	v20 =	vnsel vm4, $0x0, v4;
	[tilespmem:s26+$0x0] =	vst v14  }
0x256: {  	s19 =	spop (v2sf);
	v54 =	vsel vm4, $0x3F800000, v0;
	vm0 =	vnez.u8 v56;
	v4 =	vsel vm6, v50, v42;
	v14 =	vld [tilespmem:$0x1FEF0];
	[tilespmem:s4+$0x0] =	vst v20  }
0x257: {  	s20 =	spop (v2sf);
	vm4 =	vnez.u8 v55;
	v4 =	vsel vm0, v4, v43;
	vm0 =	vcmask $0x704;
	v61 =	vld [tilespmem:$0x1FFB0]  }
0x258: {  	s21 =	spop (v2sf);
	v5 =	vnsel vm4, $0x0, v5;
	v58 =	vsel vm4, $0x3F800000, v0;
	v10 =	vsel vm0, v13, v10;
	v13 =	vld.msk [tilespmem:s3+$0x0 ss:$0x0], $0xffff  }
0x259: {  	vm4 =	vnez.u8 v59;
	v4 =	vsel vm9, v4, v23;
	v10 =	vsel vm1, v10, v12;
	v12 =	vld.msk [tilespmem:s19+$0x0 ss:$0x0], $0xffff;
	s19 =	spop (v2sf)  }
0x25a: {  	s14 =	simm.s32 $0x12C30;
	v4 =	vsel vm4, v4, v46;
	vm1 =	vmmov vm5;
	v10 =	vsel vm2, v10, v11;
	v11 =	vld.msk [tilespmem:s20+$0x0 ss:$0x0], $0xffff;
	s22 =	spop (v2sf)  }
0x25b: {  	v15 =	vnsel vm3, $0x0, v15;
	[tilespmem:s14+$0x0] =	vst v54;
	vm3 =	vgt.f32 v4, $0.0e+00;
	v62 =	vld.msk [tilespmem:s19+$0x0 ss:$0x0], $0xffff;
	v7 =	vnsel vm1, $0x0, v7;
	s31 =	spop (v2sf)  }
0x25c: {  	s15 =	simm.s32 $0x12C50;
	[tilespmem:s7+$0x0] =	vst v5;
	vm0 =	vnez.u8 v14;
	v10 =	vsel vm15, v10, v51;
	v14 =	vld.msk [tilespmem:s21+$0x0 ss:$0x0], $0xffff;
	vm2 =	vnez.u8 v61;
	s20 =	spop (v2sf)  }
0x25d: {  	[tilespmem:s15+$0x0] =	vst v58;
	v63 =	vld.msk [tilespmem:s22+$0x0 ss:$0x0], $0xffff;
	vm4 =	vmmov vm0;
	vm0 =	vmmov vm7;
	v10 =	vsel vm2, v10, v53;
	s1 =	spop (v2sf)  }
0x25e: {  	v19 =	vnsel vm3, $0x0, v48;
	[tilespmem:s16+$0xFFFFFFF0] =	vst v7;
	v8 =	vnsel vm0, $0x0, v8;
	v10 =	vsel vm14, v10, v57;
	v7 =	vld.msk [tilespmem:s1+$0x0 ss:$0x0], $0xffff  }
0x25f: {  	vm2 =	vmmov vm4;
	[tilespmem:s13+$0xFFFFFFF0] =	vst v8;
	v8 =	vimm.s32 $0x0;
	v10 =	vsel vm13, v10, v13;
	v13 =	vld.msk [tilespmem:s31+$0x0 ss:$0x0], $0xffff  }
0x260: {  	[tilespmem:s17+$0xFFFFFFF0] =	vst v19;
	v8 =	vsel vm2, $0xFFFFFFFF, v8;
	v10 =	vsel vm11, v10, v12;
	v12 =	vld.msk [tilespmem:s20+$0x0 ss:$0x0], $0xffff  }
0x261: {  	v10 =	vsel vm12, v10, v11;
	v11 =	vnsel vm4, $0x0, v9;
	v9 =	vld.msk [tilespmem:s18+$0x0 ss:$0x0], $0xffff;
	[tilespmem:$0x1FF00] =	vst v8  }
0x262: {  	vm0 =	vmmov vm0;
	[tilespmem:s8+$0xFFFFFFF0] =	vst v11;
	v11 =	vimm.s32 $0x0  }
0x263: {  	s3 =	spop (v2sf);
	v10 =	vsel vm8, v10, v14;
	v11 =	vsel vm0, $0xFFFFFFFF, v11  }
0x264: {  	(v2sf) =	vpush v6, $0x7;
	v8 =	vsel vm10, v10, v62;
	v10 =	vld [tilespmem:s3+$0x0];
	[tilespmem:$0x1FF10] =	vst v11  }
0x265: {  	(v2sf) =	vpush v6, $0x8;
	[tilespmem:s9+$0x0] =	vst v15  }
0x266: {  	(v2sf) =	vpush v6, $0x9;
	v14 =	vld [tilespmem:$0x1FF50]  }
0x267: {  	(v2sf) =	vpush v6, $0xA  }
0x268: {  	s21 =	spop (v2sf);
	(v2sf) =	vpush v6, $0xB  }
0x269: {  	v4 =	vsel vm5, $0x3F800000, v0;
	vm1 =	vmmov vm1;
	s31 =	spop (v2sf);
	(v2sf) =	vpush v6, $0xC  }
0x26a: {  	s29 =	simm.s32 $0x8;
	s28 =	simm.s32 $0xC890;
	v5 =	vsel vm3, $0x3F800000, v0;
	vm2 =	vmmov vm3;
	s20 =	spop (v2sf);
	(v2sf) =	vpush v6, $0xD  }
0x26b: {  	s30 =	simm.s32 $0x8CB0;
	s19 =	simm.s32 $0xDC70;
	s22 =	spop (v2sf);
	(v2sf) =	vpush v6, $0xE;
	v11 =	vsel vm6, v8, v63;
	v8 =	vld [tilespmem:s28+$0x0];
	vm0 =	vnez.u8 v14  }
0x26c: {  	s16 =	simm.s32 $0x11870;
	vm4 =	vcmask $0x704;
	s8 =	simm.s32 $0x12C70;
	v13 =	vsel vm0, v11, v13;
	v11 =	vld.msk [tilespmem:s21+$0x0 ss:$0x0], $0xffff;
	s21 =	spop (v2sf);
	(v2sf) =	vpush v6, $0xF  }
0x26d: {  	s17 =	simm.s32 $0x10470;
	s13 =	simm.s32 $0x12C70;
	s18 =	simm.s32 $0xF070;
	[tilespmem:s8+$0x0] =	vst v60;
	v6 =	vld.msk [tilespmem:s31+$0x0 ss:$0x0], $0xffff;
	vm0 =	vmmov vm1;
	vm1 =	vmmov vm2;
	v12 =	vsel vm9, v13, v12  }
.LBB2_14:
0x26e: {  	v14 =	vld [tilespmem:$0x1FF70];
	_ =	sdelay $0x4  }
0x26f: {  	vm15 =	vnez.u8 v14  }
0x270: {  	v7 =	vsel vm15, v12, v7  }
0x271: {  	vm3 =	vgt.f32 v7, $0.0e+00  }
0x272: {  	v13 =	vld [tilespmem:s30+$0x0];
	v8 =	vnsel vm3, $0x0, v8  }
0x273: {  	[tilespmem:s28+$0x0] =	vst v8;
	v8 =	vld [tilespmem:$0x1FF20];
	_ =	sdelay $0x4  }
0x274: {  	v15 =	vld [tilespmem:$0x1FF40];
	v9 =	vsel vm4, v9, v10;
	vm2 =	vnez.u8 v8  }
0x275: {  	s10 =	sadd.s32 $0x20, s10;
	v8 =	vsel vm2, v9, v11;
	v11 =	vadd.s32 $0x7800, v13;
	v13 =	vld [tilespmem:$0x1FF30]  }
0x276: {  	v9 =	vld [tilespmem:s10+$0x0];
	_ =	sdelay $0x2  }
0x277: {  	v10 =	vld.msk [tilespmem:s22+$0x0 ss:$0x0], $0xffff  }
0x278: {  	v7 =	vld.msk [tilespmem:s20+$0x0 ss:$0x0], $0xffff;
	vm2 =	vnez.u8 v13  }
0x279: {  	v9 =	vnsel vm3, $0x0, v9;
	v8 =	vsel vm2, v8, v6;
	vm2 =	vnez.u8 v15;
	v15 =	vld [tilespmem:$0x1FFB0]  }
0x27a: {  	[tilespmem:s10+$0x0] =	vst v9;
	v9 =	vld [tilespmem:$0x1FFC0]  }
0x27b: {  	v13 =	vld.msk [tilespmem:s21+$0x0 ss:$0x0], $0xffff;
	_ =	sdelay $0x2  }
0x27c: {  	v7 =	vsel vm2, v8, v7;
	vm11 =	vnez.u8 v15  }
0x27d: {  	v12 =	vld [tilespmem:s30+$0xFFFFFFF0];
	vm13 =	vnez.u8 v9;
	v7 =	vsel vm11, v7, v10  }
0x27e: {  	v7 =	vsel vm13, v7, v13;
	v13 =	vld [tilespmem:$0x1FFD0];
	_ =	sdelay $0x2  }
0x27f: {  	s31 =	spop (v2sf)  }
0x280: {  	v6 =	vadd.s32 $0x7800, v12;
	v12 =	vld.msk [tilespmem:s31+$0x0 ss:$0x0], $0xffff  }
0x281: {  	s3 =	spop (v2sf);
	vm12 =	vnez.u8 v13;
	v13 =	vld [tilespmem:$0x1FFE0]  }
0x282: {  	v14 =	vld.msk [tilespmem:s3+$0x0 ss:$0x0], $0xffff;
	_ =	sdelay $0x3  }
0x283: {  	v7 =	vsel vm12, v7, v12;
	vm8 =	vnez.u8 v13  }
0x284: {  	v7 =	vsel vm8, v7, v14;
	v14 =	vld [tilespmem:$0x1FFF0];
	_ =	sdelay $0x4  }
0x285: {  	vm7 =	vnez.u8 v14;
	v14 =	vld [tilespmem:$0x1FFA0];
	_ =	sdelay $0x1  }
0x286: {  	s20 =	spop (v2sf)  }
0x287: {  	s22 =	spop (v2sf);
	v8 =	vld.msk [tilespmem:s20+$0x0 ss:$0x0], $0xffff  }
0x288: {  	v10 =	vld.msk [tilespmem:s22+$0x0 ss:$0x0], $0xffff  }
0x289: {  	s1 =	spop (v2sf);
	vm9 =	vnez.u8 v14;
	v14 =	vld [tilespmem:$0x1FF90]  }
0x28a: {  	v15 =	vld.msk [tilespmem:s1+$0x0 ss:$0x0], $0xffff;
	_ =	sdelay $0x2  }
0x28b: {  	v7 =	vsel vm7, v7, v8  }
0x28c: {  	v7 =	vsel vm9, v7, v10;
	vm10 =	vnez.u8 v14  }
0x28d: {  	s11 =	sadd.s32 $0x20, s11;
	s21 =	spop (v2sf);
	(v2sf) =	vpush v11, $0x0;
	v7 =	vsel vm10, v7, v15;
	v15 =	vld [tilespmem:$0x1FF80]  }
0x28e: {  	v9 =	vld [tilespmem:s11+$0x0];
	_ =	sdelay $0x1  }
0x28f: {  	s31 =	spop (v2sf);
	(v2sf) =	vpush v11, $0x2  }
0x290: {  	s3 =	spop (v2sf);
	(v2sf) =	vpush v11, $0x1  }
0x291: {  	vm14 =	vnez.u8 v15;
	v15 =	vld [tilespmem:$0x1FF50]  }
0x292: {  	v9 =	vnsel vm3, $0x0, v9  }
0x293: {  	s20 =	spop (v2sf);
	(v2sf) =	vpush v6, $0x1;
	[tilespmem:s11+$0x0] =	vst v9;
	v9 =	vld [tilespmem:s19+$0xFFFFFFF0]  }
0x294: {  	(v2sf) =	vpush v11, $0x3;
	v12 =	vld.msk [tilespmem:s21+$0x0 ss:$0x0], $0xffff  }
0x295: {  	(v2sf) =	vpush v11, $0x4;
	v13 =	vld.msk [tilespmem:s31+$0x0 ss:$0x0], $0xffff  }
0x296: {  	(v2sf) =	vpush v11, $0x5;
	vm5 =	vnez.u8 v15;
	v15 =	vld [tilespmem:$0x1FF60]  }
0x297: {  	(v2sf) =	vpush v11, $0x6;
	v8 =	vld.msk [tilespmem:s3+$0x0 ss:$0x0], $0xffff  }
0x298: {  	(v2sf) =	vpush v11, $0x7;
	v10 =	vld.msk [tilespmem:s20+$0x0 ss:$0x0], $0xffff  }
0x299: {  	s12 =	sadd.s32 $0x20, s12;
	(v2sf) =	vpush v11, $0x8;
	v14 =	vld [tilespmem:s28+$0xFFFFFFF0]  }
0x29a: {  	(v2sf) =	vpush v11, $0x9;
	v7 =	vsel vm14, v7, v12;
	v12 =	vld [tilespmem:s12+$0x0]  }
0x29b: {  	(v2sf) =	vpush v11, $0xA;
	s21 =	spop (v2sf);
	v7 =	vsel vm5, v7, v13;
	v13 =	vld [tilespmem:s5+$0xFFFFFFF0];
	vm6 =	vnez.u8 v15  }
0x29c: {  	(v2sf) =	vpush v11, $0xB;
	v15 =	vld [tilespmem:s21+$0x0];
	v7 =	vsel vm6, v7, v8  }
0x29d: {  	(v2sf) =	vpush v11, $0xC;
	v8 =	vld [tilespmem:s2+$0xFFFFFFF0];
	v7 =	vsel vm15, v7, v10  }
0x29e: {  	(v2sf) =	vpush v11, $0xD;
	s22 =	spop (v2sf);
	v10 =	vld [tilespmem:s0+$0xFFFFFFF0];
	vm4 =	vgt.f32 v7, $0.0e+00;
	v7 =	vnsel vm1, $0x0, v9  }
0x29f: {  	(v2sf) =	vpush v11, $0xE;
	s31 =	spop (v2sf);
	v12 =	vnsel vm3, $0x0, v12;
	v9 =	vld.msk [tilespmem:s22+$0x0 ss:$0x0], $0xffff;
	[tilespmem:s19+$0xFFFFFFF0] =	vst v7  }
0x2a0: {  	(v2sf) =	vpush v11, $0xF;
	v11 =	vnsel vm4, $0x0, v14;
	v7 =	vld.msk [tilespmem:s31+$0x0 ss:$0x0], $0xffff;
	[tilespmem:s12+$0x0] =	vst v12  }
0x2a1: {  	v12 =	vnsel vm0, $0x0, v13;
	v13 =	vld [tilespmem:$0x1FF10];
	[tilespmem:s28+$0xFFFFFFF0] =	vst v11  }
0x2a2: {  	[tilespmem:s5+$0xFFFFFFF0] =	vst v12;
	v12 =	vld [tilespmem:$0x1FF00];
	_ =	sdelay $0x3  }
0x2a3: {  	vm2 =	vmmov vm1  }
0x2a4: {  	vm1 =	vmmov vm0;
	vm0 =	vnez.u8 v13;
	vm15 =	vnez.u8 v12  }
0x2a5: {  	v12 =	vimm.s32 $0x0;
	v10 =	vnsel vm15, $0x0, v10;
	vm15 =	vmmov vm0  }
0x2a6: {  	v14 =	vsel vm4, $0x3F800000, v0;
	v12 =	vsel vm15, $0xFFFFFFFF, v12  }
0x2a7: {  	vm15 =	vmmov vm1;
	vm1 =	vmmov vm4;
	vm4 =	vcmask $0x704  }
0x2a8: {  	v7 =	vsel vm4, v7, v15;
	v15 =	vld [tilespmem:$0x1FF20]  }
0x2a9: {  	s20 =	spop (v2sf)  }
0x2aa: {  	s9 =	sadd.s32 $0x20, s9;
	s3 =	spop (v2sf)  }
0x2ab: {  	s21 =	spop (v2sf);
	v11 =	vld [tilespmem:s9+$0x0]  }
0x2ac: {  	s22 =	spop (v2sf);
	v13 =	vld.msk [tilespmem:s3+$0x0 ss:$0x0], $0xffff;
	v8 =	vnsel vm0, $0x0, v8  }
0x2ad: {  	s31 =	spop (v2sf);
	[tilespmem:s2+$0xFFFFFFF0] =	vst v8;
	vm0 =	vmmov vm2;
	vm2 =	vnez.u8 v15;
	v15 =	vld [tilespmem:$0x1FF30]  }
0x2ae: {  	[tilespmem:s0+$0xFFFFFFF0] =	vst v10;
	v10 =	vld.msk [tilespmem:s31+$0x0 ss:$0x0], $0xffff  }
0x2af: {  	(v2sf) =	vpush v6, $0x0;
	s3 =	spop (v2sf);
	v8 =	vimm.s32 $0x0;
	[tilespmem:$0x1FF00] =	vst v12;
	v12 =	vld.msk [tilespmem:s21+$0x0 ss:$0x0], $0xffff  }
0x2b0: {  	v8 =	vsel vm15, $0xFFFFFFFF, v8;
	[tilespmem:s26+$0xFFFFFFF0] =	vst v3;
	v3 =	vmovc v2;
	v2 =	vmovc v4;
	v4 =	vmov v5;
	v5 =	vmov v14;
	v14 =	vld.msk [tilespmem:s3+$0x0 ss:$0x0], $0xffff  }
0x2b1: {  	(v2sf) =	vpush v6, $0x2;
	v11 =	vnsel vm3, $0x0, v11;
	s21 =	spop (v2sf);
	[tilespmem:$0x1FF10] =	vst v8;
	v8 =	vld.msk [tilespmem:s22+$0x0 ss:$0x0], $0xffff  }
0x2b2: {  	(v2sf) =	vpush v6, $0x3;
	s22 =	spop (v2sf);
	v7 =	vsel vm2, v7, v9;
	v9 =	vld.msk [tilespmem:s21+$0x0 ss:$0x0], $0xffff;
	[tilespmem:s9+$0x0] =	vst v11;
	vm2 =	vnez.u8 v15  }
0x2b3: {  	s8 =	sadd.s32 $0x20, s8;
	(v2sf) =	vpush v6, $0x4;
	v11 =	vsel vm3, $0x3F800000, v0;
	v7 =	vsel vm2, v7, v13;
	v13 =	vld.msk [tilespmem:s22+$0x0 ss:$0x0], $0xffff  }
0x2b4: {  	(v2sf) =	vpush v6, $0x5;
	[tilespmem:s8+$0x0] =	vst v11;
	v11 =	vld [tilespmem:$0x1FF40]  }
0x2b5: {  	(v2sf) =	vpush v6, $0x6;
	_ =	sdelay $0x1  }
0x2b6: {  	(v2sf) =	vpush v6, $0x7  }
0x2b7: {  	(v2sf) =	vpush v6, $0x8;
	s31 =	spop (v2sf)  }
0x2b8: {  	(v2sf) =	vpush v6, $0x9;
	s3 =	spop (v2sf);
	vm2 =	vnez.u8 v11  }
0x2b9: {  	(v2sf) =	vpush v6, $0xA;
	s21 =	spop (v2sf);
	v11 =	vld.msk [tilespmem:s31+$0x0 ss:$0x0], $0xffff;
	v7 =	vsel vm2, v7, v12  }
0x2ba: {  	s29 =	sadd.s32 $0x2, s29;
	(v2sf) =	vpush v6, $0xB;
	s22 =	spop (v2sf);
	v12 =	vld.msk [tilespmem:s21+$0x0 ss:$0x0], $0xffff;
	v7 =	vsel vm11, v7, v8  }
0x2bb: {  	p0 =	slt.u32 s29, $0x13A;
	(v2sf) =	vpush v6, $0xC;
	s31 =	spop (v2sf);
	v8 =	vld.msk [tilespmem:s3+$0x0 ss:$0x0], $0xffff;
	v7 =	vsel vm13, v7, v10  }
0x2bc: {  	s30 =	sadd.s32 $0x20, s30;
	s19 =	smov.u32 s10;
	(v2sf) =	vpush v6, $0xD;
	v15 =	vld.msk [tilespmem:s31+$0x0 ss:$0x0], $0xffff;
	s3 =	spop (v2sf);
	v7 =	vsel vm12, v7, v14  }
0x2bd: {  	s28 =	sadd.s32 $0x20, s28;
	s5 =	smov.u32 s18;
	(v2sf) =	vpush v6, $0xE;
	s21 =	spop (v2sf);
	v14 =	vld.msk [tilespmem:s22+$0x0 ss:$0x0], $0xffff;
	v7 =	vsel vm8, v7, v9  }
0x2be: {  	s18 =	smov.u32 s11;
	s2 =	smov.u32 s6;
	s6 =	smov.u32 s17;
	(v2sf) =	vpush v6, $0xF;
	v10 =	vld [tilespmem:s21+$0x0];
	v6 =	vsel vm7, v7, v13  }
.Ltmp14:
0x2bf: {  	s17 =	smov.u32 s12;
	s22 =	spop (v2sf);
	v9 =	vld.msk [tilespmem:s20+$0x0 ss:$0x0], $0xffff;
	v6 =	vsel vm9, v6, v11;
	(pc) =	sbr.rel @p0 .LBB2_14-.Ltmp14, $4  }
0x2c0: {  	s0 =	smov.u32 s4;
	s4 =	smov.u32 s7;
	s31 =	spop (v2sf);
	v7 =	vld.msk [tilespmem:s3+$0x0 ss:$0x0], $0xffff;
	v6 =	vsel vm10, v6, v8  }
0x2c1: {  	s7 =	smov.u32 s16;
	s16 =	smov.u32 s9;
	s20 =	spop (v2sf);
	v11 =	vld.msk [tilespmem:s22+$0x0 ss:$0x0], $0xffff;
	v6 =	vsel vm14, v6, v12  }
0x2c2: {  	s26 =	smov.u32 s14;
	s14 =	smov.u32 s15;
	s22 =	spop (v2sf);
	v8 =	vld [tilespmem:s28+$0x0];
	v12 =	vsel vm5, v6, v14  }
0x2c3: {  	s15 =	smov.u32 s13;
	s13 =	smov.u32 s8;
	s21 =	spop (v2sf);
	v6 =	vld.msk [tilespmem:s31+$0x0 ss:$0x0], $0xffff;
	v12 =	vsel vm6, v12, v15  }
0x2c4: {  	v13 =	vld.msk [tilespmem:s20+$0x0 ss:$0x0], $0xffff  }
0x2c5: {  	v14 =	vld.msk [tilespmem:s22+$0x0 ss:$0x0], $0xffff  }
0x2c6: {  	v15 =	vld.msk [tilespmem:s21+$0x0 ss:$0x0], $0xffff  }
0x2c7: {  	v16 =	vld [tilespmem:$0x1FF20]  }
0x2c8: {  	v24 =	vld [tilespmem:$0x1FF30]  }
0x2c9: {  	v26 =	vld [tilespmem:$0x1FF40]  }
0x2ca: {  	v28 =	vld [tilespmem:$0x1FFB0]  }
0x2cb: {  	v30 =	vld [tilespmem:$0x1FFC0]  }
0x2cc: {  	v32 =	vld [tilespmem:$0x1FFD0]  }
0x2cd: {  	v34 =	vld [tilespmem:$0x1FFE0]  }
0x2ce: {  	v36 =	vld [tilespmem:$0x1FFF0]  }
0x2cf: {  	v38 =	vld [tilespmem:$0x1FFA0]  }
0x2d0: {  	v39 =	vld [tilespmem:$0x1FF90]  }
0x2d1: {  	v40 =	vld [tilespmem:$0x1FF80]  }
0x2d2: {  	v42 =	vld [tilespmem:$0x1FF50]  }
0x2d3: {  	v43 =	vld [tilespmem:$0x1FF70]  }
0x2d4: {  	v9 =	vsel vm4, v9, v10;
	vm6 =	vmmov vm0;
	v44 =	vld [tilespmem:$0x1FF60];
	s1 =	spop (v2sf);
	vm0 =	vnez.u8 v16  }
0x2d5: {  	v22 =	vld.msk [tilespmem:s1+$0x0 ss:$0x0], $0xffff;
	s3 =	spop (v2sf);
	v9 =	vsel vm0, v9, v11;
	vm0 =	vnez.u8 v24  }
0x2d6: {  	v23 =	vld.msk [tilespmem:s3+$0x0 ss:$0x0], $0xffff;
	s20 =	spop (v2sf);
	v6 =	vsel vm0, v9, v6;
	vm0 =	vnez.u8 v26  }
0x2d7: {  	v25 =	vld.msk [tilespmem:s20+$0x0 ss:$0x0], $0xffff;
	s21 =	spop (v2sf);
	v6 =	vsel vm0, v6, v13;
	vm0 =	vnez.u8 v28  }
0x2d8: {  	v27 =	vld.msk [tilespmem:s21+$0x0 ss:$0x0], $0xffff;
	s22 =	spop (v2sf);
	v6 =	vsel vm0, v6, v14;
	vm0 =	vnez.u8 v30  }
0x2d9: {  	v29 =	vld.msk [tilespmem:s22+$0x0 ss:$0x0], $0xffff;
	s29 =	spop (v2sf);
	v6 =	vsel vm0, v6, v15;
	vm0 =	vnez.u8 v32  }
0x2da: {  	vm15 =	vnez.u8 v34;
	v31 =	vld.msk [tilespmem:s29+$0x0 ss:$0x0], $0xffff;
	s30 =	spop (v2sf);
	v6 =	vsel vm0, v6, v22  }
0x2db: {  	vm12 =	vnez.u8 v36;
	v33 =	vld.msk [tilespmem:s30+$0x0 ss:$0x0], $0xffff;
	s31 =	spop (v2sf);
	v6 =	vsel vm15, v6, v23  }
0x2dc: {  	vm11 =	vnez.u8 v38;
	v35 =	vld.msk [tilespmem:s31+$0x0 ss:$0x0], $0xffff;
	s3 =	spop (v2sf);
	v6 =	vsel vm12, v6, v25  }
0x2dd: {  	vm8 =	vnez.u8 v39;
	v37 =	vld.msk [tilespmem:s3+$0x0 ss:$0x0], $0xffff;
	v6 =	vsel vm11, v6, v27  }
0x2de: {  	vm13 =	vnez.u8 v40;
	v6 =	vsel vm8, v6, v29  }
0x2df: {  	v41 =	vld [tilespmem:s28+$0xFFFFFFF0];
	vm14 =	vnez.u8 v42;
	v6 =	vsel vm13, v6, v31  }
0x2e0: {  	v45 =	vld [tilespmem:s19+$0xFFFFFFF0];
	vm10 =	vnez.u8 v43;
	vm9 =	vnez.u8 v44;
	v6 =	vsel vm14, v6, v33  }
0x2e1: {  	v7 =	vsel vm10, v12, v7;
	v6 =	vsel vm9, v6, v35  }
0x2e2: {  	vm3 =	vgt.f32 v7, $0.0e+00;
	v6 =	vsel vm10, v6, v37  }
0x2e3: {  	v7 =	vnsel vm3, $0x0, v8;
	vm7 =	vgt.f32 v6, $0.0e+00  }
0x2e4: {  	s10 =	sadd.s32 $0x20, s10;
	v48 =	vld [tilespmem:s5+$0xFFFFFFF0];
	[tilespmem:s28+$0x0] =	vst v7;
	v6 =	vnsel vm7, $0x0, v41  }
0x2e5: {  	v8 =	vnsel vm1, $0x0, v45;
	v46 =	vld [tilespmem:s10+$0x0];
	[tilespmem:s28+$0xFFFFFFF0] =	vst v6  }
0x2e6: {  	[tilespmem:s19+$0xFFFFFFF0] =	vst v8;
	v47 =	vld [tilespmem:s10+$0xFFFFFFF0]  }
0x2e7: {  	v8 =	vld [tilespmem:s18+$0xFFFFFFF0];
	_ =	sdelay $0x1  }
0x2e8: {  	v9 =	vnsel vm6, $0x0, v48  }
0x2e9: {  	[tilespmem:s5+$0xFFFFFFF0] =	vst v9;
	vm10 =	vmmov vm7;
	v6 =	vnsel vm3, $0x0, v46  }
0x2ea: {  	vm2 =	vmmov vm1;
	s3 =	sadd.s32 $0x20, s11;
	[tilespmem:s10+$0x0] =	vst v6;
	v7 =	vnsel vm10, $0x0, v47  }
0x2eb: {  	v8 =	vnsel vm2, $0x0, v8;
	v50 =	vld [tilespmem:s3+$0x0];
	[tilespmem:s10+$0xFFFFFFF0] =	vst v7  }
0x2ec: {  	[tilespmem:s18+$0xFFFFFFF0] =	vst v8;
	v51 =	vld [tilespmem:s3+$0xFFFFFFF0]  }
0x2ed: {  	v8 =	vld [tilespmem:$0x1FF10]  }
0x2ee: {  	v49 =	vld [tilespmem:s2+$0xFFFFFFF0];
	_ =	sdelay $0x2  }
0x2ef: {  	vm5 =	vmmov vm10;
	v54 =	vnsel vm3, $0x0, v50  }
0x2f0: {  	[tilespmem:s3+$0x0] =	vst v54;
	vm1 =	vnez.u8 v8;
	v57 =	vnsel vm5, $0x0, v51  }
0x2f1: {  	v6 =	vnsel vm1, $0x0, v49;
	[tilespmem:s3+$0xFFFFFFF0] =	vst v57  }
0x2f2: {  	v53 =	vld [tilespmem:s6+$0xFFFFFFF0];
	[tilespmem:s2+$0xFFFFFFF0] =	vst v6  }
0x2f3: {  	v8 =	vld [tilespmem:$0x1FF00]  }
0x2f4: {  	v52 =	vld [tilespmem:s0+$0xFFFFFFF0];
	_ =	sdelay $0x1  }
0x2f5: {  	s12 =	sadd.s32 $0x20, s12;
	v55 =	vld [tilespmem:s17+$0xFFFFFFF0]  }
0x2f6: {  	vm11 =	vmmov vm6;
	v58 =	vld [tilespmem:s12+$0x0]  }
0x2f7: {  	v59 =	vnsel vm11, $0x0, v53;
	v56 =	vld [tilespmem:s4+$0xFFFFFFF0];
	vm0 =	vnez.u8 v8  }
0x2f8: {  	v60 =	vld [tilespmem:s12+$0xFFFFFFF0];
	[tilespmem:s6+$0xFFFFFFF0] =	vst v59;
	v8 =	vnsel vm0, $0x0, v52  }
0x2f9: {  	vm2 =	vmmov vm2;
	[tilespmem:s0+$0xFFFFFFF0] =	vst v8  }
0x2fa: {  	v7 =	vnsel vm2, $0x0, v55;
	[tilespmem:s26+$0xFFFFFFF0] =	vst v3;
	v3 =	vld [tilespmem:s7+$0xFFFFFFF0]  }
0x2fb: {  	v61 =	vnsel vm3, $0x0, v58;
	[tilespmem:s17+$0xFFFFFFF0] =	vst v7;
	vm0 =	vmmov vm1  }
0x2fc: {  	[tilespmem:s12+$0x0] =	vst v61;
	v7 =	vld [tilespmem:s16+$0xFFFFFFF0];
	v6 =	vnsel vm0, $0x0, v56;
	vm0 =	vmmov vm5  }
0x2fd: {  	s18 =	sadd.s32 $0x20, s9;
	[tilespmem:s4+$0xFFFFFFF0] =	vst v6;
	v62 =	vnsel vm0, $0x0, v60  }
0x2fe: {  	v63 =	vld [tilespmem:s18+$0x0];
	vm1 =	vmmov vm11;
	[tilespmem:s12+$0xFFFFFFF0] =	vst v62  }
0x2ff: {  	[tilespmem:s14+$0xFFFFFFF0] =	vst v2;
	v2 =	vnsel vm1, $0x0, v3  }
0x300: {  	v3 =	vld [tilespmem:s18+$0xFFFFFFF0];
	vm1 =	vmmov vm2;
	[tilespmem:s7+$0xFFFFFFF0] =	vst v2  }
0x301: {  	v2 =	vnsel vm1, $0x0, v7;
	[tilespmem:s15+$0xFFFFFFF0] =	vst v4  }
0x302: {  	[tilespmem:s16+$0xFFFFFFF0] =	vst v2  }
0x303: {  	v2 =	vnsel vm3, $0x0, v63;
	[tilespmem:s13+$0xFFFFFFF0] =	vst v5  }
0x304: {  	s19 =	sadd.s32 $0x20, s8;
	vm0 =	vmmov vm0;
	[tilespmem:s18+$0x0] =	vst v2;
	v2 =	vsel vm3, $0x3F800000, v0  }
0x305: {  	[tilespmem:s19+$0x0] =	vst v2;
	v3 =	vnsel vm0, $0x0, v3  }
0x306: {  	[tilespmem:s18+$0xFFFFFFF0] =	vst v3;
	v3 =	vsel vm7, $0x3F800000, v0  }
0x307: {  	[tilespmem:s19+$0xFFFFFFF0] =	vst v3  }
0x308: {  	s2 =	simm.s32 $0xC800;
	s0 =	rddreg [dreg:$0xf]  }
0x309: {  	[hbm4b:s0+s23] =	stream.strided.scatter [tilespmem:s2], [sflag:$0x1], $0x1400, s24, s23, $0x38;
	[tilespmem:$0x14000] =	vst v63  }
0x30a: {  	_ =	swait.ge [sflag:s25], $0x1400  }
0x30b: {  	[sflag:s25] =	ssyncset.done $0x0  }
0x30c: {  	s3 =	simm.s32 $0xDC00;
	s20 =	rddreg [dreg:$0x10];
	[sflag:s25] =	ssyncadd.s32 $0xFFFFEC00  }
0x30d: {  	[hbm4b:s20+s23] =	stream.strided.scatter [tilespmem:s3], [sflag:$0x1], $0x1400, s24, s23, $0x38;
	[tilespmem:$0x14000] =	vst v63  }
0x30e: {  	_ =	swait.ge [sflag:s25], $0x1400  }
0x30f: {  	[sflag:s25] =	ssyncset.done $0x0  }
0x310: {  	s4 =	simm.s32 $0xF000;
	s21 =	rddreg [dreg:$0x11];
	[sflag:s25] =	ssyncadd.s32 $0xFFFFEC00  }
0x311: {  	[hbm4b:s21+s23] =	stream.strided.scatter [tilespmem:s4], [sflag:$0x1], $0x1400, s24, s23, $0x38;
	[tilespmem:$0x14000] =	vst v63  }
0x312: {  	_ =	swait.ge [sflag:s25], $0x1400  }
0x313: {  	[sflag:s25] =	ssyncset.done $0x0  }
0x314: {  	s5 =	simm.s32 $0x10400;
	s22 =	rddreg [dreg:$0x12];
	[sflag:s25] =	ssyncadd.s32 $0xFFFFEC00  }
0x315: {  	[hbm4b:s22+s23] =	stream.strided.scatter [tilespmem:s5], [sflag:$0x1], $0x1400, s24, s23, $0x38;
	[tilespmem:$0x14000] =	vst v63  }
0x316: {  	_ =	swait.ge [sflag:s25], $0x1400  }
0x317: {  	[sflag:s25] =	ssyncset.done $0x0  }
0x318: {  	s6 =	simm.s32 $0x11800;
	s26 =	rddreg [dreg:$0x13];
	[sflag:s25] =	ssyncadd.s32 $0xFFFFEC00  }
0x319: {  	[hbm4b:s26+s23] =	stream.strided.scatter [tilespmem:s6], [sflag:$0x1], $0x1400, s24, s23, $0x38;
	[tilespmem:$0x14000] =	vst v63  }
0x31a: {  	_ =	swait.ge [sflag:s25], $0x1400  }
0x31b: {  	[sflag:s25] =	ssyncset.done $0x0  }
0x31c: {  	s29 =	simm.s32 $0x12C00;
	s28 =	rddreg [dreg:$0x14];
	[sflag:s25] =	ssyncadd.s32 $0xFFFFEC00  }
0x31d: {  	[hbm4b:s28+s23] =	stream.strided.scatter [tilespmem:s29], [sflag:$0x1], $0x1400, s24, s23, $0x38;
	[tilespmem:$0x14000] =	vst v63  }
0x31e: {  	_ =	swait.ge [sflag:s25], $0x1400  }
0x31f: {  	v2 =	vld [tilespmem:$0x1FFB0];
	_ =	sdelay $0x4  }
0x320: {  	vm0 =	vnez.u8 v2;
	v2 =	vld [tilespmem:$0x1FFC0];
	_ =	sdelay $0x2  }
0x321: {  	s30 =	rddreg [dreg:$0x17]  }
0x322: {  	s31 =	rddreg [dreg:$0x16];
	s1 =	sadd.s32 $0x1, s30  }
0x323: {  	p0 =	sne.s32 s1, s31;
	vm1 =	vnez.u8 v2;
	v2 =	vld [tilespmem:$0x1FFD0]  }
.Ltmp15:
0x324: {  	_ = 	snop;
	(pc) =	sbr.rel @p0 .LBB2_2-.Ltmp15, $3  }
0x325: {  	_ =	sdelay $0x1  }
0x326: {  	[sflag:s25] =	ssyncset.done $0x0  }
0x327: {  	[sflag:s25] =	ssyncadd.s32 $0xFFFFEC00;
	vm2 =	vnez.u8 v2  }
.LBB2_16:
0x328: {  	_ =	sfence.sel $0x180000  }
0x329: {  	[bflag:$0x0] =	sbarrier.arrive $0xFFFF  }
0x32a: {  	_ =	strace $0x9000005C  }
0x32b: {  	s0 =	stileid.u32;
	[bflag:$0x2] =	sbarrier.arrive $0xFFFF  }
0x32c: {  	p0 =	sne.s32 s0, $0x0;
	s0 =	rddreg [dreg:$0x2]  }
0x32d: {  	s0 =	sadd.s32 @!p0 $0x100000, s0  }
0x32e: {  	[sflag:s0] =	ssyncadd.tile.s32 @!p0 $0x1;
	_ =	shalt  }
.Lfunc_end2:
_tile_overlayer_lowered:
.L_overlay_start_2:
0x32f: {  	(tag) =	ssettag $0x2  }
0x330: {  	s0 =	rddreg [dreg:$0x0];
	s2 =	stileid.u32  }
0x331: {  	s1 =	rddreg [dreg:$0x1];
	p0 =	sne.s32 s2, $0x0  }
0x332: {  	s3 =	rddreg [dreg:$0x2];
	[bflag:$0x3] =	sbarrier.arrive $0xFFFF;
	s2 =	simm.s32 @!p0 $0x1C01  }
0x333: {  	[timem:s3], [sflag:s2] =	dma.local @!p0 [hbm:s0], s1  }
0x334: {  	s0 =	simm.s32 @!p0 $0x1  }
0x335: {  	_ =	swait.ge @!p0 [sflag:s0], s1  }
0x336: {  	s1 =	ssub.s32 @!p0 $0x0, s1;
	[sflag:s0] =	ssyncset.done @!p0 $0x0  }
0x337: {  	[sflag:s0] =	ssyncadd.s32 @!p0 s1  }
0x338: {  	[bflag:$0x3] =	sbarrier.arrive $0xFFFF  }
0x339: {  	_ =	shalt  }

</sc_bundles>
